<compile_context>
chip_gen: v7x
topology: tpu7x:2x2x1
jax: 0.10.2.dev20260603
libtpu: 0.0.44.dev20260713+nightly
codegen_flags: <defaults>
</compile_context>

<pallas_src>
import functools

import jax
import jax.numpy as jnp
from jax import lax
from jax.experimental import pallas as pl
from jax.experimental.pallas import tpu as pltpu
from jax.experimental.pallas import tpu_sc as plsc

N_EXP = 8
K = 2
D = 1024
F = 4096

TB = 512
BT = 256
CAP = 4096 * K + N_EXP * BT
NB = CAP // BT


def _router_body(x_ref, wr_ref, logits_ref, sel_ref, selT_ref, wT_ref,
                 xcopy_ref):
    x = x_ref[...]
    xcopy_ref[...] = x
    logits = jax.lax.dot_general(
        x, wr_ref[...], (((1,), (0,)), ((), ())),
        preferred_element_type=jnp.float32)
    logits_ref[...] = logits
    probs = jax.nn.softmax(logits, axis=1)
    i0 = jnp.argmax(probs, axis=1)
    lane = jax.lax.broadcasted_iota(jnp.int32, probs.shape, 1)
    m0 = lane == i0[:, None]
    w0 = jnp.max(probs, axis=1)
    probs_m = jnp.where(m0, -jnp.inf, probs)
    i1 = jnp.argmax(probs_m, axis=1)
    w1 = jnp.max(probs_m, axis=1)
    sel_ref[...] = jnp.stack([i0, i1], axis=1).astype(jnp.int32)
    selT_ref[...] = jnp.stack([i0, i1], axis=0).astype(jnp.int32)
    wT_ref[...] = jnp.stack([w0, w1], axis=0)


def _cumsum_body(sel_ref, cexcl_ref, counts_ref, carry):
    t = pl.program_id(0)

    @pl.when(t == 0)
    def _():
        carry[...] = jnp.zeros_like(carry)

    sel = sel_ref[...]
    lane = jax.lax.broadcasted_iota(jnp.int32, (TB, N_EXP), 1)
    onehot = ((lane == sel[:, 0][:, None]) |
              (lane == sel[:, 1][:, None])).astype(jnp.float32)
    r = jax.lax.broadcasted_iota(jnp.int32, (TB, TB), 0)
    c = jax.lax.broadcasted_iota(jnp.int32, (TB, TB), 1)
    tril_strict = (c < r).astype(jnp.float32)
    local = jax.lax.dot_general(
        tril_strict, onehot, (((1,), (0,)), ((), ())),
        preferred_element_type=jnp.float32)
    cexcl_ref[...] = local + carry[...]
    carry[...] += jnp.sum(onehot, axis=0, keepdims=True)

    @pl.when(t == pl.num_programs(0) - 1)
    def _():
        counts_ref[...] = carry[...]


def _dispatch_body(counts_ref, cexcl_ref, sel_ref, posT_ref, be_ref):
    counts = counts_ref[...]
    aligned = jnp.ceil(counts / BT) * BT
    u = jax.lax.broadcasted_iota(jnp.int32, (N_EXP, N_EXP), 0)
    v = jax.lax.broadcasted_iota(jnp.int32, (N_EXP, N_EXP), 1)
    incl_tri = (u <= v).astype(jnp.float32)
    incl = jax.lax.dot_general(
        aligned, incl_tri, (((1,), (0,)), ((), ())),
        preferred_element_type=jnp.float32)
    excl = incl - aligned
    sel = sel_ref[...]
    cexcl = cexcl_ref[...]
    lane = jax.lax.broadcasted_iota(jnp.int32, (4096, N_EXP), 1)
    base = excl + cexcl
    p0 = jnp.sum(jnp.where(lane == sel[:, 0][:, None], base, 0.0), axis=1)
    p1 = jnp.sum(jnp.where(lane == sel[:, 1][:, None], base, 0.0), axis=1)
    posT_ref[...] = jnp.stack([p0, p1], axis=0).astype(jnp.int32)
    incl_sub = jnp.transpose(incl)
    bl = jax.lax.broadcasted_iota(jnp.int32, (N_EXP, 64), 1)
    m = ((bl * BT).astype(jnp.float32) >= incl_sub).astype(jnp.float32)
    be = jax.lax.dot_general(
        jnp.ones((1, N_EXP), jnp.float32), m, (((1,), (0,)), ((), ())),
        preferred_element_type=jnp.float32)
    be_ref[...] = jnp.minimum(be, N_EXP - 1).astype(jnp.int32)


FB = 2048
NF = F // FB

NW = 32
RPW = CAP // NW
GCH = 16
TPW = 4096 // NW
CCH = 16

_SC_MESH = plsc.VectorSubcoreMesh(core_axis_name="c", subcore_axis_name="s")


def _wid():
    return lax.axis_index("s") * 2 + lax.axis_index("c")


@functools.partial(
    pl.kernel,
    out_type=jax.ShapeDtypeStruct((CAP, D), jnp.float32),
    scratch_types=[pltpu.VMEM((TPW,), jnp.int32),
                   pltpu.VMEM((TPW,), jnp.int32),
                   [pltpu.VMEM((CCH,), jnp.int32) for _ in range(3)],
                   [pltpu.VMEM((CCH,), jnp.int32) for _ in range(3)],
                   [pltpu.VMEM((CCH, D), jnp.float32) for _ in range(3)],
                   [pltpu.SemaphoreType.DMA for _ in range(3)],
                   [pltpu.SemaphoreType.DMA for _ in range(3)],
                   [pltpu.SemaphoreType.DMA for _ in range(3)]],
    mesh=_SC_MESH,
    compiler_params=pltpu.CompilerParams(needs_layout_passes=False),
)
def _sc_scatter(xs_hbm, pos0_hbm, pos1_hbm, xsort_hbm,
                p0_v, p1_v, idxas, idxbs, bufs, lsems, asems, bsems):
    NSET, L = 3, 2
    base = _wid() * TPW
    pltpu.sync_copy(pos0_hbm.at[pl.ds(base, TPW)], p0_v)
    pltpu.sync_copy(pos1_hbm.at[pl.ds(base, TPW)], p1_v)
    nch = TPW // CCH

    def load(c):
        s = c % NSET
        return pltpu.async_copy(
            xs_hbm.at[pl.ds(base + c * CCH, CCH)], bufs[s], lsems[s])

    lcps = {c: load(c) for c in range(min(L, nch))}
    acps, bcps = {}, {}
    for c in range(nch):
        s = c % NSET
        lcps[c].wait()
        idxas[s][...] = p0_v[pl.ds(c * CCH, CCH)]
        idxbs[s][...] = p1_v[pl.ds(c * CCH, CCH)]
        acps[c] = pltpu.async_copy(bufs[s], xsort_hbm.at[idxas[s]], asems[s])
        bcps[c] = pltpu.async_copy(bufs[s], xsort_hbm.at[idxbs[s]], bsems[s])
        n = c + L
        if n < nch:
            if n >= NSET:
                acps[n - NSET].wait()
                bcps[n - NSET].wait()
            lcps[n] = load(n)
    for c in range(max(0, nch - NSET), nch):
        if c in acps:
            acps[c].wait()
            bcps[c].wait()


@functools.partial(
    pl.kernel,
    out_type=jax.ShapeDtypeStruct((4096, D), jnp.float32),
    scratch_types=[pltpu.VMEM((TPW,), jnp.int32),
                   pltpu.VMEM((TPW,), jnp.int32),
                   pltpu.VMEM((TPW,), jnp.float32),
                   pltpu.VMEM((TPW,), jnp.float32),
                   [pltpu.VMEM((CCH,), jnp.int32) for _ in range(3)],
                   [pltpu.VMEM((CCH,), jnp.int32) for _ in range(3)],
                   [pltpu.VMEM((CCH, D), jnp.float32) for _ in range(3)],
                   [pltpu.VMEM((CCH, D), jnp.float32) for _ in range(3)],
                   [pltpu.SemaphoreType.DMA for _ in range(3)],
                   [pltpu.SemaphoreType.DMA for _ in range(3)],
                   [pltpu.SemaphoreType.DMA for _ in range(3)]],
    mesh=_SC_MESH,
    compiler_params=pltpu.CompilerParams(needs_layout_passes=False),
)
def _sc_combine(pos0_hbm, pos1_hbm, w0_hbm, w1_hbm, osort_hbm, res_hbm,
                p0_v, p1_v, w0_v, w1_v, idxas, idxbs, bufas, bufbs,
                gasems, gbsems, wsems):
    NSET, L = 3, 2
    base = _wid() * TPW
    pltpu.sync_copy(pos0_hbm.at[pl.ds(base, TPW)], p0_v)
    pltpu.sync_copy(pos1_hbm.at[pl.ds(base, TPW)], p1_v)
    pltpu.sync_copy(w0_hbm.at[pl.ds(base, TPW)], w0_v)
    pltpu.sync_copy(w1_hbm.at[pl.ds(base, TPW)], w1_v)
    nch = TPW // CCH

    def gather(c):
        s = c % NSET
        idxas[s][...] = p0_v[pl.ds(c * CCH, CCH)]
        idxbs[s][...] = p1_v[pl.ds(c * CCH, CCH)]
        return (pltpu.async_copy(osort_hbm.at[idxas[s]], bufas[s], gasems[s]),
                pltpu.async_copy(osort_hbm.at[idxbs[s]], bufbs[s], gbsems[s]))

    gcps, wcps = {}, {}
    for c in range(min(L, nch)):
        gcps[c] = gather(c)
    UNR = 8
    SLICES_PER_ROW = D // 16
    for c in range(nch):
        s = c % NSET
        gcps[c][0].wait()
        gcps[c][1].wait()
        bufa, bufb = bufas[s], bufbs[s]

        def fma(i, _):
            r = (i * UNR) // SLICES_PER_ROW
            rsplat = jnp.full((16,), c * CCH + r, jnp.int32)
            w0r = plsc.load_gather(w0_v, [rsplat])
            w1r = plsc.load_gather(w1_v, [rsplat])
            for u in range(UNR):
                col = ((i * UNR + u) % SLICES_PER_ROW) * 16
                bufa[r, pl.ds(col, 16)] = (
                    w0r * bufa[r, pl.ds(col, 16)] +
                    w1r * bufb[r, pl.ds(col, 16)])
            return 0

        lax.fori_loop(0, CCH * D // 16 // UNR, fma, 0)
        wcps[c] = pltpu.async_copy(
            bufa, res_hbm.at[pl.ds(base + c * CCH, CCH)], wsems[s])
        n = c + L
        if n < nch:
            if n >= NSET:
                wcps[n - NSET].wait()
            gcps[n] = gather(n)
    for c in range(max(0, nch - NSET), nch):
        if c in wcps:
            wcps[c].wait()


def _gmm_body(be_ref, x_ref, w1_ref, w2_ref, acc_ref, out_ref):
    f = pl.program_id(0)
    h = jax.lax.dot_general(
        x_ref[...].astype(jnp.bfloat16), w1_ref[0].astype(jnp.bfloat16),
        (((1,), (0,)), ((), ())),
        preferred_element_type=jnp.float32)
    h = jax.nn.gelu(h)
    contrib = jax.lax.dot_general(
        h.astype(jnp.bfloat16), w2_ref[0].astype(jnp.bfloat16),
        (((1,), (0,)), ((), ())),
        preferred_element_type=jnp.float32)

    @pl.when(f == 0)
    def _():
        out_ref[...] = contrib

    @pl.when(f != 0)
    def _():
        out_ref[...] = acc_ref[...] + contrib


def kernel(inputs, W_router, W1, W2):
    xs = inputs.reshape(-1, D)
    T = xs.shape[0]
    n_tb = T // TB

    logits, sel, selT, wT, xs_copy = pl.pallas_call(
        _router_body,
        grid=(n_tb,),
        in_specs=[
            pl.BlockSpec((TB, D), lambda t: (t, 0)),
            pl.BlockSpec((D, N_EXP), lambda t: (0, 0)),
        ],
        out_specs=[
            pl.BlockSpec((TB, N_EXP), lambda t: (t, 0)),
            pl.BlockSpec((TB, K), lambda t: (t, 0)),
            pl.BlockSpec((K, TB), lambda t: (0, t)),
            pl.BlockSpec((K, TB), lambda t: (0, t)),
            pl.BlockSpec((TB, D), lambda t: (t, 0)),
        ],
        out_shape=[
            jax.ShapeDtypeStruct((T, N_EXP), jnp.float32),
            jax.ShapeDtypeStruct((T, K), jnp.int32),
            jax.ShapeDtypeStruct((K, T), jnp.int32),
            jax.ShapeDtypeStruct((K, T), jnp.float32),
            jax.ShapeDtypeStruct((T, D), jnp.float32),
        ],
    )(xs, W_router)

    cexcl, counts = pl.pallas_call(
        _cumsum_body,
        grid=(n_tb,),
        in_specs=[pl.BlockSpec((TB, K), lambda t: (t, 0))],
        out_specs=[
            pl.BlockSpec((TB, N_EXP), lambda t: (t, 0)),
            pl.BlockSpec((1, N_EXP), lambda t: (0, 0)),
        ],
        out_shape=[
            jax.ShapeDtypeStruct((T, N_EXP), jnp.float32),
            jax.ShapeDtypeStruct((1, N_EXP), jnp.float32),
        ],
        scratch_shapes=[pltpu.VMEM((1, N_EXP), jnp.float32)],
        compiler_params=pltpu.CompilerParams(
            dimension_semantics=("arbitrary",)),
    )(sel)

    posT, be = pl.pallas_call(
        _dispatch_body,
        in_specs=[
            pl.BlockSpec((1, N_EXP), lambda: (0, 0)),
            pl.BlockSpec((T, N_EXP), lambda: (0, 0)),
            pl.BlockSpec((T, K), lambda: (0, 0)),
        ],
        out_specs=[
            pl.BlockSpec((K, T), lambda: (0, 0)),
            pl.BlockSpec((1, 64), lambda: (0, 0)),
        ],
        out_shape=[
            jax.ShapeDtypeStruct((K, T), jnp.int32),
            jax.ShapeDtypeStruct((1, 64), jnp.int32),
        ],
    )(counts, cexcl, sel)

    x_sorted = _sc_scatter(xs_copy, posT[0], posT[1])

    block_expert = be[0, :NB]

    grid_spec = pltpu.PrefetchScalarGridSpec(
        num_scalar_prefetch=1,
        grid=(NF, NB),
        in_specs=[
            pl.BlockSpec((BT, D), lambda f, b, be_r: (b, 0)),
            pl.BlockSpec((1, D, FB), lambda f, b, be_r: (be_r[b], 0, f)),
            pl.BlockSpec((1, FB, D), lambda f, b, be_r: (be_r[b], f, 0)),
            pl.BlockSpec((BT, D), lambda f, b, be_r: (b, 0)),
        ],
        out_specs=pl.BlockSpec((BT, D), lambda f, b, be_r: (b, 0)),
    )
    acc_init = jnp.zeros((CAP, D), jnp.float32)
    out_sorted = pl.pallas_call(
        _gmm_body,
        grid_spec=grid_spec,
        out_shape=jax.ShapeDtypeStruct((CAP, D), jnp.float32),
        input_output_aliases={4: 0},
        compiler_params=pltpu.CompilerParams(
            dimension_semantics=("arbitrary", "arbitrary"),
            vmem_limit_bytes=60 * 1024 * 1024,
        ),
    )(block_expert, x_sorted, W1, W2, acc_init)

    results = _sc_combine(posT[0], posT[1], wT[0], wT[1], out_sorted)

    return (results.reshape(inputs.shape), logits, sel)

# --- scband reference (transcript-rebuilt; emitter-appended) ---
"""Pipeline reference for scband-mo-e-7267084665536 (READ-ONLY COPY).

The authoritative reference and input builder live on the scoring server;
editing this copy changes nothing except your own understanding.
"""

import jax, jax.numpy as jnp
import numpy as np

NUM_EXPERTS = 8
TOP_K = 2
D_MODEL = 1024
D_FF = 4096

def setup_inputs(seed: int = 0) -> dict:
    key = jax.random.key(seed)
    k1, k2, k3, k4 = jax.random.split(key, 4)
    inputs = jax.random.normal(k1, (2, 2048, D_MODEL), dtype=jnp.float32)
    W_router = jax.random.normal(k2, (D_MODEL, NUM_EXPERTS), dtype=jnp.float32) * 0.02
    W1 = jax.random.normal(k3, (NUM_EXPERTS, D_MODEL, D_FF), dtype=jnp.float32) * 0.02
    W2 = jax.random.normal(k4, (NUM_EXPERTS, D_FF, D_MODEL), dtype=jnp.float32) * 0.02
    return {"inputs": inputs, "W_router": W_router, "W1": W1, "W2": W2}

def reference(inputs, W_router, W1, W2):
    # flatten tokens
    xs = inputs.reshape(-1, inputs.shape[-1])
    # linear router (no bias)
    router_logits = xs @ W_router
    # softmax_topk order: softmax over all experts in fp32, then top-k
    all_probs = jax.nn.softmax(router_logits.astype(jnp.float32), axis=1)
    weights, selected_experts = jax.lax.top_k(all_probs, TOP_K)
    # loop over experts; dense-equivalent of torch.where gather/scatter:
    # each token's contribution from expert i is weighted by its routing
    # weight if selected (zero otherwise), which matches results[batch_idx] +=
    # weights[batch_idx, nth_expert, None] * expert(xs[batch_idx]).
    results = jnp.zeros_like(xs)
    for i in range(NUM_EXPERTS):
        w_i = jnp.sum(jnp.where(selected_experts == i, weights, 0.0), axis=1)
        h = jax.nn.gelu(xs @ W1[i])
        out = h @ W2[i]
        results = results + w_i[:, None] * out
    return (results.reshape(inputs.shape), router_logits, selected_experts)

if __name__ == "__main__":
    import jax
    _d = setup_inputs()
    print(jax.jit(kernel)(*tuple(_d.values())))

</pallas_src>

<mosaic_0001>
#map = affine_map<(d0, d1) -> (0, 0)>
#map1 = affine_map<(d0, d1) -> (0)>
module attributes {stable_mosaic.version = 14 : i64} {
  func.func @_sc_scatter(%arg0: i32, %arg1: i32, %arg2: memref<4096x1024xf32, #tpu.memory_space<hbm>>, %arg3: memref<4096xi32, #tpu.memory_space<hbm>>, %arg4: memref<4096xi32, #tpu.memory_space<hbm>>, %arg5: memref<10240x1024xf32, #tpu.memory_space<hbm>>, %arg6: memref<128xi32, #tpu.memory_space<vmem>>, %arg7: memref<128xi32, #tpu.memory_space<vmem>>, %arg8: memref<16xi32, #tpu.memory_space<vmem>>, %arg9: memref<16xi32, #tpu.memory_space<vmem>>, %arg10: memref<16xi32, #tpu.memory_space<vmem>>, %arg11: memref<16xi32, #tpu.memory_space<vmem>>, %arg12: memref<16xi32, #tpu.memory_space<vmem>>, %arg13: memref<16xi32, #tpu.memory_space<vmem>>, %arg14: memref<16x1024xf32, #tpu.memory_space<vmem>>, %arg15: memref<16x1024xf32, #tpu.memory_space<vmem>>, %arg16: memref<16x1024xf32, #tpu.memory_space<vmem>>, %arg17: memref<!tpu.dma_semaphore, #tpu.memory_space<semaphore_mem>>, %arg18: memref<!tpu.dma_semaphore, #tpu.memory_space<semaphore_mem>>, %arg19: memref<!tpu.dma_semaphore, #tpu.memory_space<semaphore_mem>>, %arg20: memref<!tpu.dma_semaphore, #tpu.memory_space<semaphore_mem>>, %arg21: memref<!tpu.dma_semaphore, #tpu.memory_space<semaphore_mem>>, %arg22: memref<!tpu.dma_semaphore, #tpu.memory_space<semaphore_mem>>, %arg23: memref<!tpu.dma_semaphore, #tpu.memory_space<semaphore_mem>>, %arg24: memref<!tpu.dma_semaphore, #tpu.memory_space<semaphore_mem>>, %arg25: memref<!tpu.dma_semaphore, #tpu.memory_space<semaphore_mem>>) attributes {dimension_semantics = [#tpu.dimension_semantics<core_parallel>, #tpu.dimension_semantics<subcore_parallel>], iteration_bounds = array<i64: 2, 16>, scalar_prefetch = 0 : i64, scratch_operands = 20 : i64, tpu.core_type = #tpu.core_type<sc_vector_subcore>, window_params = [{transform_indices = #map}, {transform_indices = #map1}, {transform_indices = #map1}, {transform_indices = #map}]} {
    %mul3A = arith.constant 2 : i32
    %mul3A_0 = arith.muli %arg1, %mul3A : i32
    %add3A = arith.addi %mul3A_0, %arg0 : i32
    %mul3A_1 = arith.constant 128 : i32
    %mul3A_2 = arith.muli %add3A, %mul3A_1 : i32
    "tpu.region"() ({
      %run_scoped3A = tpu.sem_alloc : memref<!tpu.dma_semaphore, #tpu.memory_space<semaphore_mem>>
      %dma_start3A_239 = tpu.memref_slice %arg3[%mul3A_2] : memref<4096xi32, #tpu.memory_space<hbm>> -> memref<128xi32, #tpu.memory_space<hbm>>
      %dma_start3A_240 = tpu.memref_slice %arg3[%mul3A_2] : memref<4096xi32, #tpu.memory_space<hbm>> -> memref<128xi32, #tpu.memory_space<hbm>>
      tpu.enqueue_dma source(%dma_start3A_240 : memref<128xi32, #tpu.memory_space<hbm>>) target(%arg6 : memref<128xi32, #tpu.memory_space<vmem>>) target_semaphore(%run_scoped3A : memref<!tpu.dma_semaphore, #tpu.memory_space<semaphore_mem>>)
      %dma_wait3A_241 = tpu.memref_slice %arg3[%mul3A_2] : memref<4096xi32, #tpu.memory_space<hbm>> -> memref<128xi32, #tpu.memory_space<hbm>>
      %dma_wait3A_242 = tpu.memref_slice %arg3[%mul3A_2] : memref<4096xi32, #tpu.memory_space<hbm>> -> memref<128xi32, #tpu.memory_space<hbm>>
      tpu.wait_dma2 semaphore(%run_scoped3A : memref<!tpu.dma_semaphore, #tpu.memory_space<semaphore_mem>>) src(%dma_wait3A_242 : memref<128xi32, #tpu.memory_space<hbm>>) dst(%arg6 : memref<128xi32, #tpu.memory_space<vmem>>)
      tpu.yield
    }) : () -> ()
    "tpu.region"() ({
      %run_scoped3A = tpu.sem_alloc : memref<!tpu.dma_semaphore, #tpu.memory_space<semaphore_mem>>
      %dma_start3A_239 = tpu.memref_slice %arg4[%mul3A_2] : memref<4096xi32, #tpu.memory_space<hbm>> -> memref<128xi32, #tpu.memory_space<hbm>>
      %dma_start3A_240 = tpu.memref_slice %arg4[%mul3A_2] : memref<4096xi32, #tpu.memory_space<hbm>> -> memref<128xi32, #tpu.memory_space<hbm>>
      tpu.enqueue_dma source(%dma_start3A_240 : memref<128xi32, #tpu.memory_space<hbm>>) target(%arg7 : memref<128xi32, #tpu.memory_space<vmem>>) target_semaphore(%run_scoped3A : memref<!tpu.dma_semaphore, #tpu.memory_space<semaphore_mem>>)
      %dma_wait3A_241 = tpu.memref_slice %arg4[%mul3A_2] : memref<4096xi32, #tpu.memory_space<hbm>> -> memref<128xi32, #tpu.memory_space<hbm>>
      %dma_wait3A_242 = tpu.memref_slice %arg4[%mul3A_2] : memref<4096xi32, #tpu.memory_space<hbm>> -> memref<128xi32, #tpu.memory_space<hbm>>
      tpu.wait_dma2 semaphore(%run_scoped3A : memref<!tpu.dma_semaphore, #tpu.memory_space<semaphore_mem>>) src(%dma_wait3A_242 : memref<128xi32, #tpu.memory_space<hbm>>) dst(%arg7 : memref<128xi32, #tpu.memory_space<vmem>>)
      tpu.yield
    }) : () -> ()
    %add3A_3 = arith.constant 0 : i32
    %add3A_4 = arith.addi %mul3A_2, %add3A_3 : i32
    %dma_start3A = arith.constant 0 : i32
    %dma_start3A_5 = tpu.memref_slice %arg2[%add3A_4, %dma_start3A] : memref<4096x1024xf32, #tpu.memory_space<hbm>> -> memref<16x1024xf32, #tpu.memory_space<hbm>>
    %dma_start3A_6 = arith.constant 0 : i32
    %dma_start3A_7 = tpu.memref_slice %arg2[%add3A_4, %dma_start3A_6] : memref<4096x1024xf32, #tpu.memory_space<hbm>> -> memref<16x1024xf32, #tpu.memory_space<hbm>>
    tpu.enqueue_dma source(%dma_start3A_7 : memref<16x1024xf32, #tpu.memory_space<hbm>>) target(%arg14 : memref<16x1024xf32, #tpu.memory_space<vmem>>) target_semaphore(%arg17 : memref<!tpu.dma_semaphore, #tpu.memory_space<semaphore_mem>>)
    %add3A_8 = arith.constant 16 : i32
    %add3A_9 = arith.addi %mul3A_2, %add3A_8 : i32
    %dma_start3A_10 = arith.constant 0 : i32
    %dma_start3A_11 = tpu.memref_slice %arg2[%add3A_9, %dma_start3A_10] : memref<4096x1024xf32, #tpu.memory_space<hbm>> -> memref<16x1024xf32, #tpu.memory_space<hbm>>
    %dma_start3A_12 = arith.constant 0 : i32
    %dma_start3A_13 = tpu.memref_slice %arg2[%add3A_9, %dma_start3A_12] : memref<4096x1024xf32, #tpu.memory_space<hbm>> -> memref<16x1024xf32, #tpu.memory_space<hbm>>
    tpu.enqueue_dma source(%dma_start3A_13 : memref<16x1024xf32, #tpu.memory_space<hbm>>) target(%arg15 : memref<16x1024xf32, #tpu.memory_space<vmem>>) target_semaphore(%arg18 : memref<!tpu.dma_semaphore, #tpu.memory_space<semaphore_mem>>)
    %dma_wait3A = arith.constant 0 : i32
    %dma_wait3A_14 = tpu.memref_slice %arg2[%add3A_4, %dma_wait3A] : memref<4096x1024xf32, #tpu.memory_space<hbm>> -> memref<16x1024xf32, #tpu.memory_space<hbm>>
    %dma_wait3A_15 = arith.constant 0 : i32
    %dma_wait3A_16 = tpu.memref_slice %arg2[%add3A_4, %dma_wait3A_15] : memref<4096x1024xf32, #tpu.memory_space<hbm>> -> memref<16x1024xf32, #tpu.memory_space<hbm>>
    tpu.wait_dma2 semaphore(%arg17 : memref<!tpu.dma_semaphore, #tpu.memory_space<semaphore_mem>>) src(%dma_wait3A_16 : memref<16x1024xf32, #tpu.memory_space<hbm>>) dst(%arg14 : memref<16x1024xf32, #tpu.memory_space<vmem>>)
    %get3A = arith.constant 0 : index
    %get3A_17 = tpu.vector_load %arg6[%get3A] {strides = array<i32>} : memref<128xi32, #tpu.memory_space<vmem>>, vector<16xi32>,
    %swap3A = arith.constant 0 : index
    %swap3A_18 = tpu.vector_load %arg8[%swap3A] {strides = array<i32>} : memref<16xi32, #tpu.memory_space<vmem>>, vector<16xi32>,
    tpu.vector_store %arg8[%swap3A], %get3A_17 {strides = array<i32>} : memref<16xi32, #tpu.memory_space<vmem>>, vector<16xi32>,
    %get3A_19 = arith.constant 0 : index
    %get3A_20 = tpu.vector_load %arg7[%get3A_19] {strides = array<i32>} : memref<128xi32, #tpu.memory_space<vmem>>, vector<16xi32>,
    %swap3A_21 = arith.constant 0 : index
    %swap3A_22 = tpu.vector_load %arg11[%swap3A_21] {strides = array<i32>} : memref<16xi32, #tpu.memory_space<vmem>>, vector<16xi32>,
    tpu.vector_store %arg11[%swap3A_21], %get3A_20 {strides = array<i32>} : memref<16xi32, #tpu.memory_space<vmem>>, vector<16xi32>,
    %dma_start3A_23 = arith.constant 0 : i32
    %dma_start3A_24 = arith.constant 0 : i32
    %dma_start3A_25 = tpu.memref_slice %arg5[%dma_start3A_23, %dma_start3A_24] : memref<10240x1024xf32, #tpu.memory_space<hbm>> -> memref<10240x1024xf32, #tpu.memory_space<hbm>>
    tpu.enqueue_indirect_dma source(%arg14 : memref<16x1024xf32, #tpu.memory_space<vmem>>) target(%dma_start3A_25 : memref<10240x1024xf32, #tpu.memory_space<hbm>>) offsets(%arg8 : memref<16xi32, #tpu.memory_space<vmem>>) semaphore(%arg20 : memref<!tpu.dma_semaphore, #tpu.memory_space<semaphore_mem>>)
    %dma_start3A_26 = arith.constant 0 : i32
    %dma_start3A_27 = arith.constant 0 : i32
    %dma_start3A_28 = tpu.memref_slice %arg5[%dma_start3A_26, %dma_start3A_27] : memref<10240x1024xf32, #tpu.memory_space<hbm>> -> memref<10240x1024xf32, #tpu.memory_space<hbm>>
    tpu.enqueue_indirect_dma source(%arg14 : memref<16x1024xf32, #tpu.memory_space<vmem>>) target(%dma_start3A_28 : memref<10240x1024xf32, #tpu.memory_space<hbm>>) offsets(%arg11 : memref<16xi32, #tpu.memory_space<vmem>>) semaphore(%arg23 : memref<!tpu.dma_semaphore, #tpu.memory_space<semaphore_mem>>)
    %add3A_29 = arith.constant 32 : i32
    %add3A_30 = arith.addi %mul3A_2, %add3A_29 : i32
    %dma_start3A_31 = arith.constant 0 : i32
    %dma_start3A_32 = tpu.memref_slice %arg2[%add3A_30, %dma_start3A_31] : memref<4096x1024xf32, #tpu.memory_space<hbm>> -> memref<16x1024xf32, #tpu.memory_space<hbm>>
    %dma_start3A_33 = arith.constant 0 : i32
    %dma_start3A_34 = tpu.memref_slice %arg2[%add3A_30, %dma_start3A_33] : memref<4096x1024xf32, #tpu.memory_space<hbm>> -> memref<16x1024xf32, #tpu.memory_space<hbm>>
    tpu.enqueue_dma source(%dma_start3A_34 : memref<16x1024xf32, #tpu.memory_space<hbm>>) target(%arg16 : memref<16x1024xf32, #tpu.memory_space<vmem>>) target_semaphore(%arg19 : memref<!tpu.dma_semaphore, #tpu.memory_space<semaphore_mem>>)
    %dma_wait3A_35 = arith.constant 0 : i32
    %dma_wait3A_36 = tpu.memref_slice %arg2[%add3A_9, %dma_wait3A_35] : memref<4096x1024xf32, #tpu.memory_space<hbm>> -> memref<16x1024xf32, #tpu.memory_space<hbm>>
    %dma_wait3A_37 = arith.constant 0 : i32
    %dma_wait3A_38 = tpu.memref_slice %arg2[%add3A_9, %dma_wait3A_37] : memref<4096x1024xf32, #tpu.memory_space<hbm>> -> memref<16x1024xf32, #tpu.memory_space<hbm>>
    tpu.wait_dma2 semaphore(%arg18 : memref<!tpu.dma_semaphore, #tpu.memory_space<semaphore_mem>>) src(%dma_wait3A_38 : memref<16x1024xf32, #tpu.memory_space<hbm>>) dst(%arg15 : memref<16x1024xf32, #tpu.memory_space<vmem>>)
    %get3A_39 = arith.constant 16 : index
    %get3A_40 = tpu.vector_load %arg6[%get3A_39] {strides = array<i32>} : memref<128xi32, #tpu.memory_space<vmem>>, vector<16xi32>,
    %swap3A_41 = arith.constant 0 : index
    %swap3A_42 = tpu.vector_load %arg9[%swap3A_41] {strides = array<i32>} : memref<16xi32, #tpu.memory_space<vmem>>, vector<16xi32>,
    tpu.vector_store %arg9[%swap3A_41], %get3A_40 {strides = array<i32>} : memref<16xi32, #tpu.memory_space<vmem>>, vector<16xi32>,
    %get3A_43 = arith.constant 16 : index
    %get3A_44 = tpu.vector_load %arg7[%get3A_43] {strides = array<i32>} : memref<128xi32, #tpu.memory_space<vmem>>, vector<16xi32>,
    %swap3A_45 = arith.constant 0 : index
    %swap3A_46 = tpu.vector_load %arg12[%swap3A_45] {strides = array<i32>} : memref<16xi32, #tpu.memory_space<vmem>>, vector<16xi32>,
    tpu.vector_store %arg12[%swap3A_45], %get3A_44 {strides = array<i32>} : memref<16xi32, #tpu.memory_space<vmem>>, vector<16xi32>,
    %dma_start3A_47 = arith.constant 0 : i32
    %dma_start3A_48 = arith.constant 0 : i32
    %dma_start3A_49 = tpu.memref_slice %arg5[%dma_start3A_47, %dma_start3A_48] : memref<10240x1024xf32, #tpu.memory_space<hbm>> -> memref<10240x1024xf32, #tpu.memory_space<hbm>>
    tpu.enqueue_indirect_dma source(%arg15 : memref<16x1024xf32, #tpu.memory_space<vmem>>) target(%dma_start3A_49 : memref<10240x1024xf32, #tpu.memory_space<hbm>>) offsets(%arg9 : memref<16xi32, #tpu.memory_space<vmem>>) semaphore(%arg21 : memref<!tpu.dma_semaphore, #tpu.memory_space<semaphore_mem>>)
    %dma_start3A_50 = arith.constant 0 : i32
    %dma_start3A_51 = arith.constant 0 : i32
    %dma_start3A_52 = tpu.memref_slice %arg5[%dma_start3A_50, %dma_start3A_51] : memref<10240x1024xf32, #tpu.memory_space<hbm>> -> memref<10240x1024xf32, #tpu.memory_space<hbm>>
    tpu.enqueue_indirect_dma source(%arg15 : memref<16x1024xf32, #tpu.memory_space<vmem>>) target(%dma_start3A_52 : memref<10240x1024xf32, #tpu.memory_space<hbm>>) offsets(%arg12 : memref<16xi32, #tpu.memory_space<vmem>>) semaphore(%arg24 : memref<!tpu.dma_semaphore, #tpu.memory_space<semaphore_mem>>)
    %dma_wait3A_53 = arith.constant 0 : i32
    %dma_wait3A_54 = arith.constant 0 : i32
    %dma_wait3A_55 = tpu.memref_slice %arg5[%dma_wait3A_53, %dma_wait3A_54] : memref<10240x1024xf32, #tpu.memory_space<hbm>> -> memref<10240x1024xf32, #tpu.memory_space<hbm>>
    tpu.wait_indirect_dma semaphore(%arg20 : memref<!tpu.dma_semaphore, #tpu.memory_space<semaphore_mem>>) src(%arg14 : memref<16x1024xf32, #tpu.memory_space<vmem>>) dst(%dma_wait3A_55 : memref<10240x1024xf32, #tpu.memory_space<hbm>>)
    %dma_wait3A_56 = arith.constant 0 : i32
    %dma_wait3A_57 = arith.constant 0 : i32
    %dma_wait3A_58 = tpu.memref_slice %arg5[%dma_wait3A_56, %dma_wait3A_57] : memref<10240x1024xf32, #tpu.memory_space<hbm>> -> memref<10240x1024xf32, #tpu.memory_space<hbm>>
    tpu.wait_indirect_dma semaphore(%arg23 : memref<!tpu.dma_semaphore, #tpu.memory_space<semaphore_mem>>) src(%arg14 : memref<16x1024xf32, #tpu.memory_space<vmem>>) dst(%dma_wait3A_58 : memref<10240x1024xf32, #tpu.memory_space<hbm>>)
    %add3A_59 = arith.constant 48 : i32
    %add3A_60 = arith.addi %mul3A_2, %add3A_59 : i32
    %dma_start3A_61 = arith.constant 0 : i32
    %dma_start3A_62 = tpu.memref_slice %arg2[%add3A_60, %dma_start3A_61] : memref<4096x1024xf32, #tpu.memory_space<hbm>> -> memref<16x1024xf32, #tpu.memory_space<hbm>>
    %dma_start3A_63 = arith.constant 0 : i32
    %dma_start3A_64 = tpu.memref_slice %arg2[%add3A_60, %dma_start3A_63] : memref<4096x1024xf32, #tpu.memory_space<hbm>> -> memref<16x1024xf32, #tpu.memory_space<hbm>>
    tpu.enqueue_dma source(%dma_start3A_64 : memref<16x1024xf32, #tpu.memory_space<hbm>>) target(%arg14 : memref<16x1024xf32, #tpu.memory_space<vmem>>) target_semaphore(%arg17 : memref<!tpu.dma_semaphore, #tpu.memory_space<semaphore_mem>>)
    %dma_wait3A_65 = arith.constant 0 : i32
    %dma_wait3A_66 = tpu.memref_slice %arg2[%add3A_30, %dma_wait3A_65] : memref<4096x1024xf32, #tpu.memory_space<hbm>> -> memref<16x1024xf32, #tpu.memory_space<hbm>>
    %dma_wait3A_67 = arith.constant 0 : i32
    %dma_wait3A_68 = tpu.memref_slice %arg2[%add3A_30, %dma_wait3A_67] : memref<4096x1024xf32, #tpu.memory_space<hbm>> -> memref<16x1024xf32, #tpu.memory_space<hbm>>
    tpu.wait_dma2 semaphore(%arg19 : memref<!tpu.dma_semaphore, #tpu.memory_space<semaphore_mem>>) src(%dma_wait3A_68 : memref<16x1024xf32, #tpu.memory_space<hbm>>) dst(%arg16 : memref<16x1024xf32, #tpu.memory_space<vmem>>)
    %get3A_69 = arith.constant 32 : index
    %get3A_70 = tpu.vector_load %arg6[%get3A_69] {strides = array<i32>} : memref<128xi32, #tpu.memory_space<vmem>>, vector<16xi32>,
    %swap3A_71 = arith.constant 0 : index
    %swap3A_72 = tpu.vector_load %arg10[%swap3A_71] {strides = array<i32>} : memref<16xi32, #tpu.memory_space<vmem>>, vector<16xi32>,
    tpu.vector_store %arg10[%swap3A_71], %get3A_70 {strides = array<i32>} : memref<16xi32, #tpu.memory_space<vmem>>, vector<16xi32>,
    %get3A_73 = arith.constant 32 : index
    %get3A_74 = tpu.vector_load %arg7[%get3A_73] {strides = array<i32>} : memref<128xi32, #tpu.memory_space<vmem>>, vector<16xi32>,
    %swap3A_75 = arith.constant 0 : index
    %swap3A_76 = tpu.vector_load %arg13[%swap3A_75] {strides = array<i32>} : memref<16xi32, #tpu.memory_space<vmem>>, vector<16xi32>,
    tpu.vector_store %arg13[%swap3A_75], %get3A_74 {strides = array<i32>} : memref<16xi32, #tpu.memory_space<vmem>>, vector<16xi32>,
    %dma_start3A_77 = arith.constant 0 : i32
    %dma_start3A_78 = arith.constant 0 : i32
    %dma_start3A_79 = tpu.memref_slice %arg5[%dma_start3A_77, %dma_start3A_78] : memref<10240x1024xf32, #tpu.memory_space<hbm>> -> memref<10240x1024xf32, #tpu.memory_space<hbm>>
    tpu.enqueue_indirect_dma source(%arg16 : memref<16x1024xf32, #tpu.memory_space<vmem>>) target(%dma_start3A_79 : memref<10240x1024xf32, #tpu.memory_space<hbm>>) offsets(%arg10 : memref<16xi32, #tpu.memory_space<vmem>>) semaphore(%arg22 : memref<!tpu.dma_semaphore, #tpu.memory_space<semaphore_mem>>)
    %dma_start3A_80 = arith.constant 0 : i32
    %dma_start3A_81 = arith.constant 0 : i32
    %dma_start3A_82 = tpu.memref_slice %arg5[%dma_start3A_80, %dma_start3A_81] : memref<10240x1024xf32, #tpu.memory_space<hbm>> -> memref<10240x1024xf32, #tpu.memory_space<hbm>>
    tpu.enqueue_indirect_dma source(%arg16 : memref<16x1024xf32, #tpu.memory_space<vmem>>) target(%dma_start3A_82 : memref<10240x1024xf32, #tpu.memory_space<hbm>>) offsets(%arg13 : memref<16xi32, #tpu.memory_space<vmem>>) semaphore(%arg25 : memref<!tpu.dma_semaphore, #tpu.memory_space<semaphore_mem>>)
    %dma_wait3A_83 = arith.constant 0 : i32
    %dma_wait3A_84 = arith.constant 0 : i32
    %dma_wait3A_85 = tpu.memref_slice %arg5[%dma_wait3A_83, %dma_wait3A_84] : memref<10240x1024xf32, #tpu.memory_space<hbm>> -> memref<10240x1024xf32, #tpu.memory_space<hbm>>
    tpu.wait_indirect_dma semaphore(%arg21 : memref<!tpu.dma_semaphore, #tpu.memory_space<semaphore_mem>>) src(%arg15 : memref<16x1024xf32, #tpu.memory_space<vmem>>) dst(%dma_wait3A_85 : memref<10240x1024xf32, #tpu.memory_space<hbm>>)
    %dma_wait3A_86 = arith.constant 0 : i32
    %dma_wait3A_87 = arith.constant 0 : i32
    %dma_wait3A_88 = tpu.memref_slice %arg5[%dma_wait3A_86, %dma_wait3A_87] : memref<10240x1024xf32, #tpu.memory_space<hbm>> -> memref<10240x1024xf32, #tpu.memory_space<hbm>>
    tpu.wait_indirect_dma semaphore(%arg24 : memref<!tpu.dma_semaphore, #tpu.memory_space<semaphore_mem>>) src(%arg15 : memref<16x1024xf32, #tpu.memory_space<vmem>>) dst(%dma_wait3A_88 : memref<10240x1024xf32, #tpu.memory_space<hbm>>)
    %add3A_89 = arith.constant 64 : i32
    %add3A_90 = arith.addi %mul3A_2, %add3A_89 : i32
    %dma_start3A_91 = arith.constant 0 : i32
    %dma_start3A_92 = tpu.memref_slice %arg2[%add3A_90, %dma_start3A_91] : memref<4096x1024xf32, #tpu.memory_space<hbm>> -> memref<16x1024xf32, #tpu.memory_space<hbm>>
    %dma_start3A_93 = arith.constant 0 : i32
    %dma_start3A_94 = tpu.memref_slice %arg2[%add3A_90, %dma_start3A_93] : memref<4096x1024xf32, #tpu.memory_space<hbm>> -> memref<16x1024xf32, #tpu.memory_space<hbm>>
    tpu.enqueue_dma source(%dma_start3A_94 : memref<16x1024xf32, #tpu.memory_space<hbm>>) target(%arg15 : memref<16x1024xf32, #tpu.memory_space<vmem>>) target_semaphore(%arg18 : memref<!tpu.dma_semaphore, #tpu.memory_space<semaphore_mem>>)
    %dma_wait3A_95 = arith.constant 0 : i32
    %dma_wait3A_96 = tpu.memref_slice %arg2[%add3A_60, %dma_wait3A_95] : memref<4096x1024xf32, #tpu.memory_space<hbm>> -> memref<16x1024xf32, #tpu.memory_space<hbm>>
    %dma_wait3A_97 = arith.constant 0 : i32
    %dma_wait3A_98 = tpu.memref_slice %arg2[%add3A_60, %dma_wait3A_97] : memref<4096x1024xf32, #tpu.memory_space<hbm>> -> memref<16x1024xf32, #tpu.memory_space<hbm>>
    tpu.wait_dma2 semaphore(%arg17 : memref<!tpu.dma_semaphore, #tpu.memory_space<semaphore_mem>>) src(%dma_wait3A_98 : memref<16x1024xf32, #tpu.memory_space<hbm>>) dst(%arg14 : memref<16x1024xf32, #tpu.memory_space<vmem>>)
    %get3A_99 = arith.constant 48 : index
    %get3A_100 = tpu.vector_load %arg6[%get3A_99] {strides = array<i32>} : memref<128xi32, #tpu.memory_space<vmem>>, vector<16xi32>,
    %swap3A_101 = arith.constant 0 : index
    %swap3A_102 = tpu.vector_load %arg8[%swap3A_101] {strides = array<i32>} : memref<16xi32, #tpu.memory_space<vmem>>, vector<16xi32>,
    tpu.vector_store %arg8[%swap3A_101], %get3A_100 {strides = array<i32>} : memref<16xi32, #tpu.memory_space<vmem>>, vector<16xi32>,
    %get3A_103 = arith.constant 48 : index
    %get3A_104 = tpu.vector_load %arg7[%get3A_103] {strides = array<i32>} : memref<128xi32, #tpu.memory_space<vmem>>, vector<16xi32>,
    %swap3A_105 = arith.constant 0 : index
    %swap3A_106 = tpu.vector_load %arg11[%swap3A_105] {strides = array<i32>} : memref<16xi32, #tpu.memory_space<vmem>>, vector<16xi32>,
    tpu.vector_store %arg11[%swap3A_105], %get3A_104 {strides = array<i32>} : memref<16xi32, #tpu.memory_space<vmem>>, vector<16xi32>,
    %dma_start3A_107 = arith.constant 0 : i32
    %dma_start3A_108 = arith.constant 0 : i32
    %dma_start3A_109 = tpu.memref_slice %arg5[%dma_start3A_107, %dma_start3A_108] : memref<10240x1024xf32, #tpu.memory_space<hbm>> -> memref<10240x1024xf32, #tpu.memory_space<hbm>>
    tpu.enqueue_indirect_dma source(%arg14 : memref<16x1024xf32, #tpu.memory_space<vmem>>) target(%dma_start3A_109 : memref<10240x1024xf32, #tpu.memory_space<hbm>>) offsets(%arg8 : memref<16xi32, #tpu.memory_space<vmem>>) semaphore(%arg20 : memref<!tpu.dma_semaphore, #tpu.memory_space<semaphore_mem>>)
    %dma_start3A_110 = arith.constant 0 : i32
    %dma_start3A_111 = arith.constant 0 : i32
    %dma_start3A_112 = tpu.memref_slice %arg5[%dma_start3A_110, %dma_start3A_111] : memref<10240x1024xf32, #tpu.memory_space<hbm>> -> memref<10240x1024xf32, #tpu.memory_space<hbm>>
    tpu.enqueue_indirect_dma source(%arg14 : memref<16x1024xf32, #tpu.memory_space<vmem>>) target(%dma_start3A_112 : memref<10240x1024xf32, #tpu.memory_space<hbm>>) offsets(%arg11 : memref<16xi32, #tpu.memory_space<vmem>>) semaphore(%arg23 : memref<!tpu.dma_semaphore, #tpu.memory_space<semaphore_mem>>)
    %dma_wait3A_113 = arith.constant 0 : i32
    %dma_wait3A_114 = arith.constant 0 : i32
    %dma_wait3A_115 = tpu.memref_slice %arg5[%dma_wait3A_113, %dma_wait3A_114] : memref<10240x1024xf32, #tpu.memory_space<hbm>> -> memref<10240x1024xf32, #tpu.memory_space<hbm>>
    tpu.wait_indirect_dma semaphore(%arg22 : memref<!tpu.dma_semaphore, #tpu.memory_space<semaphore_mem>>) src(%arg16 : memref<16x1024xf32, #tpu.memory_space<vmem>>) dst(%dma_wait3A_115 : memref<10240x1024xf32, #tpu.memory_space<hbm>>)
    %dma_wait3A_116 = arith.constant 0 : i32
    %dma_wait3A_117 = arith.constant 0 : i32
    %dma_wait3A_118 = tpu.memref_slice %arg5[%dma_wait3A_116, %dma_wait3A_117] : memref<10240x1024xf32, #tpu.memory_space<hbm>> -> memref<10240x1024xf32, #tpu.memory_space<hbm>>
    tpu.wait_indirect_dma semaphore(%arg25 : memref<!tpu.dma_semaphore, #tpu.memory_space<semaphore_mem>>) src(%arg16 : memref<16x1024xf32, #tpu.memory_space<vmem>>) dst(%dma_wait3A_118 : memref<10240x1024xf32, #tpu.memory_space<hbm>>)
    %add3A_119 = arith.constant 80 : i32
    %add3A_120 = arith.addi %mul3A_2, %add3A_119 : i32
    %dma_start3A_121 = arith.constant 0 : i32
    %dma_start3A_122 = tpu.memref_slice %arg2[%add3A_120, %dma_start3A_121] : memref<4096x1024xf32, #tpu.memory_space<hbm>> -> memref<16x1024xf32, #tpu.memory_space<hbm>>
    %dma_start3A_123 = arith.constant 0 : i32
    %dma_start3A_124 = tpu.memref_slice %arg2[%add3A_120, %dma_start3A_123] : memref<4096x1024xf32, #tpu.memory_space<hbm>> -> memref<16x1024xf32, #tpu.memory_space<hbm>>
    tpu.enqueue_dma source(%dma_start3A_124 : memref<16x1024xf32, #tpu.memory_space<hbm>>) target(%arg16 : memref<16x1024xf32, #tpu.memory_space<vmem>>) target_semaphore(%arg19 : memref<!tpu.dma_semaphore, #tpu.memory_space<semaphore_mem>>)
    %dma_wait3A_125 = arith.constant 0 : i32
    %dma_wait3A_126 = tpu.memref_slice %arg2[%add3A_90, %dma_wait3A_125] : memref<4096x1024xf32, #tpu.memory_space<hbm>> -> memref<16x1024xf32, #tpu.memory_space<hbm>>
    %dma_wait3A_127 = arith.constant 0 : i32
    %dma_wait3A_128 = tpu.memref_slice %arg2[%add3A_90, %dma_wait3A_127] : memref<4096x1024xf32, #tpu.memory_space<hbm>> -> memref<16x1024xf32, #tpu.memory_space<hbm>>
    tpu.wait_dma2 semaphore(%arg18 : memref<!tpu.dma_semaphore, #tpu.memory_space<semaphore_mem>>) src(%dma_wait3A_128 : memref<16x1024xf32, #tpu.memory_space<hbm>>) dst(%arg15 : memref<16x1024xf32, #tpu.memory_space<vmem>>)
    %get3A_129 = arith.constant 64 : index
    %get3A_130 = tpu.vector_load %arg6[%get3A_129] {strides = array<i32>} : memref<128xi32, #tpu.memory_space<vmem>>, vector<16xi32>,
    %swap3A_131 = arith.constant 0 : index
    %swap3A_132 = tpu.vector_load %arg9[%swap3A_131] {strides = array<i32>} : memref<16xi32, #tpu.memory_space<vmem>>, vector<16xi32>,
    tpu.vector_store %arg9[%swap3A_131], %get3A_130 {strides = array<i32>} : memref<16xi32, #tpu.memory_space<vmem>>, vector<16xi32>,
    %get3A_133 = arith.constant 64 : index
    %get3A_134 = tpu.vector_load %arg7[%get3A_133] {strides = array<i32>} : memref<128xi32, #tpu.memory_space<vmem>>, vector<16xi32>,
    %swap3A_135 = arith.constant 0 : index
    %swap3A_136 = tpu.vector_load %arg12[%swap3A_135] {strides = array<i32>} : memref<16xi32, #tpu.memory_space<vmem>>, vector<16xi32>,
    tpu.vector_store %arg12[%swap3A_135], %get3A_134 {strides = array<i32>} : memref<16xi32, #tpu.memory_space<vmem>>, vector<16xi32>,
    %dma_start3A_137 = arith.constant 0 : i32
    %dma_start3A_138 = arith.constant 0 : i32
    %dma_start3A_139 = tpu.memref_slice %arg5[%dma_start3A_137, %dma_start3A_138] : memref<10240x1024xf32, #tpu.memory_space<hbm>> -> memref<10240x1024xf32, #tpu.memory_space<hbm>>
    tpu.enqueue_indirect_dma source(%arg15 : memref<16x1024xf32, #tpu.memory_space<vmem>>) target(%dma_start3A_139 : memref<10240x1024xf32, #tpu.memory_space<hbm>>) offsets(%arg9 : memref<16xi32, #tpu.memory_space<vmem>>) semaphore(%arg21 : memref<!tpu.dma_semaphore, #tpu.memory_space<semaphore_mem>>)
    %dma_start3A_140 = arith.constant 0 : i32
    %dma_start3A_141 = arith.constant 0 : i32
    %dma_start3A_142 = tpu.memref_slice %arg5[%dma_start3A_140, %dma_start3A_141] : memref<10240x1024xf32, #tpu.memory_space<hbm>> -> memref<10240x1024xf32, #tpu.memory_space<hbm>>
    tpu.enqueue_indirect_dma source(%arg15 : memref<16x1024xf32, #tpu.memory_space<vmem>>) target(%dma_start3A_142 : memref<10240x1024xf32, #tpu.memory_space<hbm>>) offsets(%arg12 : memref<16xi32, #tpu.memory_space<vmem>>) semaphore(%arg24 : memref<!tpu.dma_semaphore, #tpu.memory_space<semaphore_mem>>)
    %dma_wait3A_143 = arith.constant 0 : i32
    %dma_wait3A_144 = arith.constant 0 : i32
    %dma_wait3A_145 = tpu.memref_slice %arg5[%dma_wait3A_143, %dma_wait3A_144] : memref<10240x1024xf32, #tpu.memory_space<hbm>> -> memref<10240x1024xf32, #tpu.memory_space<hbm>>
    tpu.wait_indirect_dma semaphore(%arg20 : memref<!tpu.dma_semaphore, #tpu.memory_space<semaphore_mem>>) src(%arg14 : memref<16x1024xf32, #tpu.memory_space<vmem>>) dst(%dma_wait3A_145 : memref<10240x1024xf32, #tpu.memory_space<hbm>>)
    %dma_wait3A_146 = arith.constant 0 : i32
    %dma_wait3A_147 = arith.constant 0 : i32
    %dma_wait3A_148 = tpu.memref_slice %arg5[%dma_wait3A_146, %dma_wait3A_147] : memref<10240x1024xf32, #tpu.memory_space<hbm>> -> memref<10240x1024xf32, #tpu.memory_space<hbm>>
    tpu.wait_indirect_dma semaphore(%arg23 : memref<!tpu.dma_semaphore, #tpu.memory_space<semaphore_mem>>) src(%arg14 : memref<16x1024xf32, #tpu.memory_space<vmem>>) dst(%dma_wait3A_148 : memref<10240x1024xf32, #tpu.memory_space<hbm>>)
    %add3A_149 = arith.constant 96 : i32
    %add3A_150 = arith.addi %mul3A_2, %add3A_149 : i32
    %dma_start3A_151 = arith.constant 0 : i32
    %dma_start3A_152 = tpu.memref_slice %arg2[%add3A_150, %dma_start3A_151] : memref<4096x1024xf32, #tpu.memory_space<hbm>> -> memref<16x1024xf32, #tpu.memory_space<hbm>>
    %dma_start3A_153 = arith.constant 0 : i32
    %dma_start3A_154 = tpu.memref_slice %arg2[%add3A_150, %dma_start3A_153] : memref<4096x1024xf32, #tpu.memory_space<hbm>> -> memref<16x1024xf32, #tpu.memory_space<hbm>>
    tpu.enqueue_dma source(%dma_start3A_154 : memref<16x1024xf32, #tpu.memory_space<hbm>>) target(%arg14 : memref<16x1024xf32, #tpu.memory_space<vmem>>) target_semaphore(%arg17 : memref<!tpu.dma_semaphore, #tpu.memory_space<semaphore_mem>>)
    %dma_wait3A_155 = arith.constant 0 : i32
    %dma_wait3A_156 = tpu.memref_slice %arg2[%add3A_120, %dma_wait3A_155] : memref<4096x1024xf32, #tpu.memory_space<hbm>> -> memref<16x1024xf32, #tpu.memory_space<hbm>>
    %dma_wait3A_157 = arith.constant 0 : i32
    %dma_wait3A_158 = tpu.memref_slice %arg2[%add3A_120, %dma_wait3A_157] : memref<4096x1024xf32, #tpu.memory_space<hbm>> -> memref<16x1024xf32, #tpu.memory_space<hbm>>
    tpu.wait_dma2 semaphore(%arg19 : memref<!tpu.dma_semaphore, #tpu.memory_space<semaphore_mem>>) src(%dma_wait3A_158 : memref<16x1024xf32, #tpu.memory_space<hbm>>) dst(%arg16 : memref<16x1024xf32, #tpu.memory_space<vmem>>)
    %get3A_159 = arith.constant 80 : index
    %get3A_160 = tpu.vector_load %arg6[%get3A_159] {strides = array<i32>} : memref<128xi32, #tpu.memory_space<vmem>>, vector<16xi32>,
    %swap3A_161 = arith.constant 0 : index
    %swap3A_162 = tpu.vector_load %arg10[%swap3A_161] {strides = array<i32>} : memref<16xi32, #tpu.memory_space<vmem>>, vector<16xi32>,
    tpu.vector_store %arg10[%swap3A_161], %get3A_160 {strides = array<i32>} : memref<16xi32, #tpu.memory_space<vmem>>, vector<16xi32>,
    %get3A_163 = arith.constant 80 : index
    %get3A_164 = tpu.vector_load %arg7[%get3A_163] {strides = array<i32>} : memref<128xi32, #tpu.memory_space<vmem>>, vector<16xi32>,
    %swap3A_165 = arith.constant 0 : index
    %swap3A_166 = tpu.vector_load %arg13[%swap3A_165] {strides = array<i32>} : memref<16xi32, #tpu.memory_space<vmem>>, vector<16xi32>,
    tpu.vector_store %arg13[%swap3A_165], %get3A_164 {strides = array<i32>} : memref<16xi32, #tpu.memory_space<vmem>>, vector<16xi32>,
    %dma_start3A_167 = arith.constant 0 : i32
    %dma_start3A_168 = arith.constant 0 : i32
    %dma_start3A_169 = tpu.memref_slice %arg5[%dma_start3A_167, %dma_start3A_168] : memref<10240x1024xf32, #tpu.memory_space<hbm>> -> memref<10240x1024xf32, #tpu.memory_space<hbm>>
    tpu.enqueue_indirect_dma source(%arg16 : memref<16x1024xf32, #tpu.memory_space<vmem>>) target(%dma_start3A_169 : memref<10240x1024xf32, #tpu.memory_space<hbm>>) offsets(%arg10 : memref<16xi32, #tpu.memory_space<vmem>>) semaphore(%arg22 : memref<!tpu.dma_semaphore, #tpu.memory_space<semaphore_mem>>)
    %dma_start3A_170 = arith.constant 0 : i32
    %dma_start3A_171 = arith.constant 0 : i32
    %dma_start3A_172 = tpu.memref_slice %arg5[%dma_start3A_170, %dma_start3A_171] : memref<10240x1024xf32, #tpu.memory_space<hbm>> -> memref<10240x1024xf32, #tpu.memory_space<hbm>>
    tpu.enqueue_indirect_dma source(%arg16 : memref<16x1024xf32, #tpu.memory_space<vmem>>) target(%dma_start3A_172 : memref<10240x1024xf32, #tpu.memory_space<hbm>>) offsets(%arg13 : memref<16xi32, #tpu.memory_space<vmem>>) semaphore(%arg25 : memref<!tpu.dma_semaphore, #tpu.memory_space<semaphore_mem>>)
    %dma_wait3A_173 = arith.constant 0 : i32
    %dma_wait3A_174 = arith.constant 0 : i32
    %dma_wait3A_175 = tpu.memref_slice %arg5[%dma_wait3A_173, %dma_wait3A_174] : memref<10240x1024xf32, #tpu.memory_space<hbm>> -> memref<10240x1024xf32, #tpu.memory_space<hbm>>
    tpu.wait_indirect_dma semaphore(%arg21 : memref<!tpu.dma_semaphore, #tpu.memory_space<semaphore_mem>>) src(%arg15 : memref<16x1024xf32, #tpu.memory_space<vmem>>) dst(%dma_wait3A_175 : memref<10240x1024xf32, #tpu.memory_space<hbm>>)
    %dma_wait3A_176 = arith.constant 0 : i32
    %dma_wait3A_177 = arith.constant 0 : i32
    %dma_wait3A_178 = tpu.memref_slice %arg5[%dma_wait3A_176, %dma_wait3A_177] : memref<10240x1024xf32, #tpu.memory_space<hbm>> -> memref<10240x1024xf32, #tpu.memory_space<hbm>>
    tpu.wait_indirect_dma semaphore(%arg24 : memref<!tpu.dma_semaphore, #tpu.memory_space<semaphore_mem>>) src(%arg15 : memref<16x1024xf32, #tpu.memory_space<vmem>>) dst(%dma_wait3A_178 : memref<10240x1024xf32, #tpu.memory_space<hbm>>)
    %add3A_179 = arith.constant 112 : i32
    %add3A_180 = arith.addi %mul3A_2, %add3A_179 : i32
    %dma_start3A_181 = arith.constant 0 : i32
    %dma_start3A_182 = tpu.memref_slice %arg2[%add3A_180, %dma_start3A_181] : memref<4096x1024xf32, #tpu.memory_space<hbm>> -> memref<16x1024xf32, #tpu.memory_space<hbm>>
    %dma_start3A_183 = arith.constant 0 : i32
    %dma_start3A_184 = tpu.memref_slice %arg2[%add3A_180, %dma_start3A_183] : memref<4096x1024xf32, #tpu.memory_space<hbm>> -> memref<16x1024xf32, #tpu.memory_space<hbm>>
    tpu.enqueue_dma source(%dma_start3A_184 : memref<16x1024xf32, #tpu.memory_space<hbm>>) target(%arg15 : memref<16x1024xf32, #tpu.memory_space<vmem>>) target_semaphore(%arg18 : memref<!tpu.dma_semaphore, #tpu.memory_space<semaphore_mem>>)
    %dma_wait3A_185 = arith.constant 0 : i32
    %dma_wait3A_186 = tpu.memref_slice %arg2[%add3A_150, %dma_wait3A_185] : memref<4096x1024xf32, #tpu.memory_space<hbm>> -> memref<16x1024xf32, #tpu.memory_space<hbm>>
    %dma_wait3A_187 = arith.constant 0 : i32
    %dma_wait3A_188 = tpu.memref_slice %arg2[%add3A_150, %dma_wait3A_187] : memref<4096x1024xf32, #tpu.memory_space<hbm>> -> memref<16x1024xf32, #tpu.memory_space<hbm>>
    tpu.wait_dma2 semaphore(%arg17 : memref<!tpu.dma_semaphore, #tpu.memory_space<semaphore_mem>>) src(%dma_wait3A_188 : memref<16x1024xf32, #tpu.memory_space<hbm>>) dst(%arg14 : memref<16x1024xf32, #tpu.memory_space<vmem>>)
    %get3A_189 = arith.constant 96 : index
    %get3A_190 = tpu.vector_load %arg6[%get3A_189] {strides = array<i32>} : memref<128xi32, #tpu.memory_space<vmem>>, vector<16xi32>,
    %swap3A_191 = arith.constant 0 : index
    %swap3A_192 = tpu.vector_load %arg8[%swap3A_191] {strides = array<i32>} : memref<16xi32, #tpu.memory_space<vmem>>, vector<16xi32>,
    tpu.vector_store %arg8[%swap3A_191], %get3A_190 {strides = array<i32>} : memref<16xi32, #tpu.memory_space<vmem>>, vector<16xi32>,
    %get3A_193 = arith.constant 96 : index
    %get3A_194 = tpu.vector_load %arg7[%get3A_193] {strides = array<i32>} : memref<128xi32, #tpu.memory_space<vmem>>, vector<16xi32>,
    %swap3A_195 = arith.constant 0 : index
    %swap3A_196 = tpu.vector_load %arg11[%swap3A_195] {strides = array<i32>} : memref<16xi32, #tpu.memory_space<vmem>>, vector<16xi32>,
    tpu.vector_store %arg11[%swap3A_195], %get3A_194 {strides = array<i32>} : memref<16xi32, #tpu.memory_space<vmem>>, vector<16xi32>,
    %dma_start3A_197 = arith.constant 0 : i32
    %dma_start3A_198 = arith.constant 0 : i32
    %dma_start3A_199 = tpu.memref_slice %arg5[%dma_start3A_197, %dma_start3A_198] : memref<10240x1024xf32, #tpu.memory_space<hbm>> -> memref<10240x1024xf32, #tpu.memory_space<hbm>>
    tpu.enqueue_indirect_dma source(%arg14 : memref<16x1024xf32, #tpu.memory_space<vmem>>) target(%dma_start3A_199 : memref<10240x1024xf32, #tpu.memory_space<hbm>>) offsets(%arg8 : memref<16xi32, #tpu.memory_space<vmem>>) semaphore(%arg20 : memref<!tpu.dma_semaphore, #tpu.memory_space<semaphore_mem>>)
    %dma_start3A_200 = arith.constant 0 : i32
    %dma_start3A_201 = arith.constant 0 : i32
    %dma_start3A_202 = tpu.memref_slice %arg5[%dma_start3A_200, %dma_start3A_201] : memref<10240x1024xf32, #tpu.memory_space<hbm>> -> memref<10240x1024xf32, #tpu.memory_space<hbm>>
    tpu.enqueue_indirect_dma source(%arg14 : memref<16x1024xf32, #tpu.memory_space<vmem>>) target(%dma_start3A_202 : memref<10240x1024xf32, #tpu.memory_space<hbm>>) offsets(%arg11 : memref<16xi32, #tpu.memory_space<vmem>>) semaphore(%arg23 : memref<!tpu.dma_semaphore, #tpu.memory_space<semaphore_mem>>)
    %dma_wait3A_203 = arith.constant 0 : i32
    %dma_wait3A_204 = tpu.memref_slice %arg2[%add3A_180, %dma_wait3A_203] : memref<4096x1024xf32, #tpu.memory_space<hbm>> -> memref<16x1024xf32, #tpu.memory_space<hbm>>
    %dma_wait3A_205 = arith.constant 0 : i32
    %dma_wait3A_206 = tpu.memref_slice %arg2[%add3A_180, %dma_wait3A_205] : memref<4096x1024xf32, #tpu.memory_space<hbm>> -> memref<16x1024xf32, #tpu.memory_space<hbm>>
    tpu.wait_dma2 semaphore(%arg18 : memref<!tpu.dma_semaphore, #tpu.memory_space<semaphore_mem>>) src(%dma_wait3A_206 : memref<16x1024xf32, #tpu.memory_space<hbm>>) dst(%arg15 : memref<16x1024xf32, #tpu.memory_space<vmem>>)
    %get3A_207 = arith.constant 112 : index
    %get3A_208 = tpu.vector_load %arg6[%get3A_207] {strides = array<i32>} : memref<128xi32, #tpu.memory_space<vmem>>, vector<16xi32>,
    %swap3A_209 = arith.constant 0 : index
    %swap3A_210 = tpu.vector_load %arg9[%swap3A_209] {strides = array<i32>} : memref<16xi32, #tpu.memory_space<vmem>>, vector<16xi32>,
    tpu.vector_store %arg9[%swap3A_209], %get3A_208 {strides = array<i32>} : memref<16xi32, #tpu.memory_space<vmem>>, vector<16xi32>,
    %get3A_211 = arith.constant 112 : index
    %get3A_212 = tpu.vector_load %arg7[%get3A_211] {strides = array<i32>} : memref<128xi32, #tpu.memory_space<vmem>>, vector<16xi32>,
    %swap3A_213 = arith.constant 0 : index
    %swap3A_214 = tpu.vector_load %arg12[%swap3A_213] {strides = array<i32>} : memref<16xi32, #tpu.memory_space<vmem>>, vector<16xi32>,
    tpu.vector_store %arg12[%swap3A_213], %get3A_212 {strides = array<i32>} : memref<16xi32, #tpu.memory_space<vmem>>, vector<16xi32>,
    %dma_start3A_215 = arith.constant 0 : i32
    %dma_start3A_216 = arith.constant 0 : i32
    %dma_start3A_217 = tpu.memref_slice %arg5[%dma_start3A_215, %dma_start3A_216] : memref<10240x1024xf32, #tpu.memory_space<hbm>> -> memref<10240x1024xf32, #tpu.memory_space<hbm>>
    tpu.enqueue_indirect_dma source(%arg15 : memref<16x1024xf32, #tpu.memory_space<vmem>>) target(%dma_start3A_217 : memref<10240x1024xf32, #tpu.memory_space<hbm>>) offsets(%arg9 : memref<16xi32, #tpu.memory_space<vmem>>) semaphore(%arg21 : memref<!tpu.dma_semaphore, #tpu.memory_space<semaphore_mem>>)
    %dma_start3A_218 = arith.constant 0 : i32
    %dma_start3A_219 = arith.constant 0 : i32
    %dma_start3A_220 = tpu.memref_slice %arg5[%dma_start3A_218, %dma_start3A_219] : memref<10240x1024xf32, #tpu.memory_space<hbm>> -> memref<10240x1024xf32, #tpu.memory_space<hbm>>
    tpu.enqueue_indirect_dma source(%arg15 : memref<16x1024xf32, #tpu.memory_space<vmem>>) target(%dma_start3A_220 : memref<10240x1024xf32, #tpu.memory_space<hbm>>) offsets(%arg12 : memref<16xi32, #tpu.memory_space<vmem>>) semaphore(%arg24 : memref<!tpu.dma_semaphore, #tpu.memory_space<semaphore_mem>>)
    %dma_wait3A_221 = arith.constant 0 : i32
    %dma_wait3A_222 = arith.constant 0 : i32
    %dma_wait3A_223 = tpu.memref_slice %arg5[%dma_wait3A_221, %dma_wait3A_222] : memref<10240x1024xf32, #tpu.memory_space<hbm>> -> memref<10240x1024xf32, #tpu.memory_space<hbm>>
    tpu.wait_indirect_dma semaphore(%arg22 : memref<!tpu.dma_semaphore, #tpu.memory_space<semaphore_mem>>) src(%arg16 : memref<16x1024xf32, #tpu.memory_space<vmem>>) dst(%dma_wait3A_223 : memref<10240x1024xf32, #tpu.memory_space<hbm>>)
    %dma_wait3A_224 = arith.constant 0 : i32
    %dma_wait3A_225 = arith.constant 0 : i32
    %dma_wait3A_226 = tpu.memref_slice %arg5[%dma_wait3A_224, %dma_wait3A_225] : memref<10240x1024xf32, #tpu.memory_space<hbm>> -> memref<10240x1024xf32, #tpu.memory_space<hbm>>
    tpu.wait_indirect_dma semaphore(%arg25 : memref<!tpu.dma_semaphore, #tpu.memory_space<semaphore_mem>>) src(%arg16 : memref<16x1024xf32, #tpu.memory_space<vmem>>) dst(%dma_wait3A_226 : memref<10240x1024xf32, #tpu.memory_space<hbm>>)
    %dma_wait3A_227 = arith.constant 0 : i32
    %dma_wait3A_228 = arith.constant 0 : i32
    %dma_wait3A_229 = tpu.memref_slice %arg5[%dma_wait3A_227, %dma_wait3A_228] : memref<10240x1024xf32, #tpu.memory_space<hbm>> -> memref<10240x1024xf32, #tpu.memory_space<hbm>>
    tpu.wait_indirect_dma semaphore(%arg20 : memref<!tpu.dma_semaphore, #tpu.memory_space<semaphore_mem>>) src(%arg14 : memref<16x1024xf32, #tpu.memory_space<vmem>>) dst(%dma_wait3A_229 : memref<10240x1024xf32, #tpu.memory_space<hbm>>)
    %dma_wait3A_230 = arith.constant 0 : i32
    %dma_wait3A_231 = arith.constant 0 : i32
    %dma_wait3A_232 = tpu.memref_slice %arg5[%dma_wait3A_230, %dma_wait3A_231] : memref<10240x1024xf32, #tpu.memory_space<hbm>> -> memref<10240x1024xf32, #tpu.memory_space<hbm>>
    tpu.wait_indirect_dma semaphore(%arg23 : memref<!tpu.dma_semaphore, #tpu.memory_space<semaphore_mem>>) src(%arg14 : memref<16x1024xf32, #tpu.memory_space<vmem>>) dst(%dma_wait3A_232 : memref<10240x1024xf32, #tpu.memory_space<hbm>>)
    %dma_wait3A_233 = arith.constant 0 : i32
    %dma_wait3A_234 = arith.constant 0 : i32
    %dma_wait3A_235 = tpu.memref_slice %arg5[%dma_wait3A_233, %dma_wait3A_234] : memref<10240x1024xf32, #tpu.memory_space<hbm>> -> memref<10240x1024xf32, #tpu.memory_space<hbm>>
    tpu.wait_indirect_dma semaphore(%arg21 : memref<!tpu.dma_semaphore, #tpu.memory_space<semaphore_mem>>) src(%arg15 : memref<16x1024xf32, #tpu.memory_space<vmem>>) dst(%dma_wait3A_235 : memref<10240x1024xf32, #tpu.memory_space<hbm>>)
    %dma_wait3A_236 = arith.constant 0 : i32
    %dma_wait3A_237 = arith.constant 0 : i32
    %dma_wait3A_238 = tpu.memref_slice %arg5[%dma_wait3A_236, %dma_wait3A_237] : memref<10240x1024xf32, #tpu.memory_space<hbm>> -> memref<10240x1024xf32, #tpu.memory_space<hbm>>
    tpu.wait_indirect_dma semaphore(%arg24 : memref<!tpu.dma_semaphore, #tpu.memory_space<semaphore_mem>>) src(%arg15 : memref<16x1024xf32, #tpu.memory_space<vmem>>) dst(%dma_wait3A_238 : memref<10240x1024xf32, #tpu.memory_space<hbm>>)
    return
  }
}

#map = affine_map<(d0, d1) -> (0)>
#map1 = affine_map<(d0, d1) -> (0, 0)>
module attributes {stable_mosaic.version = 14 : i64} {
  func.func @_sc_combine(%arg0: i32, %arg1: i32, %arg2: memref<4096xi32, #tpu.memory_space<hbm>>, %arg3: memref<4096xi32, #tpu.memory_space<hbm>>, %arg4: memref<4096xf32, #tpu.memory_space<hbm>>, %arg5: memref<4096xf32, #tpu.memory_space<hbm>>, %arg6: memref<10240x1024xf32, #tpu.memory_space<hbm>>, %arg7: memref<4096x1024xf32, #tpu.memory_space<hbm>>, %arg8: memref<128xi32, #tpu.memory_space<vmem>>, %arg9: memref<128xi32, #tpu.memory_space<vmem>>, %arg10: memref<128xf32, #tpu.memory_space<vmem>>, %arg11: memref<128xf32, #tpu.memory_space<vmem>>, %arg12: memref<16xi32, #tpu.memory_space<vmem>>, %arg13: memref<16xi32, #tpu.memory_space<vmem>>, %arg14: memref<16xi32, #tpu.memory_space<vmem>>, %arg15: memref<16xi32, #tpu.memory_space<vmem>>, %arg16: memref<16xi32, #tpu.memory_space<vmem>>, %arg17: memref<16xi32, #tpu.memory_space<vmem>>, %arg18: memref<16x1024xf32, #tpu.memory_space<vmem>>, %arg19: memref<16x1024xf32, #tpu.memory_space<vmem>>, %arg20: memref<16x1024xf32, #tpu.memory_space<vmem>>, %arg21: memref<16x1024xf32, #tpu.memory_space<vmem>>, %arg22: memref<16x1024xf32, #tpu.memory_space<vmem>>, %arg23: memref<16x1024xf32, #tpu.memory_space<vmem>>, %arg24: memref<!tpu.dma_semaphore, #tpu.memory_space<semaphore_mem>>, %arg25: memref<!tpu.dma_semaphore, #tpu.memory_space<semaphore_mem>>, %arg26: memref<!tpu.dma_semaphore, #tpu.memory_space<semaphore_mem>>, %arg27: memref<!tpu.dma_semaphore, #tpu.memory_space<semaphore_mem>>, %arg28: memref<!tpu.dma_semaphore, #tpu.memory_space<semaphore_mem>>, %arg29: memref<!tpu.dma_semaphore, #tpu.memory_space<semaphore_mem>>, %arg30: memref<!tpu.dma_semaphore, #tpu.memory_space<semaphore_mem>>, %arg31: memref<!tpu.dma_semaphore, #tpu.memory_space<semaphore_mem>>, %arg32: memref<!tpu.dma_semaphore, #tpu.memory_space<semaphore_mem>>) attributes {dimension_semantics = [#tpu.dimension_semantics<core_parallel>, #tpu.dimension_semantics<subcore_parallel>], iteration_bounds = array<i64: 2, 16>, scalar_prefetch = 0 : i64, scratch_operands = 25 : i64, tpu.core_type = #tpu.core_type<sc_vector_subcore>, window_params = [{transform_indices = #map}, {transform_indices = #map}, {transform_indices = #map}, {transform_indices = #map}, {transform_indices = #map1}, {transform_indices = #map1}]} {
    %mul3A = arith.constant 2 : i32
    %mul3A_0 = arith.muli %arg1, %mul3A : i32
    %add3A = arith.addi %mul3A_0, %arg0 : i32
    %mul3A_1 = arith.constant 128 : i32
    %mul3A_2 = arith.muli %add3A, %mul3A_1 : i32
    "tpu.region"() ({
      %run_scoped3A = tpu.sem_alloc : memref<!tpu.dma_semaphore, #tpu.memory_space<semaphore_mem>>
      %dma_start3A_294 = tpu.memref_slice %arg2[%mul3A_2] : memref<4096xi32, #tpu.memory_space<hbm>> -> memref<128xi32, #tpu.memory_space<hbm>>
      %dma_start3A_295 = tpu.memref_slice %arg2[%mul3A_2] : memref<4096xi32, #tpu.memory_space<hbm>> -> memref<128xi32, #tpu.memory_space<hbm>>
      tpu.enqueue_dma source(%dma_start3A_295 : memref<128xi32, #tpu.memory_space<hbm>>) target(%arg8 : memref<128xi32, #tpu.memory_space<vmem>>) target_semaphore(%run_scoped3A : memref<!tpu.dma_semaphore, #tpu.memory_space<semaphore_mem>>)
      %dma_wait3A_296 = tpu.memref_slice %arg2[%mul3A_2] : memref<4096xi32, #tpu.memory_space<hbm>> -> memref<128xi32, #tpu.memory_space<hbm>>
      %dma_wait3A_297 = tpu.memref_slice %arg2[%mul3A_2] : memref<4096xi32, #tpu.memory_space<hbm>> -> memref<128xi32, #tpu.memory_space<hbm>>
      tpu.wait_dma2 semaphore(%run_scoped3A : memref<!tpu.dma_semaphore, #tpu.memory_space<semaphore_mem>>) src(%dma_wait3A_297 : memref<128xi32, #tpu.memory_space<hbm>>) dst(%arg8 : memref<128xi32, #tpu.memory_space<vmem>>)
      tpu.yield
    }) : () -> ()
    "tpu.region"() ({
      %run_scoped3A = tpu.sem_alloc : memref<!tpu.dma_semaphore, #tpu.memory_space<semaphore_mem>>
      %dma_start3A_294 = tpu.memref_slice %arg3[%mul3A_2] : memref<4096xi32, #tpu.memory_space<hbm>> -> memref<128xi32, #tpu.memory_space<hbm>>
      %dma_start3A_295 = tpu.memref_slice %arg3[%mul3A_2] : memref<4096xi32, #tpu.memory_space<hbm>> -> memref<128xi32, #tpu.memory_space<hbm>>
      tpu.enqueue_dma source(%dma_start3A_295 : memref<128xi32, #tpu.memory_space<hbm>>) target(%arg9 : memref<128xi32, #tpu.memory_space<vmem>>) target_semaphore(%run_scoped3A : memref<!tpu.dma_semaphore, #tpu.memory_space<semaphore_mem>>)
      %dma_wait3A_296 = tpu.memref_slice %arg3[%mul3A_2] : memref<4096xi32, #tpu.memory_space<hbm>> -> memref<128xi32, #tpu.memory_space<hbm>>
      %dma_wait3A_297 = tpu.memref_slice %arg3[%mul3A_2] : memref<4096xi32, #tpu.memory_space<hbm>> -> memref<128xi32, #tpu.memory_space<hbm>>
      tpu.wait_dma2 semaphore(%run_scoped3A : memref<!tpu.dma_semaphore, #tpu.memory_space<semaphore_mem>>) src(%dma_wait3A_297 : memref<128xi32, #tpu.memory_space<hbm>>) dst(%arg9 : memref<128xi32, #tpu.memory_space<vmem>>)
      tpu.yield
    }) : () -> ()
    "tpu.region"() ({
      %run_scoped3A = tpu.sem_alloc : memref<!tpu.dma_semaphore, #tpu.memory_space<semaphore_mem>>
      %dma_start3A_294 = tpu.memref_slice %arg4[%mul3A_2] : memref<4096xf32, #tpu.memory_space<hbm>> -> memref<128xf32, #tpu.memory_space<hbm>>
      %dma_start3A_295 = tpu.memref_slice %arg4[%mul3A_2] : memref<4096xf32, #tpu.memory_space<hbm>> -> memref<128xf32, #tpu.memory_space<hbm>>
      tpu.enqueue_dma source(%dma_start3A_295 : memref<128xf32, #tpu.memory_space<hbm>>) target(%arg10 : memref<128xf32, #tpu.memory_space<vmem>>) target_semaphore(%run_scoped3A : memref<!tpu.dma_semaphore, #tpu.memory_space<semaphore_mem>>)
      %dma_wait3A_296 = tpu.memref_slice %arg4[%mul3A_2] : memref<4096xf32, #tpu.memory_space<hbm>> -> memref<128xf32, #tpu.memory_space<hbm>>
      %dma_wait3A_297 = tpu.memref_slice %arg4[%mul3A_2] : memref<4096xf32, #tpu.memory_space<hbm>> -> memref<128xf32, #tpu.memory_space<hbm>>
      tpu.wait_dma2 semaphore(%run_scoped3A : memref<!tpu.dma_semaphore, #tpu.memory_space<semaphore_mem>>) src(%dma_wait3A_297 : memref<128xf32, #tpu.memory_space<hbm>>) dst(%arg10 : memref<128xf32, #tpu.memory_space<vmem>>)
      tpu.yield
    }) : () -> ()
    "tpu.region"() ({
      %run_scoped3A = tpu.sem_alloc : memref<!tpu.dma_semaphore, #tpu.memory_space<semaphore_mem>>
      %dma_start3A_294 = tpu.memref_slice %arg5[%mul3A_2] : memref<4096xf32, #tpu.memory_space<hbm>> -> memref<128xf32, #tpu.memory_space<hbm>>
      %dma_start3A_295 = tpu.memref_slice %arg5[%mul3A_2] : memref<4096xf32, #tpu.memory_space<hbm>> -> memref<128xf32, #tpu.memory_space<hbm>>
      tpu.enqueue_dma source(%dma_start3A_295 : memref<128xf32, #tpu.memory_space<hbm>>) target(%arg11 : memref<128xf32, #tpu.memory_space<vmem>>) target_semaphore(%run_scoped3A : memref<!tpu.dma_semaphore, #tpu.memory_space<semaphore_mem>>)
      %dma_wait3A_296 = tpu.memref_slice %arg5[%mul3A_2] : memref<4096xf32, #tpu.memory_space<hbm>> -> memref<128xf32, #tpu.memory_space<hbm>>
      %dma_wait3A_297 = tpu.memref_slice %arg5[%mul3A_2] : memref<4096xf32, #tpu.memory_space<hbm>> -> memref<128xf32, #tpu.memory_space<hbm>>
      tpu.wait_dma2 semaphore(%run_scoped3A : memref<!tpu.dma_semaphore, #tpu.memory_space<semaphore_mem>>) src(%dma_wait3A_297 : memref<128xf32, #tpu.memory_space<hbm>>) dst(%arg11 : memref<128xf32, #tpu.memory_space<vmem>>)
      tpu.yield
    }) : () -> ()
    %get3A = arith.constant 0 : index
    %get3A_3 = tpu.vector_load %arg8[%get3A] {strides = array<i32>} : memref<128xi32, #tpu.memory_space<vmem>>, vector<16xi32>,
    %swap3A = arith.constant 0 : index
    %swap3A_4 = tpu.vector_load %arg12[%swap3A] {strides = array<i32>} : memref<16xi32, #tpu.memory_space<vmem>>, vector<16xi32>,
    tpu.vector_store %arg12[%swap3A], %get3A_3 {strides = array<i32>} : memref<16xi32, #tpu.memory_space<vmem>>, vector<16xi32>,
    %get3A_5 = arith.constant 0 : index
    %get3A_6 = tpu.vector_load %arg9[%get3A_5] {strides = array<i32>} : memref<128xi32, #tpu.memory_space<vmem>>, vector<16xi32>,
    %swap3A_7 = arith.constant 0 : index
    %swap3A_8 = tpu.vector_load %arg15[%swap3A_7] {strides = array<i32>} : memref<16xi32, #tpu.memory_space<vmem>>, vector<16xi32>,
    tpu.vector_store %arg15[%swap3A_7], %get3A_6 {strides = array<i32>} : memref<16xi32, #tpu.memory_space<vmem>>, vector<16xi32>,
    %dma_start3A = arith.constant 0 : i32
    %dma_start3A_9 = arith.constant 0 : i32
    %dma_start3A_10 = tpu.memref_slice %arg6[%dma_start3A, %dma_start3A_9] : memref<10240x1024xf32, #tpu.memory_space<hbm>> -> memref<10240x1024xf32, #tpu.memory_space<hbm>>
    tpu.enqueue_indirect_dma source(%dma_start3A_10 : memref<10240x1024xf32, #tpu.memory_space<hbm>>) target(%arg18 : memref<16x1024xf32, #tpu.memory_space<vmem>>) offsets(%arg12 : memref<16xi32, #tpu.memory_space<vmem>>) semaphore(%arg24 : memref<!tpu.dma_semaphore, #tpu.memory_space<semaphore_mem>>)
    %dma_start3A_11 = arith.constant 0 : i32
    %dma_start3A_12 = arith.constant 0 : i32
    %dma_start3A_13 = tpu.memref_slice %arg6[%dma_start3A_11, %dma_start3A_12] : memref<10240x1024xf32, #tpu.memory_space<hbm>> -> memref<10240x1024xf32, #tpu.memory_space<hbm>>
    tpu.enqueue_indirect_dma source(%dma_start3A_13 : memref<10240x1024xf32, #tpu.memory_space<hbm>>) target(%arg21 : memref<16x1024xf32, #tpu.memory_space<vmem>>) offsets(%arg15 : memref<16xi32, #tpu.memory_space<vmem>>) semaphore(%arg27 : memref<!tpu.dma_semaphore, #tpu.memory_space<semaphore_mem>>)
    %get3A_14 = arith.constant 16 : index
    %get3A_15 = tpu.vector_load %arg8[%get3A_14] {strides = array<i32>} : memref<128xi32, #tpu.memory_space<vmem>>, vector<16xi32>,
    %swap3A_16 = arith.constant 0 : index
    %swap3A_17 = tpu.vector_load %arg13[%swap3A_16] {strides = array<i32>} : memref<16xi32, #tpu.memory_space<vmem>>, vector<16xi32>,
    tpu.vector_store %arg13[%swap3A_16], %get3A_15 {strides = array<i32>} : memref<16xi32, #tpu.memory_space<vmem>>, vector<16xi32>,
    %get3A_18 = arith.constant 16 : index
    %get3A_19 = tpu.vector_load %arg9[%get3A_18] {strides = array<i32>} : memref<128xi32, #tpu.memory_space<vmem>>, vector<16xi32>,
    %swap3A_20 = arith.constant 0 : index
    %swap3A_21 = tpu.vector_load %arg16[%swap3A_20] {strides = array<i32>} : memref<16xi32, #tpu.memory_space<vmem>>, vector<16xi32>,
    tpu.vector_store %arg16[%swap3A_20], %get3A_19 {strides = array<i32>} : memref<16xi32, #tpu.memory_space<vmem>>, vector<16xi32>,
    %dma_start3A_22 = arith.constant 0 : i32
    %dma_start3A_23 = arith.constant 0 : i32
    %dma_start3A_24 = tpu.memref_slice %arg6[%dma_start3A_22, %dma_start3A_23] : memref<10240x1024xf32, #tpu.memory_space<hbm>> -> memref<10240x1024xf32, #tpu.memory_space<hbm>>
    tpu.enqueue_indirect_dma source(%dma_start3A_24 : memref<10240x1024xf32, #tpu.memory_space<hbm>>) target(%arg19 : memref<16x1024xf32, #tpu.memory_space<vmem>>) offsets(%arg13 : memref<16xi32, #tpu.memory_space<vmem>>) semaphore(%arg25 : memref<!tpu.dma_semaphore, #tpu.memory_space<semaphore_mem>>)
    %dma_start3A_25 = arith.constant 0 : i32
    %dma_start3A_26 = arith.constant 0 : i32
    %dma_start3A_27 = tpu.memref_slice %arg6[%dma_start3A_25, %dma_start3A_26] : memref<10240x1024xf32, #tpu.memory_space<hbm>> -> memref<10240x1024xf32, #tpu.memory_space<hbm>>
    tpu.enqueue_indirect_dma source(%dma_start3A_27 : memref<10240x1024xf32, #tpu.memory_space<hbm>>) target(%arg22 : memref<16x1024xf32, #tpu.memory_space<vmem>>) offsets(%arg16 : memref<16xi32, #tpu.memory_space<vmem>>) semaphore(%arg28 : memref<!tpu.dma_semaphore, #tpu.memory_space<semaphore_mem>>)
    %dma_wait3A = arith.constant 0 : i32
    %dma_wait3A_28 = arith.constant 0 : i32
    %dma_wait3A_29 = tpu.memref_slice %arg6[%dma_wait3A, %dma_wait3A_28] : memref<10240x1024xf32, #tpu.memory_space<hbm>> -> memref<10240x1024xf32, #tpu.memory_space<hbm>>
    tpu.wait_indirect_dma semaphore(%arg24 : memref<!tpu.dma_semaphore, #tpu.memory_space<semaphore_mem>>) src(%dma_wait3A_29 : memref<10240x1024xf32, #tpu.memory_space<hbm>>) dst(%arg18 : memref<16x1024xf32, #tpu.memory_space<vmem>>)
    %dma_wait3A_30 = arith.constant 0 : i32
    %dma_wait3A_31 = arith.constant 0 : i32
    %dma_wait3A_32 = tpu.memref_slice %arg6[%dma_wait3A_30, %dma_wait3A_31] : memref<10240x1024xf32, #tpu.memory_space<hbm>> -> memref<10240x1024xf32, #tpu.memory_space<hbm>>
    tpu.wait_indirect_dma semaphore(%arg27 : memref<!tpu.dma_semaphore, #tpu.memory_space<semaphore_mem>>) src(%dma_wait3A_32 : memref<10240x1024xf32, #tpu.memory_space<hbm>>) dst(%arg21 : memref<16x1024xf32, #tpu.memory_space<vmem>>)
    %scan3A = arith.constant 0 : i32
    %scan3A_33 = arith.constant 0 : i32
    %scan3A_34 = arith.constant 128 : i32
    %scan3A_35 = arith.addi %scan3A_33, %scan3A_34 : i32
    %scan3A_36 = arith.constant 1 : i32
    %scan3A_37 = scf.for %scan3A_294 = %scan3A_33 to %scan3A_35 step %scan3A_36 iter_args(%scan3A_295 = %scan3A) -> (i32)  : i32 {
      %mul3A_296 = arith.constant 8 : i32
      %mul3A_297 = arith.muli %scan3A_294, %mul3A_296 : i32
      %jit3A = arith.constant 64 : i32
      %div3A = arith.divsi %mul3A_297, %jit3A : i32
      %sign3A = arith.constant 0 : i32
      %sign3A_298 = arith.cmpi sgt, %mul3A_297, %sign3A : i32
      %sign3A_299 = arith.extui %sign3A_298 : i1 to i32
      %sign3A_300 = arith.constant 0 : i32
      %sign3A_301 = arith.cmpi slt, %mul3A_297, %sign3A_300 : i32
      %sign3A_302 = arith.extui %sign3A_301 : i1 to i32
      %sign3A_303 = arith.subi %sign3A_299, %sign3A_302 : i32
      %sign3A_304 = arith.constant 0 : i32
      %sign3A_305 = arith.cmpi sgt, %jit3A, %sign3A_304 : i32
      %sign3A_306 = arith.extui %sign3A_305 : i1 to i32
      %sign3A_307 = arith.constant 0 : i32
      %sign3A_308 = arith.cmpi slt, %jit3A, %sign3A_307 : i32
      %sign3A_309 = arith.extui %sign3A_308 : i1 to i32
      %sign3A_310 = arith.subi %sign3A_306, %sign3A_309 : i32
      %ne3A = arith.cmpi ne, %sign3A_303, %sign3A_310 : i32
      %rem3A = arith.remsi %mul3A_297, %jit3A : i32
      %ne3A_311 = arith.constant 0 : i32
      %ne3A_312 = arith.cmpi ne, %rem3A, %ne3A_311 : i32
      %and3A = arith.andi %ne3A, %ne3A_312 : i1
      %sub3A = arith.constant 1 : i32
      %sub3A_313 = arith.subi %div3A, %sub3A : i32
      %select_n3A = arith.select %and3A, %sub3A_313, %div3A : i32
      %add3A_314 = arith.constant 0 : i32
      %add3A_315 = arith.addi %add3A_314, %select_n3A : i32
      %broadcast_in_dim3A = vector.broadcast %add3A_315 : i32 to vector<16xi32>
      %gather3A = tpu.vector_load_idx %arg10[%broadcast_in_dim3A] : memref<128xf32, #tpu.memory_space<vmem>>[vector<16xi32>], vector<16xf32>,
      %gather3A_316 = tpu.vector_load_idx %arg11[%broadcast_in_dim3A] : memref<128xf32, #tpu.memory_space<vmem>>[vector<16xi32>], vector<16xf32>,
      %mul3A_317 = arith.constant 8 : i32
      %mul3A_318 = arith.muli %scan3A_294, %mul3A_317 : i32
      %add3A_319 = arith.constant 0 : i32
      %add3A_320 = arith.addi %mul3A_318, %add3A_319 : i32
      %jit3A_321 = arith.constant 64 : i32
      %eq3A = arith.constant 0 : i32
      %eq3A_322 = arith.cmpi eq, %jit3A_321, %eq3A : i32
      %jit3A_323 = arith.constant 1 : i32
      %select_n3A_324 = arith.select %eq3A_322, %jit3A_323, %jit3A_321 : i32
      %rem3A_325 = arith.remsi %add3A_320, %select_n3A_324 : i32
      %ne3A_326 = arith.constant 0 : i32
      %ne3A_327 = arith.cmpi ne, %rem3A_325, %ne3A_326 : i32
      %lt3A = arith.constant 0 : i32
      %lt3A_328 = arith.cmpi slt, %rem3A_325, %lt3A : i32
      %lt3A_329 = arith.constant 0 : i32
      %lt3A_330 = arith.cmpi slt, %select_n3A_324, %lt3A_329 : i32
      %ne3A_331 = arith.xori %lt3A_328, %lt3A_330 : i1
      %and3A_332 = arith.andi %ne3A_331, %ne3A_327 : i1
      %add3A_333 = arith.addi %rem3A_325, %select_n3A_324 : i32
      %select_n3A_334 = arith.select %and3A_332, %add3A_333, %rem3A_325 : i32
      %mul3A_335 = arith.constant 16 : i32
      %mul3A_336 = arith.muli %select_n3A_334, %mul3A_335 : i32
      %get3A_337 = arith.index_cast %select_n3A : i32 to index
      %get3A_338 = arith.index_cast %mul3A_336 : i32 to index
      %get3A_339 = tpu.vector_load %arg18[%get3A_337, %get3A_338] {strides = array<i32>} : memref<16x1024xf32, #tpu.memory_space<vmem>>, vector<16xf32>,
      %mul3A_340 = arith.mulf %gather3A, %get3A_339 : vector<16xf32>
      %get3A_341 = arith.index_cast %select_n3A : i32 to index
      %get3A_342 = arith.index_cast %mul3A_336 : i32 to index
      %get3A_343 = tpu.vector_load %arg21[%get3A_341, %get3A_342] {strides = array<i32>} : memref<16x1024xf32, #tpu.memory_space<vmem>>, vector<16xf32>,
      %mul3A_344 = arith.mulf %gather3A_316, %get3A_343 : vector<16xf32>
      %add3A_345 = arith.addf %mul3A_340, %mul3A_344 : vector<16xf32>
      %swap3A_346 = arith.index_cast %select_n3A : i32 to index
      %swap3A_347 = arith.index_cast %mul3A_336 : i32 to index
      %swap3A_348 = tpu.vector_load %arg18[%swap3A_346, %swap3A_347] {strides = array<i32>} : memref<16x1024xf32, #tpu.memory_space<vmem>>, vector<16xf32>,
      tpu.vector_store %arg18[%swap3A_346, %swap3A_347], %add3A_345 {strides = array<i32>} : memref<16x1024xf32, #tpu.memory_space<vmem>>, vector<16xf32>,
      %mul3A_349 = arith.constant 8 : i32
      %mul3A_350 = arith.muli %scan3A_294, %mul3A_349 : i32
      %add3A_351 = arith.constant 1 : i32
      %add3A_352 = arith.addi %mul3A_350, %add3A_351 : i32
      %jit3A_353 = arith.constant 64 : i32
      %eq3A_354 = arith.constant 0 : i32
      %eq3A_355 = arith.cmpi eq, %jit3A_353, %eq3A_354 : i32
      %jit3A_356 = arith.constant 1 : i32
      %select_n3A_357 = arith.select %eq3A_355, %jit3A_356, %jit3A_353 : i32
      %rem3A_358 = arith.remsi %add3A_352, %select_n3A_357 : i32
      %ne3A_359 = arith.constant 0 : i32
      %ne3A_360 = arith.cmpi ne, %rem3A_358, %ne3A_359 : i32
      %lt3A_361 = arith.constant 0 : i32
      %lt3A_362 = arith.cmpi slt, %rem3A_358, %lt3A_361 : i32
      %lt3A_363 = arith.constant 0 : i32
      %lt3A_364 = arith.cmpi slt, %select_n3A_357, %lt3A_363 : i32
      %ne3A_365 = arith.xori %lt3A_362, %lt3A_364 : i1
      %and3A_366 = arith.andi %ne3A_365, %ne3A_360 : i1
      %add3A_367 = arith.addi %rem3A_358, %select_n3A_357 : i32
      %select_n3A_368 = arith.select %and3A_366, %add3A_367, %rem3A_358 : i32
      %mul3A_369 = arith.constant 16 : i32
      %mul3A_370 = arith.muli %select_n3A_368, %mul3A_369 : i32
      %get3A_371 = arith.index_cast %select_n3A : i32 to index
      %get3A_372 = arith.index_cast %mul3A_370 : i32 to index
      %get3A_373 = tpu.vector_load %arg18[%get3A_371, %get3A_372] {strides = array<i32>} : memref<16x1024xf32, #tpu.memory_space<vmem>>, vector<16xf32>,
      %mul3A_374 = arith.mulf %gather3A, %get3A_373 : vector<16xf32>
      %get3A_375 = arith.index_cast %select_n3A : i32 to index
      %get3A_376 = arith.index_cast %mul3A_370 : i32 to index
      %get3A_377 = tpu.vector_load %arg21[%get3A_375, %get3A_376] {strides = array<i32>} : memref<16x1024xf32, #tpu.memory_space<vmem>>, vector<16xf32>,
      %mul3A_378 = arith.mulf %gather3A_316, %get3A_377 : vector<16xf32>
      %add3A_379 = arith.addf %mul3A_374, %mul3A_378 : vector<16xf32>
      %swap3A_380 = arith.index_cast %select_n3A : i32 to index
      %swap3A_381 = arith.index_cast %mul3A_370 : i32 to index
      %swap3A_382 = tpu.vector_load %arg18[%swap3A_380, %swap3A_381] {strides = array<i32>} : memref<16x1024xf32, #tpu.memory_space<vmem>>, vector<16xf32>,
      tpu.vector_store %arg18[%swap3A_380, %swap3A_381], %add3A_379 {strides = array<i32>} : memref<16x1024xf32, #tpu.memory_space<vmem>>, vector<16xf32>,
      %mul3A_383 = arith.constant 8 : i32
      %mul3A_384 = arith.muli %scan3A_294, %mul3A_383 : i32
      %add3A_385 = arith.constant 2 : i32
      %add3A_386 = arith.addi %mul3A_384, %add3A_385 : i32
      %jit3A_387 = arith.constant 64 : i32
      %eq3A_388 = arith.constant 0 : i32
      %eq3A_389 = arith.cmpi eq, %jit3A_387, %eq3A_388 : i32
      %jit3A_390 = arith.constant 1 : i32
      %select_n3A_391 = arith.select %eq3A_389, %jit3A_390, %jit3A_387 : i32
      %rem3A_392 = arith.remsi %add3A_386, %select_n3A_391 : i32
      %ne3A_393 = arith.constant 0 : i32
      %ne3A_394 = arith.cmpi ne, %rem3A_392, %ne3A_393 : i32
      %lt3A_395 = arith.constant 0 : i32
      %lt3A_396 = arith.cmpi slt, %rem3A_392, %lt3A_395 : i32
      %lt3A_397 = arith.constant 0 : i32
      %lt3A_398 = arith.cmpi slt, %select_n3A_391, %lt3A_397 : i32
      %ne3A_399 = arith.xori %lt3A_396, %lt3A_398 : i1
      %and3A_400 = arith.andi %ne3A_399, %ne3A_394 : i1
      %add3A_401 = arith.addi %rem3A_392, %select_n3A_391 : i32
      %select_n3A_402 = arith.select %and3A_400, %add3A_401, %rem3A_392 : i32
      %mul3A_403 = arith.constant 16 : i32
      %mul3A_404 = arith.muli %select_n3A_402, %mul3A_403 : i32
      %get3A_405 = arith.index_cast %select_n3A : i32 to index
      %get3A_406 = arith.index_cast %mul3A_404 : i32 to index
      %get3A_407 = tpu.vector_load %arg18[%get3A_405, %get3A_406] {strides = array<i32>} : memref<16x1024xf32, #tpu.memory_space<vmem>>, vector<16xf32>,
      %mul3A_408 = arith.mulf %gather3A, %get3A_407 : vector<16xf32>
      %get3A_409 = arith.index_cast %select_n3A : i32 to index
      %get3A_410 = arith.index_cast %mul3A_404 : i32 to index
      %get3A_411 = tpu.vector_load %arg21[%get3A_409, %get3A_410] {strides = array<i32>} : memref<16x1024xf32, #tpu.memory_space<vmem>>, vector<16xf32>,
      %mul3A_412 = arith.mulf %gather3A_316, %get3A_411 : vector<16xf32>
      %add3A_413 = arith.addf %mul3A_408, %mul3A_412 : vector<16xf32>
      %swap3A_414 = arith.index_cast %select_n3A : i32 to index
      %swap3A_415 = arith.index_cast %mul3A_404 : i32 to index
      %swap3A_416 = tpu.vector_load %arg18[%swap3A_414, %swap3A_415] {strides = array<i32>} : memref<16x1024xf32, #tpu.memory_space<vmem>>, vector<16xf32>,
      tpu.vector_store %arg18[%swap3A_414, %swap3A_415], %add3A_413 {strides = array<i32>} : memref<16x1024xf32, #tpu.memory_space<vmem>>, vector<16xf32>,
      %mul3A_417 = arith.constant 8 : i32
      %mul3A_418 = arith.muli %scan3A_294, %mul3A_417 : i32
      %add3A_419 = arith.constant 3 : i32
      %add3A_420 = arith.addi %mul3A_418, %add3A_419 : i32
      %jit3A_421 = arith.constant 64 : i32
      %eq3A_422 = arith.constant 0 : i32
      %eq3A_423 = arith.cmpi eq, %jit3A_421, %eq3A_422 : i32
      %jit3A_424 = arith.constant 1 : i32
      %select_n3A_425 = arith.select %eq3A_423, %jit3A_424, %jit3A_421 : i32
      %rem3A_426 = arith.remsi %add3A_420, %select_n3A_425 : i32
      %ne3A_427 = arith.constant 0 : i32
      %ne3A_428 = arith.cmpi ne, %rem3A_426, %ne3A_427 : i32
      %lt3A_429 = arith.constant 0 : i32
      %lt3A_430 = arith.cmpi slt, %rem3A_426, %lt3A_429 : i32
      %lt3A_431 = arith.constant 0 : i32
      %lt3A_432 = arith.cmpi slt, %select_n3A_425, %lt3A_431 : i32
      %ne3A_433 = arith.xori %lt3A_430, %lt3A_432 : i1
      %and3A_434 = arith.andi %ne3A_433, %ne3A_428 : i1
      %add3A_435 = arith.addi %rem3A_426, %select_n3A_425 : i32
      %select_n3A_436 = arith.select %and3A_434, %add3A_435, %rem3A_426 : i32
      %mul3A_437 = arith.constant 16 : i32
      %mul3A_438 = arith.muli %select_n3A_436, %mul3A_437 : i32
      %get3A_439 = arith.index_cast %select_n3A : i32 to index
      %get3A_440 = arith.index_cast %mul3A_438 : i32 to index
      %get3A_441 = tpu.vector_load %arg18[%get3A_439, %get3A_440] {strides = array<i32>} : memref<16x1024xf32, #tpu.memory_space<vmem>>, vector<16xf32>,
      %mul3A_442 = arith.mulf %gather3A, %get3A_441 : vector<16xf32>
      %get3A_443 = arith.index_cast %select_n3A : i32 to index
      %get3A_444 = arith.index_cast %mul3A_438 : i32 to index
      %get3A_445 = tpu.vector_load %arg21[%get3A_443, %get3A_444] {strides = array<i32>} : memref<16x1024xf32, #tpu.memory_space<vmem>>, vector<16xf32>,
      %mul3A_446 = arith.mulf %gather3A_316, %get3A_445 : vector<16xf32>
      %add3A_447 = arith.addf %mul3A_442, %mul3A_446 : vector<16xf32>
      %swap3A_448 = arith.index_cast %select_n3A : i32 to index
      %swap3A_449 = arith.index_cast %mul3A_438 : i32 to index
      %swap3A_450 = tpu.vector_load %arg18[%swap3A_448, %swap3A_449] {strides = array<i32>} : memref<16x1024xf32, #tpu.memory_space<vmem>>, vector<16xf32>,
      tpu.vector_store %arg18[%swap3A_448, %swap3A_449], %add3A_447 {strides = array<i32>} : memref<16x1024xf32, #tpu.memory_space<vmem>>, vector<16xf32>,
      %mul3A_451 = arith.constant 8 : i32
      %mul3A_452 = arith.muli %scan3A_294, %mul3A_451 : i32
      %add3A_453 = arith.constant 4 : i32
      %add3A_454 = arith.addi %mul3A_452, %add3A_453 : i32
      %jit3A_455 = arith.constant 64 : i32
      %eq3A_456 = arith.constant 0 : i32
      %eq3A_457 = arith.cmpi eq, %jit3A_455, %eq3A_456 : i32
      %jit3A_458 = arith.constant 1 : i32
      %select_n3A_459 = arith.select %eq3A_457, %jit3A_458, %jit3A_455 : i32
      %rem3A_460 = arith.remsi %add3A_454, %select_n3A_459 : i32
      %ne3A_461 = arith.constant 0 : i32
      %ne3A_462 = arith.cmpi ne, %rem3A_460, %ne3A_461 : i32
      %lt3A_463 = arith.constant 0 : i32
      %lt3A_464 = arith.cmpi slt, %rem3A_460, %lt3A_463 : i32
      %lt3A_465 = arith.constant 0 : i32
      %lt3A_466 = arith.cmpi slt, %select_n3A_459, %lt3A_465 : i32
      %ne3A_467 = arith.xori %lt3A_464, %lt3A_466 : i1
      %and3A_468 = arith.andi %ne3A_467, %ne3A_462 : i1
      %add3A_469 = arith.addi %rem3A_460, %select_n3A_459 : i32
      %select_n3A_470 = arith.select %and3A_468, %add3A_469, %rem3A_460 : i32
      %mul3A_471 = arith.constant 16 : i32
      %mul3A_472 = arith.muli %select_n3A_470, %mul3A_471 : i32
      %get3A_473 = arith.index_cast %select_n3A : i32 to index
      %get3A_474 = arith.index_cast %mul3A_472 : i32 to index
      %get3A_475 = tpu.vector_load %arg18[%get3A_473, %get3A_474] {strides = array<i32>} : memref<16x1024xf32, #tpu.memory_space<vmem>>, vector<16xf32>,
      %mul3A_476 = arith.mulf %gather3A, %get3A_475 : vector<16xf32>
      %get3A_477 = arith.index_cast %select_n3A : i32 to index
      %get3A_478 = arith.index_cast %mul3A_472 : i32 to index
      %get3A_479 = tpu.vector_load %arg21[%get3A_477, %get3A_478] {strides = array<i32>} : memref<16x1024xf32, #tpu.memory_space<vmem>>, vector<16xf32>,
      %mul3A_480 = arith.mulf %gather3A_316, %get3A_479 : vector<16xf32>
      %add3A_481 = arith.addf %mul3A_476, %mul3A_480 : vector<16xf32>
      %swap3A_482 = arith.index_cast %select_n3A : i32 to index
      %swap3A_483 = arith.index_cast %mul3A_472 : i32 to index
      %swap3A_484 = tpu.vector_load %arg18[%swap3A_482, %swap3A_483] {strides = array<i32>} : memref<16x1024xf32, #tpu.memory_space<vmem>>, vector<16xf32>,
      tpu.vector_store %arg18[%swap3A_482, %swap3A_483], %add3A_481 {strides = array<i32>} : memref<16x1024xf32, #tpu.memory_space<vmem>>, vector<16xf32>,
      %mul3A_485 = arith.constant 8 : i32
      %mul3A_486 = arith.muli %scan3A_294, %mul3A_485 : i32
      %add3A_487 = arith.constant 5 : i32
      %add3A_488 = arith.addi %mul3A_486, %add3A_487 : i32
      %jit3A_489 = arith.constant 64 : i32
      %eq3A_490 = arith.constant 0 : i32
      %eq3A_491 = arith.cmpi eq, %jit3A_489, %eq3A_490 : i32
      %jit3A_492 = arith.constant 1 : i32
      %select_n3A_493 = arith.select %eq3A_491, %jit3A_492, %jit3A_489 : i32
      %rem3A_494 = arith.remsi %add3A_488, %select_n3A_493 : i32
      %ne3A_495 = arith.constant 0 : i32
      %ne3A_496 = arith.cmpi ne, %rem3A_494, %ne3A_495 : i32
      %lt3A_497 = arith.constant 0 : i32
      %lt3A_498 = arith.cmpi slt, %rem3A_494, %lt3A_497 : i32
      %lt3A_499 = arith.constant 0 : i32
      %lt3A_500 = arith.cmpi slt, %select_n3A_493, %lt3A_499 : i32
      %ne3A_501 = arith.xori %lt3A_498, %lt3A_500 : i1
      %and3A_502 = arith.andi %ne3A_501, %ne3A_496 : i1
      %add3A_503 = arith.addi %rem3A_494, %select_n3A_493 : i32
      %select_n3A_504 = arith.select %and3A_502, %add3A_503, %rem3A_494 : i32
      %mul3A_505 = arith.constant 16 : i32
      %mul3A_506 = arith.muli %select_n3A_504, %mul3A_505 : i32
      %get3A_507 = arith.index_cast %select_n3A : i32 to index
      %get3A_508 = arith.index_cast %mul3A_506 : i32 to index
      %get3A_509 = tpu.vector_load %arg18[%get3A_507, %get3A_508] {strides = array<i32>} : memref<16x1024xf32, #tpu.memory_space<vmem>>, vector<16xf32>,
      %mul3A_510 = arith.mulf %gather3A, %get3A_509 : vector<16xf32>
      %get3A_511 = arith.index_cast %select_n3A : i32 to index
      %get3A_512 = arith.index_cast %mul3A_506 : i32 to index
      %get3A_513 = tpu.vector_load %arg21[%get3A_511, %get3A_512] {strides = array<i32>} : memref<16x1024xf32, #tpu.memory_space<vmem>>, vector<16xf32>,
      %mul3A_514 = arith.mulf %gather3A_316, %get3A_513 : vector<16xf32>
      %add3A_515 = arith.addf %mul3A_510, %mul3A_514 : vector<16xf32>
      %swap3A_516 = arith.index_cast %select_n3A : i32 to index
      %swap3A_517 = arith.index_cast %mul3A_506 : i32 to index
      %swap3A_518 = tpu.vector_load %arg18[%swap3A_516, %swap3A_517] {strides = array<i32>} : memref<16x1024xf32, #tpu.memory_space<vmem>>, vector<16xf32>,
      tpu.vector_store %arg18[%swap3A_516, %swap3A_517], %add3A_515 {strides = array<i32>} : memref<16x1024xf32, #tpu.memory_space<vmem>>, vector<16xf32>,
      %mul3A_519 = arith.constant 8 : i32
      %mul3A_520 = arith.muli %scan3A_294, %mul3A_519 : i32
      %add3A_521 = arith.constant 6 : i32
      %add3A_522 = arith.addi %mul3A_520, %add3A_521 : i32
      %jit3A_523 = arith.constant 64 : i32
      %eq3A_524 = arith.constant 0 : i32
      %eq3A_525 = arith.cmpi eq, %jit3A_523, %eq3A_524 : i32
      %jit3A_526 = arith.constant 1 : i32
      %select_n3A_527 = arith.select %eq3A_525, %jit3A_526, %jit3A_523 : i32
      %rem3A_528 = arith.remsi %add3A_522, %select_n3A_527 : i32
      %ne3A_529 = arith.constant 0 : i32
      %ne3A_530 = arith.cmpi ne, %rem3A_528, %ne3A_529 : i32
      %lt3A_531 = arith.constant 0 : i32
      %lt3A_532 = arith.cmpi slt, %rem3A_528, %lt3A_531 : i32
      %lt3A_533 = arith.constant 0 : i32
      %lt3A_534 = arith.cmpi slt, %select_n3A_527, %lt3A_533 : i32
      %ne3A_535 = arith.xori %lt3A_532, %lt3A_534 : i1
      %and3A_536 = arith.andi %ne3A_535, %ne3A_530 : i1
      %add3A_537 = arith.addi %rem3A_528, %select_n3A_527 : i32
      %select_n3A_538 = arith.select %and3A_536, %add3A_537, %rem3A_528 : i32
      %mul3A_539 = arith.constant 16 : i32
      %mul3A_540 = arith.muli %select_n3A_538, %mul3A_539 : i32
      %get3A_541 = arith.index_cast %select_n3A : i32 to index
      %get3A_542 = arith.index_cast %mul3A_540 : i32 to index
      %get3A_543 = tpu.vector_load %arg18[%get3A_541, %get3A_542] {strides = array<i32>} : memref<16x1024xf32, #tpu.memory_space<vmem>>, vector<16xf32>,
      %mul3A_544 = arith.mulf %gather3A, %get3A_543 : vector<16xf32>
      %get3A_545 = arith.index_cast %select_n3A : i32 to index
      %get3A_546 = arith.index_cast %mul3A_540 : i32 to index
      %get3A_547 = tpu.vector_load %arg21[%get3A_545, %get3A_546] {strides = array<i32>} : memref<16x1024xf32, #tpu.memory_space<vmem>>, vector<16xf32>,
      %mul3A_548 = arith.mulf %gather3A_316, %get3A_547 : vector<16xf32>
      %add3A_549 = arith.addf %mul3A_544, %mul3A_548 : vector<16xf32>
      %swap3A_550 = arith.index_cast %select_n3A : i32 to index
      %swap3A_551 = arith.index_cast %mul3A_540 : i32 to index
      %swap3A_552 = tpu.vector_load %arg18[%swap3A_550, %swap3A_551] {strides = array<i32>} : memref<16x1024xf32, #tpu.memory_space<vmem>>, vector<16xf32>,
      tpu.vector_store %arg18[%swap3A_550, %swap3A_551], %add3A_549 {strides = array<i32>} : memref<16x1024xf32, #tpu.memory_space<vmem>>, vector<16xf32>,
      %mul3A_553 = arith.constant 8 : i32
      %mul3A_554 = arith.muli %scan3A_294, %mul3A_553 : i32
      %add3A_555 = arith.constant 7 : i32
      %add3A_556 = arith.addi %mul3A_554, %add3A_555 : i32
      %jit3A_557 = arith.constant 64 : i32
      %eq3A_558 = arith.constant 0 : i32
      %eq3A_559 = arith.cmpi eq, %jit3A_557, %eq3A_558 : i32
      %jit3A_560 = arith.constant 1 : i32
      %select_n3A_561 = arith.select %eq3A_559, %jit3A_560, %jit3A_557 : i32
      %rem3A_562 = arith.remsi %add3A_556, %select_n3A_561 : i32
      %ne3A_563 = arith.constant 0 : i32
      %ne3A_564 = arith.cmpi ne, %rem3A_562, %ne3A_563 : i32
      %lt3A_565 = arith.constant 0 : i32
      %lt3A_566 = arith.cmpi slt, %rem3A_562, %lt3A_565 : i32
      %lt3A_567 = arith.constant 0 : i32
      %lt3A_568 = arith.cmpi slt, %select_n3A_561, %lt3A_567 : i32
      %ne3A_569 = arith.xori %lt3A_566, %lt3A_568 : i1
      %and3A_570 = arith.andi %ne3A_569, %ne3A_564 : i1
      %add3A_571 = arith.addi %rem3A_562, %select_n3A_561 : i32
      %select_n3A_572 = arith.select %and3A_570, %add3A_571, %rem3A_562 : i32
      %mul3A_573 = arith.constant 16 : i32
      %mul3A_574 = arith.muli %select_n3A_572, %mul3A_573 : i32
      %get3A_575 = arith.index_cast %select_n3A : i32 to index
      %get3A_576 = arith.index_cast %mul3A_574 : i32 to index
      %get3A_577 = tpu.vector_load %arg18[%get3A_575, %get3A_576] {strides = array<i32>} : memref<16x1024xf32, #tpu.memory_space<vmem>>, vector<16xf32>,
      %mul3A_578 = arith.mulf %gather3A, %get3A_577 : vector<16xf32>
      %get3A_579 = arith.index_cast %select_n3A : i32 to index
      %get3A_580 = arith.index_cast %mul3A_574 : i32 to index
      %get3A_581 = tpu.vector_load %arg21[%get3A_579, %get3A_580] {strides = array<i32>} : memref<16x1024xf32, #tpu.memory_space<vmem>>, vector<16xf32>,
      %mul3A_582 = arith.mulf %gather3A_316, %get3A_581 : vector<16xf32>
      %add3A_583 = arith.addf %mul3A_578, %mul3A_582 : vector<16xf32>
      %swap3A_584 = arith.index_cast %select_n3A : i32 to index
      %swap3A_585 = arith.index_cast %mul3A_574 : i32 to index
      %swap3A_586 = tpu.vector_load %arg18[%swap3A_584, %swap3A_585] {strides = array<i32>} : memref<16x1024xf32, #tpu.memory_space<vmem>>, vector<16xf32>,
      tpu.vector_store %arg18[%swap3A_584, %swap3A_585], %add3A_583 {strides = array<i32>} : memref<16x1024xf32, #tpu.memory_space<vmem>>, vector<16xf32>,
      %scan3A_587 = arith.constant 0 : i32
      scf.yield %scan3A_587 : i32
    }
    %scan3A_38 = arith.constant 128 : i32
    %add3A_39 = arith.constant 0 : i32
    %add3A_40 = arith.addi %mul3A_2, %add3A_39 : i32
    %dma_start3A_41 = arith.constant 0 : i32
    %dma_start3A_42 = tpu.memref_slice %arg7[%add3A_40, %dma_start3A_41] : memref<4096x1024xf32, #tpu.memory_space<hbm>> -> memref<16x1024xf32, #tpu.memory_space<hbm>>
    %dma_start3A_43 = arith.constant 0 : i32
    %dma_start3A_44 = tpu.memref_slice %arg7[%add3A_40, %dma_start3A_43] : memref<4096x1024xf32, #tpu.memory_space<hbm>> -> memref<16x1024xf32, #tpu.memory_space<hbm>>
    tpu.enqueue_dma source(%arg18 : memref<16x1024xf32, #tpu.memory_space<vmem>>) target(%dma_start3A_44 : memref<16x1024xf32, #tpu.memory_space<hbm>>) target_semaphore(%arg30 : memref<!tpu.dma_semaphore, #tpu.memory_space<semaphore_mem>>)
    %get3A_45 = arith.constant 32 : index
    %get3A_46 = tpu.vector_load %arg8[%get3A_45] {strides = array<i32>} : memref<128xi32, #tpu.memory_space<vmem>>, vector<16xi32>,
    %swap3A_47 = arith.constant 0 : index
    %swap3A_48 = tpu.vector_load %arg14[%swap3A_47] {strides = array<i32>} : memref<16xi32, #tpu.memory_space<vmem>>, vector<16xi32>,
    tpu.vector_store %arg14[%swap3A_47], %get3A_46 {strides = array<i32>} : memref<16xi32, #tpu.memory_space<vmem>>, vector<16xi32>,
    %get3A_49 = arith.constant 32 : index
    %get3A_50 = tpu.vector_load %arg9[%get3A_49] {strides = array<i32>} : memref<128xi32, #tpu.memory_space<vmem>>, vector<16xi32>,
    %swap3A_51 = arith.constant 0 : index
    %swap3A_52 = tpu.vector_load %arg17[%swap3A_51] {strides = array<i32>} : memref<16xi32, #tpu.memory_space<vmem>>, vector<16xi32>,
    tpu.vector_store %arg17[%swap3A_51], %get3A_50 {strides = array<i32>} : memref<16xi32, #tpu.memory_space<vmem>>, vector<16xi32>,
    %dma_start3A_53 = arith.constant 0 : i32
    %dma_start3A_54 = arith.constant 0 : i32
    %dma_start3A_55 = tpu.memref_slice %arg6[%dma_start3A_53, %dma_start3A_54] : memref<10240x1024xf32, #tpu.memory_space<hbm>> -> memref<10240x1024xf32, #tpu.memory_space<hbm>>
    tpu.enqueue_indirect_dma source(%dma_start3A_55 : memref<10240x1024xf32, #tpu.memory_space<hbm>>) target(%arg20 : memref<16x1024xf32, #tpu.memory_space<vmem>>) offsets(%arg14 : memref<16xi32, #tpu.memory_space<vmem>>) semaphore(%arg26 : memref<!tpu.dma_semaphore, #tpu.memory_space<semaphore_mem>>)
    %dma_start3A_56 = arith.constant 0 : i32
    %dma_start3A_57 = arith.constant 0 : i32
    %dma_start3A_58 = tpu.memref_slice %arg6[%dma_start3A_56, %dma_start3A_57] : memref<10240x1024xf32, #tpu.memory_space<hbm>> -> memref<10240x1024xf32, #tpu.memory_space<hbm>>
    tpu.enqueue_indirect_dma source(%dma_start3A_58 : memref<10240x1024xf32, #tpu.memory_space<hbm>>) target(%arg23 : memref<16x1024xf32, #tpu.memory_space<vmem>>) offsets(%arg17 : memref<16xi32, #tpu.memory_space<vmem>>) semaphore(%arg29 : memref<!tpu.dma_semaphore, #tpu.memory_space<semaphore_mem>>)
    %dma_wait3A_59 = arith.constant 0 : i32
    %dma_wait3A_60 = arith.constant 0 : i32
    %dma_wait3A_61 = tpu.memref_slice %arg6[%dma_wait3A_59, %dma_wait3A_60] : memref<10240x1024xf32, #tpu.memory_space<hbm>> -> memref<10240x1024xf32, #tpu.memory_space<hbm>>
    tpu.wait_indirect_dma semaphore(%arg25 : memref<!tpu.dma_semaphore, #tpu.memory_space<semaphore_mem>>) src(%dma_wait3A_61 : memref<10240x1024xf32, #tpu.memory_space<hbm>>) dst(%arg19 : memref<16x1024xf32, #tpu.memory_space<vmem>>)
    %dma_wait3A_62 = arith.constant 0 : i32
    %dma_wait3A_63 = arith.constant 0 : i32
    %dma_wait3A_64 = tpu.memref_slice %arg6[%dma_wait3A_62, %dma_wait3A_63] : memref<10240x1024xf32, #tpu.memory_space<hbm>> -> memref<10240x1024xf32, #tpu.memory_space<hbm>>
    tpu.wait_indirect_dma semaphore(%arg28 : memref<!tpu.dma_semaphore, #tpu.memory_space<semaphore_mem>>) src(%dma_wait3A_64 : memref<10240x1024xf32, #tpu.memory_space<hbm>>) dst(%arg22 : memref<16x1024xf32, #tpu.memory_space<vmem>>)
    %scan3A_65 = arith.constant 0 : i32
    %scan3A_66 = arith.constant 0 : i32
    %scan3A_67 = arith.constant 128 : i32
    %scan3A_68 = arith.addi %scan3A_66, %scan3A_67 : i32
    %scan3A_69 = arith.constant 1 : i32
    %scan3A_70 = scf.for %scan3A_294 = %scan3A_66 to %scan3A_68 step %scan3A_69 iter_args(%scan3A_295 = %scan3A_65) -> (i32)  : i32 {
      %mul3A_296 = arith.constant 8 : i32
      %mul3A_297 = arith.muli %scan3A_294, %mul3A_296 : i32
      %jit3A = arith.constant 64 : i32
      %div3A = arith.divsi %mul3A_297, %jit3A : i32
      %sign3A = arith.constant 0 : i32
      %sign3A_298 = arith.cmpi sgt, %mul3A_297, %sign3A : i32
      %sign3A_299 = arith.extui %sign3A_298 : i1 to i32
      %sign3A_300 = arith.constant 0 : i32
      %sign3A_301 = arith.cmpi slt, %mul3A_297, %sign3A_300 : i32
      %sign3A_302 = arith.extui %sign3A_301 : i1 to i32
      %sign3A_303 = arith.subi %sign3A_299, %sign3A_302 : i32
      %sign3A_304 = arith.constant 0 : i32
      %sign3A_305 = arith.cmpi sgt, %jit3A, %sign3A_304 : i32
      %sign3A_306 = arith.extui %sign3A_305 : i1 to i32
      %sign3A_307 = arith.constant 0 : i32
      %sign3A_308 = arith.cmpi slt, %jit3A, %sign3A_307 : i32
      %sign3A_309 = arith.extui %sign3A_308 : i1 to i32
      %sign3A_310 = arith.subi %sign3A_306, %sign3A_309 : i32
      %ne3A = arith.cmpi ne, %sign3A_303, %sign3A_310 : i32
      %rem3A = arith.remsi %mul3A_297, %jit3A : i32
      %ne3A_311 = arith.constant 0 : i32
      %ne3A_312 = arith.cmpi ne, %rem3A, %ne3A_311 : i32
      %and3A = arith.andi %ne3A, %ne3A_312 : i1
      %sub3A = arith.constant 1 : i32
      %sub3A_313 = arith.subi %div3A, %sub3A : i32
      %select_n3A = arith.select %and3A, %sub3A_313, %div3A : i32
      %add3A_314 = arith.constant 16 : i32
      %add3A_315 = arith.addi %add3A_314, %select_n3A : i32
      %broadcast_in_dim3A = vector.broadcast %add3A_315 : i32 to vector<16xi32>
      %gather3A = tpu.vector_load_idx %arg10[%broadcast_in_dim3A] : memref<128xf32, #tpu.memory_space<vmem>>[vector<16xi32>], vector<16xf32>,
      %gather3A_316 = tpu.vector_load_idx %arg11[%broadcast_in_dim3A] : memref<128xf32, #tpu.memory_space<vmem>>[vector<16xi32>], vector<16xf32>,
      %mul3A_317 = arith.constant 8 : i32
      %mul3A_318 = arith.muli %scan3A_294, %mul3A_317 : i32
      %add3A_319 = arith.constant 0 : i32
      %add3A_320 = arith.addi %mul3A_318, %add3A_319 : i32
      %jit3A_321 = arith.constant 64 : i32
      %eq3A = arith.constant 0 : i32
      %eq3A_322 = arith.cmpi eq, %jit3A_321, %eq3A : i32
      %jit3A_323 = arith.constant 1 : i32
      %select_n3A_324 = arith.select %eq3A_322, %jit3A_323, %jit3A_321 : i32
      %rem3A_325 = arith.remsi %add3A_320, %select_n3A_324 : i32
      %ne3A_326 = arith.constant 0 : i32
      %ne3A_327 = arith.cmpi ne, %rem3A_325, %ne3A_326 : i32
      %lt3A = arith.constant 0 : i32
      %lt3A_328 = arith.cmpi slt, %rem3A_325, %lt3A : i32
      %lt3A_329 = arith.constant 0 : i32
      %lt3A_330 = arith.cmpi slt, %select_n3A_324, %lt3A_329 : i32
      %ne3A_331 = arith.xori %lt3A_328, %lt3A_330 : i1
      %and3A_332 = arith.andi %ne3A_331, %ne3A_327 : i1
      %add3A_333 = arith.addi %rem3A_325, %select_n3A_324 : i32
      %select_n3A_334 = arith.select %and3A_332, %add3A_333, %rem3A_325 : i32
      %mul3A_335 = arith.constant 16 : i32
      %mul3A_336 = arith.muli %select_n3A_334, %mul3A_335 : i32
      %get3A_337 = arith.index_cast %select_n3A : i32 to index
      %get3A_338 = arith.index_cast %mul3A_336 : i32 to index
      %get3A_339 = tpu.vector_load %arg19[%get3A_337, %get3A_338] {strides = array<i32>} : memref<16x1024xf32, #tpu.memory_space<vmem>>, vector<16xf32>,
      %mul3A_340 = arith.mulf %gather3A, %get3A_339 : vector<16xf32>
      %get3A_341 = arith.index_cast %select_n3A : i32 to index
      %get3A_342 = arith.index_cast %mul3A_336 : i32 to index
      %get3A_343 = tpu.vector_load %arg22[%get3A_341, %get3A_342] {strides = array<i32>} : memref<16x1024xf32, #tpu.memory_space<vmem>>, vector<16xf32>,
      %mul3A_344 = arith.mulf %gather3A_316, %get3A_343 : vector<16xf32>
      %add3A_345 = arith.addf %mul3A_340, %mul3A_344 : vector<16xf32>
      %swap3A_346 = arith.index_cast %select_n3A : i32 to index
      %swap3A_347 = arith.index_cast %mul3A_336 : i32 to index
      %swap3A_348 = tpu.vector_load %arg19[%swap3A_346, %swap3A_347] {strides = array<i32>} : memref<16x1024xf32, #tpu.memory_space<vmem>>, vector<16xf32>,
      tpu.vector_store %arg19[%swap3A_346, %swap3A_347], %add3A_345 {strides = array<i32>} : memref<16x1024xf32, #tpu.memory_space<vmem>>, vector<16xf32>,
      %mul3A_349 = arith.constant 8 : i32
      %mul3A_350 = arith.muli %scan3A_294, %mul3A_349 : i32
      %add3A_351 = arith.constant 1 : i32
      %add3A_352 = arith.addi %mul3A_350, %add3A_351 : i32
      %jit3A_353 = arith.constant 64 : i32
      %eq3A_354 = arith.constant 0 : i32
      %eq3A_355 = arith.cmpi eq, %jit3A_353, %eq3A_354 : i32
      %jit3A_356 = arith.constant 1 : i32
      %select_n3A_357 = arith.select %eq3A_355, %jit3A_356, %jit3A_353 : i32
      %rem3A_358 = arith.remsi %add3A_352, %select_n3A_357 : i32
      %ne3A_359 = arith.constant 0 : i32
      %ne3A_360 = arith.cmpi ne, %rem3A_358, %ne3A_359 : i32
      %lt3A_361 = arith.constant 0 : i32
      %lt3A_362 = arith.cmpi slt, %rem3A_358, %lt3A_361 : i32
      %lt3A_363 = arith.constant 0 : i32
      %lt3A_364 = arith.cmpi slt, %select_n3A_357, %lt3A_363 : i32
      %ne3A_365 = arith.xori %lt3A_362, %lt3A_364 : i1
      %and3A_366 = arith.andi %ne3A_365, %ne3A_360 : i1
      %add3A_367 = arith.addi %rem3A_358, %select_n3A_357 : i32
      %select_n3A_368 = arith.select %and3A_366, %add3A_367, %rem3A_358 : i32
      %mul3A_369 = arith.constant 16 : i32
      %mul3A_370 = arith.muli %select_n3A_368, %mul3A_369 : i32
      %get3A_371 = arith.index_cast %select_n3A : i32 to index
      %get3A_372 = arith.index_cast %mul3A_370 : i32 to index
      %get3A_373 = tpu.vector_load %arg19[%get3A_371, %get3A_372] {strides = array<i32>} : memref<16x1024xf32, #tpu.memory_space<vmem>>, vector<16xf32>,
      %mul3A_374 = arith.mulf %gather3A, %get3A_373 : vector<16xf32>
      %get3A_375 = arith.index_cast %select_n3A : i32 to index
      %get3A_376 = arith.index_cast %mul3A_370 : i32 to index
      %get3A_377 = tpu.vector_load %arg22[%get3A_375, %get3A_376] {strides = array<i32>} : memref<16x1024xf32, #tpu.memory_space<vmem>>, vector<16xf32>,
      %mul3A_378 = arith.mulf %gather3A_316, %get3A_377 : vector<16xf32>
      %add3A_379 = arith.addf %mul3A_374, %mul3A_378 : vector<16xf32>
      %swap3A_380 = arith.index_cast %select_n3A : i32 to index
      %swap3A_381 = arith.index_cast %mul3A_370 : i32 to index
      %swap3A_382 = tpu.vector_load %arg19[%swap3A_380, %swap3A_381] {strides = array<i32>} : memref<16x1024xf32, #tpu.memory_space<vmem>>, vector<16xf32>,
      tpu.vector_store %arg19[%swap3A_380, %swap3A_381], %add3A_379 {strides = array<i32>} : memref<16x1024xf32, #tpu.memory_space<vmem>>, vector<16xf32>,
      %mul3A_383 = arith.constant 8 : i32
      %mul3A_384 = arith.muli %scan3A_294, %mul3A_383 : i32
      %add3A_385 = arith.constant 2 : i32
      %add3A_386 = arith.addi %mul3A_384, %add3A_385 : i32
      %jit3A_387 = arith.constant 64 : i32
      %eq3A_388 = arith.constant 0 : i32
      %eq3A_389 = arith.cmpi eq, %jit3A_387, %eq3A_388 : i32
      %jit3A_390 = arith.constant 1 : i32
      %select_n3A_391 = arith.select %eq3A_389, %jit3A_390, %jit3A_387 : i32
      %rem3A_392 = arith.remsi %add3A_386, %select_n3A_391 : i32
      %ne3A_393 = arith.constant 0 : i32
      %ne3A_394 = arith.cmpi ne, %rem3A_392, %ne3A_393 : i32
      %lt3A_395 = arith.constant 0 : i32
      %lt3A_396 = arith.cmpi slt, %rem3A_392, %lt3A_395 : i32
      %lt3A_397 = arith.constant 0 : i32
      %lt3A_398 = arith.cmpi slt, %select_n3A_391, %lt3A_397 : i32
      %ne3A_399 = arith.xori %lt3A_396, %lt3A_398 : i1
      %and3A_400 = arith.andi %ne3A_399, %ne3A_394 : i1
      %add3A_401 = arith.addi %rem3A_392, %select_n3A_391 : i32
      %select_n3A_402 = arith.select %and3A_400, %add3A_401, %rem3A_392 : i32
      %mul3A_403 = arith.constant 16 : i32
      %mul3A_404 = arith.muli %select_n3A_402, %mul3A_403 : i32
      %get3A_405 = arith.index_cast %select_n3A : i32 to index
      %get3A_406 = arith.index_cast %mul3A_404 : i32 to index
      %get3A_407 = tpu.vector_load %arg19[%get3A_405, %get3A_406] {strides = array<i32>} : memref<16x1024xf32, #tpu.memory_space<vmem>>, vector<16xf32>,
      %mul3A_408 = arith.mulf %gather3A, %get3A_407 : vector<16xf32>
      %get3A_409 = arith.index_cast %select_n3A : i32 to index
      %get3A_410 = arith.index_cast %mul3A_404 : i32 to index
      %get3A_411 = tpu.vector_load %arg22[%get3A_409, %get3A_410] {strides = array<i32>} : memref<16x1024xf32, #tpu.memory_space<vmem>>, vector<16xf32>,
      %mul3A_412 = arith.mulf %gather3A_316, %get3A_411 : vector<16xf32>
      %add3A_413 = arith.addf %mul3A_408, %mul3A_412 : vector<16xf32>
      %swap3A_414 = arith.index_cast %select_n3A : i32 to index
      %swap3A_415 = arith.index_cast %mul3A_404 : i32 to index
      %swap3A_416 = tpu.vector_load %arg19[%swap3A_414, %swap3A_415] {strides = array<i32>} : memref<16x1024xf32, #tpu.memory_space<vmem>>, vector<16xf32>,
      tpu.vector_store %arg19[%swap3A_414, %swap3A_415], %add3A_413 {strides = array<i32>} : memref<16x1024xf32, #tpu.memory_space<vmem>>, vector<16xf32>,
      %mul3A_417 = arith.constant 8 : i32
      %mul3A_418 = arith.muli %scan3A_294, %mul3A_417 : i32
      %add3A_419 = arith.constant 3 : i32
      %add3A_420 = arith.addi %mul3A_418, %add3A_419 : i32
      %jit3A_421 = arith.constant 64 : i32
      %eq3A_422 = arith.constant 0 : i32
      %eq3A_423 = arith.cmpi eq, %jit3A_421, %eq3A_422 : i32
      %jit3A_424 = arith.constant 1 : i32
      %select_n3A_425 = arith.select %eq3A_423, %jit3A_424, %jit3A_421 : i32
      %rem3A_426 = arith.remsi %add3A_420, %select_n3A_425 : i32
      %ne3A_427 = arith.constant 0 : i32
      %ne3A_428 = arith.cmpi ne, %rem3A_426, %ne3A_427 : i32
      %lt3A_429 = arith.constant 0 : i32
      %lt3A_430 = arith.cmpi slt, %rem3A_426, %lt3A_429 : i32
      %lt3A_431 = arith.constant 0 : i32
      %lt3A_432 = arith.cmpi slt, %select_n3A_425, %lt3A_431 : i32
      %ne3A_433 = arith.xori %lt3A_430, %lt3A_432 : i1
      %and3A_434 = arith.andi %ne3A_433, %ne3A_428 : i1
      %add3A_435 = arith.addi %rem3A_426, %select_n3A_425 : i32
      %select_n3A_436 = arith.select %and3A_434, %add3A_435, %rem3A_426 : i32
      %mul3A_437 = arith.constant 16 : i32
      %mul3A_438 = arith.muli %select_n3A_436, %mul3A_437 : i32
      %get3A_439 = arith.index_cast %select_n3A : i32 to index
      %get3A_440 = arith.index_cast %mul3A_438 : i32 to index
      %get3A_441 = tpu.vector_load %arg19[%get3A_439, %get3A_440] {strides = array<i32>} : memref<16x1024xf32, #tpu.memory_space<vmem>>, vector<16xf32>,
      %mul3A_442 = arith.mulf %gather3A, %get3A_441 : vector<16xf32>
      %get3A_443 = arith.index_cast %select_n3A : i32 to index
      %get3A_444 = arith.index_cast %mul3A_438 : i32 to index
      %get3A_445 = tpu.vector_load %arg22[%get3A_443, %get3A_444] {strides = array<i32>} : memref<16x1024xf32, #tpu.memory_space<vmem>>, vector<16xf32>,
      %mul3A_446 = arith.mulf %gather3A_316, %get3A_445 : vector<16xf32>
      %add3A_447 = arith.addf %mul3A_442, %mul3A_446 : vector<16xf32>
      %swap3A_448 = arith.index_cast %select_n3A : i32 to index
      %swap3A_449 = arith.index_cast %mul3A_438 : i32 to index
      %swap3A_450 = tpu.vector_load %arg19[%swap3A_448, %swap3A_449] {strides = array<i32>} : memref<16x1024xf32, #tpu.memory_space<vmem>>, vector<16xf32>,
      tpu.vector_store %arg19[%swap3A_448, %swap3A_449], %add3A_447 {strides = array<i32>} : memref<16x1024xf32, #tpu.memory_space<vmem>>, vector<16xf32>,
      %mul3A_451 = arith.constant 8 : i32
      %mul3A_452 = arith.muli %scan3A_294, %mul3A_451 : i32
      %add3A_453 = arith.constant 4 : i32
      %add3A_454 = arith.addi %mul3A_452, %add3A_453 : i32
      %jit3A_455 = arith.constant 64 : i32
      %eq3A_456 = arith.constant 0 : i32
      %eq3A_457 = arith.cmpi eq, %jit3A_455, %eq3A_456 : i32
      %jit3A_458 = arith.constant 1 : i32
      %select_n3A_459 = arith.select %eq3A_457, %jit3A_458, %jit3A_455 : i32
      %rem3A_460 = arith.remsi %add3A_454, %select_n3A_459 : i32
      %ne3A_461 = arith.constant 0 : i32
      %ne3A_462 = arith.cmpi ne, %rem3A_460, %ne3A_461 : i32
      %lt3A_463 = arith.constant 0 : i32
      %lt3A_464 = arith.cmpi slt, %rem3A_460, %lt3A_463 : i32
      %lt3A_465 = arith.constant 0 : i32
      %lt3A_466 = arith.cmpi slt, %select_n3A_459, %lt3A_465 : i32
      %ne3A_467 = arith.xori %lt3A_464, %lt3A_466 : i1
      %and3A_468 = arith.andi %ne3A_467, %ne3A_462 : i1
      %add3A_469 = arith.addi %rem3A_460, %select_n3A_459 : i32
      %select_n3A_470 = arith.select %and3A_468, %add3A_469, %rem3A_460 : i32
      %mul3A_471 = arith.constant 16 : i32
      %mul3A_472 = arith.muli %select_n3A_470, %mul3A_471 : i32
      %get3A_473 = arith.index_cast %select_n3A : i32 to index
      %get3A_474 = arith.index_cast %mul3A_472 : i32 to index
      %get3A_475 = tpu.vector_load %arg19[%get3A_473, %get3A_474] {strides = array<i32>} : memref<16x1024xf32, #tpu.memory_space<vmem>>, vector<16xf32>,
      %mul3A_476 = arith.mulf %gather3A, %get3A_475 : vector<16xf32>
      %get3A_477 = arith.index_cast %select_n3A : i32 to index
      %get3A_478 = arith.index_cast %mul3A_472 : i32 to index
      %get3A_479 = tpu.vector_load %arg22[%get3A_477, %get3A_478] {strides = array<i32>} : memref<16x1024xf32, #tpu.memory_space<vmem>>, vector<16xf32>,
      %mul3A_480 = arith.mulf %gather3A_316, %get3A_479 : vector<16xf32>
      %add3A_481 = arith.addf %mul3A_476, %mul3A_480 : vector<16xf32>
      %swap3A_482 = arith.index_cast %select_n3A : i32 to index
      %swap3A_483 = arith.index_cast %mul3A_472 : i32 to index
      %swap3A_484 = tpu.vector_load %arg19[%swap3A_482, %swap3A_483] {strides = array<i32>} : memref<16x1024xf32, #tpu.memory_space<vmem>>, vector<16xf32>,
      tpu.vector_store %arg19[%swap3A_482, %swap3A_483], %add3A_481 {strides = array<i32>} : memref<16x1024xf32, #tpu.memory_space<vmem>>, vector<16xf32>,
      %mul3A_485 = arith.constant 8 : i32
      %mul3A_486 = arith.muli %scan3A_294, %mul3A_485 : i32
      %add3A_487 = arith.constant 5 : i32
      %add3A_488 = arith.addi %mul3A_486, %add3A_487 : i32
      %jit3A_489 = arith.constant 64 : i32
      %eq3A_490 = arith.constant 0 : i32
      %eq3A_491 = arith.cmpi eq, %jit3A_489, %eq3A_490 : i32
      %jit3A_492 = arith.constant 1 : i32
      %select_n3A_493 = arith.select %eq3A_491, %jit3A_492, %jit3A_489 : i32
      %rem3A_494 = arith.remsi %add3A_488, %select_n3A_493 : i32
      %ne3A_495 = arith.constant 0 : i32
      %ne3A_496 = arith.cmpi ne, %rem3A_494, %ne3A_495 : i32
      %lt3A_497 = arith.constant 0 : i32
      %lt3A_498 = arith.cmpi slt, %rem3A_494, %lt3A_497 : i32
      %lt3A_499 = arith.constant 0 : i32
      %lt3A_500 = arith.cmpi slt, %select_n3A_493, %lt3A_499 : i32
      %ne3A_501 = arith.xori %lt3A_498, %lt3A_500 : i1
      %and3A_502 = arith.andi %ne3A_501, %ne3A_496 : i1
      %add3A_503 = arith.addi %rem3A_494, %select_n3A_493 : i32
      %select_n3A_504 = arith.select %and3A_502, %add3A_503, %rem3A_494 : i32
      %mul3A_505 = arith.constant 16 : i32
      %mul3A_506 = arith.muli %select_n3A_504, %mul3A_505 : i32
      %get3A_507 = arith.index_cast %select_n3A : i32 to index
      %get3A_508 = arith.index_cast %mul3A_506 : i32 to index
      %get3A_509 = tpu.vector_load %arg19[%get3A_507, %get3A_508] {strides = array<i32>} : memref<16x1024xf32, #tpu.memory_space<vmem>>, vector<16xf32>,
      %mul3A_510 = arith.mulf %gather3A, %get3A_509 : vector<16xf32>
      %get3A_511 = arith.index_cast %select_n3A : i32 to index
      %get3A_512 = arith.index_cast %mul3A_506 : i32 to index
      %get3A_513 = tpu.vector_load %arg22[%get3A_511, %get3A_512] {strides = array<i32>} : memref<16x1024xf32, #tpu.memory_space<vmem>>, vector<16xf32>,
      %mul3A_514 = arith.mulf %gather3A_316, %get3A_513 : vector<16xf32>
      %add3A_515 = arith.addf %mul3A_510, %mul3A_514 : vector<16xf32>
      %swap3A_516 = arith.index_cast %select_n3A : i32 to index
      %swap3A_517 = arith.index_cast %mul3A_506 : i32 to index
      %swap3A_518 = tpu.vector_load %arg19[%swap3A_516, %swap3A_517] {strides = array<i32>} : memref<16x1024xf32, #tpu.memory_space<vmem>>, vector<16xf32>,
      tpu.vector_store %arg19[%swap3A_516, %swap3A_517], %add3A_515 {strides = array<i32>} : memref<16x1024xf32, #tpu.memory_space<vmem>>, vector<16xf32>,
      %mul3A_519 = arith.constant 8 : i32
      %mul3A_520 = arith.muli %scan3A_294, %mul3A_519 : i32
      %add3A_521 = arith.constant 6 : i32
      %add3A_522 = arith.addi %mul3A_520, %add3A_521 : i32
      %jit3A_523 = arith.constant 64 : i32
      %eq3A_524 = arith.constant 0 : i32
      %eq3A_525 = arith.cmpi eq, %jit3A_523, %eq3A_524 : i32
      %jit3A_526 = arith.constant 1 : i32
      %select_n3A_527 = arith.select %eq3A_525, %jit3A_526, %jit3A_523 : i32
      %rem3A_528 = arith.remsi %add3A_522, %select_n3A_527 : i32
      %ne3A_529 = arith.constant 0 : i32
      %ne3A_530 = arith.cmpi ne, %rem3A_528, %ne3A_529 : i32
      %lt3A_531 = arith.constant 0 : i32
      %lt3A_532 = arith.cmpi slt, %rem3A_528, %lt3A_531 : i32
      %lt3A_533 = arith.constant 0 : i32
      %lt3A_534 = arith.cmpi slt, %select_n3A_527, %lt3A_533 : i32
      %ne3A_535 = arith.xori %lt3A_532, %lt3A_534 : i1
      %and3A_536 = arith.andi %ne3A_535, %ne3A_530 : i1
      %add3A_537 = arith.addi %rem3A_528, %select_n3A_527 : i32
      %select_n3A_538 = arith.select %and3A_536, %add3A_537, %rem3A_528 : i32
      %mul3A_539 = arith.constant 16 : i32
      %mul3A_540 = arith.muli %select_n3A_538, %mul3A_539 : i32
      %get3A_541 = arith.index_cast %select_n3A : i32 to index
      %get3A_542 = arith.index_cast %mul3A_540 : i32 to index
      %get3A_543 = tpu.vector_load %arg19[%get3A_541, %get3A_542] {strides = array<i32>} : memref<16x1024xf32, #tpu.memory_space<vmem>>, vector<16xf32>,
      %mul3A_544 = arith.mulf %gather3A, %get3A_543 : vector<16xf32>
      %get3A_545 = arith.index_cast %select_n3A : i32 to index
      %get3A_546 = arith.index_cast %mul3A_540 : i32 to index
      %get3A_547 = tpu.vector_load %arg22[%get3A_545, %get3A_546] {strides = array<i32>} : memref<16x1024xf32, #tpu.memory_space<vmem>>, vector<16xf32>,
      %mul3A_548 = arith.mulf %gather3A_316, %get3A_547 : vector<16xf32>
      %add3A_549 = arith.addf %mul3A_544, %mul3A_548 : vector<16xf32>
      %swap3A_550 = arith.index_cast %select_n3A : i32 to index
      %swap3A_551 = arith.index_cast %mul3A_540 : i32 to index
      %swap3A_552 = tpu.vector_load %arg19[%swap3A_550, %swap3A_551] {strides = array<i32>} : memref<16x1024xf32, #tpu.memory_space<vmem>>, vector<16xf32>,
      tpu.vector_store %arg19[%swap3A_550, %swap3A_551], %add3A_549 {strides = array<i32>} : memref<16x1024xf32, #tpu.memory_space<vmem>>, vector<16xf32>,
      %mul3A_553 = arith.constant 8 : i32
      %mul3A_554 = arith.muli %scan3A_294, %mul3A_553 : i32
      %add3A_555 = arith.constant 7 : i32
      %add3A_556 = arith.addi %mul3A_554, %add3A_555 : i32
      %jit3A_557 = arith.constant 64 : i32
      %eq3A_558 = arith.constant 0 : i32
      %eq3A_559 = arith.cmpi eq, %jit3A_557, %eq3A_558 : i32
      %jit3A_560 = arith.constant 1 : i32
      %select_n3A_561 = arith.select %eq3A_559, %jit3A_560, %jit3A_557 : i32
      %rem3A_562 = arith.remsi %add3A_556, %select_n3A_561 : i32
      %ne3A_563 = arith.constant 0 : i32
      %ne3A_564 = arith.cmpi ne, %rem3A_562, %ne3A_563 : i32
      %lt3A_565 = arith.constant 0 : i32
      %lt3A_566 = arith.cmpi slt, %rem3A_562, %lt3A_565 : i32
      %lt3A_567 = arith.constant 0 : i32
      %lt3A_568 = arith.cmpi slt, %select_n3A_561, %lt3A_567 : i32
      %ne3A_569 = arith.xori %lt3A_566, %lt3A_568 : i1
      %and3A_570 = arith.andi %ne3A_569, %ne3A_564 : i1
      %add3A_571 = arith.addi %rem3A_562, %select_n3A_561 : i32
      %select_n3A_572 = arith.select %and3A_570, %add3A_571, %rem3A_562 : i32
      %mul3A_573 = arith.constant 16 : i32
      %mul3A_574 = arith.muli %select_n3A_572, %mul3A_573 : i32
      %get3A_575 = arith.index_cast %select_n3A : i32 to index
      %get3A_576 = arith.index_cast %mul3A_574 : i32 to index
      %get3A_577 = tpu.vector_load %arg19[%get3A_575, %get3A_576] {strides = array<i32>} : memref<16x1024xf32, #tpu.memory_space<vmem>>, vector<16xf32>,
      %mul3A_578 = arith.mulf %gather3A, %get3A_577 : vector<16xf32>
      %get3A_579 = arith.index_cast %select_n3A : i32 to index
      %get3A_580 = arith.index_cast %mul3A_574 : i32 to index
      %get3A_581 = tpu.vector_load %arg22[%get3A_579, %get3A_580] {strides = array<i32>} : memref<16x1024xf32, #tpu.memory_space<vmem>>, vector<16xf32>,
      %mul3A_582 = arith.mulf %gather3A_316, %get3A_581 : vector<16xf32>
      %add3A_583 = arith.addf %mul3A_578, %mul3A_582 : vector<16xf32>
      %swap3A_584 = arith.index_cast %select_n3A : i32 to index
      %swap3A_585 = arith.index_cast %mul3A_574 : i32 to index
      %swap3A_586 = tpu.vector_load %arg19[%swap3A_584, %swap3A_585] {strides = array<i32>} : memref<16x1024xf32, #tpu.memory_space<vmem>>, vector<16xf32>,
      tpu.vector_store %arg19[%swap3A_584, %swap3A_585], %add3A_583 {strides = array<i32>} : memref<16x1024xf32, #tpu.memory_space<vmem>>, vector<16xf32>,
      %scan3A_587 = arith.constant 0 : i32
      scf.yield %scan3A_587 : i32
    }
    %scan3A_71 = arith.constant 128 : i32
    %add3A_72 = arith.constant 16 : i32
    %add3A_73 = arith.addi %mul3A_2, %add3A_72 : i32
    %dma_start3A_74 = arith.constant 0 : i32
    %dma_start3A_75 = tpu.memref_slice %arg7[%add3A_73, %dma_start3A_74] : memref<4096x1024xf32, #tpu.memory_space<hbm>> -> memref<16x1024xf32, #tpu.memory_space<hbm>>
    %dma_start3A_76 = arith.constant 0 : i32
    %dma_start3A_77 = tpu.memref_slice %arg7[%add3A_73, %dma_start3A_76] : memref<4096x1024xf32, #tpu.memory_space<hbm>> -> memref<16x1024xf32, #tpu.memory_space<hbm>>
    tpu.enqueue_dma source(%arg19 : memref<16x1024xf32, #tpu.memory_space<vmem>>) target(%dma_start3A_77 : memref<16x1024xf32, #tpu.memory_space<hbm>>) target_semaphore(%arg31 : memref<!tpu.dma_semaphore, #tpu.memory_space<semaphore_mem>>)
    %dma_wait3A_78 = arith.constant 0 : i32
    %dma_wait3A_79 = tpu.memref_slice %arg7[%add3A_40, %dma_wait3A_78] : memref<4096x1024xf32, #tpu.memory_space<hbm>> -> memref<16x1024xf32, #tpu.memory_space<hbm>>
    %dma_wait3A_80 = arith.constant 0 : i32
    %dma_wait3A_81 = tpu.memref_slice %arg7[%add3A_40, %dma_wait3A_80] : memref<4096x1024xf32, #tpu.memory_space<hbm>> -> memref<16x1024xf32, #tpu.memory_space<hbm>>
    tpu.wait_dma2 semaphore(%arg30 : memref<!tpu.dma_semaphore, #tpu.memory_space<semaphore_mem>>) src(%arg18 : memref<16x1024xf32, #tpu.memory_space<vmem>>) dst(%dma_wait3A_81 : memref<16x1024xf32, #tpu.memory_space<hbm>>)
    %get3A_82 = arith.constant 48 : index
    %get3A_83 = tpu.vector_load %arg8[%get3A_82] {strides = array<i32>} : memref<128xi32, #tpu.memory_space<vmem>>, vector<16xi32>,
    %swap3A_84 = arith.constant 0 : index
    %swap3A_85 = tpu.vector_load %arg12[%swap3A_84] {strides = array<i32>} : memref<16xi32, #tpu.memory_space<vmem>>, vector<16xi32>,
    tpu.vector_store %arg12[%swap3A_84], %get3A_83 {strides = array<i32>} : memref<16xi32, #tpu.memory_space<vmem>>, vector<16xi32>,
    %get3A_86 = arith.constant 48 : index
    %get3A_87 = tpu.vector_load %arg9[%get3A_86] {strides = array<i32>} : memref<128xi32, #tpu.memory_space<vmem>>, vector<16xi32>,
    %swap3A_88 = arith.constant 0 : index
    %swap3A_89 = tpu.vector_load %arg15[%swap3A_88] {strides = array<i32>} : memref<16xi32, #tpu.memory_space<vmem>>, vector<16xi32>,
    tpu.vector_store %arg15[%swap3A_88], %get3A_87 {strides = array<i32>} : memref<16xi32, #tpu.memory_space<vmem>>, vector<16xi32>,
    %dma_start3A_90 = arith.constant 0 : i32
    %dma_start3A_91 = arith.constant 0 : i32
    %dma_start3A_92 = tpu.memref_slice %arg6[%dma_start3A_90, %dma_start3A_91] : memref<10240x1024xf32, #tpu.memory_space<hbm>> -> memref<10240x1024xf32, #tpu.memory_space<hbm>>
    tpu.enqueue_indirect_dma source(%dma_start3A_92 : memref<10240x1024xf32, #tpu.memory_space<hbm>>) target(%arg18 : memref<16x1024xf32, #tpu.memory_space<vmem>>) offsets(%arg12 : memref<16xi32, #tpu.memory_space<vmem>>) semaphore(%arg24 : memref<!tpu.dma_semaphore, #tpu.memory_space<semaphore_mem>>)
    %dma_start3A_93 = arith.constant 0 : i32
    %dma_start3A_94 = arith.constant 0 : i32
    %dma_start3A_95 = tpu.memref_slice %arg6[%dma_start3A_93, %dma_start3A_94] : memref<10240x1024xf32, #tpu.memory_space<hbm>> -> memref<10240x1024xf32, #tpu.memory_space<hbm>>
    tpu.enqueue_indirect_dma source(%dma_start3A_95 : memref<10240x1024xf32, #tpu.memory_space<hbm>>) target(%arg21 : memref<16x1024xf32, #tpu.memory_space<vmem>>) offsets(%arg15 : memref<16xi32, #tpu.memory_space<vmem>>) semaphore(%arg27 : memref<!tpu.dma_semaphore, #tpu.memory_space<semaphore_mem>>)
    %dma_wait3A_96 = arith.constant 0 : i32
    %dma_wait3A_97 = arith.constant 0 : i32
    %dma_wait3A_98 = tpu.memref_slice %arg6[%dma_wait3A_96, %dma_wait3A_97] : memref<10240x1024xf32, #tpu.memory_space<hbm>> -> memref<10240x1024xf32, #tpu.memory_space<hbm>>
    tpu.wait_indirect_dma semaphore(%arg26 : memref<!tpu.dma_semaphore, #tpu.memory_space<semaphore_mem>>) src(%dma_wait3A_98 : memref<10240x1024xf32, #tpu.memory_space<hbm>>) dst(%arg20 : memref<16x1024xf32, #tpu.memory_space<vmem>>)
    %dma_wait3A_99 = arith.constant 0 : i32
    %dma_wait3A_100 = arith.constant 0 : i32
    %dma_wait3A_101 = tpu.memref_slice %arg6[%dma_wait3A_99, %dma_wait3A_100] : memref<10240x1024xf32, #tpu.memory_space<hbm>> -> memref<10240x1024xf32, #tpu.memory_space<hbm>>
    tpu.wait_indirect_dma semaphore(%arg29 : memref<!tpu.dma_semaphore, #tpu.memory_space<semaphore_mem>>) src(%dma_wait3A_101 : memref<10240x1024xf32, #tpu.memory_space<hbm>>) dst(%arg23 : memref<16x1024xf32, #tpu.memory_space<vmem>>)
    %scan3A_102 = arith.constant 0 : i32
    %scan3A_103 = arith.constant 0 : i32
    %scan3A_104 = arith.constant 128 : i32
    %scan3A_105 = arith.addi %scan3A_103, %scan3A_104 : i32
    %scan3A_106 = arith.constant 1 : i32
    %scan3A_107 = scf.for %scan3A_294 = %scan3A_103 to %scan3A_105 step %scan3A_106 iter_args(%scan3A_295 = %scan3A_102) -> (i32)  : i32 {
      %mul3A_296 = arith.constant 8 : i32
      %mul3A_297 = arith.muli %scan3A_294, %mul3A_296 : i32
      %jit3A = arith.constant 64 : i32
      %div3A = arith.divsi %mul3A_297, %jit3A : i32
      %sign3A = arith.constant 0 : i32
      %sign3A_298 = arith.cmpi sgt, %mul3A_297, %sign3A : i32
      %sign3A_299 = arith.extui %sign3A_298 : i1 to i32
      %sign3A_300 = arith.constant 0 : i32
      %sign3A_301 = arith.cmpi slt, %mul3A_297, %sign3A_300 : i32
      %sign3A_302 = arith.extui %sign3A_301 : i1 to i32
      %sign3A_303 = arith.subi %sign3A_299, %sign3A_302 : i32
      %sign3A_304 = arith.constant 0 : i32
      %sign3A_305 = arith.cmpi sgt, %jit3A, %sign3A_304 : i32
      %sign3A_306 = arith.extui %sign3A_305 : i1 to i32
      %sign3A_307 = arith.constant 0 : i32
      %sign3A_308 = arith.cmpi slt, %jit3A, %sign3A_307 : i32
      %sign3A_309 = arith.extui %sign3A_308 : i1 to i32
      %sign3A_310 = arith.subi %sign3A_306, %sign3A_309 : i32
      %ne3A = arith.cmpi ne, %sign3A_303, %sign3A_310 : i32
      %rem3A = arith.remsi %mul3A_297, %jit3A : i32
      %ne3A_311 = arith.constant 0 : i32
      %ne3A_312 = arith.cmpi ne, %rem3A, %ne3A_311 : i32
      %and3A = arith.andi %ne3A, %ne3A_312 : i1
      %sub3A = arith.constant 1 : i32
      %sub3A_313 = arith.subi %div3A, %sub3A : i32
      %select_n3A = arith.select %and3A, %sub3A_313, %div3A : i32
      %add3A_314 = arith.constant 32 : i32
      %add3A_315 = arith.addi %add3A_314, %select_n3A : i32
      %broadcast_in_dim3A = vector.broadcast %add3A_315 : i32 to vector<16xi32>
      %gather3A = tpu.vector_load_idx %arg10[%broadcast_in_dim3A] : memref<128xf32, #tpu.memory_space<vmem>>[vector<16xi32>], vector<16xf32>,
      %gather3A_316 = tpu.vector_load_idx %arg11[%broadcast_in_dim3A] : memref<128xf32, #tpu.memory_space<vmem>>[vector<16xi32>], vector<16xf32>,
      %mul3A_317 = arith.constant 8 : i32
      %mul3A_318 = arith.muli %scan3A_294, %mul3A_317 : i32
      %add3A_319 = arith.constant 0 : i32
      %add3A_320 = arith.addi %mul3A_318, %add3A_319 : i32
      %jit3A_321 = arith.constant 64 : i32
      %eq3A = arith.constant 0 : i32
      %eq3A_322 = arith.cmpi eq, %jit3A_321, %eq3A : i32
      %jit3A_323 = arith.constant 1 : i32
      %select_n3A_324 = arith.select %eq3A_322, %jit3A_323, %jit3A_321 : i32
      %rem3A_325 = arith.remsi %add3A_320, %select_n3A_324 : i32
      %ne3A_326 = arith.constant 0 : i32
      %ne3A_327 = arith.cmpi ne, %rem3A_325, %ne3A_326 : i32
      %lt3A = arith.constant 0 : i32
      %lt3A_328 = arith.cmpi slt, %rem3A_325, %lt3A : i32
      %lt3A_329 = arith.constant 0 : i32
      %lt3A_330 = arith.cmpi slt, %select_n3A_324, %lt3A_329 : i32
      %ne3A_331 = arith.xori %lt3A_328, %lt3A_330 : i1
      %and3A_332 = arith.andi %ne3A_331, %ne3A_327 : i1
      %add3A_333 = arith.addi %rem3A_325, %select_n3A_324 : i32
      %select_n3A_334 = arith.select %and3A_332, %add3A_333, %rem3A_325 : i32
      %mul3A_335 = arith.constant 16 : i32
      %mul3A_336 = arith.muli %select_n3A_334, %mul3A_335 : i32
      %get3A_337 = arith.index_cast %select_n3A : i32 to index
      %get3A_338 = arith.index_cast %mul3A_336 : i32 to index
      %get3A_339 = tpu.vector_load %arg20[%get3A_337, %get3A_338] {strides = array<i32>} : memref<16x1024xf32, #tpu.memory_space<vmem>>, vector<16xf32>,
      %mul3A_340 = arith.mulf %gather3A, %get3A_339 : vector<16xf32>
      %get3A_341 = arith.index_cast %select_n3A : i32 to index
      %get3A_342 = arith.index_cast %mul3A_336 : i32 to index
      %get3A_343 = tpu.vector_load %arg23[%get3A_341, %get3A_342] {strides = array<i32>} : memref<16x1024xf32, #tpu.memory_space<vmem>>, vector<16xf32>,
      %mul3A_344 = arith.mulf %gather3A_316, %get3A_343 : vector<16xf32>
      %add3A_345 = arith.addf %mul3A_340, %mul3A_344 : vector<16xf32>
      %swap3A_346 = arith.index_cast %select_n3A : i32 to index
      %swap3A_347 = arith.index_cast %mul3A_336 : i32 to index
      %swap3A_348 = tpu.vector_load %arg20[%swap3A_346, %swap3A_347] {strides = array<i32>} : memref<16x1024xf32, #tpu.memory_space<vmem>>, vector<16xf32>,
      tpu.vector_store %arg20[%swap3A_346, %swap3A_347], %add3A_345 {strides = array<i32>} : memref<16x1024xf32, #tpu.memory_space<vmem>>, vector<16xf32>,
      %mul3A_349 = arith.constant 8 : i32
      %mul3A_350 = arith.muli %scan3A_294, %mul3A_349 : i32
      %add3A_351 = arith.constant 1 : i32
      %add3A_352 = arith.addi %mul3A_350, %add3A_351 : i32
      %jit3A_353 = arith.constant 64 : i32
      %eq3A_354 = arith.constant 0 : i32
      %eq3A_355 = arith.cmpi eq, %jit3A_353, %eq3A_354 : i32
      %jit3A_356 = arith.constant 1 : i32
      %select_n3A_357 = arith.select %eq3A_355, %jit3A_356, %jit3A_353 : i32
      %rem3A_358 = arith.remsi %add3A_352, %select_n3A_357 : i32
      %ne3A_359 = arith.constant 0 : i32
      %ne3A_360 = arith.cmpi ne, %rem3A_358, %ne3A_359 : i32
      %lt3A_361 = arith.constant 0 : i32
      %lt3A_362 = arith.cmpi slt, %rem3A_358, %lt3A_361 : i32
      %lt3A_363 = arith.constant 0 : i32
      %lt3A_364 = arith.cmpi slt, %select_n3A_357, %lt3A_363 : i32
      %ne3A_365 = arith.xori %lt3A_362, %lt3A_364 : i1
      %and3A_366 = arith.andi %ne3A_365, %ne3A_360 : i1
      %add3A_367 = arith.addi %rem3A_358, %select_n3A_357 : i32
      %select_n3A_368 = arith.select %and3A_366, %add3A_367, %rem3A_358 : i32
      %mul3A_369 = arith.constant 16 : i32
      %mul3A_370 = arith.muli %select_n3A_368, %mul3A_369 : i32
      %get3A_371 = arith.index_cast %select_n3A : i32 to index
      %get3A_372 = arith.index_cast %mul3A_370 : i32 to index
      %get3A_373 = tpu.vector_load %arg20[%get3A_371, %get3A_372] {strides = array<i32>} : memref<16x1024xf32, #tpu.memory_space<vmem>>, vector<16xf32>,
      %mul3A_374 = arith.mulf %gather3A, %get3A_373 : vector<16xf32>
      %get3A_375 = arith.index_cast %select_n3A : i32 to index
      %get3A_376 = arith.index_cast %mul3A_370 : i32 to index
      %get3A_377 = tpu.vector_load %arg23[%get3A_375, %get3A_376] {strides = array<i32>} : memref<16x1024xf32, #tpu.memory_space<vmem>>, vector<16xf32>,
      %mul3A_378 = arith.mulf %gather3A_316, %get3A_377 : vector<16xf32>
      %add3A_379 = arith.addf %mul3A_374, %mul3A_378 : vector<16xf32>
      %swap3A_380 = arith.index_cast %select_n3A : i32 to index
      %swap3A_381 = arith.index_cast %mul3A_370 : i32 to index
      %swap3A_382 = tpu.vector_load %arg20[%swap3A_380, %swap3A_381] {strides = array<i32>} : memref<16x1024xf32, #tpu.memory_space<vmem>>, vector<16xf32>,
      tpu.vector_store %arg20[%swap3A_380, %swap3A_381], %add3A_379 {strides = array<i32>} : memref<16x1024xf32, #tpu.memory_space<vmem>>, vector<16xf32>,
      %mul3A_383 = arith.constant 8 : i32
      %mul3A_384 = arith.muli %scan3A_294, %mul3A_383 : i32
      %add3A_385 = arith.constant 2 : i32
      %add3A_386 = arith.addi %mul3A_384, %add3A_385 : i32
      %jit3A_387 = arith.constant 64 : i32
      %eq3A_388 = arith.constant 0 : i32
      %eq3A_389 = arith.cmpi eq, %jit3A_387, %eq3A_388 : i32
      %jit3A_390 = arith.constant 1 : i32
      %select_n3A_391 = arith.select %eq3A_389, %jit3A_390, %jit3A_387 : i32
      %rem3A_392 = arith.remsi %add3A_386, %select_n3A_391 : i32
      %ne3A_393 = arith.constant 0 : i32
      %ne3A_394 = arith.cmpi ne, %rem3A_392, %ne3A_393 : i32
      %lt3A_395 = arith.constant 0 : i32
      %lt3A_396 = arith.cmpi slt, %rem3A_392, %lt3A_395 : i32
      %lt3A_397 = arith.constant 0 : i32
      %lt3A_398 = arith.cmpi slt, %select_n3A_391, %lt3A_397 : i32
      %ne3A_399 = arith.xori %lt3A_396, %lt3A_398 : i1
      %and3A_400 = arith.andi %ne3A_399, %ne3A_394 : i1
      %add3A_401 = arith.addi %rem3A_392, %select_n3A_391 : i32
      %select_n3A_402 = arith.select %and3A_400, %add3A_401, %rem3A_392 : i32
      %mul3A_403 = arith.constant 16 : i32
      %mul3A_404 = arith.muli %select_n3A_402, %mul3A_403 : i32
      %get3A_405 = arith.index_cast %select_n3A : i32 to index
      %get3A_406 = arith.index_cast %mul3A_404 : i32 to index
      %get3A_407 = tpu.vector_load %arg20[%get3A_405, %get3A_406] {strides = array<i32>} : memref<16x1024xf32, #tpu.memory_space<vmem>>, vector<16xf32>,
      %mul3A_408 = arith.mulf %gather3A, %get3A_407 : vector<16xf32>
      %get3A_409 = arith.index_cast %select_n3A : i32 to index
      %get3A_410 = arith.index_cast %mul3A_404 : i32 to index
      %get3A_411 = tpu.vector_load %arg23[%get3A_409, %get3A_410] {strides = array<i32>} : memref<16x1024xf32, #tpu.memory_space<vmem>>, vector<16xf32>,
      %mul3A_412 = arith.mulf %gather3A_316, %get3A_411 : vector<16xf32>
      %add3A_413 = arith.addf %mul3A_408, %mul3A_412 : vector<16xf32>
      %swap3A_414 = arith.index_cast %select_n3A : i32 to index
      %swap3A_415 = arith.index_cast %mul3A_404 : i32 to index
      %swap3A_416 = tpu.vector_load %arg20[%swap3A_414, %swap3A_415] {strides = array<i32>} : memref<16x1024xf32, #tpu.memory_space<vmem>>, vector<16xf32>,
      tpu.vector_store %arg20[%swap3A_414, %swap3A_415], %add3A_413 {strides = array<i32>} : memref<16x1024xf32, #tpu.memory_space<vmem>>, vector<16xf32>,
      %mul3A_417 = arith.constant 8 : i32
      %mul3A_418 = arith.muli %scan3A_294, %mul3A_417 : i32
      %add3A_419 = arith.constant 3 : i32
      %add3A_420 = arith.addi %mul3A_418, %add3A_419 : i32
      %jit3A_421 = arith.constant 64 : i32
      %eq3A_422 = arith.constant 0 : i32
      %eq3A_423 = arith.cmpi eq, %jit3A_421, %eq3A_422 : i32
      %jit3A_424 = arith.constant 1 : i32
      %select_n3A_425 = arith.select %eq3A_423, %jit3A_424, %jit3A_421 : i32
      %rem3A_426 = arith.remsi %add3A_420, %select_n3A_425 : i32
      %ne3A_427 = arith.constant 0 : i32
      %ne3A_428 = arith.cmpi ne, %rem3A_426, %ne3A_427 : i32
      %lt3A_429 = arith.constant 0 : i32
      %lt3A_430 = arith.cmpi slt, %rem3A_426, %lt3A_429 : i32
      %lt3A_431 = arith.constant 0 : i32
      %lt3A_432 = arith.cmpi slt, %select_n3A_425, %lt3A_431 : i32
      %ne3A_433 = arith.xori %lt3A_430, %lt3A_432 : i1
      %and3A_434 = arith.andi %ne3A_433, %ne3A_428 : i1
      %add3A_435 = arith.addi %rem3A_426, %select_n3A_425 : i32
      %select_n3A_436 = arith.select %and3A_434, %add3A_435, %rem3A_426 : i32
      %mul3A_437 = arith.constant 16 : i32
      %mul3A_438 = arith.muli %select_n3A_436, %mul3A_437 : i32
      %get3A_439 = arith.index_cast %select_n3A : i32 to index
      %get3A_440 = arith.index_cast %mul3A_438 : i32 to index
      %get3A_441 = tpu.vector_load %arg20[%get3A_439, %get3A_440] {strides = array<i32>} : memref<16x1024xf32, #tpu.memory_space<vmem>>, vector<16xf32>,
      %mul3A_442 = arith.mulf %gather3A, %get3A_441 : vector<16xf32>
      %get3A_443 = arith.index_cast %select_n3A : i32 to index
      %get3A_444 = arith.index_cast %mul3A_438 : i32 to index
      %get3A_445 = tpu.vector_load %arg23[%get3A_443, %get3A_444] {strides = array<i32>} : memref<16x1024xf32, #tpu.memory_space<vmem>>, vector<16xf32>,
      %mul3A_446 = arith.mulf %gather3A_316, %get3A_445 : vector<16xf32>
      %add3A_447 = arith.addf %mul3A_442, %mul3A_446 : vector<16xf32>
      %swap3A_448 = arith.index_cast %select_n3A : i32 to index
      %swap3A_449 = arith.index_cast %mul3A_438 : i32 to index
      %swap3A_450 = tpu.vector_load %arg20[%swap3A_448, %swap3A_449] {strides = array<i32>} : memref<16x1024xf32, #tpu.memory_space<vmem>>, vector<16xf32>,
      tpu.vector_store %arg20[%swap3A_448, %swap3A_449], %add3A_447 {strides = array<i32>} : memref<16x1024xf32, #tpu.memory_space<vmem>>, vector<16xf32>,
      %mul3A_451 = arith.constant 8 : i32
      %mul3A_452 = arith.muli %scan3A_294, %mul3A_451 : i32
      %add3A_453 = arith.constant 4 : i32
      %add3A_454 = arith.addi %mul3A_452, %add3A_453 : i32
      %jit3A_455 = arith.constant 64 : i32
      %eq3A_456 = arith.constant 0 : i32
      %eq3A_457 = arith.cmpi eq, %jit3A_455, %eq3A_456 : i32
      %jit3A_458 = arith.constant 1 : i32
      %select_n3A_459 = arith.select %eq3A_457, %jit3A_458, %jit3A_455 : i32
      %rem3A_460 = arith.remsi %add3A_454, %select_n3A_459 : i32
      %ne3A_461 = arith.constant 0 : i32
      %ne3A_462 = arith.cmpi ne, %rem3A_460, %ne3A_461 : i32
      %lt3A_463 = arith.constant 0 : i32
      %lt3A_464 = arith.cmpi slt, %rem3A_460, %lt3A_463 : i32
      %lt3A_465 = arith.constant 0 : i32
      %lt3A_466 = arith.cmpi slt, %select_n3A_459, %lt3A_465 : i32
      %ne3A_467 = arith.xori %lt3A_464, %lt3A_466 : i1
      %and3A_468 = arith.andi %ne3A_467, %ne3A_462 : i1
      %add3A_469 = arith.addi %rem3A_460, %select_n3A_459 : i32
      %select_n3A_470 = arith.select %and3A_468, %add3A_469, %rem3A_460 : i32
      %mul3A_471 = arith.constant 16 : i32
      %mul3A_472 = arith.muli %select_n3A_470, %mul3A_471 : i32
      %get3A_473 = arith.index_cast %select_n3A : i32 to index
      %get3A_474 = arith.index_cast %mul3A_472 : i32 to index
      %get3A_475 = tpu.vector_load %arg20[%get3A_473, %get3A_474] {strides = array<i32>} : memref<16x1024xf32, #tpu.memory_space<vmem>>, vector<16xf32>,
      %mul3A_476 = arith.mulf %gather3A, %get3A_475 : vector<16xf32>
      %get3A_477 = arith.index_cast %select_n3A : i32 to index
      %get3A_478 = arith.index_cast %mul3A_472 : i32 to index
      %get3A_479 = tpu.vector_load %arg23[%get3A_477, %get3A_478] {strides = array<i32>} : memref<16x1024xf32, #tpu.memory_space<vmem>>, vector<16xf32>,
      %mul3A_480 = arith.mulf %gather3A_316, %get3A_479 : vector<16xf32>
      %add3A_481 = arith.addf %mul3A_476, %mul3A_480 : vector<16xf32>
      %swap3A_482 = arith.index_cast %select_n3A : i32 to index
      %swap3A_483 = arith.index_cast %mul3A_472 : i32 to index
      %swap3A_484 = tpu.vector_load %arg20[%swap3A_482, %swap3A_483] {strides = array<i32>} : memref<16x1024xf32, #tpu.memory_space<vmem>>, vector<16xf32>,
      tpu.vector_store %arg20[%swap3A_482, %swap3A_483], %add3A_481 {strides = array<i32>} : memref<16x1024xf32, #tpu.memory_space<vmem>>, vector<16xf32>,
      %mul3A_485 = arith.constant 8 : i32
      %mul3A_486 = arith.muli %scan3A_294, %mul3A_485 : i32
      %add3A_487 = arith.constant 5 : i32
      %add3A_488 = arith.addi %mul3A_486, %add3A_487 : i32
      %jit3A_489 = arith.constant 64 : i32
      %eq3A_490 = arith.constant 0 : i32
      %eq3A_491 = arith.cmpi eq, %jit3A_489, %eq3A_490 : i32
      %jit3A_492 = arith.constant 1 : i32
      %select_n3A_493 = arith.select %eq3A_491, %jit3A_492, %jit3A_489 : i32
      %rem3A_494 = arith.remsi %add3A_488, %select_n3A_493 : i32
      %ne3A_495 = arith.constant 0 : i32
      %ne3A_496 = arith.cmpi ne, %rem3A_494, %ne3A_495 : i32
      %lt3A_497 = arith.constant 0 : i32
      %lt3A_498 = arith.cmpi slt, %rem3A_494, %lt3A_497 : i32
      %lt3A_499 = arith.constant 0 : i32
      %lt3A_500 = arith.cmpi slt, %select_n3A_493, %lt3A_499 : i32
      %ne3A_501 = arith.xori %lt3A_498, %lt3A_500 : i1
      %and3A_502 = arith.andi %ne3A_501, %ne3A_496 : i1
      %add3A_503 = arith.addi %rem3A_494, %select_n3A_493 : i32
      %select_n3A_504 = arith.select %and3A_502, %add3A_503, %rem3A_494 : i32
      %mul3A_505 = arith.constant 16 : i32
      %mul3A_506 = arith.muli %select_n3A_504, %mul3A_505 : i32
      %get3A_507 = arith.index_cast %select_n3A : i32 to index
      %get3A_508 = arith.index_cast %mul3A_506 : i32 to index
      %get3A_509 = tpu.vector_load %arg20[%get3A_507, %get3A_508] {strides = array<i32>} : memref<16x1024xf32, #tpu.memory_space<vmem>>, vector<16xf32>,
      %mul3A_510 = arith.mulf %gather3A, %get3A_509 : vector<16xf32>
      %get3A_511 = arith.index_cast %select_n3A : i32 to index
      %get3A_512 = arith.index_cast %mul3A_506 : i32 to index
      %get3A_513 = tpu.vector_load %arg23[%get3A_511, %get3A_512] {strides = array<i32>} : memref<16x1024xf32, #tpu.memory_space<vmem>>, vector<16xf32>,
      %mul3A_514 = arith.mulf %gather3A_316, %get3A_513 : vector<16xf32>
      %add3A_515 = arith.addf %mul3A_510, %mul3A_514 : vector<16xf32>
      %swap3A_516 = arith.index_cast %select_n3A : i32 to index
      %swap3A_517 = arith.index_cast %mul3A_506 : i32 to index
      %swap3A_518 = tpu.vector_load %arg20[%swap3A_516, %swap3A_517] {strides = array<i32>} : memref<16x1024xf32, #tpu.memory_space<vmem>>, vector<16xf32>,
      tpu.vector_store %arg20[%swap3A_516, %swap3A_517], %add3A_515 {strides = array<i32>} : memref<16x1024xf32, #tpu.memory_space<vmem>>, vector<16xf32>,
      %mul3A_519 = arith.constant 8 : i32
      %mul3A_520 = arith.muli %scan3A_294, %mul3A_519 : i32
      %add3A_521 = arith.constant 6 : i32
      %add3A_522 = arith.addi %mul3A_520, %add3A_521 : i32
      %jit3A_523 = arith.constant 64 : i32
      %eq3A_524 = arith.constant 0 : i32
      %eq3A_525 = arith.cmpi eq, %jit3A_523, %eq3A_524 : i32
      %jit3A_526 = arith.constant 1 : i32
      %select_n3A_527 = arith.select %eq3A_525, %jit3A_526, %jit3A_523 : i32
      %rem3A_528 = arith.remsi %add3A_522, %select_n3A_527 : i32
      %ne3A_529 = arith.constant 0 : i32
      %ne3A_530 = arith.cmpi ne, %rem3A_528, %ne3A_529 : i32
      %lt3A_531 = arith.constant 0 : i32
      %lt3A_532 = arith.cmpi slt, %rem3A_528, %lt3A_531 : i32
      %lt3A_533 = arith.constant 0 : i32
      %lt3A_534 = arith.cmpi slt, %select_n3A_527, %lt3A_533 : i32
      %ne3A_535 = arith.xori %lt3A_532, %lt3A_534 : i1
      %and3A_536 = arith.andi %ne3A_535, %ne3A_530 : i1
      %add3A_537 = arith.addi %rem3A_528, %select_n3A_527 : i32
      %select_n3A_538 = arith.select %and3A_536, %add3A_537, %rem3A_528 : i32
      %mul3A_539 = arith.constant 16 : i32
      %mul3A_540 = arith.muli %select_n3A_538, %mul3A_539 : i32
      %get3A_541 = arith.index_cast %select_n3A : i32 to index
      %get3A_542 = arith.index_cast %mul3A_540 : i32 to index
      %get3A_543 = tpu.vector_load %arg20[%get3A_541, %get3A_542] {strides = array<i32>} : memref<16x1024xf32, #tpu.memory_space<vmem>>, vector<16xf32>,
      %mul3A_544 = arith.mulf %gather3A, %get3A_543 : vector<16xf32>
      %get3A_545 = arith.index_cast %select_n3A : i32 to index
      %get3A_546 = arith.index_cast %mul3A_540 : i32 to index
      %get3A_547 = tpu.vector_load %arg23[%get3A_545, %get3A_546] {strides = array<i32>} : memref<16x1024xf32, #tpu.memory_space<vmem>>, vector<16xf32>,
      %mul3A_548 = arith.mulf %gather3A_316, %get3A_547 : vector<16xf32>
      %add3A_549 = arith.addf %mul3A_544, %mul3A_548 : vector<16xf32>
      %swap3A_550 = arith.index_cast %select_n3A : i32 to index
      %swap3A_551 = arith.index_cast %mul3A_540 : i32 to index
      %swap3A_552 = tpu.vector_load %arg20[%swap3A_550, %swap3A_551] {strides = array<i32>} : memref<16x1024xf32, #tpu.memory_space<vmem>>, vector<16xf32>,
      tpu.vector_store %arg20[%swap3A_550, %swap3A_551], %add3A_549 {strides = array<i32>} : memref<16x1024xf32, #tpu.memory_space<vmem>>, vector<16xf32>,
      %mul3A_553 = arith.constant 8 : i32
      %mul3A_554 = arith.muli %scan3A_294, %mul3A_553 : i32
      %add3A_555 = arith.constant 7 : i32
      %add3A_556 = arith.addi %mul3A_554, %add3A_555 : i32
      %jit3A_557 = arith.constant 64 : i32
      %eq3A_558 = arith.constant 0 : i32
      %eq3A_559 = arith.cmpi eq, %jit3A_557, %eq3A_558 : i32
      %jit3A_560 = arith.constant 1 : i32
      %select_n3A_561 = arith.select %eq3A_559, %jit3A_560, %jit3A_557 : i32
      %rem3A_562 = arith.remsi %add3A_556, %select_n3A_561 : i32
      %ne3A_563 = arith.constant 0 : i32
      %ne3A_564 = arith.cmpi ne, %rem3A_562, %ne3A_563 : i32
      %lt3A_565 = arith.constant 0 : i32
      %lt3A_566 = arith.cmpi slt, %rem3A_562, %lt3A_565 : i32
      %lt3A_567 = arith.constant 0 : i32
      %lt3A_568 = arith.cmpi slt, %select_n3A_561, %lt3A_567 : i32
      %ne3A_569 = arith.xori %lt3A_566, %lt3A_568 : i1
      %and3A_570 = arith.andi %ne3A_569, %ne3A_564 : i1
      %add3A_571 = arith.addi %rem3A_562, %select_n3A_561 : i32
      %select_n3A_572 = arith.select %and3A_570, %add3A_571, %rem3A_562 : i32
      %mul3A_573 = arith.constant 16 : i32
      %mul3A_574 = arith.muli %select_n3A_572, %mul3A_573 : i32
      %get3A_575 = arith.index_cast %select_n3A : i32 to index
      %get3A_576 = arith.index_cast %mul3A_574 : i32 to index
      %get3A_577 = tpu.vector_load %arg20[%get3A_575, %get3A_576] {strides = array<i32>} : memref<16x1024xf32, #tpu.memory_space<vmem>>, vector<16xf32>,
      %mul3A_578 = arith.mulf %gather3A, %get3A_577 : vector<16xf32>
      %get3A_579 = arith.index_cast %select_n3A : i32 to index
      %get3A_580 = arith.index_cast %mul3A_574 : i32 to index
      %get3A_581 = tpu.vector_load %arg23[%get3A_579, %get3A_580] {strides = array<i32>} : memref<16x1024xf32, #tpu.memory_space<vmem>>, vector<16xf32>,
      %mul3A_582 = arith.mulf %gather3A_316, %get3A_581 : vector<16xf32>
      %add3A_583 = arith.addf %mul3A_578, %mul3A_582 : vector<16xf32>
      %swap3A_584 = arith.index_cast %select_n3A : i32 to index
      %swap3A_585 = arith.index_cast %mul3A_574 : i32 to index
      %swap3A_586 = tpu.vector_load %arg20[%swap3A_584, %swap3A_585] {strides = array<i32>} : memref<16x1024xf32, #tpu.memory_space<vmem>>, vector<16xf32>,
      tpu.vector_store %arg20[%swap3A_584, %swap3A_585], %add3A_583 {strides = array<i32>} : memref<16x1024xf32, #tpu.memory_space<vmem>>, vector<16xf32>,
      %scan3A_587 = arith.constant 0 : i32
      scf.yield %scan3A_587 : i32
    }
    %scan3A_108 = arith.constant 128 : i32
    %add3A_109 = arith.constant 32 : i32
    %add3A_110 = arith.addi %mul3A_2, %add3A_109 : i32
    %dma_start3A_111 = arith.constant 0 : i32
    %dma_start3A_112 = tpu.memref_slice %arg7[%add3A_110, %dma_start3A_111] : memref<4096x1024xf32, #tpu.memory_space<hbm>> -> memref<16x1024xf32, #tpu.memory_space<hbm>>
    %dma_start3A_113 = arith.constant 0 : i32
    %dma_start3A_114 = tpu.memref_slice %arg7[%add3A_110, %dma_start3A_113] : memref<4096x1024xf32, #tpu.memory_space<hbm>> -> memref<16x1024xf32, #tpu.memory_space<hbm>>
    tpu.enqueue_dma source(%arg20 : memref<16x1024xf32, #tpu.memory_space<vmem>>) target(%dma_start3A_114 : memref<16x1024xf32, #tpu.memory_space<hbm>>) target_semaphore(%arg32 : memref<!tpu.dma_semaphore, #tpu.memory_space<semaphore_mem>>)
    %dma_wait3A_115 = arith.constant 0 : i32
    %dma_wait3A_116 = tpu.memref_slice %arg7[%add3A_73, %dma_wait3A_115] : memref<4096x1024xf32, #tpu.memory_space<hbm>> -> memref<16x1024xf32, #tpu.memory_space<hbm>>
    %dma_wait3A_117 = arith.constant 0 : i32
    %dma_wait3A_118 = tpu.memref_slice %arg7[%add3A_73, %dma_wait3A_117] : memref<4096x1024xf32, #tpu.memory_space<hbm>> -> memref<16x1024xf32, #tpu.memory_space<hbm>>
    tpu.wait_dma2 semaphore(%arg31 : memref<!tpu.dma_semaphore, #tpu.memory_space<semaphore_mem>>) src(%arg19 : memref<16x1024xf32, #tpu.memory_space<vmem>>) dst(%dma_wait3A_118 : memref<16x1024xf32, #tpu.memory_space<hbm>>)
    %get3A_119 = arith.constant 64 : index
    %get3A_120 = tpu.vector_load %arg8[%get3A_119] {strides = array<i32>} : memref<128xi32, #tpu.memory_space<vmem>>, vector<16xi32>,
    %swap3A_121 = arith.constant 0 : index
    %swap3A_122 = tpu.vector_load %arg13[%swap3A_121] {strides = array<i32>} : memref<16xi32, #tpu.memory_space<vmem>>, vector<16xi32>,
    tpu.vector_store %arg13[%swap3A_121], %get3A_120 {strides = array<i32>} : memref<16xi32, #tpu.memory_space<vmem>>, vector<16xi32>,
    %get3A_123 = arith.constant 64 : index
    %get3A_124 = tpu.vector_load %arg9[%get3A_123] {strides = array<i32>} : memref<128xi32, #tpu.memory_space<vmem>>, vector<16xi32>,
    %swap3A_125 = arith.constant 0 : index
    %swap3A_126 = tpu.vector_load %arg16[%swap3A_125] {strides = array<i32>} : memref<16xi32, #tpu.memory_space<vmem>>, vector<16xi32>,
    tpu.vector_store %arg16[%swap3A_125], %get3A_124 {strides = array<i32>} : memref<16xi32, #tpu.memory_space<vmem>>, vector<16xi32>,
    %dma_start3A_127 = arith.constant 0 : i32
    %dma_start3A_128 = arith.constant 0 : i32
    %dma_start3A_129 = tpu.memref_slice %arg6[%dma_start3A_127, %dma_start3A_128] : memref<10240x1024xf32, #tpu.memory_space<hbm>> -> memref<10240x1024xf32, #tpu.memory_space<hbm>>
    tpu.enqueue_indirect_dma source(%dma_start3A_129 : memref<10240x1024xf32, #tpu.memory_space<hbm>>) target(%arg19 : memref<16x1024xf32, #tpu.memory_space<vmem>>) offsets(%arg13 : memref<16xi32, #tpu.memory_space<vmem>>) semaphore(%arg25 : memref<!tpu.dma_semaphore, #tpu.memory_space<semaphore_mem>>)
    %dma_start3A_130 = arith.constant 0 : i32
    %dma_start3A_131 = arith.constant 0 : i32
    %dma_start3A_132 = tpu.memref_slice %arg6[%dma_start3A_130, %dma_start3A_131] : memref<10240x1024xf32, #tpu.memory_space<hbm>> -> memref<10240x1024xf32, #tpu.memory_space<hbm>>
    tpu.enqueue_indirect_dma source(%dma_start3A_132 : memref<10240x1024xf32, #tpu.memory_space<hbm>>) target(%arg22 : memref<16x1024xf32, #tpu.memory_space<vmem>>) offsets(%arg16 : memref<16xi32, #tpu.memory_space<vmem>>) semaphore(%arg28 : memref<!tpu.dma_semaphore, #tpu.memory_space<semaphore_mem>>)
    %dma_wait3A_133 = arith.constant 0 : i32
    %dma_wait3A_134 = arith.constant 0 : i32
    %dma_wait3A_135 = tpu.memref_slice %arg6[%dma_wait3A_133, %dma_wait3A_134] : memref<10240x1024xf32, #tpu.memory_space<hbm>> -> memref<10240x1024xf32, #tpu.memory_space<hbm>>
    tpu.wait_indirect_dma semaphore(%arg24 : memref<!tpu.dma_semaphore, #tpu.memory_space<semaphore_mem>>) src(%dma_wait3A_135 : memref<10240x1024xf32, #tpu.memory_space<hbm>>) dst(%arg18 : memref<16x1024xf32, #tpu.memory_space<vmem>>)
    %dma_wait3A_136 = arith.constant 0 : i32
    %dma_wait3A_137 = arith.constant 0 : i32
    %dma_wait3A_138 = tpu.memref_slice %arg6[%dma_wait3A_136, %dma_wait3A_137] : memref<10240x1024xf32, #tpu.memory_space<hbm>> -> memref<10240x1024xf32, #tpu.memory_space<hbm>>
    tpu.wait_indirect_dma semaphore(%arg27 : memref<!tpu.dma_semaphore, #tpu.memory_space<semaphore_mem>>) src(%dma_wait3A_138 : memref<10240x1024xf32, #tpu.memory_space<hbm>>) dst(%arg21 : memref<16x1024xf32, #tpu.memory_space<vmem>>)
    %scan3A_139 = arith.constant 0 : i32
    %scan3A_140 = arith.constant 0 : i32
    %scan3A_141 = arith.constant 128 : i32
    %scan3A_142 = arith.addi %scan3A_140, %scan3A_141 : i32
    %scan3A_143 = arith.constant 1 : i32
    %scan3A_144 = scf.for %scan3A_294 = %scan3A_140 to %scan3A_142 step %scan3A_143 iter_args(%scan3A_295 = %scan3A_139) -> (i32)  : i32 {
      %mul3A_296 = arith.constant 8 : i32
      %mul3A_297 = arith.muli %scan3A_294, %mul3A_296 : i32
      %jit3A = arith.constant 64 : i32
      %div3A = arith.divsi %mul3A_297, %jit3A : i32
      %sign3A = arith.constant 0 : i32
      %sign3A_298 = arith.cmpi sgt, %mul3A_297, %sign3A : i32
      %sign3A_299 = arith.extui %sign3A_298 : i1 to i32
      %sign3A_300 = arith.constant 0 : i32
      %sign3A_301 = arith.cmpi slt, %mul3A_297, %sign3A_300 : i32
      %sign3A_302 = arith.extui %sign3A_301 : i1 to i32
      %sign3A_303 = arith.subi %sign3A_299, %sign3A_302 : i32
      %sign3A_304 = arith.constant 0 : i32
      %sign3A_305 = arith.cmpi sgt, %jit3A, %sign3A_304 : i32
      %sign3A_306 = arith.extui %sign3A_305 : i1 to i32
      %sign3A_307 = arith.constant 0 : i32
      %sign3A_308 = arith.cmpi slt, %jit3A, %sign3A_307 : i32
      %sign3A_309 = arith.extui %sign3A_308 : i1 to i32
      %sign3A_310 = arith.subi %sign3A_306, %sign3A_309 : i32
      %ne3A = arith.cmpi ne, %sign3A_303, %sign3A_310 : i32
      %rem3A = arith.remsi %mul3A_297, %jit3A : i32
      %ne3A_311 = arith.constant 0 : i32
      %ne3A_312 = arith.cmpi ne, %rem3A, %ne3A_311 : i32
      %and3A = arith.andi %ne3A, %ne3A_312 : i1
      %sub3A = arith.constant 1 : i32
      %sub3A_313 = arith.subi %div3A, %sub3A : i32
      %select_n3A = arith.select %and3A, %sub3A_313, %div3A : i32
      %add3A_314 = arith.constant 48 : i32
      %add3A_315 = arith.addi %add3A_314, %select_n3A : i32
      %broadcast_in_dim3A = vector.broadcast %add3A_315 : i32 to vector<16xi32>
      %gather3A = tpu.vector_load_idx %arg10[%broadcast_in_dim3A] : memref<128xf32, #tpu.memory_space<vmem>>[vector<16xi32>], vector<16xf32>,
      %gather3A_316 = tpu.vector_load_idx %arg11[%broadcast_in_dim3A] : memref<128xf32, #tpu.memory_space<vmem>>[vector<16xi32>], vector<16xf32>,
      %mul3A_317 = arith.constant 8 : i32
      %mul3A_318 = arith.muli %scan3A_294, %mul3A_317 : i32
      %add3A_319 = arith.constant 0 : i32
      %add3A_320 = arith.addi %mul3A_318, %add3A_319 : i32
      %jit3A_321 = arith.constant 64 : i32
      %eq3A = arith.constant 0 : i32
      %eq3A_322 = arith.cmpi eq, %jit3A_321, %eq3A : i32
      %jit3A_323 = arith.constant 1 : i32
      %select_n3A_324 = arith.select %eq3A_322, %jit3A_323, %jit3A_321 : i32
      %rem3A_325 = arith.remsi %add3A_320, %select_n3A_324 : i32
      %ne3A_326 = arith.constant 0 : i32
      %ne3A_327 = arith.cmpi ne, %rem3A_325, %ne3A_326 : i32
      %lt3A = arith.constant 0 : i32
      %lt3A_328 = arith.cmpi slt, %rem3A_325, %lt3A : i32
      %lt3A_329 = arith.constant 0 : i32
      %lt3A_330 = arith.cmpi slt, %select_n3A_324, %lt3A_329 : i32
      %ne3A_331 = arith.xori %lt3A_328, %lt3A_330 : i1
      %and3A_332 = arith.andi %ne3A_331, %ne3A_327 : i1
      %add3A_333 = arith.addi %rem3A_325, %select_n3A_324 : i32
      %select_n3A_334 = arith.select %and3A_332, %add3A_333, %rem3A_325 : i32
      %mul3A_335 = arith.constant 16 : i32
      %mul3A_336 = arith.muli %select_n3A_334, %mul3A_335 : i32
      %get3A_337 = arith.index_cast %select_n3A : i32 to index
      %get3A_338 = arith.index_cast %mul3A_336 : i32 to index
      %get3A_339 = tpu.vector_load %arg18[%get3A_337, %get3A_338] {strides = array<i32>} : memref<16x1024xf32, #tpu.memory_space<vmem>>, vector<16xf32>,
      %mul3A_340 = arith.mulf %gather3A, %get3A_339 : vector<16xf32>
      %get3A_341 = arith.index_cast %select_n3A : i32 to index
      %get3A_342 = arith.index_cast %mul3A_336 : i32 to index
      %get3A_343 = tpu.vector_load %arg21[%get3A_341, %get3A_342] {strides = array<i32>} : memref<16x1024xf32, #tpu.memory_space<vmem>>, vector<16xf32>,
      %mul3A_344 = arith.mulf %gather3A_316, %get3A_343 : vector<16xf32>
      %add3A_345 = arith.addf %mul3A_340, %mul3A_344 : vector<16xf32>
      %swap3A_346 = arith.index_cast %select_n3A : i32 to index
      %swap3A_347 = arith.index_cast %mul3A_336 : i32 to index
      %swap3A_348 = tpu.vector_load %arg18[%swap3A_346, %swap3A_347] {strides = array<i32>} : memref<16x1024xf32, #tpu.memory_space<vmem>>, vector<16xf32>,
      tpu.vector_store %arg18[%swap3A_346, %swap3A_347], %add3A_345 {strides = array<i32>} : memref<16x1024xf32, #tpu.memory_space<vmem>>, vector<16xf32>,
      %mul3A_349 = arith.constant 8 : i32
      %mul3A_350 = arith.muli %scan3A_294, %mul3A_349 : i32
      %add3A_351 = arith.constant 1 : i32
      %add3A_352 = arith.addi %mul3A_350, %add3A_351 : i32
      %jit3A_353 = arith.constant 64 : i32
      %eq3A_354 = arith.constant 0 : i32
      %eq3A_355 = arith.cmpi eq, %jit3A_353, %eq3A_354 : i32
      %jit3A_356 = arith.constant 1 : i32
      %select_n3A_357 = arith.select %eq3A_355, %jit3A_356, %jit3A_353 : i32
      %rem3A_358 = arith.remsi %add3A_352, %select_n3A_357 : i32
      %ne3A_359 = arith.constant 0 : i32
      %ne3A_360 = arith.cmpi ne, %rem3A_358, %ne3A_359 : i32
      %lt3A_361 = arith.constant 0 : i32
      %lt3A_362 = arith.cmpi slt, %rem3A_358, %lt3A_361 : i32
      %lt3A_363 = arith.constant 0 : i32
      %lt3A_364 = arith.cmpi slt, %select_n3A_357, %lt3A_363 : i32
      %ne3A_365 = arith.xori %lt3A_362, %lt3A_364 : i1
      %and3A_366 = arith.andi %ne3A_365, %ne3A_360 : i1
      %add3A_367 = arith.addi %rem3A_358, %select_n3A_357 : i32
      %select_n3A_368 = arith.select %and3A_366, %add3A_367, %rem3A_358 : i32
      %mul3A_369 = arith.constant 16 : i32
      %mul3A_370 = arith.muli %select_n3A_368, %mul3A_369 : i32
      %get3A_371 = arith.index_cast %select_n3A : i32 to index
      %get3A_372 = arith.index_cast %mul3A_370 : i32 to index
      %get3A_373 = tpu.vector_load %arg18[%get3A_371, %get3A_372] {strides = array<i32>} : memref<16x1024xf32, #tpu.memory_space<vmem>>, vector<16xf32>,
      %mul3A_374 = arith.mulf %gather3A, %get3A_373 : vector<16xf32>
      %get3A_375 = arith.index_cast %select_n3A : i32 to index
      %get3A_376 = arith.index_cast %mul3A_370 : i32 to index
      %get3A_377 = tpu.vector_load %arg21[%get3A_375, %get3A_376] {strides = array<i32>} : memref<16x1024xf32, #tpu.memory_space<vmem>>, vector<16xf32>,
      %mul3A_378 = arith.mulf %gather3A_316, %get3A_377 : vector<16xf32>
      %add3A_379 = arith.addf %mul3A_374, %mul3A_378 : vector<16xf32>
      %swap3A_380 = arith.index_cast %select_n3A : i32 to index
      %swap3A_381 = arith.index_cast %mul3A_370 : i32 to index
      %swap3A_382 = tpu.vector_load %arg18[%swap3A_380, %swap3A_381] {strides = array<i32>} : memref<16x1024xf32, #tpu.memory_space<vmem>>, vector<16xf32>,
      tpu.vector_store %arg18[%swap3A_380, %swap3A_381], %add3A_379 {strides = array<i32>} : memref<16x1024xf32, #tpu.memory_space<vmem>>, vector<16xf32>,
      %mul3A_383 = arith.constant 8 : i32
      %mul3A_384 = arith.muli %scan3A_294, %mul3A_383 : i32
      %add3A_385 = arith.constant 2 : i32
      %add3A_386 = arith.addi %mul3A_384, %add3A_385 : i32
      %jit3A_387 = arith.constant 64 : i32
      %eq3A_388 = arith.constant 0 : i32
      %eq3A_389 = arith.cmpi eq, %jit3A_387, %eq3A_388 : i32
      %jit3A_390 = arith.constant 1 : i32
      %select_n3A_391 = arith.select %eq3A_389, %jit3A_390, %jit3A_387 : i32
      %rem3A_392 = arith.remsi %add3A_386, %select_n3A_391 : i32
      %ne3A_393 = arith.constant 0 : i32
      %ne3A_394 = arith.cmpi ne, %rem3A_392, %ne3A_393 : i32
      %lt3A_395 = arith.constant 0 : i32
      %lt3A_396 = arith.cmpi slt, %rem3A_392, %lt3A_395 : i32
      %lt3A_397 = arith.constant 0 : i32
      %lt3A_398 = arith.cmpi slt, %select_n3A_391, %lt3A_397 : i32
      %ne3A_399 = arith.xori %lt3A_396, %lt3A_398 : i1
      %and3A_400 = arith.andi %ne3A_399, %ne3A_394 : i1
      %add3A_401 = arith.addi %rem3A_392, %select_n3A_391 : i32
      %select_n3A_402 = arith.select %and3A_400, %add3A_401, %rem3A_392 : i32
      %mul3A_403 = arith.constant 16 : i32
      %mul3A_404 = arith.muli %select_n3A_402, %mul3A_403 : i32
      %get3A_405 = arith.index_cast %select_n3A : i32 to index
      %get3A_406 = arith.index_cast %mul3A_404 : i32 to index
      %get3A_407 = tpu.vector_load %arg18[%get3A_405, %get3A_406] {strides = array<i32>} : memref<16x1024xf32, #tpu.memory_space<vmem>>, vector<16xf32>,
      %mul3A_408 = arith.mulf %gather3A, %get3A_407 : vector<16xf32>
      %get3A_409 = arith.index_cast %select_n3A : i32 to index
      %get3A_410 = arith.index_cast %mul3A_404 : i32 to index
      %get3A_411 = tpu.vector_load %arg21[%get3A_409, %get3A_410] {strides = array<i32>} : memref<16x1024xf32, #tpu.memory_space<vmem>>, vector<16xf32>,
      %mul3A_412 = arith.mulf %gather3A_316, %get3A_411 : vector<16xf32>
      %add3A_413 = arith.addf %mul3A_408, %mul3A_412 : vector<16xf32>
      %swap3A_414 = arith.index_cast %select_n3A : i32 to index
      %swap3A_415 = arith.index_cast %mul3A_404 : i32 to index
      %swap3A_416 = tpu.vector_load %arg18[%swap3A_414, %swap3A_415] {strides = array<i32>} : memref<16x1024xf32, #tpu.memory_space<vmem>>, vector<16xf32>,
      tpu.vector_store %arg18[%swap3A_414, %swap3A_415], %add3A_413 {strides = array<i32>} : memref<16x1024xf32, #tpu.memory_space<vmem>>, vector<16xf32>,
      %mul3A_417 = arith.constant 8 : i32
      %mul3A_418 = arith.muli %scan3A_294, %mul3A_417 : i32
      %add3A_419 = arith.constant 3 : i32
      %add3A_420 = arith.addi %mul3A_418, %add3A_419 : i32
      %jit3A_421 = arith.constant 64 : i32
      %eq3A_422 = arith.constant 0 : i32
      %eq3A_423 = arith.cmpi eq, %jit3A_421, %eq3A_422 : i32
      %jit3A_424 = arith.constant 1 : i32
      %select_n3A_425 = arith.select %eq3A_423, %jit3A_424, %jit3A_421 : i32
      %rem3A_426 = arith.remsi %add3A_420, %select_n3A_425 : i32
      %ne3A_427 = arith.constant 0 : i32
      %ne3A_428 = arith.cmpi ne, %rem3A_426, %ne3A_427 : i32
      %lt3A_429 = arith.constant 0 : i32
      %lt3A_430 = arith.cmpi slt, %rem3A_426, %lt3A_429 : i32
      %lt3A_431 = arith.constant 0 : i32
      %lt3A_432 = arith.cmpi slt, %select_n3A_425, %lt3A_431 : i32
      %ne3A_433 = arith.xori %lt3A_430, %lt3A_432 : i1
      %and3A_434 = arith.andi %ne3A_433, %ne3A_428 : i1
      %add3A_435 = arith.addi %rem3A_426, %select_n3A_425 : i32
      %select_n3A_436 = arith.select %and3A_434, %add3A_435, %rem3A_426 : i32
      %mul3A_437 = arith.constant 16 : i32
      %mul3A_438 = arith.muli %select_n3A_436, %mul3A_437 : i32
      %get3A_439 = arith.index_cast %select_n3A : i32 to index
      %get3A_440 = arith.index_cast %mul3A_438 : i32 to index
      %get3A_441 = tpu.vector_load %arg18[%get3A_439, %get3A_440] {strides = array<i32>} : memref<16x1024xf32, #tpu.memory_space<vmem>>, vector<16xf32>,
      %mul3A_442 = arith.mulf %gather3A, %get3A_441 : vector<16xf32>
      %get3A_443 = arith.index_cast %select_n3A : i32 to index
      %get3A_444 = arith.index_cast %mul3A_438 : i32 to index
      %get3A_445 = tpu.vector_load %arg21[%get3A_443, %get3A_444] {strides = array<i32>} : memref<16x1024xf32, #tpu.memory_space<vmem>>, vector<16xf32>,
      %mul3A_446 = arith.mulf %gather3A_316, %get3A_445 : vector<16xf32>
      %add3A_447 = arith.addf %mul3A_442, %mul3A_446 : vector<16xf32>
      %swap3A_448 = arith.index_cast %select_n3A : i32 to index
      %swap3A_449 = arith.index_cast %mul3A_438 : i32 to index
      %swap3A_450 = tpu.vector_load %arg18[%swap3A_448, %swap3A_449] {strides = array<i32>} : memref<16x1024xf32, #tpu.memory_space<vmem>>, vector<16xf32>,
      tpu.vector_store %arg18[%swap3A_448, %swap3A_449], %add3A_447 {strides = array<i32>} : memref<16x1024xf32, #tpu.memory_space<vmem>>, vector<16xf32>,
      %mul3A_451 = arith.constant 8 : i32
      %mul3A_452 = arith.muli %scan3A_294, %mul3A_451 : i32
      %add3A_453 = arith.constant 4 : i32
      %add3A_454 = arith.addi %mul3A_452, %add3A_453 : i32
      %jit3A_455 = arith.constant 64 : i32
      %eq3A_456 = arith.constant 0 : i32
      %eq3A_457 = arith.cmpi eq, %jit3A_455, %eq3A_456 : i32
      %jit3A_458 = arith.constant 1 : i32
      %select_n3A_459 = arith.select %eq3A_457, %jit3A_458, %jit3A_455 : i32
      %rem3A_460 = arith.remsi %add3A_454, %select_n3A_459 : i32
      %ne3A_461 = arith.constant 0 : i32
      %ne3A_462 = arith.cmpi ne, %rem3A_460, %ne3A_461 : i32
      %lt3A_463 = arith.constant 0 : i32
      %lt3A_464 = arith.cmpi slt, %rem3A_460, %lt3A_463 : i32
      %lt3A_465 = arith.constant 0 : i32
      %lt3A_466 = arith.cmpi slt, %select_n3A_459, %lt3A_465 : i32
      %ne3A_467 = arith.xori %lt3A_464, %lt3A_466 : i1
      %and3A_468 = arith.andi %ne3A_467, %ne3A_462 : i1
      %add3A_469 = arith.addi %rem3A_460, %select_n3A_459 : i32
      %select_n3A_470 = arith.select %and3A_468, %add3A_469, %rem3A_460 : i32
      %mul3A_471 = arith.constant 16 : i32
      %mul3A_472 = arith.muli %select_n3A_470, %mul3A_471 : i32
      %get3A_473 = arith.index_cast %select_n3A : i32 to index
      %get3A_474 = arith.index_cast %mul3A_472 : i32 to index
      %get3A_475 = tpu.vector_load %arg18[%get3A_473, %get3A_474] {strides = array<i32>} : memref<16x1024xf32, #tpu.memory_space<vmem>>, vector<16xf32>,
      %mul3A_476 = arith.mulf %gather3A, %get3A_475 : vector<16xf32>
      %get3A_477 = arith.index_cast %select_n3A : i32 to index
      %get3A_478 = arith.index_cast %mul3A_472 : i32 to index
      %get3A_479 = tpu.vector_load %arg21[%get3A_477, %get3A_478] {strides = array<i32>} : memref<16x1024xf32, #tpu.memory_space<vmem>>, vector<16xf32>,
      %mul3A_480 = arith.mulf %gather3A_316, %get3A_479 : vector<16xf32>
      %add3A_481 = arith.addf %mul3A_476, %mul3A_480 : vector<16xf32>
      %swap3A_482 = arith.index_cast %select_n3A : i32 to index
      %swap3A_483 = arith.index_cast %mul3A_472 : i32 to index
      %swap3A_484 = tpu.vector_load %arg18[%swap3A_482, %swap3A_483] {strides = array<i32>} : memref<16x1024xf32, #tpu.memory_space<vmem>>, vector<16xf32>,
      tpu.vector_store %arg18[%swap3A_482, %swap3A_483], %add3A_481 {strides = array<i32>} : memref<16x1024xf32, #tpu.memory_space<vmem>>, vector<16xf32>,
      %mul3A_485 = arith.constant 8 : i32
      %mul3A_486 = arith.muli %scan3A_294, %mul3A_485 : i32
      %add3A_487 = arith.constant 5 : i32
      %add3A_488 = arith.addi %mul3A_486, %add3A_487 : i32
      %jit3A_489 = arith.constant 64 : i32
      %eq3A_490 = arith.constant 0 : i32
      %eq3A_491 = arith.cmpi eq, %jit3A_489, %eq3A_490 : i32
      %jit3A_492 = arith.constant 1 : i32
      %select_n3A_493 = arith.select %eq3A_491, %jit3A_492, %jit3A_489 : i32
      %rem3A_494 = arith.remsi %add3A_488, %select_n3A_493 : i32
      %ne3A_495 = arith.constant 0 : i32
      %ne3A_496 = arith.cmpi ne, %rem3A_494, %ne3A_495 : i32
      %lt3A_497 = arith.constant 0 : i32
      %lt3A_498 = arith.cmpi slt, %rem3A_494, %lt3A_497 : i32
      %lt3A_499 = arith.constant 0 : i32
      %lt3A_500 = arith.cmpi slt, %select_n3A_493, %lt3A_499 : i32
      %ne3A_501 = arith.xori %lt3A_498, %lt3A_500 : i1
      %and3A_502 = arith.andi %ne3A_501, %ne3A_496 : i1
      %add3A_503 = arith.addi %rem3A_494, %select_n3A_493 : i32
      %select_n3A_504 = arith.select %and3A_502, %add3A_503, %rem3A_494 : i32
      %mul3A_505 = arith.constant 16 : i32
      %mul3A_506 = arith.muli %select_n3A_504, %mul3A_505 : i32
      %get3A_507 = arith.index_cast %select_n3A : i32 to index
      %get3A_508 = arith.index_cast %mul3A_506 : i32 to index
      %get3A_509 = tpu.vector_load %arg18[%get3A_507, %get3A_508] {strides = array<i32>} : memref<16x1024xf32, #tpu.memory_space<vmem>>, vector<16xf32>,
      %mul3A_510 = arith.mulf %gather3A, %get3A_509 : vector<16xf32>
      %get3A_511 = arith.index_cast %select_n3A : i32 to index
      %get3A_512 = arith.index_cast %mul3A_506 : i32 to index
      %get3A_513 = tpu.vector_load %arg21[%get3A_511, %get3A_512] {strides = array<i32>} : memref<16x1024xf32, #tpu.memory_space<vmem>>, vector<16xf32>,
      %mul3A_514 = arith.mulf %gather3A_316, %get3A_513 : vector<16xf32>
      %add3A_515 = arith.addf %mul3A_510, %mul3A_514 : vector<16xf32>
      %swap3A_516 = arith.index_cast %select_n3A : i32 to index
      %swap3A_517 = arith.index_cast %mul3A_506 : i32 to index
      %swap3A_518 = tpu.vector_load %arg18[%swap3A_516, %swap3A_517] {strides = array<i32>} : memref<16x1024xf32, #tpu.memory_space<vmem>>, vector<16xf32>,
      tpu.vector_store %arg18[%swap3A_516, %swap3A_517], %add3A_515 {strides = array<i32>} : memref<16x1024xf32, #tpu.memory_space<vmem>>, vector<16xf32>,
      %mul3A_519 = arith.constant 8 : i32
      %mul3A_520 = arith.muli %scan3A_294, %mul3A_519 : i32
      %add3A_521 = arith.constant 6 : i32
      %add3A_522 = arith.addi %mul3A_520, %add3A_521 : i32
      %jit3A_523 = arith.constant 64 : i32
      %eq3A_524 = arith.constant 0 : i32
      %eq3A_525 = arith.cmpi eq, %jit3A_523, %eq3A_524 : i32
      %jit3A_526 = arith.constant 1 : i32
      %select_n3A_527 = arith.select %eq3A_525, %jit3A_526, %jit3A_523 : i32
      %rem3A_528 = arith.remsi %add3A_522, %select_n3A_527 : i32
      %ne3A_529 = arith.constant 0 : i32
      %ne3A_530 = arith.cmpi ne, %rem3A_528, %ne3A_529 : i32
      %lt3A_531 = arith.constant 0 : i32
      %lt3A_532 = arith.cmpi slt, %rem3A_528, %lt3A_531 : i32
      %lt3A_533 = arith.constant 0 : i32
      %lt3A_534 = arith.cmpi slt, %select_n3A_527, %lt3A_533 : i32
      %ne3A_535 = arith.xori %lt3A_532, %lt3A_534 : i1
      %and3A_536 = arith.andi %ne3A_535, %ne3A_530 : i1
      %add3A_537 = arith.addi %rem3A_528, %select_n3A_527 : i32
      %select_n3A_538 = arith.select %and3A_536, %add3A_537, %rem3A_528 : i32
      %mul3A_539 = arith.constant 16 : i32
      %mul3A_540 = arith.muli %select_n3A_538, %mul3A_539 : i32
      %get3A_541 = arith.index_cast %select_n3A : i32 to index
      %get3A_542 = arith.index_cast %mul3A_540 : i32 to index
      %get3A_543 = tpu.vector_load %arg18[%get3A_541, %get3A_542] {strides = array<i32>} : memref<16x1024xf32, #tpu.memory_space<vmem>>, vector<16xf32>,
      %mul3A_544 = arith.mulf %gather3A, %get3A_543 : vector<16xf32>
      %get3A_545 = arith.index_cast %select_n3A : i32 to index
      %get3A_546 = arith.index_cast %mul3A_540 : i32 to index
      %get3A_547 = tpu.vector_load %arg21[%get3A_545, %get3A_546] {strides = array<i32>} : memref<16x1024xf32, #tpu.memory_space<vmem>>, vector<16xf32>,
      %mul3A_548 = arith.mulf %gather3A_316, %get3A_547 : vector<16xf32>
      %add3A_549 = arith.addf %mul3A_544, %mul3A_548 : vector<16xf32>
      %swap3A_550 = arith.index_cast %select_n3A : i32 to index
      %swap3A_551 = arith.index_cast %mul3A_540 : i32 to index
      %swap3A_552 = tpu.vector_load %arg18[%swap3A_550, %swap3A_551] {strides = array<i32>} : memref<16x1024xf32, #tpu.memory_space<vmem>>, vector<16xf32>,
      tpu.vector_store %arg18[%swap3A_550, %swap3A_551], %add3A_549 {strides = array<i32>} : memref<16x1024xf32, #tpu.memory_space<vmem>>, vector<16xf32>,
      %mul3A_553 = arith.constant 8 : i32
      %mul3A_554 = arith.muli %scan3A_294, %mul3A_553 : i32
      %add3A_555 = arith.constant 7 : i32
      %add3A_556 = arith.addi %mul3A_554, %add3A_555 : i32
      %jit3A_557 = arith.constant 64 : i32
      %eq3A_558 = arith.constant 0 : i32
      %eq3A_559 = arith.cmpi eq, %jit3A_557, %eq3A_558 : i32
      %jit3A_560 = arith.constant 1 : i32
      %select_n3A_561 = arith.select %eq3A_559, %jit3A_560, %jit3A_557 : i32
      %rem3A_562 = arith.remsi %add3A_556, %select_n3A_561 : i32
      %ne3A_563 = arith.constant 0 : i32
      %ne3A_564 = arith.cmpi ne, %rem3A_562, %ne3A_563 : i32
      %lt3A_565 = arith.constant 0 : i32
      %lt3A_566 = arith.cmpi slt, %rem3A_562, %lt3A_565 : i32
      %lt3A_567 = arith.constant 0 : i32
      %lt3A_568 = arith.cmpi slt, %select_n3A_561, %lt3A_567 : i32
      %ne3A_569 = arith.xori %lt3A_566, %lt3A_568 : i1
      %and3A_570 = arith.andi %ne3A_569, %ne3A_564 : i1
      %add3A_571 = arith.addi %rem3A_562, %select_n3A_561 : i32
      %select_n3A_572 = arith.select %and3A_570, %add3A_571, %rem3A_562 : i32
      %mul3A_573 = arith.constant 16 : i32
      %mul3A_574 = arith.muli %select_n3A_572, %mul3A_573 : i32
      %get3A_575 = arith.index_cast %select_n3A : i32 to index
      %get3A_576 = arith.index_cast %mul3A_574 : i32 to index
      %get3A_577 = tpu.vector_load %arg18[%get3A_575, %get3A_576] {strides = array<i32>} : memref<16x1024xf32, #tpu.memory_space<vmem>>, vector<16xf32>,
      %mul3A_578 = arith.mulf %gather3A, %get3A_577 : vector<16xf32>
      %get3A_579 = arith.index_cast %select_n3A : i32 to index
      %get3A_580 = arith.index_cast %mul3A_574 : i32 to index
      %get3A_581 = tpu.vector_load %arg21[%get3A_579, %get3A_580] {strides = array<i32>} : memref<16x1024xf32, #tpu.memory_space<vmem>>, vector<16xf32>,
      %mul3A_582 = arith.mulf %gather3A_316, %get3A_581 : vector<16xf32>
      %add3A_583 = arith.addf %mul3A_578, %mul3A_582 : vector<16xf32>
      %swap3A_584 = arith.index_cast %select_n3A : i32 to index
      %swap3A_585 = arith.index_cast %mul3A_574 : i32 to index
      %swap3A_586 = tpu.vector_load %arg18[%swap3A_584, %swap3A_585] {strides = array<i32>} : memref<16x1024xf32, #tpu.memory_space<vmem>>, vector<16xf32>,
      tpu.vector_store %arg18[%swap3A_584, %swap3A_585], %add3A_583 {strides = array<i32>} : memref<16x1024xf32, #tpu.memory_space<vmem>>, vector<16xf32>,
      %scan3A_587 = arith.constant 0 : i32
      scf.yield %scan3A_587 : i32
    }
    %scan3A_145 = arith.constant 128 : i32
    %add3A_146 = arith.constant 48 : i32
    %add3A_147 = arith.addi %mul3A_2, %add3A_146 : i32
    %dma_start3A_148 = arith.constant 0 : i32
    %dma_start3A_149 = tpu.memref_slice %arg7[%add3A_147, %dma_start3A_148] : memref<4096x1024xf32, #tpu.memory_space<hbm>> -> memref<16x1024xf32, #tpu.memory_space<hbm>>
    %dma_start3A_150 = arith.constant 0 : i32
    %dma_start3A_151 = tpu.memref_slice %arg7[%add3A_147, %dma_start3A_150] : memref<4096x1024xf32, #tpu.memory_space<hbm>> -> memref<16x1024xf32, #tpu.memory_space<hbm>>
    tpu.enqueue_dma source(%arg18 : memref<16x1024xf32, #tpu.memory_space<vmem>>) target(%dma_start3A_151 : memref<16x1024xf32, #tpu.memory_space<hbm>>) target_semaphore(%arg30 : memref<!tpu.dma_semaphore, #tpu.memory_space<semaphore_mem>>)
    %dma_wait3A_152 = arith.constant 0 : i32
    %dma_wait3A_153 = tpu.memref_slice %arg7[%add3A_110, %dma_wait3A_152] : memref<4096x1024xf32, #tpu.memory_space<hbm>> -> memref<16x1024xf32, #tpu.memory_space<hbm>>
    %dma_wait3A_154 = arith.constant 0 : i32
    %dma_wait3A_155 = tpu.memref_slice %arg7[%add3A_110, %dma_wait3A_154] : memref<4096x1024xf32, #tpu.memory_space<hbm>> -> memref<16x1024xf32, #tpu.memory_space<hbm>>
    tpu.wait_dma2 semaphore(%arg32 : memref<!tpu.dma_semaphore, #tpu.memory_space<semaphore_mem>>) src(%arg20 : memref<16x1024xf32, #tpu.memory_space<vmem>>) dst(%dma_wait3A_155 : memref<16x1024xf32, #tpu.memory_space<hbm>>)
    %get3A_156 = arith.constant 80 : index
    %get3A_157 = tpu.vector_load %arg8[%get3A_156] {strides = array<i32>} : memref<128xi32, #tpu.memory_space<vmem>>, vector<16xi32>,
    %swap3A_158 = arith.constant 0 : index
    %swap3A_159 = tpu.vector_load %arg14[%swap3A_158] {strides = array<i32>} : memref<16xi32, #tpu.memory_space<vmem>>, vector<16xi32>,
    tpu.vector_store %arg14[%swap3A_158], %get3A_157 {strides = array<i32>} : memref<16xi32, #tpu.memory_space<vmem>>, vector<16xi32>,
    %get3A_160 = arith.constant 80 : index
    %get3A_161 = tpu.vector_load %arg9[%get3A_160] {strides = array<i32>} : memref<128xi32, #tpu.memory_space<vmem>>, vector<16xi32>,
    %swap3A_162 = arith.constant 0 : index
    %swap3A_163 = tpu.vector_load %arg17[%swap3A_162] {strides = array<i32>} : memref<16xi32, #tpu.memory_space<vmem>>, vector<16xi32>,
    tpu.vector_store %arg17[%swap3A_162], %get3A_161 {strides = array<i32>} : memref<16xi32, #tpu.memory_space<vmem>>, vector<16xi32>,
    %dma_start3A_164 = arith.constant 0 : i32
    %dma_start3A_165 = arith.constant 0 : i32
    %dma_start3A_166 = tpu.memref_slice %arg6[%dma_start3A_164, %dma_start3A_165] : memref<10240x1024xf32, #tpu.memory_space<hbm>> -> memref<10240x1024xf32, #tpu.memory_space<hbm>>
    tpu.enqueue_indirect_dma source(%dma_start3A_166 : memref<10240x1024xf32, #tpu.memory_space<hbm>>) target(%arg20 : memref<16x1024xf32, #tpu.memory_space<vmem>>) offsets(%arg14 : memref<16xi32, #tpu.memory_space<vmem>>) semaphore(%arg26 : memref<!tpu.dma_semaphore, #tpu.memory_space<semaphore_mem>>)
    %dma_start3A_167 = arith.constant 0 : i32
    %dma_start3A_168 = arith.constant 0 : i32
    %dma_start3A_169 = tpu.memref_slice %arg6[%dma_start3A_167, %dma_start3A_168] : memref<10240x1024xf32, #tpu.memory_space<hbm>> -> memref<10240x1024xf32, #tpu.memory_space<hbm>>
    tpu.enqueue_indirect_dma source(%dma_start3A_169 : memref<10240x1024xf32, #tpu.memory_space<hbm>>) target(%arg23 : memref<16x1024xf32, #tpu.memory_space<vmem>>) offsets(%arg17 : memref<16xi32, #tpu.memory_space<vmem>>) semaphore(%arg29 : memref<!tpu.dma_semaphore, #tpu.memory_space<semaphore_mem>>)
    %dma_wait3A_170 = arith.constant 0 : i32
    %dma_wait3A_171 = arith.constant 0 : i32
    %dma_wait3A_172 = tpu.memref_slice %arg6[%dma_wait3A_170, %dma_wait3A_171] : memref<10240x1024xf32, #tpu.memory_space<hbm>> -> memref<10240x1024xf32, #tpu.memory_space<hbm>>
    tpu.wait_indirect_dma semaphore(%arg25 : memref<!tpu.dma_semaphore, #tpu.memory_space<semaphore_mem>>) src(%dma_wait3A_172 : memref<10240x1024xf32, #tpu.memory_space<hbm>>) dst(%arg19 : memref<16x1024xf32, #tpu.memory_space<vmem>>)
    %dma_wait3A_173 = arith.constant 0 : i32
    %dma_wait3A_174 = arith.constant 0 : i32
    %dma_wait3A_175 = tpu.memref_slice %arg6[%dma_wait3A_173, %dma_wait3A_174] : memref<10240x1024xf32, #tpu.memory_space<hbm>> -> memref<10240x1024xf32, #tpu.memory_space<hbm>>
    tpu.wait_indirect_dma semaphore(%arg28 : memref<!tpu.dma_semaphore, #tpu.memory_space<semaphore_mem>>) src(%dma_wait3A_175 : memref<10240x1024xf32, #tpu.memory_space<hbm>>) dst(%arg22 : memref<16x1024xf32, #tpu.memory_space<vmem>>)
    %scan3A_176 = arith.constant 0 : i32
    %scan3A_177 = arith.constant 0 : i32
    %scan3A_178 = arith.constant 128 : i32
    %scan3A_179 = arith.addi %scan3A_177, %scan3A_178 : i32
    %scan3A_180 = arith.constant 1 : i32
    %scan3A_181 = scf.for %scan3A_294 = %scan3A_177 to %scan3A_179 step %scan3A_180 iter_args(%scan3A_295 = %scan3A_176) -> (i32)  : i32 {
      %mul3A_296 = arith.constant 8 : i32
      %mul3A_297 = arith.muli %scan3A_294, %mul3A_296 : i32
      %jit3A = arith.constant 64 : i32
      %div3A = arith.divsi %mul3A_297, %jit3A : i32
      %sign3A = arith.constant 0 : i32
      %sign3A_298 = arith.cmpi sgt, %mul3A_297, %sign3A : i32
      %sign3A_299 = arith.extui %sign3A_298 : i1 to i32
      %sign3A_300 = arith.constant 0 : i32
      %sign3A_301 = arith.cmpi slt, %mul3A_297, %sign3A_300 : i32
      %sign3A_302 = arith.extui %sign3A_301 : i1 to i32
      %sign3A_303 = arith.subi %sign3A_299, %sign3A_302 : i32
      %sign3A_304 = arith.constant 0 : i32
      %sign3A_305 = arith.cmpi sgt, %jit3A, %sign3A_304 : i32
      %sign3A_306 = arith.extui %sign3A_305 : i1 to i32
      %sign3A_307 = arith.constant 0 : i32
      %sign3A_308 = arith.cmpi slt, %jit3A, %sign3A_307 : i32
      %sign3A_309 = arith.extui %sign3A_308 : i1 to i32
      %sign3A_310 = arith.subi %sign3A_306, %sign3A_309 : i32
      %ne3A = arith.cmpi ne, %sign3A_303, %sign3A_310 : i32
      %rem3A = arith.remsi %mul3A_297, %jit3A : i32
      %ne3A_311 = arith.constant 0 : i32
      %ne3A_312 = arith.cmpi ne, %rem3A, %ne3A_311 : i32
      %and3A = arith.andi %ne3A, %ne3A_312 : i1
      %sub3A = arith.constant 1 : i32
      %sub3A_313 = arith.subi %div3A, %sub3A : i32
      %select_n3A = arith.select %and3A, %sub3A_313, %div3A : i32
      %add3A_314 = arith.constant 64 : i32
      %add3A_315 = arith.addi %add3A_314, %select_n3A : i32
      %broadcast_in_dim3A = vector.broadcast %add3A_315 : i32 to vector<16xi32>
      %gather3A = tpu.vector_load_idx %arg10[%broadcast_in_dim3A] : memref<128xf32, #tpu.memory_space<vmem>>[vector<16xi32>], vector<16xf32>,
      %gather3A_316 = tpu.vector_load_idx %arg11[%broadcast_in_dim3A] : memref<128xf32, #tpu.memory_space<vmem>>[vector<16xi32>], vector<16xf32>,
      %mul3A_317 = arith.constant 8 : i32
      %mul3A_318 = arith.muli %scan3A_294, %mul3A_317 : i32
      %add3A_319 = arith.constant 0 : i32
      %add3A_320 = arith.addi %mul3A_318, %add3A_319 : i32
      %jit3A_321 = arith.constant 64 : i32
      %eq3A = arith.constant 0 : i32
      %eq3A_322 = arith.cmpi eq, %jit3A_321, %eq3A : i32
      %jit3A_323 = arith.constant 1 : i32
      %select_n3A_324 = arith.select %eq3A_322, %jit3A_323, %jit3A_321 : i32
      %rem3A_325 = arith.remsi %add3A_320, %select_n3A_324 : i32
      %ne3A_326 = arith.constant 0 : i32
      %ne3A_327 = arith.cmpi ne, %rem3A_325, %ne3A_326 : i32
      %lt3A = arith.constant 0 : i32
      %lt3A_328 = arith.cmpi slt, %rem3A_325, %lt3A : i32
      %lt3A_329 = arith.constant 0 : i32
      %lt3A_330 = arith.cmpi slt, %select_n3A_324, %lt3A_329 : i32
      %ne3A_331 = arith.xori %lt3A_328, %lt3A_330 : i1
      %and3A_332 = arith.andi %ne3A_331, %ne3A_327 : i1
      %add3A_333 = arith.addi %rem3A_325, %select_n3A_324 : i32
      %select_n3A_334 = arith.select %and3A_332, %add3A_333, %rem3A_325 : i32
      %mul3A_335 = arith.constant 16 : i32
      %mul3A_336 = arith.muli %select_n3A_334, %mul3A_335 : i32
      %get3A_337 = arith.index_cast %select_n3A : i32 to index
      %get3A_338 = arith.index_cast %mul3A_336 : i32 to index
      %get3A_339 = tpu.vector_load %arg19[%get3A_337, %get3A_338] {strides = array<i32>} : memref<16x1024xf32, #tpu.memory_space<vmem>>, vector<16xf32>,
      %mul3A_340 = arith.mulf %gather3A, %get3A_339 : vector<16xf32>
      %get3A_341 = arith.index_cast %select_n3A : i32 to index
      %get3A_342 = arith.index_cast %mul3A_336 : i32 to index
      %get3A_343 = tpu.vector_load %arg22[%get3A_341, %get3A_342] {strides = array<i32>} : memref<16x1024xf32, #tpu.memory_space<vmem>>, vector<16xf32>,
      %mul3A_344 = arith.mulf %gather3A_316, %get3A_343 : vector<16xf32>
      %add3A_345 = arith.addf %mul3A_340, %mul3A_344 : vector<16xf32>
      %swap3A_346 = arith.index_cast %select_n3A : i32 to index
      %swap3A_347 = arith.index_cast %mul3A_336 : i32 to index
      %swap3A_348 = tpu.vector_load %arg19[%swap3A_346, %swap3A_347] {strides = array<i32>} : memref<16x1024xf32, #tpu.memory_space<vmem>>, vector<16xf32>,
      tpu.vector_store %arg19[%swap3A_346, %swap3A_347], %add3A_345 {strides = array<i32>} : memref<16x1024xf32, #tpu.memory_space<vmem>>, vector<16xf32>,
      %mul3A_349 = arith.constant 8 : i32
      %mul3A_350 = arith.muli %scan3A_294, %mul3A_349 : i32
      %add3A_351 = arith.constant 1 : i32
      %add3A_352 = arith.addi %mul3A_350, %add3A_351 : i32
      %jit3A_353 = arith.constant 64 : i32
      %eq3A_354 = arith.constant 0 : i32
      %eq3A_355 = arith.cmpi eq, %jit3A_353, %eq3A_354 : i32
      %jit3A_356 = arith.constant 1 : i32
      %select_n3A_357 = arith.select %eq3A_355, %jit3A_356, %jit3A_353 : i32
      %rem3A_358 = arith.remsi %add3A_352, %select_n3A_357 : i32
      %ne3A_359 = arith.constant 0 : i32
      %ne3A_360 = arith.cmpi ne, %rem3A_358, %ne3A_359 : i32
      %lt3A_361 = arith.constant 0 : i32
      %lt3A_362 = arith.cmpi slt, %rem3A_358, %lt3A_361 : i32
      %lt3A_363 = arith.constant 0 : i32
      %lt3A_364 = arith.cmpi slt, %select_n3A_357, %lt3A_363 : i32
      %ne3A_365 = arith.xori %lt3A_362, %lt3A_364 : i1
      %and3A_366 = arith.andi %ne3A_365, %ne3A_360 : i1
      %add3A_367 = arith.addi %rem3A_358, %select_n3A_357 : i32
      %select_n3A_368 = arith.select %and3A_366, %add3A_367, %rem3A_358 : i32
      %mul3A_369 = arith.constant 16 : i32
      %mul3A_370 = arith.muli %select_n3A_368, %mul3A_369 : i32
      %get3A_371 = arith.index_cast %select_n3A : i32 to index
      %get3A_372 = arith.index_cast %mul3A_370 : i32 to index
      %get3A_373 = tpu.vector_load %arg19[%get3A_371, %get3A_372] {strides = array<i32>} : memref<16x1024xf32, #tpu.memory_space<vmem>>, vector<16xf32>,
      %mul3A_374 = arith.mulf %gather3A, %get3A_373 : vector<16xf32>
      %get3A_375 = arith.index_cast %select_n3A : i32 to index
      %get3A_376 = arith.index_cast %mul3A_370 : i32 to index
      %get3A_377 = tpu.vector_load %arg22[%get3A_375, %get3A_376] {strides = array<i32>} : memref<16x1024xf32, #tpu.memory_space<vmem>>, vector<16xf32>,
      %mul3A_378 = arith.mulf %gather3A_316, %get3A_377 : vector<16xf32>
      %add3A_379 = arith.addf %mul3A_374, %mul3A_378 : vector<16xf32>
      %swap3A_380 = arith.index_cast %select_n3A : i32 to index
      %swap3A_381 = arith.index_cast %mul3A_370 : i32 to index
      %swap3A_382 = tpu.vector_load %arg19[%swap3A_380, %swap3A_381] {strides = array<i32>} : memref<16x1024xf32, #tpu.memory_space<vmem>>, vector<16xf32>,
      tpu.vector_store %arg19[%swap3A_380, %swap3A_381], %add3A_379 {strides = array<i32>} : memref<16x1024xf32, #tpu.memory_space<vmem>>, vector<16xf32>,
      %mul3A_383 = arith.constant 8 : i32
      %mul3A_384 = arith.muli %scan3A_294, %mul3A_383 : i32
      %add3A_385 = arith.constant 2 : i32
      %add3A_386 = arith.addi %mul3A_384, %add3A_385 : i32
      %jit3A_387 = arith.constant 64 : i32
      %eq3A_388 = arith.constant 0 : i32
      %eq3A_389 = arith.cmpi eq, %jit3A_387, %eq3A_388 : i32
      %jit3A_390 = arith.constant 1 : i32
      %select_n3A_391 = arith.select %eq3A_389, %jit3A_390, %jit3A_387 : i32
      %rem3A_392 = arith.remsi %add3A_386, %select_n3A_391 : i32
      %ne3A_393 = arith.constant 0 : i32
      %ne3A_394 = arith.cmpi ne, %rem3A_392, %ne3A_393 : i32
      %lt3A_395 = arith.constant 0 : i32
      %lt3A_396 = arith.cmpi slt, %rem3A_392, %lt3A_395 : i32
      %lt3A_397 = arith.constant 0 : i32
      %lt3A_398 = arith.cmpi slt, %select_n3A_391, %lt3A_397 : i32
      %ne3A_399 = arith.xori %lt3A_396, %lt3A_398 : i1
      %and3A_400 = arith.andi %ne3A_399, %ne3A_394 : i1
      %add3A_401 = arith.addi %rem3A_392, %select_n3A_391 : i32
      %select_n3A_402 = arith.select %and3A_400, %add3A_401, %rem3A_392 : i32
      %mul3A_403 = arith.constant 16 : i32
      %mul3A_404 = arith.muli %select_n3A_402, %mul3A_403 : i32
      %get3A_405 = arith.index_cast %select_n3A : i32 to index
      %get3A_406 = arith.index_cast %mul3A_404 : i32 to index
      %get3A_407 = tpu.vector_load %arg19[%get3A_405, %get3A_406] {strides = array<i32>} : memref<16x1024xf32, #tpu.memory_space<vmem>>, vector<16xf32>,
      %mul3A_408 = arith.mulf %gather3A, %get3A_407 : vector<16xf32>
      %get3A_409 = arith.index_cast %select_n3A : i32 to index
      %get3A_410 = arith.index_cast %mul3A_404 : i32 to index
      %get3A_411 = tpu.vector_load %arg22[%get3A_409, %get3A_410] {strides = array<i32>} : memref<16x1024xf32, #tpu.memory_space<vmem>>, vector<16xf32>,
      %mul3A_412 = arith.mulf %gather3A_316, %get3A_411 : vector<16xf32>
      %add3A_413 = arith.addf %mul3A_408, %mul3A_412 : vector<16xf32>
      %swap3A_414 = arith.index_cast %select_n3A : i32 to index
      %swap3A_415 = arith.index_cast %mul3A_404 : i32 to index
      %swap3A_416 = tpu.vector_load %arg19[%swap3A_414, %swap3A_415] {strides = array<i32>} : memref<16x1024xf32, #tpu.memory_space<vmem>>, vector<16xf32>,
      tpu.vector_store %arg19[%swap3A_414, %swap3A_415], %add3A_413 {strides = array<i32>} : memref<16x1024xf32, #tpu.memory_space<vmem>>, vector<16xf32>,
      %mul3A_417 = arith.constant 8 : i32
      %mul3A_418 = arith.muli %scan3A_294, %mul3A_417 : i32
      %add3A_419 = arith.constant 3 : i32
      %add3A_420 = arith.addi %mul3A_418, %add3A_419 : i32
      %jit3A_421 = arith.constant 64 : i32
      %eq3A_422 = arith.constant 0 : i32
      %eq3A_423 = arith.cmpi eq, %jit3A_421, %eq3A_422 : i32
      %jit3A_424 = arith.constant 1 : i32
      %select_n3A_425 = arith.select %eq3A_423, %jit3A_424, %jit3A_421 : i32
      %rem3A_426 = arith.remsi %add3A_420, %select_n3A_425 : i32
      %ne3A_427 = arith.constant 0 : i32
      %ne3A_428 = arith.cmpi ne, %rem3A_426, %ne3A_427 : i32
      %lt3A_429 = arith.constant 0 : i32
      %lt3A_430 = arith.cmpi slt, %rem3A_426, %lt3A_429 : i32
      %lt3A_431 = arith.constant 0 : i32
      %lt3A_432 = arith.cmpi slt, %select_n3A_425, %lt3A_431 : i32
      %ne3A_433 = arith.xori %lt3A_430, %lt3A_432 : i1
      %and3A_434 = arith.andi %ne3A_433, %ne3A_428 : i1
      %add3A_435 = arith.addi %rem3A_426, %select_n3A_425 : i32
      %select_n3A_436 = arith.select %and3A_434, %add3A_435, %rem3A_426 : i32
      %mul3A_437 = arith.constant 16 : i32
      %mul3A_438 = arith.muli %select_n3A_436, %mul3A_437 : i32
      %get3A_439 = arith.index_cast %select_n3A : i32 to index
      %get3A_440 = arith.index_cast %mul3A_438 : i32 to index
      %get3A_441 = tpu.vector_load %arg19[%get3A_439, %get3A_440] {strides = array<i32>} : memref<16x1024xf32, #tpu.memory_space<vmem>>, vector<16xf32>,
      %mul3A_442 = arith.mulf %gather3A, %get3A_441 : vector<16xf32>
      %get3A_443 = arith.index_cast %select_n3A : i32 to index
      %get3A_444 = arith.index_cast %mul3A_438 : i32 to index
      %get3A_445 = tpu.vector_load %arg22[%get3A_443, %get3A_444] {strides = array<i32>} : memref<16x1024xf32, #tpu.memory_space<vmem>>, vector<16xf32>,
      %mul3A_446 = arith.mulf %gather3A_316, %get3A_445 : vector<16xf32>
      %add3A_447 = arith.addf %mul3A_442, %mul3A_446 : vector<16xf32>
      %swap3A_448 = arith.index_cast %select_n3A : i32 to index
      %swap3A_449 = arith.index_cast %mul3A_438 : i32 to index
      %swap3A_450 = tpu.vector_load %arg19[%swap3A_448, %swap3A_449] {strides = array<i32>} : memref<16x1024xf32, #tpu.memory_space<vmem>>, vector<16xf32>,
      tpu.vector_store %arg19[%swap3A_448, %swap3A_449], %add3A_447 {strides = array<i32>} : memref<16x1024xf32, #tpu.memory_space<vmem>>, vector<16xf32>,
      %mul3A_451 = arith.constant 8 : i32
      %mul3A_452 = arith.muli %scan3A_294, %mul3A_451 : i32
      %add3A_453 = arith.constant 4 : i32
      %add3A_454 = arith.addi %mul3A_452, %add3A_453 : i32
      %jit3A_455 = arith.constant 64 : i32
      %eq3A_456 = arith.constant 0 : i32
      %eq3A_457 = arith.cmpi eq, %jit3A_455, %eq3A_456 : i32
      %jit3A_458 = arith.constant 1 : i32
      %select_n3A_459 = arith.select %eq3A_457, %jit3A_458, %jit3A_455 : i32
      %rem3A_460 = arith.remsi %add3A_454, %select_n3A_459 : i32
      %ne3A_461 = arith.constant 0 : i32
      %ne3A_462 = arith.cmpi ne, %rem3A_460, %ne3A_461 : i32
      %lt3A_463 = arith.constant 0 : i32
      %lt3A_464 = arith.cmpi slt, %rem3A_460, %lt3A_463 : i32
      %lt3A_465 = arith.constant 0 : i32
      %lt3A_466 = arith.cmpi slt, %select_n3A_459, %lt3A_465 : i32
      %ne3A_467 = arith.xori %lt3A_464, %lt3A_466 : i1
      %and3A_468 = arith.andi %ne3A_467, %ne3A_462 : i1
      %add3A_469 = arith.addi %rem3A_460, %select_n3A_459 : i32
      %select_n3A_470 = arith.select %and3A_468, %add3A_469, %rem3A_460 : i32
      %mul3A_471 = arith.constant 16 : i32
      %mul3A_472 = arith.muli %select_n3A_470, %mul3A_471 : i32
      %get3A_473 = arith.index_cast %select_n3A : i32 to index
      %get3A_474 = arith.index_cast %mul3A_472 : i32 to index
      %get3A_475 = tpu.vector_load %arg19[%get3A_473, %get3A_474] {strides = array<i32>} : memref<16x1024xf32, #tpu.memory_space<vmem>>, vector<16xf32>,
      %mul3A_476 = arith.mulf %gather3A, %get3A_475 : vector<16xf32>
      %get3A_477 = arith.index_cast %select_n3A : i32 to index
      %get3A_478 = arith.index_cast %mul3A_472 : i32 to index
      %get3A_479 = tpu.vector_load %arg22[%get3A_477, %get3A_478] {strides = array<i32>} : memref<16x1024xf32, #tpu.memory_space<vmem>>, vector<16xf32>,
      %mul3A_480 = arith.mulf %gather3A_316, %get3A_479 : vector<16xf32>
      %add3A_481 = arith.addf %mul3A_476, %mul3A_480 : vector<16xf32>
      %swap3A_482 = arith.index_cast %select_n3A : i32 to index
      %swap3A_483 = arith.index_cast %mul3A_472 : i32 to index
      %swap3A_484 = tpu.vector_load %arg19[%swap3A_482, %swap3A_483] {strides = array<i32>} : memref<16x1024xf32, #tpu.memory_space<vmem>>, vector<16xf32>,
      tpu.vector_store %arg19[%swap3A_482, %swap3A_483], %add3A_481 {strides = array<i32>} : memref<16x1024xf32, #tpu.memory_space<vmem>>, vector<16xf32>,
      %mul3A_485 = arith.constant 8 : i32
      %mul3A_486 = arith.muli %scan3A_294, %mul3A_485 : i32
      %add3A_487 = arith.constant 5 : i32
      %add3A_488 = arith.addi %mul3A_486, %add3A_487 : i32
      %jit3A_489 = arith.constant 64 : i32
      %eq3A_490 = arith.constant 0 : i32
      %eq3A_491 = arith.cmpi eq, %jit3A_489, %eq3A_490 : i32
      %jit3A_492 = arith.constant 1 : i32
      %select_n3A_493 = arith.select %eq3A_491, %jit3A_492, %jit3A_489 : i32
      %rem3A_494 = arith.remsi %add3A_488, %select_n3A_493 : i32
      %ne3A_495 = arith.constant 0 : i32
      %ne3A_496 = arith.cmpi ne, %rem3A_494, %ne3A_495 : i32
      %lt3A_497 = arith.constant 0 : i32
      %lt3A_498 = arith.cmpi slt, %rem3A_494, %lt3A_497 : i32
      %lt3A_499 = arith.constant 0 : i32
      %lt3A_500 = arith.cmpi slt, %select_n3A_493, %lt3A_499 : i32
      %ne3A_501 = arith.xori %lt3A_498, %lt3A_500 : i1
      %and3A_502 = arith.andi %ne3A_501, %ne3A_496 : i1
      %add3A_503 = arith.addi %rem3A_494, %select_n3A_493 : i32
      %select_n3A_504 = arith.select %and3A_502, %add3A_503, %rem3A_494 : i32
      %mul3A_505 = arith.constant 16 : i32
      %mul3A_506 = arith.muli %select_n3A_504, %mul3A_505 : i32
      %get3A_507 = arith.index_cast %select_n3A : i32 to index
      %get3A_508 = arith.index_cast %mul3A_506 : i32 to index
      %get3A_509 = tpu.vector_load %arg19[%get3A_507, %get3A_508] {strides = array<i32>} : memref<16x1024xf32, #tpu.memory_space<vmem>>, vector<16xf32>,
      %mul3A_510 = arith.mulf %gather3A, %get3A_509 : vector<16xf32>
      %get3A_511 = arith.index_cast %select_n3A : i32 to index
      %get3A_512 = arith.index_cast %mul3A_506 : i32 to index
      %get3A_513 = tpu.vector_load %arg22[%get3A_511, %get3A_512] {strides = array<i32>} : memref<16x1024xf32, #tpu.memory_space<vmem>>, vector<16xf32>,
      %mul3A_514 = arith.mulf %gather3A_316, %get3A_513 : vector<16xf32>
      %add3A_515 = arith.addf %mul3A_510, %mul3A_514 : vector<16xf32>
      %swap3A_516 = arith.index_cast %select_n3A : i32 to index
      %swap3A_517 = arith.index_cast %mul3A_506 : i32 to index
      %swap3A_518 = tpu.vector_load %arg19[%swap3A_516, %swap3A_517] {strides = array<i32>} : memref<16x1024xf32, #tpu.memory_space<vmem>>, vector<16xf32>,
      tpu.vector_store %arg19[%swap3A_516, %swap3A_517], %add3A_515 {strides = array<i32>} : memref<16x1024xf32, #tpu.memory_space<vmem>>, vector<16xf32>,
      %mul3A_519 = arith.constant 8 : i32
      %mul3A_520 = arith.muli %scan3A_294, %mul3A_519 : i32
      %add3A_521 = arith.constant 6 : i32
      %add3A_522 = arith.addi %mul3A_520, %add3A_521 : i32
      %jit3A_523 = arith.constant 64 : i32
      %eq3A_524 = arith.constant 0 : i32
      %eq3A_525 = arith.cmpi eq, %jit3A_523, %eq3A_524 : i32
      %jit3A_526 = arith.constant 1 : i32
      %select_n3A_527 = arith.select %eq3A_525, %jit3A_526, %jit3A_523 : i32
      %rem3A_528 = arith.remsi %add3A_522, %select_n3A_527 : i32
      %ne3A_529 = arith.constant 0 : i32
      %ne3A_530 = arith.cmpi ne, %rem3A_528, %ne3A_529 : i32
      %lt3A_531 = arith.constant 0 : i32
      %lt3A_532 = arith.cmpi slt, %rem3A_528, %lt3A_531 : i32
      %lt3A_533 = arith.constant 0 : i32
      %lt3A_534 = arith.cmpi slt, %select_n3A_527, %lt3A_533 : i32
      %ne3A_535 = arith.xori %lt3A_532, %lt3A_534 : i1
      %and3A_536 = arith.andi %ne3A_535, %ne3A_530 : i1
      %add3A_537 = arith.addi %rem3A_528, %select_n3A_527 : i32
      %select_n3A_538 = arith.select %and3A_536, %add3A_537, %rem3A_528 : i32
      %mul3A_539 = arith.constant 16 : i32
      %mul3A_540 = arith.muli %select_n3A_538, %mul3A_539 : i32
      %get3A_541 = arith.index_cast %select_n3A : i32 to index
      %get3A_542 = arith.index_cast %mul3A_540 : i32 to index
      %get3A_543 = tpu.vector_load %arg19[%get3A_541, %get3A_542] {strides = array<i32>} : memref<16x1024xf32, #tpu.memory_space<vmem>>, vector<16xf32>,
      %mul3A_544 = arith.mulf %gather3A, %get3A_543 : vector<16xf32>
      %get3A_545 = arith.index_cast %select_n3A : i32 to index
      %get3A_546 = arith.index_cast %mul3A_540 : i32 to index
      %get3A_547 = tpu.vector_load %arg22[%get3A_545, %get3A_546] {strides = array<i32>} : memref<16x1024xf32, #tpu.memory_space<vmem>>, vector<16xf32>,
      %mul3A_548 = arith.mulf %gather3A_316, %get3A_547 : vector<16xf32>
      %add3A_549 = arith.addf %mul3A_544, %mul3A_548 : vector<16xf32>
      %swap3A_550 = arith.index_cast %select_n3A : i32 to index
      %swap3A_551 = arith.index_cast %mul3A_540 : i32 to index
      %swap3A_552 = tpu.vector_load %arg19[%swap3A_550, %swap3A_551] {strides = array<i32>} : memref<16x1024xf32, #tpu.memory_space<vmem>>, vector<16xf32>,
      tpu.vector_store %arg19[%swap3A_550, %swap3A_551], %add3A_549 {strides = array<i32>} : memref<16x1024xf32, #tpu.memory_space<vmem>>, vector<16xf32>,
      %mul3A_553 = arith.constant 8 : i32
      %mul3A_554 = arith.muli %scan3A_294, %mul3A_553 : i32
      %add3A_555 = arith.constant 7 : i32
      %add3A_556 = arith.addi %mul3A_554, %add3A_555 : i32
      %jit3A_557 = arith.constant 64 : i32
      %eq3A_558 = arith.constant 0 : i32
      %eq3A_559 = arith.cmpi eq, %jit3A_557, %eq3A_558 : i32
      %jit3A_560 = arith.constant 1 : i32
      %select_n3A_561 = arith.select %eq3A_559, %jit3A_560, %jit3A_557 : i32
      %rem3A_562 = arith.remsi %add3A_556, %select_n3A_561 : i32
      %ne3A_563 = arith.constant 0 : i32
      %ne3A_564 = arith.cmpi ne, %rem3A_562, %ne3A_563 : i32
      %lt3A_565 = arith.constant 0 : i32
      %lt3A_566 = arith.cmpi slt, %rem3A_562, %lt3A_565 : i32
      %lt3A_567 = arith.constant 0 : i32
      %lt3A_568 = arith.cmpi slt, %select_n3A_561, %lt3A_567 : i32
      %ne3A_569 = arith.xori %lt3A_566, %lt3A_568 : i1
      %and3A_570 = arith.andi %ne3A_569, %ne3A_564 : i1
      %add3A_571 = arith.addi %rem3A_562, %select_n3A_561 : i32
      %select_n3A_572 = arith.select %and3A_570, %add3A_571, %rem3A_562 : i32
      %mul3A_573 = arith.constant 16 : i32
      %mul3A_574 = arith.muli %select_n3A_572, %mul3A_573 : i32
      %get3A_575 = arith.index_cast %select_n3A : i32 to index
      %get3A_576 = arith.index_cast %mul3A_574 : i32 to index
      %get3A_577 = tpu.vector_load %arg19[%get3A_575, %get3A_576] {strides = array<i32>} : memref<16x1024xf32, #tpu.memory_space<vmem>>, vector<16xf32>,
      %mul3A_578 = arith.mulf %gather3A, %get3A_577 : vector<16xf32>
      %get3A_579 = arith.index_cast %select_n3A : i32 to index
      %get3A_580 = arith.index_cast %mul3A_574 : i32 to index
      %get3A_581 = tpu.vector_load %arg22[%get3A_579, %get3A_580] {strides = array<i32>} : memref<16x1024xf32, #tpu.memory_space<vmem>>, vector<16xf32>,
      %mul3A_582 = arith.mulf %gather3A_316, %get3A_581 : vector<16xf32>
      %add3A_583 = arith.addf %mul3A_578, %mul3A_582 : vector<16xf32>
      %swap3A_584 = arith.index_cast %select_n3A : i32 to index
      %swap3A_585 = arith.index_cast %mul3A_574 : i32 to index
      %swap3A_586 = tpu.vector_load %arg19[%swap3A_584, %swap3A_585] {strides = array<i32>} : memref<16x1024xf32, #tpu.memory_space<vmem>>, vector<16xf32>,
      tpu.vector_store %arg19[%swap3A_584, %swap3A_585], %add3A_583 {strides = array<i32>} : memref<16x1024xf32, #tpu.memory_space<vmem>>, vector<16xf32>,
      %scan3A_587 = arith.constant 0 : i32
      scf.yield %scan3A_587 : i32
    }
    %scan3A_182 = arith.constant 128 : i32
    %add3A_183 = arith.constant 64 : i32
    %add3A_184 = arith.addi %mul3A_2, %add3A_183 : i32
    %dma_start3A_185 = arith.constant 0 : i32
    %dma_start3A_186 = tpu.memref_slice %arg7[%add3A_184, %dma_start3A_185] : memref<4096x1024xf32, #tpu.memory_space<hbm>> -> memref<16x1024xf32, #tpu.memory_space<hbm>>
    %dma_start3A_187 = arith.constant 0 : i32
    %dma_start3A_188 = tpu.memref_slice %arg7[%add3A_184, %dma_start3A_187] : memref<4096x1024xf32, #tpu.memory_space<hbm>> -> memref<16x1024xf32, #tpu.memory_space<hbm>>
    tpu.enqueue_dma source(%arg19 : memref<16x1024xf32, #tpu.memory_space<vmem>>) target(%dma_start3A_188 : memref<16x1024xf32, #tpu.memory_space<hbm>>) target_semaphore(%arg31 : memref<!tpu.dma_semaphore, #tpu.memory_space<semaphore_mem>>)
    %dma_wait3A_189 = arith.constant 0 : i32
    %dma_wait3A_190 = tpu.memref_slice %arg7[%add3A_147, %dma_wait3A_189] : memref<4096x1024xf32, #tpu.memory_space<hbm>> -> memref<16x1024xf32, #tpu.memory_space<hbm>>
    %dma_wait3A_191 = arith.constant 0 : i32
    %dma_wait3A_192 = tpu.memref_slice %arg7[%add3A_147, %dma_wait3A_191] : memref<4096x1024xf32, #tpu.memory_space<hbm>> -> memref<16x1024xf32, #tpu.memory_space<hbm>>
    tpu.wait_dma2 semaphore(%arg30 : memref<!tpu.dma_semaphore, #tpu.memory_space<semaphore_mem>>) src(%arg18 : memref<16x1024xf32, #tpu.memory_space<vmem>>) dst(%dma_wait3A_192 : memref<16x1024xf32, #tpu.memory_space<hbm>>)
    %get3A_193 = arith.constant 96 : index
    %get3A_194 = tpu.vector_load %arg8[%get3A_193] {strides = array<i32>} : memref<128xi32, #tpu.memory_space<vmem>>, vector<16xi32>,
    %swap3A_195 = arith.constant 0 : index
    %swap3A_196 = tpu.vector_load %arg12[%swap3A_195] {strides = array<i32>} : memref<16xi32, #tpu.memory_space<vmem>>, vector<16xi32>,
    tpu.vector_store %arg12[%swap3A_195], %get3A_194 {strides = array<i32>} : memref<16xi32, #tpu.memory_space<vmem>>, vector<16xi32>,
    %get3A_197 = arith.constant 96 : index
    %get3A_198 = tpu.vector_load %arg9[%get3A_197] {strides = array<i32>} : memref<128xi32, #tpu.memory_space<vmem>>, vector<16xi32>,
    %swap3A_199 = arith.constant 0 : index
    %swap3A_200 = tpu.vector_load %arg15[%swap3A_199] {strides = array<i32>} : memref<16xi32, #tpu.memory_space<vmem>>, vector<16xi32>,
    tpu.vector_store %arg15[%swap3A_199], %get3A_198 {strides = array<i32>} : memref<16xi32, #tpu.memory_space<vmem>>, vector<16xi32>,
    %dma_start3A_201 = arith.constant 0 : i32
    %dma_start3A_202 = arith.constant 0 : i32
    %dma_start3A_203 = tpu.memref_slice %arg6[%dma_start3A_201, %dma_start3A_202] : memref<10240x1024xf32, #tpu.memory_space<hbm>> -> memref<10240x1024xf32, #tpu.memory_space<hbm>>
    tpu.enqueue_indirect_dma source(%dma_start3A_203 : memref<10240x1024xf32, #tpu.memory_space<hbm>>) target(%arg18 : memref<16x1024xf32, #tpu.memory_space<vmem>>) offsets(%arg12 : memref<16xi32, #tpu.memory_space<vmem>>) semaphore(%arg24 : memref<!tpu.dma_semaphore, #tpu.memory_space<semaphore_mem>>)
    %dma_start3A_204 = arith.constant 0 : i32
    %dma_start3A_205 = arith.constant 0 : i32
    %dma_start3A_206 = tpu.memref_slice %arg6[%dma_start3A_204, %dma_start3A_205] : memref<10240x1024xf32, #tpu.memory_space<hbm>> -> memref<10240x1024xf32, #tpu.memory_space<hbm>>
    tpu.enqueue_indirect_dma source(%dma_start3A_206 : memref<10240x1024xf32, #tpu.memory_space<hbm>>) target(%arg21 : memref<16x1024xf32, #tpu.memory_space<vmem>>) offsets(%arg15 : memref<16xi32, #tpu.memory_space<vmem>>) semaphore(%arg27 : memref<!tpu.dma_semaphore, #tpu.memory_space<semaphore_mem>>)
    %dma_wait3A_207 = arith.constant 0 : i32
    %dma_wait3A_208 = arith.constant 0 : i32
    %dma_wait3A_209 = tpu.memref_slice %arg6[%dma_wait3A_207, %dma_wait3A_208] : memref<10240x1024xf32, #tpu.memory_space<hbm>> -> memref<10240x1024xf32, #tpu.memory_space<hbm>>
    tpu.wait_indirect_dma semaphore(%arg26 : memref<!tpu.dma_semaphore, #tpu.memory_space<semaphore_mem>>) src(%dma_wait3A_209 : memref<10240x1024xf32, #tpu.memory_space<hbm>>) dst(%arg20 : memref<16x1024xf32, #tpu.memory_space<vmem>>)
    %dma_wait3A_210 = arith.constant 0 : i32
    %dma_wait3A_211 = arith.constant 0 : i32
    %dma_wait3A_212 = tpu.memref_slice %arg6[%dma_wait3A_210, %dma_wait3A_211] : memref<10240x1024xf32, #tpu.memory_space<hbm>> -> memref<10240x1024xf32, #tpu.memory_space<hbm>>
    tpu.wait_indirect_dma semaphore(%arg29 : memref<!tpu.dma_semaphore, #tpu.memory_space<semaphore_mem>>) src(%dma_wait3A_212 : memref<10240x1024xf32, #tpu.memory_space<hbm>>) dst(%arg23 : memref<16x1024xf32, #tpu.memory_space<vmem>>)
    %scan3A_213 = arith.constant 0 : i32
    %scan3A_214 = arith.constant 0 : i32
    %scan3A_215 = arith.constant 128 : i32
    %scan3A_216 = arith.addi %scan3A_214, %scan3A_215 : i32
    %scan3A_217 = arith.constant 1 : i32
    %scan3A_218 = scf.for %scan3A_294 = %scan3A_214 to %scan3A_216 step %scan3A_217 iter_args(%scan3A_295 = %scan3A_213) -> (i32)  : i32 {
      %mul3A_296 = arith.constant 8 : i32
      %mul3A_297 = arith.muli %scan3A_294, %mul3A_296 : i32
      %jit3A = arith.constant 64 : i32
      %div3A = arith.divsi %mul3A_297, %jit3A : i32
      %sign3A = arith.constant 0 : i32
      %sign3A_298 = arith.cmpi sgt, %mul3A_297, %sign3A : i32
      %sign3A_299 = arith.extui %sign3A_298 : i1 to i32
      %sign3A_300 = arith.constant 0 : i32
      %sign3A_301 = arith.cmpi slt, %mul3A_297, %sign3A_300 : i32
      %sign3A_302 = arith.extui %sign3A_301 : i1 to i32
      %sign3A_303 = arith.subi %sign3A_299, %sign3A_302 : i32
      %sign3A_304 = arith.constant 0 : i32
      %sign3A_305 = arith.cmpi sgt, %jit3A, %sign3A_304 : i32
      %sign3A_306 = arith.extui %sign3A_305 : i1 to i32
      %sign3A_307 = arith.constant 0 : i32
      %sign3A_308 = arith.cmpi slt, %jit3A, %sign3A_307 : i32
      %sign3A_309 = arith.extui %sign3A_308 : i1 to i32
      %sign3A_310 = arith.subi %sign3A_306, %sign3A_309 : i32
      %ne3A = arith.cmpi ne, %sign3A_303, %sign3A_310 : i32
      %rem3A = arith.remsi %mul3A_297, %jit3A : i32
      %ne3A_311 = arith.constant 0 : i32
      %ne3A_312 = arith.cmpi ne, %rem3A, %ne3A_311 : i32
      %and3A = arith.andi %ne3A, %ne3A_312 : i1
      %sub3A = arith.constant 1 : i32
      %sub3A_313 = arith.subi %div3A, %sub3A : i32
      %select_n3A = arith.select %and3A, %sub3A_313, %div3A : i32
      %add3A_314 = arith.constant 80 : i32
      %add3A_315 = arith.addi %add3A_314, %select_n3A : i32
      %broadcast_in_dim3A = vector.broadcast %add3A_315 : i32 to vector<16xi32>
      %gather3A = tpu.vector_load_idx %arg10[%broadcast_in_dim3A] : memref<128xf32, #tpu.memory_space<vmem>>[vector<16xi32>], vector<16xf32>,
      %gather3A_316 = tpu.vector_load_idx %arg11[%broadcast_in_dim3A] : memref<128xf32, #tpu.memory_space<vmem>>[vector<16xi32>], vector<16xf32>,
      %mul3A_317 = arith.constant 8 : i32
      %mul3A_318 = arith.muli %scan3A_294, %mul3A_317 : i32
      %add3A_319 = arith.constant 0 : i32
      %add3A_320 = arith.addi %mul3A_318, %add3A_319 : i32
      %jit3A_321 = arith.constant 64 : i32
      %eq3A = arith.constant 0 : i32
      %eq3A_322 = arith.cmpi eq, %jit3A_321, %eq3A : i32
      %jit3A_323 = arith.constant 1 : i32
      %select_n3A_324 = arith.select %eq3A_322, %jit3A_323, %jit3A_321 : i32
      %rem3A_325 = arith.remsi %add3A_320, %select_n3A_324 : i32
      %ne3A_326 = arith.constant 0 : i32
      %ne3A_327 = arith.cmpi ne, %rem3A_325, %ne3A_326 : i32
      %lt3A = arith.constant 0 : i32
      %lt3A_328 = arith.cmpi slt, %rem3A_325, %lt3A : i32
      %lt3A_329 = arith.constant 0 : i32
      %lt3A_330 = arith.cmpi slt, %select_n3A_324, %lt3A_329 : i32
      %ne3A_331 = arith.xori %lt3A_328, %lt3A_330 : i1
      %and3A_332 = arith.andi %ne3A_331, %ne3A_327 : i1
      %add3A_333 = arith.addi %rem3A_325, %select_n3A_324 : i32
      %select_n3A_334 = arith.select %and3A_332, %add3A_333, %rem3A_325 : i32
      %mul3A_335 = arith.constant 16 : i32
      %mul3A_336 = arith.muli %select_n3A_334, %mul3A_335 : i32
      %get3A_337 = arith.index_cast %select_n3A : i32 to index
      %get3A_338 = arith.index_cast %mul3A_336 : i32 to index
      %get3A_339 = tpu.vector_load %arg20[%get3A_337, %get3A_338] {strides = array<i32>} : memref<16x1024xf32, #tpu.memory_space<vmem>>, vector<16xf32>,
      %mul3A_340 = arith.mulf %gather3A, %get3A_339 : vector<16xf32>
      %get3A_341 = arith.index_cast %select_n3A : i32 to index
      %get3A_342 = arith.index_cast %mul3A_336 : i32 to index
      %get3A_343 = tpu.vector_load %arg23[%get3A_341, %get3A_342] {strides = array<i32>} : memref<16x1024xf32, #tpu.memory_space<vmem>>, vector<16xf32>,
      %mul3A_344 = arith.mulf %gather3A_316, %get3A_343 : vector<16xf32>
      %add3A_345 = arith.addf %mul3A_340, %mul3A_344 : vector<16xf32>
      %swap3A_346 = arith.index_cast %select_n3A : i32 to index
      %swap3A_347 = arith.index_cast %mul3A_336 : i32 to index
      %swap3A_348 = tpu.vector_load %arg20[%swap3A_346, %swap3A_347] {strides = array<i32>} : memref<16x1024xf32, #tpu.memory_space<vmem>>, vector<16xf32>,
      tpu.vector_store %arg20[%swap3A_346, %swap3A_347], %add3A_345 {strides = array<i32>} : memref<16x1024xf32, #tpu.memory_space<vmem>>, vector<16xf32>,
      %mul3A_349 = arith.constant 8 : i32
      %mul3A_350 = arith.muli %scan3A_294, %mul3A_349 : i32
      %add3A_351 = arith.constant 1 : i32
      %add3A_352 = arith.addi %mul3A_350, %add3A_351 : i32
      %jit3A_353 = arith.constant 64 : i32
      %eq3A_354 = arith.constant 0 : i32
      %eq3A_355 = arith.cmpi eq, %jit3A_353, %eq3A_354 : i32
      %jit3A_356 = arith.constant 1 : i32
      %select_n3A_357 = arith.select %eq3A_355, %jit3A_356, %jit3A_353 : i32
      %rem3A_358 = arith.remsi %add3A_352, %select_n3A_357 : i32
      %ne3A_359 = arith.constant 0 : i32
      %ne3A_360 = arith.cmpi ne, %rem3A_358, %ne3A_359 : i32
      %lt3A_361 = arith.constant 0 : i32
      %lt3A_362 = arith.cmpi slt, %rem3A_358, %lt3A_361 : i32
      %lt3A_363 = arith.constant 0 : i32
      %lt3A_364 = arith.cmpi slt, %select_n3A_357, %lt3A_363 : i32
      %ne3A_365 = arith.xori %lt3A_362, %lt3A_364 : i1
      %and3A_366 = arith.andi %ne3A_365, %ne3A_360 : i1
      %add3A_367 = arith.addi %rem3A_358, %select_n3A_357 : i32
      %select_n3A_368 = arith.select %and3A_366, %add3A_367, %rem3A_358 : i32
      %mul3A_369 = arith.constant 16 : i32
      %mul3A_370 = arith.muli %select_n3A_368, %mul3A_369 : i32
      %get3A_371 = arith.index_cast %select_n3A : i32 to index
      %get3A_372 = arith.index_cast %mul3A_370 : i32 to index
      %get3A_373 = tpu.vector_load %arg20[%get3A_371, %get3A_372] {strides = array<i32>} : memref<16x1024xf32, #tpu.memory_space<vmem>>, vector<16xf32>,
      %mul3A_374 = arith.mulf %gather3A, %get3A_373 : vector<16xf32>
      %get3A_375 = arith.index_cast %select_n3A : i32 to index
      %get3A_376 = arith.index_cast %mul3A_370 : i32 to index
      %get3A_377 = tpu.vector_load %arg23[%get3A_375, %get3A_376] {strides = array<i32>} : memref<16x1024xf32, #tpu.memory_space<vmem>>, vector<16xf32>,
      %mul3A_378 = arith.mulf %gather3A_316, %get3A_377 : vector<16xf32>
      %add3A_379 = arith.addf %mul3A_374, %mul3A_378 : vector<16xf32>
      %swap3A_380 = arith.index_cast %select_n3A : i32 to index
      %swap3A_381 = arith.index_cast %mul3A_370 : i32 to index
      %swap3A_382 = tpu.vector_load %arg20[%swap3A_380, %swap3A_381] {strides = array<i32>} : memref<16x1024xf32, #tpu.memory_space<vmem>>, vector<16xf32>,
      tpu.vector_store %arg20[%swap3A_380, %swap3A_381], %add3A_379 {strides = array<i32>} : memref<16x1024xf32, #tpu.memory_space<vmem>>, vector<16xf32>,
      %mul3A_383 = arith.constant 8 : i32
      %mul3A_384 = arith.muli %scan3A_294, %mul3A_383 : i32
      %add3A_385 = arith.constant 2 : i32
      %add3A_386 = arith.addi %mul3A_384, %add3A_385 : i32
      %jit3A_387 = arith.constant 64 : i32
      %eq3A_388 = arith.constant 0 : i32
      %eq3A_389 = arith.cmpi eq, %jit3A_387, %eq3A_388 : i32
      %jit3A_390 = arith.constant 1 : i32
      %select_n3A_391 = arith.select %eq3A_389, %jit3A_390, %jit3A_387 : i32
      %rem3A_392 = arith.remsi %add3A_386, %select_n3A_391 : i32
      %ne3A_393 = arith.constant 0 : i32
      %ne3A_394 = arith.cmpi ne, %rem3A_392, %ne3A_393 : i32
      %lt3A_395 = arith.constant 0 : i32
      %lt3A_396 = arith.cmpi slt, %rem3A_392, %lt3A_395 : i32
      %lt3A_397 = arith.constant 0 : i32
      %lt3A_398 = arith.cmpi slt, %select_n3A_391, %lt3A_397 : i32
      %ne3A_399 = arith.xori %lt3A_396, %lt3A_398 : i1
      %and3A_400 = arith.andi %ne3A_399, %ne3A_394 : i1
      %add3A_401 = arith.addi %rem3A_392, %select_n3A_391 : i32
      %select_n3A_402 = arith.select %and3A_400, %add3A_401, %rem3A_392 : i32
      %mul3A_403 = arith.constant 16 : i32
      %mul3A_404 = arith.muli %select_n3A_402, %mul3A_403 : i32
      %get3A_405 = arith.index_cast %select_n3A : i32 to index
      %get3A_406 = arith.index_cast %mul3A_404 : i32 to index
      %get3A_407 = tpu.vector_load %arg20[%get3A_405, %get3A_406] {strides = array<i32>} : memref<16x1024xf32, #tpu.memory_space<vmem>>, vector<16xf32>,
      %mul3A_408 = arith.mulf %gather3A, %get3A_407 : vector<16xf32>
      %get3A_409 = arith.index_cast %select_n3A : i32 to index
      %get3A_410 = arith.index_cast %mul3A_404 : i32 to index
      %get3A_411 = tpu.vector_load %arg23[%get3A_409, %get3A_410] {strides = array<i32>} : memref<16x1024xf32, #tpu.memory_space<vmem>>, vector<16xf32>,
      %mul3A_412 = arith.mulf %gather3A_316, %get3A_411 : vector<16xf32>
      %add3A_413 = arith.addf %mul3A_408, %mul3A_412 : vector<16xf32>
      %swap3A_414 = arith.index_cast %select_n3A : i32 to index
      %swap3A_415 = arith.index_cast %mul3A_404 : i32 to index
      %swap3A_416 = tpu.vector_load %arg20[%swap3A_414, %swap3A_415] {strides = array<i32>} : memref<16x1024xf32, #tpu.memory_space<vmem>>, vector<16xf32>,
      tpu.vector_store %arg20[%swap3A_414, %swap3A_415], %add3A_413 {strides = array<i32>} : memref<16x1024xf32, #tpu.memory_space<vmem>>, vector<16xf32>,
      %mul3A_417 = arith.constant 8 : i32
      %mul3A_418 = arith.muli %scan3A_294, %mul3A_417 : i32
      %add3A_419 = arith.constant 3 : i32
      %add3A_420 = arith.addi %mul3A_418, %add3A_419 : i32
      %jit3A_421 = arith.constant 64 : i32
      %eq3A_422 = arith.constant 0 : i32
      %eq3A_423 = arith.cmpi eq, %jit3A_421, %eq3A_422 : i32
      %jit3A_424 = arith.constant 1 : i32
      %select_n3A_425 = arith.select %eq3A_423, %jit3A_424, %jit3A_421 : i32
      %rem3A_426 = arith.remsi %add3A_420, %select_n3A_425 : i32
      %ne3A_427 = arith.constant 0 : i32
      %ne3A_428 = arith.cmpi ne, %rem3A_426, %ne3A_427 : i32
      %lt3A_429 = arith.constant 0 : i32
      %lt3A_430 = arith.cmpi slt, %rem3A_426, %lt3A_429 : i32
      %lt3A_431 = arith.constant 0 : i32
      %lt3A_432 = arith.cmpi slt, %select_n3A_425, %lt3A_431 : i32
      %ne3A_433 = arith.xori %lt3A_430, %lt3A_432 : i1
      %and3A_434 = arith.andi %ne3A_433, %ne3A_428 : i1
      %add3A_435 = arith.addi %rem3A_426, %select_n3A_425 : i32
      %select_n3A_436 = arith.select %and3A_434, %add3A_435, %rem3A_426 : i32
      %mul3A_437 = arith.constant 16 : i32
      %mul3A_438 = arith.muli %select_n3A_436, %mul3A_437 : i32
      %get3A_439 = arith.index_cast %select_n3A : i32 to index
      %get3A_440 = arith.index_cast %mul3A_438 : i32 to index
      %get3A_441 = tpu.vector_load %arg20[%get3A_439, %get3A_440] {strides = array<i32>} : memref<16x1024xf32, #tpu.memory_space<vmem>>, vector<16xf32>,
      %mul3A_442 = arith.mulf %gather3A, %get3A_441 : vector<16xf32>
      %get3A_443 = arith.index_cast %select_n3A : i32 to index
      %get3A_444 = arith.index_cast %mul3A_438 : i32 to index
      %get3A_445 = tpu.vector_load %arg23[%get3A_443, %get3A_444] {strides = array<i32>} : memref<16x1024xf32, #tpu.memory_space<vmem>>, vector<16xf32>,
      %mul3A_446 = arith.mulf %gather3A_316, %get3A_445 : vector<16xf32>
      %add3A_447 = arith.addf %mul3A_442, %mul3A_446 : vector<16xf32>
      %swap3A_448 = arith.index_cast %select_n3A : i32 to index
      %swap3A_449 = arith.index_cast %mul3A_438 : i32 to index
      %swap3A_450 = tpu.vector_load %arg20[%swap3A_448, %swap3A_449] {strides = array<i32>} : memref<16x1024xf32, #tpu.memory_space<vmem>>, vector<16xf32>,
      tpu.vector_store %arg20[%swap3A_448, %swap3A_449], %add3A_447 {strides = array<i32>} : memref<16x1024xf32, #tpu.memory_space<vmem>>, vector<16xf32>,
      %mul3A_451 = arith.constant 8 : i32
      %mul3A_452 = arith.muli %scan3A_294, %mul3A_451 : i32
      %add3A_453 = arith.constant 4 : i32
      %add3A_454 = arith.addi %mul3A_452, %add3A_453 : i32
      %jit3A_455 = arith.constant 64 : i32
      %eq3A_456 = arith.constant 0 : i32
      %eq3A_457 = arith.cmpi eq, %jit3A_455, %eq3A_456 : i32
      %jit3A_458 = arith.constant 1 : i32
      %select_n3A_459 = arith.select %eq3A_457, %jit3A_458, %jit3A_455 : i32
      %rem3A_460 = arith.remsi %add3A_454, %select_n3A_459 : i32
      %ne3A_461 = arith.constant 0 : i32
      %ne3A_462 = arith.cmpi ne, %rem3A_460, %ne3A_461 : i32
      %lt3A_463 = arith.constant 0 : i32
      %lt3A_464 = arith.cmpi slt, %rem3A_460, %lt3A_463 : i32
      %lt3A_465 = arith.constant 0 : i32
      %lt3A_466 = arith.cmpi slt, %select_n3A_459, %lt3A_465 : i32
      %ne3A_467 = arith.xori %lt3A_464, %lt3A_466 : i1
      %and3A_468 = arith.andi %ne3A_467, %ne3A_462 : i1
      %add3A_469 = arith.addi %rem3A_460, %select_n3A_459 : i32
      %select_n3A_470 = arith.select %and3A_468, %add3A_469, %rem3A_460 : i32
      %mul3A_471 = arith.constant 16 : i32
      %mul3A_472 = arith.muli %select_n3A_470, %mul3A_471 : i32
      %get3A_473 = arith.index_cast %select_n3A : i32 to index
      %get3A_474 = arith.index_cast %mul3A_472 : i32 to index
      %get3A_475 = tpu.vector_load %arg20[%get3A_473, %get3A_474] {strides = array<i32>} : memref<16x1024xf32, #tpu.memory_space<vmem>>, vector<16xf32>,
      %mul3A_476 = arith.mulf %gather3A, %get3A_475 : vector<16xf32>
      %get3A_477 = arith.index_cast %select_n3A : i32 to index
      %get3A_478 = arith.index_cast %mul3A_472 : i32 to index
      %get3A_479 = tpu.vector_load %arg23[%get3A_477, %get3A_478] {strides = array<i32>} : memref<16x1024xf32, #tpu.memory_space<vmem>>, vector<16xf32>,
      %mul3A_480 = arith.mulf %gather3A_316, %get3A_479 : vector<16xf32>
      %add3A_481 = arith.addf %mul3A_476, %mul3A_480 : vector<16xf32>
      %swap3A_482 = arith.index_cast %select_n3A : i32 to index
      %swap3A_483 = arith.index_cast %mul3A_472 : i32 to index
      %swap3A_484 = tpu.vector_load %arg20[%swap3A_482, %swap3A_483] {strides = array<i32>} : memref<16x1024xf32, #tpu.memory_space<vmem>>, vector<16xf32>,
      tpu.vector_store %arg20[%swap3A_482, %swap3A_483], %add3A_481 {strides = array<i32>} : memref<16x1024xf32, #tpu.memory_space<vmem>>, vector<16xf32>,
      %mul3A_485 = arith.constant 8 : i32
      %mul3A_486 = arith.muli %scan3A_294, %mul3A_485 : i32
      %add3A_487 = arith.constant 5 : i32
      %add3A_488 = arith.addi %mul3A_486, %add3A_487 : i32
      %jit3A_489 = arith.constant 64 : i32
      %eq3A_490 = arith.constant 0 : i32
      %eq3A_491 = arith.cmpi eq, %jit3A_489, %eq3A_490 : i32
      %jit3A_492 = arith.constant 1 : i32
      %select_n3A_493 = arith.select %eq3A_491, %jit3A_492, %jit3A_489 : i32
      %rem3A_494 = arith.remsi %add3A_488, %select_n3A_493 : i32
      %ne3A_495 = arith.constant 0 : i32
      %ne3A_496 = arith.cmpi ne, %rem3A_494, %ne3A_495 : i32
      %lt3A_497 = arith.constant 0 : i32
      %lt3A_498 = arith.cmpi slt, %rem3A_494, %lt3A_497 : i32
      %lt3A_499 = arith.constant 0 : i32
      %lt3A_500 = arith.cmpi slt, %select_n3A_493, %lt3A_499 : i32
      %ne3A_501 = arith.xori %lt3A_498, %lt3A_500 : i1
      %and3A_502 = arith.andi %ne3A_501, %ne3A_496 : i1
      %add3A_503 = arith.addi %rem3A_494, %select_n3A_493 : i32
      %select_n3A_504 = arith.select %and3A_502, %add3A_503, %rem3A_494 : i32
      %mul3A_505 = arith.constant 16 : i32
      %mul3A_506 = arith.muli %select_n3A_504, %mul3A_505 : i32
      %get3A_507 = arith.index_cast %select_n3A : i32 to index
      %get3A_508 = arith.index_cast %mul3A_506 : i32 to index
      %get3A_509 = tpu.vector_load %arg20[%get3A_507, %get3A_508] {strides = array<i32>} : memref<16x1024xf32, #tpu.memory_space<vmem>>, vector<16xf32>,
      %mul3A_510 = arith.mulf %gather3A, %get3A_509 : vector<16xf32>
      %get3A_511 = arith.index_cast %select_n3A : i32 to index
      %get3A_512 = arith.index_cast %mul3A_506 : i32 to index
      %get3A_513 = tpu.vector_load %arg23[%get3A_511, %get3A_512] {strides = array<i32>} : memref<16x1024xf32, #tpu.memory_space<vmem>>, vector<16xf32>,
      %mul3A_514 = arith.mulf %gather3A_316, %get3A_513 : vector<16xf32>
      %add3A_515 = arith.addf %mul3A_510, %mul3A_514 : vector<16xf32>
      %swap3A_516 = arith.index_cast %select_n3A : i32 to index
      %swap3A_517 = arith.index_cast %mul3A_506 : i32 to index
      %swap3A_518 = tpu.vector_load %arg20[%swap3A_516, %swap3A_517] {strides = array<i32>} : memref<16x1024xf32, #tpu.memory_space<vmem>>, vector<16xf32>,
      tpu.vector_store %arg20[%swap3A_516, %swap3A_517], %add3A_515 {strides = array<i32>} : memref<16x1024xf32, #tpu.memory_space<vmem>>, vector<16xf32>,
      %mul3A_519 = arith.constant 8 : i32
      %mul3A_520 = arith.muli %scan3A_294, %mul3A_519 : i32
      %add3A_521 = arith.constant 6 : i32
      %add3A_522 = arith.addi %mul3A_520, %add3A_521 : i32
      %jit3A_523 = arith.constant 64 : i32
      %eq3A_524 = arith.constant 0 : i32
      %eq3A_525 = arith.cmpi eq, %jit3A_523, %eq3A_524 : i32
      %jit3A_526 = arith.constant 1 : i32
      %select_n3A_527 = arith.select %eq3A_525, %jit3A_526, %jit3A_523 : i32
      %rem3A_528 = arith.remsi %add3A_522, %select_n3A_527 : i32
      %ne3A_529 = arith.constant 0 : i32
      %ne3A_530 = arith.cmpi ne, %rem3A_528, %ne3A_529 : i32
      %lt3A_531 = arith.constant 0 : i32
      %lt3A_532 = arith.cmpi slt, %rem3A_528, %lt3A_531 : i32
      %lt3A_533 = arith.constant 0 : i32
      %lt3A_534 = arith.cmpi slt, %select_n3A_527, %lt3A_533 : i32
      %ne3A_535 = arith.xori %lt3A_532, %lt3A_534 : i1
      %and3A_536 = arith.andi %ne3A_535, %ne3A_530 : i1
      %add3A_537 = arith.addi %rem3A_528, %select_n3A_527 : i32
      %select_n3A_538 = arith.select %and3A_536, %add3A_537, %rem3A_528 : i32
      %mul3A_539 = arith.constant 16 : i32
      %mul3A_540 = arith.muli %select_n3A_538, %mul3A_539 : i32
      %get3A_541 = arith.index_cast %select_n3A : i32 to index
      %get3A_542 = arith.index_cast %mul3A_540 : i32 to index
      %get3A_543 = tpu.vector_load %arg20[%get3A_541, %get3A_542] {strides = array<i32>} : memref<16x1024xf32, #tpu.memory_space<vmem>>, vector<16xf32>,
      %mul3A_544 = arith.mulf %gather3A, %get3A_543 : vector<16xf32>
      %get3A_545 = arith.index_cast %select_n3A : i32 to index
      %get3A_546 = arith.index_cast %mul3A_540 : i32 to index
      %get3A_547 = tpu.vector_load %arg23[%get3A_545, %get3A_546] {strides = array<i32>} : memref<16x1024xf32, #tpu.memory_space<vmem>>, vector<16xf32>,
      %mul3A_548 = arith.mulf %gather3A_316, %get3A_547 : vector<16xf32>
      %add3A_549 = arith.addf %mul3A_544, %mul3A_548 : vector<16xf32>
      %swap3A_550 = arith.index_cast %select_n3A : i32 to index
      %swap3A_551 = arith.index_cast %mul3A_540 : i32 to index
      %swap3A_552 = tpu.vector_load %arg20[%swap3A_550, %swap3A_551] {strides = array<i32>} : memref<16x1024xf32, #tpu.memory_space<vmem>>, vector<16xf32>,
      tpu.vector_store %arg20[%swap3A_550, %swap3A_551], %add3A_549 {strides = array<i32>} : memref<16x1024xf32, #tpu.memory_space<vmem>>, vector<16xf32>,
      %mul3A_553 = arith.constant 8 : i32
      %mul3A_554 = arith.muli %scan3A_294, %mul3A_553 : i32
      %add3A_555 = arith.constant 7 : i32
      %add3A_556 = arith.addi %mul3A_554, %add3A_555 : i32
      %jit3A_557 = arith.constant 64 : i32
      %eq3A_558 = arith.constant 0 : i32
      %eq3A_559 = arith.cmpi eq, %jit3A_557, %eq3A_558 : i32
      %jit3A_560 = arith.constant 1 : i32
      %select_n3A_561 = arith.select %eq3A_559, %jit3A_560, %jit3A_557 : i32
      %rem3A_562 = arith.remsi %add3A_556, %select_n3A_561 : i32
      %ne3A_563 = arith.constant 0 : i32
      %ne3A_564 = arith.cmpi ne, %rem3A_562, %ne3A_563 : i32
      %lt3A_565 = arith.constant 0 : i32
      %lt3A_566 = arith.cmpi slt, %rem3A_562, %lt3A_565 : i32
      %lt3A_567 = arith.constant 0 : i32
      %lt3A_568 = arith.cmpi slt, %select_n3A_561, %lt3A_567 : i32
      %ne3A_569 = arith.xori %lt3A_566, %lt3A_568 : i1
      %and3A_570 = arith.andi %ne3A_569, %ne3A_564 : i1
      %add3A_571 = arith.addi %rem3A_562, %select_n3A_561 : i32
      %select_n3A_572 = arith.select %and3A_570, %add3A_571, %rem3A_562 : i32
      %mul3A_573 = arith.constant 16 : i32
      %mul3A_574 = arith.muli %select_n3A_572, %mul3A_573 : i32
      %get3A_575 = arith.index_cast %select_n3A : i32 to index
      %get3A_576 = arith.index_cast %mul3A_574 : i32 to index
      %get3A_577 = tpu.vector_load %arg20[%get3A_575, %get3A_576] {strides = array<i32>} : memref<16x1024xf32, #tpu.memory_space<vmem>>, vector<16xf32>,
      %mul3A_578 = arith.mulf %gather3A, %get3A_577 : vector<16xf32>
      %get3A_579 = arith.index_cast %select_n3A : i32 to index
      %get3A_580 = arith.index_cast %mul3A_574 : i32 to index
      %get3A_581 = tpu.vector_load %arg23[%get3A_579, %get3A_580] {strides = array<i32>} : memref<16x1024xf32, #tpu.memory_space<vmem>>, vector<16xf32>,
      %mul3A_582 = arith.mulf %gather3A_316, %get3A_581 : vector<16xf32>
      %add3A_583 = arith.addf %mul3A_578, %mul3A_582 : vector<16xf32>
      %swap3A_584 = arith.index_cast %select_n3A : i32 to index
      %swap3A_585 = arith.index_cast %mul3A_574 : i32 to index
      %swap3A_586 = tpu.vector_load %arg20[%swap3A_584, %swap3A_585] {strides = array<i32>} : memref<16x1024xf32, #tpu.memory_space<vmem>>, vector<16xf32>,
      tpu.vector_store %arg20[%swap3A_584, %swap3A_585], %add3A_583 {strides = array<i32>} : memref<16x1024xf32, #tpu.memory_space<vmem>>, vector<16xf32>,
      %scan3A_587 = arith.constant 0 : i32
      scf.yield %scan3A_587 : i32
    }
    %scan3A_219 = arith.constant 128 : i32
    %add3A_220 = arith.constant 80 : i32
    %add3A_221 = arith.addi %mul3A_2, %add3A_220 : i32
    %dma_start3A_222 = arith.constant 0 : i32
    %dma_start3A_223 = tpu.memref_slice %arg7[%add3A_221, %dma_start3A_222] : memref<4096x1024xf32, #tpu.memory_space<hbm>> -> memref<16x1024xf32, #tpu.memory_space<hbm>>
    %dma_start3A_224 = arith.constant 0 : i32
    %dma_start3A_225 = tpu.memref_slice %arg7[%add3A_221, %dma_start3A_224] : memref<4096x1024xf32, #tpu.memory_space<hbm>> -> memref<16x1024xf32, #tpu.memory_space<hbm>>
    tpu.enqueue_dma source(%arg20 : memref<16x1024xf32, #tpu.memory_space<vmem>>) target(%dma_start3A_225 : memref<16x1024xf32, #tpu.memory_space<hbm>>) target_semaphore(%arg32 : memref<!tpu.dma_semaphore, #tpu.memory_space<semaphore_mem>>)
    %dma_wait3A_226 = arith.constant 0 : i32
    %dma_wait3A_227 = tpu.memref_slice %arg7[%add3A_184, %dma_wait3A_226] : memref<4096x1024xf32, #tpu.memory_space<hbm>> -> memref<16x1024xf32, #tpu.memory_space<hbm>>
    %dma_wait3A_228 = arith.constant 0 : i32
    %dma_wait3A_229 = tpu.memref_slice %arg7[%add3A_184, %dma_wait3A_228] : memref<4096x1024xf32, #tpu.memory_space<hbm>> -> memref<16x1024xf32, #tpu.memory_space<hbm>>
    tpu.wait_dma2 semaphore(%arg31 : memref<!tpu.dma_semaphore, #tpu.memory_space<semaphore_mem>>) src(%arg19 : memref<16x1024xf32, #tpu.memory_space<vmem>>) dst(%dma_wait3A_229 : memref<16x1024xf32, #tpu.memory_space<hbm>>)
    %get3A_230 = arith.constant 112 : index
    %get3A_231 = tpu.vector_load %arg8[%get3A_230] {strides = array<i32>} : memref<128xi32, #tpu.memory_space<vmem>>, vector<16xi32>,
    %swap3A_232 = arith.constant 0 : index
    %swap3A_233 = tpu.vector_load %arg13[%swap3A_232] {strides = array<i32>} : memref<16xi32, #tpu.memory_space<vmem>>, vector<16xi32>,
    tpu.vector_store %arg13[%swap3A_232], %get3A_231 {strides = array<i32>} : memref<16xi32, #tpu.memory_space<vmem>>, vector<16xi32>,
    %get3A_234 = arith.constant 112 : index
    %get3A_235 = tpu.vector_load %arg9[%get3A_234] {strides = array<i32>} : memref<128xi32, #tpu.memory_space<vmem>>, vector<16xi32>,
    %swap3A_236 = arith.constant 0 : index
    %swap3A_237 = tpu.vector_load %arg16[%swap3A_236] {strides = array<i32>} : memref<16xi32, #tpu.memory_space<vmem>>, vector<16xi32>,
    tpu.vector_store %arg16[%swap3A_236], %get3A_235 {strides = array<i32>} : memref<16xi32, #tpu.memory_space<vmem>>, vector<16xi32>,
    %dma_start3A_238 = arith.constant 0 : i32
    %dma_start3A_239 = arith.constant 0 : i32
    %dma_start3A_240 = tpu.memref_slice %arg6[%dma_start3A_238, %dma_start3A_239] : memref<10240x1024xf32, #tpu.memory_space<hbm>> -> memref<10240x1024xf32, #tpu.memory_space<hbm>>
    tpu.enqueue_indirect_dma source(%dma_start3A_240 : memref<10240x1024xf32, #tpu.memory_space<hbm>>) target(%arg19 : memref<16x1024xf32, #tpu.memory_space<vmem>>) offsets(%arg13 : memref<16xi32, #tpu.memory_space<vmem>>) semaphore(%arg25 : memref<!tpu.dma_semaphore, #tpu.memory_space<semaphore_mem>>)
    %dma_start3A_241 = arith.constant 0 : i32
    %dma_start3A_242 = arith.constant 0 : i32
    %dma_start3A_243 = tpu.memref_slice %arg6[%dma_start3A_241, %dma_start3A_242] : memref<10240x1024xf32, #tpu.memory_space<hbm>> -> memref<10240x1024xf32, #tpu.memory_space<hbm>>
    tpu.enqueue_indirect_dma source(%dma_start3A_243 : memref<10240x1024xf32, #tpu.memory_space<hbm>>) target(%arg22 : memref<16x1024xf32, #tpu.memory_space<vmem>>) offsets(%arg16 : memref<16xi32, #tpu.memory_space<vmem>>) semaphore(%arg28 : memref<!tpu.dma_semaphore, #tpu.memory_space<semaphore_mem>>)
    %dma_wait3A_244 = arith.constant 0 : i32
    %dma_wait3A_245 = arith.constant 0 : i32
    %dma_wait3A_246 = tpu.memref_slice %arg6[%dma_wait3A_244, %dma_wait3A_245] : memref<10240x1024xf32, #tpu.memory_space<hbm>> -> memref<10240x1024xf32, #tpu.memory_space<hbm>>
    tpu.wait_indirect_dma semaphore(%arg24 : memref<!tpu.dma_semaphore, #tpu.memory_space<semaphore_mem>>) src(%dma_wait3A_246 : memref<10240x1024xf32, #tpu.memory_space<hbm>>) dst(%arg18 : memref<16x1024xf32, #tpu.memory_space<vmem>>)
    %dma_wait3A_247 = arith.constant 0 : i32
    %dma_wait3A_248 = arith.constant 0 : i32
    %dma_wait3A_249 = tpu.memref_slice %arg6[%dma_wait3A_247, %dma_wait3A_248] : memref<10240x1024xf32, #tpu.memory_space<hbm>> -> memref<10240x1024xf32, #tpu.memory_space<hbm>>
    tpu.wait_indirect_dma semaphore(%arg27 : memref<!tpu.dma_semaphore, #tpu.memory_space<semaphore_mem>>) src(%dma_wait3A_249 : memref<10240x1024xf32, #tpu.memory_space<hbm>>) dst(%arg21 : memref<16x1024xf32, #tpu.memory_space<vmem>>)
    %scan3A_250 = arith.constant 0 : i32
    %scan3A_251 = arith.constant 0 : i32
    %scan3A_252 = arith.constant 128 : i32
    %scan3A_253 = arith.addi %scan3A_251, %scan3A_252 : i32
    %scan3A_254 = arith.constant 1 : i32
    %scan3A_255 = scf.for %scan3A_294 = %scan3A_251 to %scan3A_253 step %scan3A_254 iter_args(%scan3A_295 = %scan3A_250) -> (i32)  : i32 {
      %mul3A_296 = arith.constant 8 : i32
      %mul3A_297 = arith.muli %scan3A_294, %mul3A_296 : i32
      %jit3A = arith.constant 64 : i32
      %div3A = arith.divsi %mul3A_297, %jit3A : i32
      %sign3A = arith.constant 0 : i32
      %sign3A_298 = arith.cmpi sgt, %mul3A_297, %sign3A : i32
      %sign3A_299 = arith.extui %sign3A_298 : i1 to i32
      %sign3A_300 = arith.constant 0 : i32
      %sign3A_301 = arith.cmpi slt, %mul3A_297, %sign3A_300 : i32
      %sign3A_302 = arith.extui %sign3A_301 : i1 to i32
      %sign3A_303 = arith.subi %sign3A_299, %sign3A_302 : i32
      %sign3A_304 = arith.constant 0 : i32
      %sign3A_305 = arith.cmpi sgt, %jit3A, %sign3A_304 : i32
      %sign3A_306 = arith.extui %sign3A_305 : i1 to i32
      %sign3A_307 = arith.constant 0 : i32
      %sign3A_308 = arith.cmpi slt, %jit3A, %sign3A_307 : i32
      %sign3A_309 = arith.extui %sign3A_308 : i1 to i32
      %sign3A_310 = arith.subi %sign3A_306, %sign3A_309 : i32
      %ne3A = arith.cmpi ne, %sign3A_303, %sign3A_310 : i32
      %rem3A = arith.remsi %mul3A_297, %jit3A : i32
      %ne3A_311 = arith.constant 0 : i32
      %ne3A_312 = arith.cmpi ne, %rem3A, %ne3A_311 : i32
      %and3A = arith.andi %ne3A, %ne3A_312 : i1
      %sub3A = arith.constant 1 : i32
      %sub3A_313 = arith.subi %div3A, %sub3A : i32
      %select_n3A = arith.select %and3A, %sub3A_313, %div3A : i32
      %add3A_314 = arith.constant 96 : i32
      %add3A_315 = arith.addi %add3A_314, %select_n3A : i32
      %broadcast_in_dim3A = vector.broadcast %add3A_315 : i32 to vector<16xi32>
      %gather3A = tpu.vector_load_idx %arg10[%broadcast_in_dim3A] : memref<128xf32, #tpu.memory_space<vmem>>[vector<16xi32>], vector<16xf32>,
      %gather3A_316 = tpu.vector_load_idx %arg11[%broadcast_in_dim3A] : memref<128xf32, #tpu.memory_space<vmem>>[vector<16xi32>], vector<16xf32>,
      %mul3A_317 = arith.constant 8 : i32
      %mul3A_318 = arith.muli %scan3A_294, %mul3A_317 : i32
      %add3A_319 = arith.constant 0 : i32
      %add3A_320 = arith.addi %mul3A_318, %add3A_319 : i32
      %jit3A_321 = arith.constant 64 : i32
      %eq3A = arith.constant 0 : i32
      %eq3A_322 = arith.cmpi eq, %jit3A_321, %eq3A : i32
      %jit3A_323 = arith.constant 1 : i32
      %select_n3A_324 = arith.select %eq3A_322, %jit3A_323, %jit3A_321 : i32
      %rem3A_325 = arith.remsi %add3A_320, %select_n3A_324 : i32
      %ne3A_326 = arith.constant 0 : i32
      %ne3A_327 = arith.cmpi ne, %rem3A_325, %ne3A_326 : i32
      %lt3A = arith.constant 0 : i32
      %lt3A_328 = arith.cmpi slt, %rem3A_325, %lt3A : i32
      %lt3A_329 = arith.constant 0 : i32
      %lt3A_330 = arith.cmpi slt, %select_n3A_324, %lt3A_329 : i32
      %ne3A_331 = arith.xori %lt3A_328, %lt3A_330 : i1
      %and3A_332 = arith.andi %ne3A_331, %ne3A_327 : i1
      %add3A_333 = arith.addi %rem3A_325, %select_n3A_324 : i32
      %select_n3A_334 = arith.select %and3A_332, %add3A_333, %rem3A_325 : i32
      %mul3A_335 = arith.constant 16 : i32
      %mul3A_336 = arith.muli %select_n3A_334, %mul3A_335 : i32
      %get3A_337 = arith.index_cast %select_n3A : i32 to index
      %get3A_338 = arith.index_cast %mul3A_336 : i32 to index
      %get3A_339 = tpu.vector_load %arg18[%get3A_337, %get3A_338] {strides = array<i32>} : memref<16x1024xf32, #tpu.memory_space<vmem>>, vector<16xf32>,
      %mul3A_340 = arith.mulf %gather3A, %get3A_339 : vector<16xf32>
      %get3A_341 = arith.index_cast %select_n3A : i32 to index
      %get3A_342 = arith.index_cast %mul3A_336 : i32 to index
      %get3A_343 = tpu.vector_load %arg21[%get3A_341, %get3A_342] {strides = array<i32>} : memref<16x1024xf32, #tpu.memory_space<vmem>>, vector<16xf32>,
      %mul3A_344 = arith.mulf %gather3A_316, %get3A_343 : vector<16xf32>
      %add3A_345 = arith.addf %mul3A_340, %mul3A_344 : vector<16xf32>
      %swap3A_346 = arith.index_cast %select_n3A : i32 to index
      %swap3A_347 = arith.index_cast %mul3A_336 : i32 to index
      %swap3A_348 = tpu.vector_load %arg18[%swap3A_346, %swap3A_347] {strides = array<i32>} : memref<16x1024xf32, #tpu.memory_space<vmem>>, vector<16xf32>,
      tpu.vector_store %arg18[%swap3A_346, %swap3A_347], %add3A_345 {strides = array<i32>} : memref<16x1024xf32, #tpu.memory_space<vmem>>, vector<16xf32>,
      %mul3A_349 = arith.constant 8 : i32
      %mul3A_350 = arith.muli %scan3A_294, %mul3A_349 : i32
      %add3A_351 = arith.constant 1 : i32
      %add3A_352 = arith.addi %mul3A_350, %add3A_351 : i32
      %jit3A_353 = arith.constant 64 : i32
      %eq3A_354 = arith.constant 0 : i32
      %eq3A_355 = arith.cmpi eq, %jit3A_353, %eq3A_354 : i32
      %jit3A_356 = arith.constant 1 : i32
      %select_n3A_357 = arith.select %eq3A_355, %jit3A_356, %jit3A_353 : i32
      %rem3A_358 = arith.remsi %add3A_352, %select_n3A_357 : i32
      %ne3A_359 = arith.constant 0 : i32
      %ne3A_360 = arith.cmpi ne, %rem3A_358, %ne3A_359 : i32
      %lt3A_361 = arith.constant 0 : i32
      %lt3A_362 = arith.cmpi slt, %rem3A_358, %lt3A_361 : i32
      %lt3A_363 = arith.constant 0 : i32
      %lt3A_364 = arith.cmpi slt, %select_n3A_357, %lt3A_363 : i32
      %ne3A_365 = arith.xori %lt3A_362, %lt3A_364 : i1
      %and3A_366 = arith.andi %ne3A_365, %ne3A_360 : i1
      %add3A_367 = arith.addi %rem3A_358, %select_n3A_357 : i32
      %select_n3A_368 = arith.select %and3A_366, %add3A_367, %rem3A_358 : i32
      %mul3A_369 = arith.constant 16 : i32
      %mul3A_370 = arith.muli %select_n3A_368, %mul3A_369 : i32
      %get3A_371 = arith.index_cast %select_n3A : i32 to index
      %get3A_372 = arith.index_cast %mul3A_370 : i32 to index
      %get3A_373 = tpu.vector_load %arg18[%get3A_371, %get3A_372] {strides = array<i32>} : memref<16x1024xf32, #tpu.memory_space<vmem>>, vector<16xf32>,
      %mul3A_374 = arith.mulf %gather3A, %get3A_373 : vector<16xf32>
      %get3A_375 = arith.index_cast %select_n3A : i32 to index
      %get3A_376 = arith.index_cast %mul3A_370 : i32 to index
      %get3A_377 = tpu.vector_load %arg21[%get3A_375, %get3A_376] {strides = array<i32>} : memref<16x1024xf32, #tpu.memory_space<vmem>>, vector<16xf32>,
      %mul3A_378 = arith.mulf %gather3A_316, %get3A_377 : vector<16xf32>
      %add3A_379 = arith.addf %mul3A_374, %mul3A_378 : vector<16xf32>
      %swap3A_380 = arith.index_cast %select_n3A : i32 to index
      %swap3A_381 = arith.index_cast %mul3A_370 : i32 to index
      %swap3A_382 = tpu.vector_load %arg18[%swap3A_380, %swap3A_381] {strides = array<i32>} : memref<16x1024xf32, #tpu.memory_space<vmem>>, vector<16xf32>,
      tpu.vector_store %arg18[%swap3A_380, %swap3A_381], %add3A_379 {strides = array<i32>} : memref<16x1024xf32, #tpu.memory_space<vmem>>, vector<16xf32>,
      %mul3A_383 = arith.constant 8 : i32
      %mul3A_384 = arith.muli %scan3A_294, %mul3A_383 : i32
      %add3A_385 = arith.constant 2 : i32
      %add3A_386 = arith.addi %mul3A_384, %add3A_385 : i32
      %jit3A_387 = arith.constant 64 : i32
      %eq3A_388 = arith.constant 0 : i32
      %eq3A_389 = arith.cmpi eq, %jit3A_387, %eq3A_388 : i32
      %jit3A_390 = arith.constant 1 : i32
      %select_n3A_391 = arith.select %eq3A_389, %jit3A_390, %jit3A_387 : i32
      %rem3A_392 = arith.remsi %add3A_386, %select_n3A_391 : i32
      %ne3A_393 = arith.constant 0 : i32
      %ne3A_394 = arith.cmpi ne, %rem3A_392, %ne3A_393 : i32
      %lt3A_395 = arith.constant 0 : i32
      %lt3A_396 = arith.cmpi slt, %rem3A_392, %lt3A_395 : i32
      %lt3A_397 = arith.constant 0 : i32
      %lt3A_398 = arith.cmpi slt, %select_n3A_391, %lt3A_397 : i32
      %ne3A_399 = arith.xori %lt3A_396, %lt3A_398 : i1
      %and3A_400 = arith.andi %ne3A_399, %ne3A_394 : i1
      %add3A_401 = arith.addi %rem3A_392, %select_n3A_391 : i32
      %select_n3A_402 = arith.select %and3A_400, %add3A_401, %rem3A_392 : i32
      %mul3A_403 = arith.constant 16 : i32
      %mul3A_404 = arith.muli %select_n3A_402, %mul3A_403 : i32
      %get3A_405 = arith.index_cast %select_n3A : i32 to index
      %get3A_406 = arith.index_cast %mul3A_404 : i32 to index
      %get3A_407 = tpu.vector_load %arg18[%get3A_405, %get3A_406] {strides = array<i32>} : memref<16x1024xf32, #tpu.memory_space<vmem>>, vector<16xf32>,
      %mul3A_408 = arith.mulf %gather3A, %get3A_407 : vector<16xf32>
      %get3A_409 = arith.index_cast %select_n3A : i32 to index
      %get3A_410 = arith.index_cast %mul3A_404 : i32 to index
      %get3A_411 = tpu.vector_load %arg21[%get3A_409, %get3A_410] {strides = array<i32>} : memref<16x1024xf32, #tpu.memory_space<vmem>>, vector<16xf32>,
      %mul3A_412 = arith.mulf %gather3A_316, %get3A_411 : vector<16xf32>
      %add3A_413 = arith.addf %mul3A_408, %mul3A_412 : vector<16xf32>
      %swap3A_414 = arith.index_cast %select_n3A : i32 to index
      %swap3A_415 = arith.index_cast %mul3A_404 : i32 to index
      %swap3A_416 = tpu.vector_load %arg18[%swap3A_414, %swap3A_415] {strides = array<i32>} : memref<16x1024xf32, #tpu.memory_space<vmem>>, vector<16xf32>,
      tpu.vector_store %arg18[%swap3A_414, %swap3A_415], %add3A_413 {strides = array<i32>} : memref<16x1024xf32, #tpu.memory_space<vmem>>, vector<16xf32>,
      %mul3A_417 = arith.constant 8 : i32
      %mul3A_418 = arith.muli %scan3A_294, %mul3A_417 : i32
      %add3A_419 = arith.constant 3 : i32
      %add3A_420 = arith.addi %mul3A_418, %add3A_419 : i32
      %jit3A_421 = arith.constant 64 : i32
      %eq3A_422 = arith.constant 0 : i32
      %eq3A_423 = arith.cmpi eq, %jit3A_421, %eq3A_422 : i32
      %jit3A_424 = arith.constant 1 : i32
      %select_n3A_425 = arith.select %eq3A_423, %jit3A_424, %jit3A_421 : i32
      %rem3A_426 = arith.remsi %add3A_420, %select_n3A_425 : i32
      %ne3A_427 = arith.constant 0 : i32
      %ne3A_428 = arith.cmpi ne, %rem3A_426, %ne3A_427 : i32
      %lt3A_429 = arith.constant 0 : i32
      %lt3A_430 = arith.cmpi slt, %rem3A_426, %lt3A_429 : i32
      %lt3A_431 = arith.constant 0 : i32
      %lt3A_432 = arith.cmpi slt, %select_n3A_425, %lt3A_431 : i32
      %ne3A_433 = arith.xori %lt3A_430, %lt3A_432 : i1
      %and3A_434 = arith.andi %ne3A_433, %ne3A_428 : i1
      %add3A_435 = arith.addi %rem3A_426, %select_n3A_425 : i32
      %select_n3A_436 = arith.select %and3A_434, %add3A_435, %rem3A_426 : i32
      %mul3A_437 = arith.constant 16 : i32
      %mul3A_438 = arith.muli %select_n3A_436, %mul3A_437 : i32
      %get3A_439 = arith.index_cast %select_n3A : i32 to index
      %get3A_440 = arith.index_cast %mul3A_438 : i32 to index
      %get3A_441 = tpu.vector_load %arg18[%get3A_439, %get3A_440] {strides = array<i32>} : memref<16x1024xf32, #tpu.memory_space<vmem>>, vector<16xf32>,
      %mul3A_442 = arith.mulf %gather3A, %get3A_441 : vector<16xf32>
      %get3A_443 = arith.index_cast %select_n3A : i32 to index
      %get3A_444 = arith.index_cast %mul3A_438 : i32 to index
      %get3A_445 = tpu.vector_load %arg21[%get3A_443, %get3A_444] {strides = array<i32>} : memref<16x1024xf32, #tpu.memory_space<vmem>>, vector<16xf32>,
      %mul3A_446 = arith.mulf %gather3A_316, %get3A_445 : vector<16xf32>
      %add3A_447 = arith.addf %mul3A_442, %mul3A_446 : vector<16xf32>
      %swap3A_448 = arith.index_cast %select_n3A : i32 to index
      %swap3A_449 = arith.index_cast %mul3A_438 : i32 to index
      %swap3A_450 = tpu.vector_load %arg18[%swap3A_448, %swap3A_449] {strides = array<i32>} : memref<16x1024xf32, #tpu.memory_space<vmem>>, vector<16xf32>,
      tpu.vector_store %arg18[%swap3A_448, %swap3A_449], %add3A_447 {strides = array<i32>} : memref<16x1024xf32, #tpu.memory_space<vmem>>, vector<16xf32>,
      %mul3A_451 = arith.constant 8 : i32
      %mul3A_452 = arith.muli %scan3A_294, %mul3A_451 : i32
      %add3A_453 = arith.constant 4 : i32
      %add3A_454 = arith.addi %mul3A_452, %add3A_453 : i32
      %jit3A_455 = arith.constant 64 : i32
      %eq3A_456 = arith.constant 0 : i32
      %eq3A_457 = arith.cmpi eq, %jit3A_455, %eq3A_456 : i32
      %jit3A_458 = arith.constant 1 : i32
      %select_n3A_459 = arith.select %eq3A_457, %jit3A_458, %jit3A_455 : i32
      %rem3A_460 = arith.remsi %add3A_454, %select_n3A_459 : i32
      %ne3A_461 = arith.constant 0 : i32
      %ne3A_462 = arith.cmpi ne, %rem3A_460, %ne3A_461 : i32
      %lt3A_463 = arith.constant 0 : i32
      %lt3A_464 = arith.cmpi slt, %rem3A_460, %lt3A_463 : i32
      %lt3A_465 = arith.constant 0 : i32
      %lt3A_466 = arith.cmpi slt, %select_n3A_459, %lt3A_465 : i32
      %ne3A_467 = arith.xori %lt3A_464, %lt3A_466 : i1
      %and3A_468 = arith.andi %ne3A_467, %ne3A_462 : i1
      %add3A_469 = arith.addi %rem3A_460, %select_n3A_459 : i32
      %select_n3A_470 = arith.select %and3A_468, %add3A_469, %rem3A_460 : i32
      %mul3A_471 = arith.constant 16 : i32
      %mul3A_472 = arith.muli %select_n3A_470, %mul3A_471 : i32
      %get3A_473 = arith.index_cast %select_n3A : i32 to index
      %get3A_474 = arith.index_cast %mul3A_472 : i32 to index
      %get3A_475 = tpu.vector_load %arg18[%get3A_473, %get3A_474] {strides = array<i32>} : memref<16x1024xf32, #tpu.memory_space<vmem>>, vector<16xf32>,
      %mul3A_476 = arith.mulf %gather3A, %get3A_475 : vector<16xf32>
      %get3A_477 = arith.index_cast %select_n3A : i32 to index
      %get3A_478 = arith.index_cast %mul3A_472 : i32 to index
      %get3A_479 = tpu.vector_load %arg21[%get3A_477, %get3A_478] {strides = array<i32>} : memref<16x1024xf32, #tpu.memory_space<vmem>>, vector<16xf32>,
      %mul3A_480 = arith.mulf %gather3A_316, %get3A_479 : vector<16xf32>
      %add3A_481 = arith.addf %mul3A_476, %mul3A_480 : vector<16xf32>
      %swap3A_482 = arith.index_cast %select_n3A : i32 to index
      %swap3A_483 = arith.index_cast %mul3A_472 : i32 to index
      %swap3A_484 = tpu.vector_load %arg18[%swap3A_482, %swap3A_483] {strides = array<i32>} : memref<16x1024xf32, #tpu.memory_space<vmem>>, vector<16xf32>,
      tpu.vector_store %arg18[%swap3A_482, %swap3A_483], %add3A_481 {strides = array<i32>} : memref<16x1024xf32, #tpu.memory_space<vmem>>, vector<16xf32>,
      %mul3A_485 = arith.constant 8 : i32
      %mul3A_486 = arith.muli %scan3A_294, %mul3A_485 : i32
      %add3A_487 = arith.constant 5 : i32
      %add3A_488 = arith.addi %mul3A_486, %add3A_487 : i32
      %jit3A_489 = arith.constant 64 : i32
      %eq3A_490 = arith.constant 0 : i32
      %eq3A_491 = arith.cmpi eq, %jit3A_489, %eq3A_490 : i32
      %jit3A_492 = arith.constant 1 : i32
      %select_n3A_493 = arith.select %eq3A_491, %jit3A_492, %jit3A_489 : i32
      %rem3A_494 = arith.remsi %add3A_488, %select_n3A_493 : i32
      %ne3A_495 = arith.constant 0 : i32
      %ne3A_496 = arith.cmpi ne, %rem3A_494, %ne3A_495 : i32
      %lt3A_497 = arith.constant 0 : i32
      %lt3A_498 = arith.cmpi slt, %rem3A_494, %lt3A_497 : i32
      %lt3A_499 = arith.constant 0 : i32
      %lt3A_500 = arith.cmpi slt, %select_n3A_493, %lt3A_499 : i32
      %ne3A_501 = arith.xori %lt3A_498, %lt3A_500 : i1
      %and3A_502 = arith.andi %ne3A_501, %ne3A_496 : i1
      %add3A_503 = arith.addi %rem3A_494, %select_n3A_493 : i32
      %select_n3A_504 = arith.select %and3A_502, %add3A_503, %rem3A_494 : i32
      %mul3A_505 = arith.constant 16 : i32
      %mul3A_506 = arith.muli %select_n3A_504, %mul3A_505 : i32
      %get3A_507 = arith.index_cast %select_n3A : i32 to index
      %get3A_508 = arith.index_cast %mul3A_506 : i32 to index
      %get3A_509 = tpu.vector_load %arg18[%get3A_507, %get3A_508] {strides = array<i32>} : memref<16x1024xf32, #tpu.memory_space<vmem>>, vector<16xf32>,
      %mul3A_510 = arith.mulf %gather3A, %get3A_509 : vector<16xf32>
      %get3A_511 = arith.index_cast %select_n3A : i32 to index
      %get3A_512 = arith.index_cast %mul3A_506 : i32 to index
      %get3A_513 = tpu.vector_load %arg21[%get3A_511, %get3A_512] {strides = array<i32>} : memref<16x1024xf32, #tpu.memory_space<vmem>>, vector<16xf32>,
      %mul3A_514 = arith.mulf %gather3A_316, %get3A_513 : vector<16xf32>
      %add3A_515 = arith.addf %mul3A_510, %mul3A_514 : vector<16xf32>
      %swap3A_516 = arith.index_cast %select_n3A : i32 to index
      %swap3A_517 = arith.index_cast %mul3A_506 : i32 to index
      %swap3A_518 = tpu.vector_load %arg18[%swap3A_516, %swap3A_517] {strides = array<i32>} : memref<16x1024xf32, #tpu.memory_space<vmem>>, vector<16xf32>,
      tpu.vector_store %arg18[%swap3A_516, %swap3A_517], %add3A_515 {strides = array<i32>} : memref<16x1024xf32, #tpu.memory_space<vmem>>, vector<16xf32>,
      %mul3A_519 = arith.constant 8 : i32
      %mul3A_520 = arith.muli %scan3A_294, %mul3A_519 : i32
      %add3A_521 = arith.constant 6 : i32
      %add3A_522 = arith.addi %mul3A_520, %add3A_521 : i32
      %jit3A_523 = arith.constant 64 : i32
      %eq3A_524 = arith.constant 0 : i32
      %eq3A_525 = arith.cmpi eq, %jit3A_523, %eq3A_524 : i32
      %jit3A_526 = arith.constant 1 : i32
      %select_n3A_527 = arith.select %eq3A_525, %jit3A_526, %jit3A_523 : i32
      %rem3A_528 = arith.remsi %add3A_522, %select_n3A_527 : i32
      %ne3A_529 = arith.constant 0 : i32
      %ne3A_530 = arith.cmpi ne, %rem3A_528, %ne3A_529 : i32
      %lt3A_531 = arith.constant 0 : i32
      %lt3A_532 = arith.cmpi slt, %rem3A_528, %lt3A_531 : i32
      %lt3A_533 = arith.constant 0 : i32
      %lt3A_534 = arith.cmpi slt, %select_n3A_527, %lt3A_533 : i32
      %ne3A_535 = arith.xori %lt3A_532, %lt3A_534 : i1
      %and3A_536 = arith.andi %ne3A_535, %ne3A_530 : i1
      %add3A_537 = arith.addi %rem3A_528, %select_n3A_527 : i32
      %select_n3A_538 = arith.select %and3A_536, %add3A_537, %rem3A_528 : i32
      %mul3A_539 = arith.constant 16 : i32
      %mul3A_540 = arith.muli %select_n3A_538, %mul3A_539 : i32
      %get3A_541 = arith.index_cast %select_n3A : i32 to index
      %get3A_542 = arith.index_cast %mul3A_540 : i32 to index
      %get3A_543 = tpu.vector_load %arg18[%get3A_541, %get3A_542] {strides = array<i32>} : memref<16x1024xf32, #tpu.memory_space<vmem>>, vector<16xf32>,
      %mul3A_544 = arith.mulf %gather3A, %get3A_543 : vector<16xf32>
      %get3A_545 = arith.index_cast %select_n3A : i32 to index
      %get3A_546 = arith.index_cast %mul3A_540 : i32 to index
      %get3A_547 = tpu.vector_load %arg21[%get3A_545, %get3A_546] {strides = array<i32>} : memref<16x1024xf32, #tpu.memory_space<vmem>>, vector<16xf32>,
      %mul3A_548 = arith.mulf %gather3A_316, %get3A_547 : vector<16xf32>
      %add3A_549 = arith.addf %mul3A_544, %mul3A_548 : vector<16xf32>
      %swap3A_550 = arith.index_cast %select_n3A : i32 to index
      %swap3A_551 = arith.index_cast %mul3A_540 : i32 to index
      %swap3A_552 = tpu.vector_load %arg18[%swap3A_550, %swap3A_551] {strides = array<i32>} : memref<16x1024xf32, #tpu.memory_space<vmem>>, vector<16xf32>,
      tpu.vector_store %arg18[%swap3A_550, %swap3A_551], %add3A_549 {strides = array<i32>} : memref<16x1024xf32, #tpu.memory_space<vmem>>, vector<16xf32>,
      %mul3A_553 = arith.constant 8 : i32
      %mul3A_554 = arith.muli %scan3A_294, %mul3A_553 : i32
      %add3A_555 = arith.constant 7 : i32
      %add3A_556 = arith.addi %mul3A_554, %add3A_555 : i32
      %jit3A_557 = arith.constant 64 : i32
      %eq3A_558 = arith.constant 0 : i32
      %eq3A_559 = arith.cmpi eq, %jit3A_557, %eq3A_558 : i32
      %jit3A_560 = arith.constant 1 : i32
      %select_n3A_561 = arith.select %eq3A_559, %jit3A_560, %jit3A_557 : i32
      %rem3A_562 = arith.remsi %add3A_556, %select_n3A_561 : i32
      %ne3A_563 = arith.constant 0 : i32
      %ne3A_564 = arith.cmpi ne, %rem3A_562, %ne3A_563 : i32
      %lt3A_565 = arith.constant 0 : i32
      %lt3A_566 = arith.cmpi slt, %rem3A_562, %lt3A_565 : i32
      %lt3A_567 = arith.constant 0 : i32
      %lt3A_568 = arith.cmpi slt, %select_n3A_561, %lt3A_567 : i32
      %ne3A_569 = arith.xori %lt3A_566, %lt3A_568 : i1
      %and3A_570 = arith.andi %ne3A_569, %ne3A_564 : i1
      %add3A_571 = arith.addi %rem3A_562, %select_n3A_561 : i32
      %select_n3A_572 = arith.select %and3A_570, %add3A_571, %rem3A_562 : i32
      %mul3A_573 = arith.constant 16 : i32
      %mul3A_574 = arith.muli %select_n3A_572, %mul3A_573 : i32
      %get3A_575 = arith.index_cast %select_n3A : i32 to index
      %get3A_576 = arith.index_cast %mul3A_574 : i32 to index
      %get3A_577 = tpu.vector_load %arg18[%get3A_575, %get3A_576] {strides = array<i32>} : memref<16x1024xf32, #tpu.memory_space<vmem>>, vector<16xf32>,
      %mul3A_578 = arith.mulf %gather3A, %get3A_577 : vector<16xf32>
      %get3A_579 = arith.index_cast %select_n3A : i32 to index
      %get3A_580 = arith.index_cast %mul3A_574 : i32 to index
      %get3A_581 = tpu.vector_load %arg21[%get3A_579, %get3A_580] {strides = array<i32>} : memref<16x1024xf32, #tpu.memory_space<vmem>>, vector<16xf32>,
      %mul3A_582 = arith.mulf %gather3A_316, %get3A_581 : vector<16xf32>
      %add3A_583 = arith.addf %mul3A_578, %mul3A_582 : vector<16xf32>
      %swap3A_584 = arith.index_cast %select_n3A : i32 to index
      %swap3A_585 = arith.index_cast %mul3A_574 : i32 to index
      %swap3A_586 = tpu.vector_load %arg18[%swap3A_584, %swap3A_585] {strides = array<i32>} : memref<16x1024xf32, #tpu.memory_space<vmem>>, vector<16xf32>,
      tpu.vector_store %arg18[%swap3A_584, %swap3A_585], %add3A_583 {strides = array<i32>} : memref<16x1024xf32, #tpu.memory_space<vmem>>, vector<16xf32>,
      %scan3A_587 = arith.constant 0 : i32
      scf.yield %scan3A_587 : i32
    }
    %scan3A_256 = arith.constant 128 : i32
    %add3A_257 = arith.constant 96 : i32
    %add3A_258 = arith.addi %mul3A_2, %add3A_257 : i32
    %dma_start3A_259 = arith.constant 0 : i32
    %dma_start3A_260 = tpu.memref_slice %arg7[%add3A_258, %dma_start3A_259] : memref<4096x1024xf32, #tpu.memory_space<hbm>> -> memref<16x1024xf32, #tpu.memory_space<hbm>>
    %dma_start3A_261 = arith.constant 0 : i32
    %dma_start3A_262 = tpu.memref_slice %arg7[%add3A_258, %dma_start3A_261] : memref<4096x1024xf32, #tpu.memory_space<hbm>> -> memref<16x1024xf32, #tpu.memory_space<hbm>>
    tpu.enqueue_dma source(%arg18 : memref<16x1024xf32, #tpu.memory_space<vmem>>) target(%dma_start3A_262 : memref<16x1024xf32, #tpu.memory_space<hbm>>) target_semaphore(%arg30 : memref<!tpu.dma_semaphore, #tpu.memory_space<semaphore_mem>>)
    %dma_wait3A_263 = arith.constant 0 : i32
    %dma_wait3A_264 = arith.constant 0 : i32
    %dma_wait3A_265 = tpu.memref_slice %arg6[%dma_wait3A_263, %dma_wait3A_264] : memref<10240x1024xf32, #tpu.memory_space<hbm>> -> memref<10240x1024xf32, #tpu.memory_space<hbm>>
    tpu.wait_indirect_dma semaphore(%arg25 : memref<!tpu.dma_semaphore, #tpu.memory_space<semaphore_mem>>) src(%dma_wait3A_265 : memref<10240x1024xf32, #tpu.memory_space<hbm>>) dst(%arg19 : memref<16x1024xf32, #tpu.memory_space<vmem>>)
    %dma_wait3A_266 = arith.constant 0 : i32
    %dma_wait3A_267 = arith.constant 0 : i32
    %dma_wait3A_268 = tpu.memref_slice %arg6[%dma_wait3A_266, %dma_wait3A_267] : memref<10240x1024xf32, #tpu.memory_space<hbm>> -> memref<10240x1024xf32, #tpu.memory_space<hbm>>
    tpu.wait_indirect_dma semaphore(%arg28 : memref<!tpu.dma_semaphore, #tpu.memory_space<semaphore_mem>>) src(%dma_wait3A_268 : memref<10240x1024xf32, #tpu.memory_space<hbm>>) dst(%arg22 : memref<16x1024xf32, #tpu.memory_space<vmem>>)
    %scan3A_269 = arith.constant 0 : i32
    %scan3A_270 = arith.constant 0 : i32
    %scan3A_271 = arith.constant 128 : i32
    %scan3A_272 = arith.addi %scan3A_270, %scan3A_271 : i32
    %scan3A_273 = arith.constant 1 : i32
    %scan3A_274 = scf.for %scan3A_294 = %scan3A_270 to %scan3A_272 step %scan3A_273 iter_args(%scan3A_295 = %scan3A_269) -> (i32)  : i32 {
      %mul3A_296 = arith.constant 8 : i32
      %mul3A_297 = arith.muli %scan3A_294, %mul3A_296 : i32
      %jit3A = arith.constant 64 : i32
      %div3A = arith.divsi %mul3A_297, %jit3A : i32
      %sign3A = arith.constant 0 : i32
      %sign3A_298 = arith.cmpi sgt, %mul3A_297, %sign3A : i32
      %sign3A_299 = arith.extui %sign3A_298 : i1 to i32
      %sign3A_300 = arith.constant 0 : i32
      %sign3A_301 = arith.cmpi slt, %mul3A_297, %sign3A_300 : i32
      %sign3A_302 = arith.extui %sign3A_301 : i1 to i32
      %sign3A_303 = arith.subi %sign3A_299, %sign3A_302 : i32
      %sign3A_304 = arith.constant 0 : i32
      %sign3A_305 = arith.cmpi sgt, %jit3A, %sign3A_304 : i32
      %sign3A_306 = arith.extui %sign3A_305 : i1 to i32
      %sign3A_307 = arith.constant 0 : i32
      %sign3A_308 = arith.cmpi slt, %jit3A, %sign3A_307 : i32
      %sign3A_309 = arith.extui %sign3A_308 : i1 to i32
      %sign3A_310 = arith.subi %sign3A_306, %sign3A_309 : i32
      %ne3A = arith.cmpi ne, %sign3A_303, %sign3A_310 : i32
      %rem3A = arith.remsi %mul3A_297, %jit3A : i32
      %ne3A_311 = arith.constant 0 : i32
      %ne3A_312 = arith.cmpi ne, %rem3A, %ne3A_311 : i32
      %and3A = arith.andi %ne3A, %ne3A_312 : i1
      %sub3A = arith.constant 1 : i32
      %sub3A_313 = arith.subi %div3A, %sub3A : i32
      %select_n3A = arith.select %and3A, %sub3A_313, %div3A : i32
      %add3A_314 = arith.constant 112 : i32
      %add3A_315 = arith.addi %add3A_314, %select_n3A : i32
      %broadcast_in_dim3A = vector.broadcast %add3A_315 : i32 to vector<16xi32>
      %gather3A = tpu.vector_load_idx %arg10[%broadcast_in_dim3A] : memref<128xf32, #tpu.memory_space<vmem>>[vector<16xi32>], vector<16xf32>,
      %gather3A_316 = tpu.vector_load_idx %arg11[%broadcast_in_dim3A] : memref<128xf32, #tpu.memory_space<vmem>>[vector<16xi32>], vector<16xf32>,
      %mul3A_317 = arith.constant 8 : i32
      %mul3A_318 = arith.muli %scan3A_294, %mul3A_317 : i32
      %add3A_319 = arith.constant 0 : i32
      %add3A_320 = arith.addi %mul3A_318, %add3A_319 : i32
      %jit3A_321 = arith.constant 64 : i32
      %eq3A = arith.constant 0 : i32
      %eq3A_322 = arith.cmpi eq, %jit3A_321, %eq3A : i32
      %jit3A_323 = arith.constant 1 : i32
      %select_n3A_324 = arith.select %eq3A_322, %jit3A_323, %jit3A_321 : i32
      %rem3A_325 = arith.remsi %add3A_320, %select_n3A_324 : i32
      %ne3A_326 = arith.constant 0 : i32
      %ne3A_327 = arith.cmpi ne, %rem3A_325, %ne3A_326 : i32
      %lt3A = arith.constant 0 : i32
      %lt3A_328 = arith.cmpi slt, %rem3A_325, %lt3A : i32
      %lt3A_329 = arith.constant 0 : i32
      %lt3A_330 = arith.cmpi slt, %select_n3A_324, %lt3A_329 : i32
      %ne3A_331 = arith.xori %lt3A_328, %lt3A_330 : i1
      %and3A_332 = arith.andi %ne3A_331, %ne3A_327 : i1
      %add3A_333 = arith.addi %rem3A_325, %select_n3A_324 : i32
      %select_n3A_334 = arith.select %and3A_332, %add3A_333, %rem3A_325 : i32
      %mul3A_335 = arith.constant 16 : i32
      %mul3A_336 = arith.muli %select_n3A_334, %mul3A_335 : i32
      %get3A_337 = arith.index_cast %select_n3A : i32 to index
      %get3A_338 = arith.index_cast %mul3A_336 : i32 to index
      %get3A_339 = tpu.vector_load %arg19[%get3A_337, %get3A_338] {strides = array<i32>} : memref<16x1024xf32, #tpu.memory_space<vmem>>, vector<16xf32>,
      %mul3A_340 = arith.mulf %gather3A, %get3A_339 : vector<16xf32>
      %get3A_341 = arith.index_cast %select_n3A : i32 to index
      %get3A_342 = arith.index_cast %mul3A_336 : i32 to index
      %get3A_343 = tpu.vector_load %arg22[%get3A_341, %get3A_342] {strides = array<i32>} : memref<16x1024xf32, #tpu.memory_space<vmem>>, vector<16xf32>,
      %mul3A_344 = arith.mulf %gather3A_316, %get3A_343 : vector<16xf32>
      %add3A_345 = arith.addf %mul3A_340, %mul3A_344 : vector<16xf32>
      %swap3A_346 = arith.index_cast %select_n3A : i32 to index
      %swap3A_347 = arith.index_cast %mul3A_336 : i32 to index
      %swap3A_348 = tpu.vector_load %arg19[%swap3A_346, %swap3A_347] {strides = array<i32>} : memref<16x1024xf32, #tpu.memory_space<vmem>>, vector<16xf32>,
      tpu.vector_store %arg19[%swap3A_346, %swap3A_347], %add3A_345 {strides = array<i32>} : memref<16x1024xf32, #tpu.memory_space<vmem>>, vector<16xf32>,
      %mul3A_349 = arith.constant 8 : i32
      %mul3A_350 = arith.muli %scan3A_294, %mul3A_349 : i32
      %add3A_351 = arith.constant 1 : i32
      %add3A_352 = arith.addi %mul3A_350, %add3A_351 : i32
      %jit3A_353 = arith.constant 64 : i32
      %eq3A_354 = arith.constant 0 : i32
      %eq3A_355 = arith.cmpi eq, %jit3A_353, %eq3A_354 : i32
      %jit3A_356 = arith.constant 1 : i32
      %select_n3A_357 = arith.select %eq3A_355, %jit3A_356, %jit3A_353 : i32
      %rem3A_358 = arith.remsi %add3A_352, %select_n3A_357 : i32
      %ne3A_359 = arith.constant 0 : i32
      %ne3A_360 = arith.cmpi ne, %rem3A_358, %ne3A_359 : i32
      %lt3A_361 = arith.constant 0 : i32
      %lt3A_362 = arith.cmpi slt, %rem3A_358, %lt3A_361 : i32
      %lt3A_363 = arith.constant 0 : i32
      %lt3A_364 = arith.cmpi slt, %select_n3A_357, %lt3A_363 : i32
      %ne3A_365 = arith.xori %lt3A_362, %lt3A_364 : i1
      %and3A_366 = arith.andi %ne3A_365, %ne3A_360 : i1
      %add3A_367 = arith.addi %rem3A_358, %select_n3A_357 : i32
      %select_n3A_368 = arith.select %and3A_366, %add3A_367, %rem3A_358 : i32
      %mul3A_369 = arith.constant 16 : i32
      %mul3A_370 = arith.muli %select_n3A_368, %mul3A_369 : i32
      %get3A_371 = arith.index_cast %select_n3A : i32 to index
      %get3A_372 = arith.index_cast %mul3A_370 : i32 to index
      %get3A_373 = tpu.vector_load %arg19[%get3A_371, %get3A_372] {strides = array<i32>} : memref<16x1024xf32, #tpu.memory_space<vmem>>, vector<16xf32>,
      %mul3A_374 = arith.mulf %gather3A, %get3A_373 : vector<16xf32>
      %get3A_375 = arith.index_cast %select_n3A : i32 to index
      %get3A_376 = arith.index_cast %mul3A_370 : i32 to index
      %get3A_377 = tpu.vector_load %arg22[%get3A_375, %get3A_376] {strides = array<i32>} : memref<16x1024xf32, #tpu.memory_space<vmem>>, vector<16xf32>,
      %mul3A_378 = arith.mulf %gather3A_316, %get3A_377 : vector<16xf32>
      %add3A_379 = arith.addf %mul3A_374, %mul3A_378 : vector<16xf32>
      %swap3A_380 = arith.index_cast %select_n3A : i32 to index
      %swap3A_381 = arith.index_cast %mul3A_370 : i32 to index
      %swap3A_382 = tpu.vector_load %arg19[%swap3A_380, %swap3A_381] {strides = array<i32>} : memref<16x1024xf32, #tpu.memory_space<vmem>>, vector<16xf32>,
      tpu.vector_store %arg19[%swap3A_380, %swap3A_381], %add3A_379 {strides = array<i32>} : memref<16x1024xf32, #tpu.memory_space<vmem>>, vector<16xf32>,
      %mul3A_383 = arith.constant 8 : i32
      %mul3A_384 = arith.muli %scan3A_294, %mul3A_383 : i32
      %add3A_385 = arith.constant 2 : i32
      %add3A_386 = arith.addi %mul3A_384, %add3A_385 : i32
      %jit3A_387 = arith.constant 64 : i32
      %eq3A_388 = arith.constant 0 : i32
      %eq3A_389 = arith.cmpi eq, %jit3A_387, %eq3A_388 : i32
      %jit3A_390 = arith.constant 1 : i32
      %select_n3A_391 = arith.select %eq3A_389, %jit3A_390, %jit3A_387 : i32
      %rem3A_392 = arith.remsi %add3A_386, %select_n3A_391 : i32
      %ne3A_393 = arith.constant 0 : i32
      %ne3A_394 = arith.cmpi ne, %rem3A_392, %ne3A_393 : i32
      %lt3A_395 = arith.constant 0 : i32
      %lt3A_396 = arith.cmpi slt, %rem3A_392, %lt3A_395 : i32
      %lt3A_397 = arith.constant 0 : i32
      %lt3A_398 = arith.cmpi slt, %select_n3A_391, %lt3A_397 : i32
      %ne3A_399 = arith.xori %lt3A_396, %lt3A_398 : i1
      %and3A_400 = arith.andi %ne3A_399, %ne3A_394 : i1
      %add3A_401 = arith.addi %rem3A_392, %select_n3A_391 : i32
      %select_n3A_402 = arith.select %and3A_400, %add3A_401, %rem3A_392 : i32
      %mul3A_403 = arith.constant 16 : i32
      %mul3A_404 = arith.muli %select_n3A_402, %mul3A_403 : i32
      %get3A_405 = arith.index_cast %select_n3A : i32 to index
      %get3A_406 = arith.index_cast %mul3A_404 : i32 to index
      %get3A_407 = tpu.vector_load %arg19[%get3A_405, %get3A_406] {strides = array<i32>} : memref<16x1024xf32, #tpu.memory_space<vmem>>, vector<16xf32>,
      %mul3A_408 = arith.mulf %gather3A, %get3A_407 : vector<16xf32>
      %get3A_409 = arith.index_cast %select_n3A : i32 to index
      %get3A_410 = arith.index_cast %mul3A_404 : i32 to index
      %get3A_411 = tpu.vector_load %arg22[%get3A_409, %get3A_410] {strides = array<i32>} : memref<16x1024xf32, #tpu.memory_space<vmem>>, vector<16xf32>,
      %mul3A_412 = arith.mulf %gather3A_316, %get3A_411 : vector<16xf32>
      %add3A_413 = arith.addf %mul3A_408, %mul3A_412 : vector<16xf32>
      %swap3A_414 = arith.index_cast %select_n3A : i32 to index
      %swap3A_415 = arith.index_cast %mul3A_404 : i32 to index
      %swap3A_416 = tpu.vector_load %arg19[%swap3A_414, %swap3A_415] {strides = array<i32>} : memref<16x1024xf32, #tpu.memory_space<vmem>>, vector<16xf32>,
      tpu.vector_store %arg19[%swap3A_414, %swap3A_415], %add3A_413 {strides = array<i32>} : memref<16x1024xf32, #tpu.memory_space<vmem>>, vector<16xf32>,
      %mul3A_417 = arith.constant 8 : i32
      %mul3A_418 = arith.muli %scan3A_294, %mul3A_417 : i32
      %add3A_419 = arith.constant 3 : i32
      %add3A_420 = arith.addi %mul3A_418, %add3A_419 : i32
      %jit3A_421 = arith.constant 64 : i32
      %eq3A_422 = arith.constant 0 : i32
      %eq3A_423 = arith.cmpi eq, %jit3A_421, %eq3A_422 : i32
      %jit3A_424 = arith.constant 1 : i32
      %select_n3A_425 = arith.select %eq3A_423, %jit3A_424, %jit3A_421 : i32
      %rem3A_426 = arith.remsi %add3A_420, %select_n3A_425 : i32
      %ne3A_427 = arith.constant 0 : i32
      %ne3A_428 = arith.cmpi ne, %rem3A_426, %ne3A_427 : i32
      %lt3A_429 = arith.constant 0 : i32
      %lt3A_430 = arith.cmpi slt, %rem3A_426, %lt3A_429 : i32
      %lt3A_431 = arith.constant 0 : i32
      %lt3A_432 = arith.cmpi slt, %select_n3A_425, %lt3A_431 : i32
      %ne3A_433 = arith.xori %lt3A_430, %lt3A_432 : i1
      %and3A_434 = arith.andi %ne3A_433, %ne3A_428 : i1
      %add3A_435 = arith.addi %rem3A_426, %select_n3A_425 : i32
      %select_n3A_436 = arith.select %and3A_434, %add3A_435, %rem3A_426 : i32
      %mul3A_437 = arith.constant 16 : i32
      %mul3A_438 = arith.muli %select_n3A_436, %mul3A_437 : i32
      %get3A_439 = arith.index_cast %select_n3A : i32 to index
      %get3A_440 = arith.index_cast %mul3A_438 : i32 to index
      %get3A_441 = tpu.vector_load %arg19[%get3A_439, %get3A_440] {strides = array<i32>} : memref<16x1024xf32, #tpu.memory_space<vmem>>, vector<16xf32>,
      %mul3A_442 = arith.mulf %gather3A, %get3A_441 : vector<16xf32>
      %get3A_443 = arith.index_cast %select_n3A : i32 to index
      %get3A_444 = arith.index_cast %mul3A_438 : i32 to index
      %get3A_445 = tpu.vector_load %arg22[%get3A_443, %get3A_444] {strides = array<i32>} : memref<16x1024xf32, #tpu.memory_space<vmem>>, vector<16xf32>,
      %mul3A_446 = arith.mulf %gather3A_316, %get3A_445 : vector<16xf32>
      %add3A_447 = arith.addf %mul3A_442, %mul3A_446 : vector<16xf32>
      %swap3A_448 = arith.index_cast %select_n3A : i32 to index
      %swap3A_449 = arith.index_cast %mul3A_438 : i32 to index
      %swap3A_450 = tpu.vector_load %arg19[%swap3A_448, %swap3A_449] {strides = array<i32>} : memref<16x1024xf32, #tpu.memory_space<vmem>>, vector<16xf32>,
      tpu.vector_store %arg19[%swap3A_448, %swap3A_449], %add3A_447 {strides = array<i32>} : memref<16x1024xf32, #tpu.memory_space<vmem>>, vector<16xf32>,
      %mul3A_451 = arith.constant 8 : i32
      %mul3A_452 = arith.muli %scan3A_294, %mul3A_451 : i32
      %add3A_453 = arith.constant 4 : i32
      %add3A_454 = arith.addi %mul3A_452, %add3A_453 : i32
      %jit3A_455 = arith.constant 64 : i32
      %eq3A_456 = arith.constant 0 : i32
      %eq3A_457 = arith.cmpi eq, %jit3A_455, %eq3A_456 : i32
      %jit3A_458 = arith.constant 1 : i32
      %select_n3A_459 = arith.select %eq3A_457, %jit3A_458, %jit3A_455 : i32
      %rem3A_460 = arith.remsi %add3A_454, %select_n3A_459 : i32
      %ne3A_461 = arith.constant 0 : i32
      %ne3A_462 = arith.cmpi ne, %rem3A_460, %ne3A_461 : i32
      %lt3A_463 = arith.constant 0 : i32
      %lt3A_464 = arith.cmpi slt, %rem3A_460, %lt3A_463 : i32
      %lt3A_465 = arith.constant 0 : i32
      %lt3A_466 = arith.cmpi slt, %select_n3A_459, %lt3A_465 : i32
      %ne3A_467 = arith.xori %lt3A_464, %lt3A_466 : i1
      %and3A_468 = arith.andi %ne3A_467, %ne3A_462 : i1
      %add3A_469 = arith.addi %rem3A_460, %select_n3A_459 : i32
      %select_n3A_470 = arith.select %and3A_468, %add3A_469, %rem3A_460 : i32
      %mul3A_471 = arith.constant 16 : i32
      %mul3A_472 = arith.muli %select_n3A_470, %mul3A_471 : i32
      %get3A_473 = arith.index_cast %select_n3A : i32 to index
      %get3A_474 = arith.index_cast %mul3A_472 : i32 to index
      %get3A_475 = tpu.vector_load %arg19[%get3A_473, %get3A_474] {strides = array<i32>} : memref<16x1024xf32, #tpu.memory_space<vmem>>, vector<16xf32>,
      %mul3A_476 = arith.mulf %gather3A, %get3A_475 : vector<16xf32>
      %get3A_477 = arith.index_cast %select_n3A : i32 to index
      %get3A_478 = arith.index_cast %mul3A_472 : i32 to index
      %get3A_479 = tpu.vector_load %arg22[%get3A_477, %get3A_478] {strides = array<i32>} : memref<16x1024xf32, #tpu.memory_space<vmem>>, vector<16xf32>,
      %mul3A_480 = arith.mulf %gather3A_316, %get3A_479 : vector<16xf32>
      %add3A_481 = arith.addf %mul3A_476, %mul3A_480 : vector<16xf32>
      %swap3A_482 = arith.index_cast %select_n3A : i32 to index
      %swap3A_483 = arith.index_cast %mul3A_472 : i32 to index
      %swap3A_484 = tpu.vector_load %arg19[%swap3A_482, %swap3A_483] {strides = array<i32>} : memref<16x1024xf32, #tpu.memory_space<vmem>>, vector<16xf32>,
      tpu.vector_store %arg19[%swap3A_482, %swap3A_483], %add3A_481 {strides = array<i32>} : memref<16x1024xf32, #tpu.memory_space<vmem>>, vector<16xf32>,
      %mul3A_485 = arith.constant 8 : i32
      %mul3A_486 = arith.muli %scan3A_294, %mul3A_485 : i32
      %add3A_487 = arith.constant 5 : i32
      %add3A_488 = arith.addi %mul3A_486, %add3A_487 : i32
      %jit3A_489 = arith.constant 64 : i32
      %eq3A_490 = arith.constant 0 : i32
      %eq3A_491 = arith.cmpi eq, %jit3A_489, %eq3A_490 : i32
      %jit3A_492 = arith.constant 1 : i32
      %select_n3A_493 = arith.select %eq3A_491, %jit3A_492, %jit3A_489 : i32
      %rem3A_494 = arith.remsi %add3A_488, %select_n3A_493 : i32
      %ne3A_495 = arith.constant 0 : i32
      %ne3A_496 = arith.cmpi ne, %rem3A_494, %ne3A_495 : i32
      %lt3A_497 = arith.constant 0 : i32
      %lt3A_498 = arith.cmpi slt, %rem3A_494, %lt3A_497 : i32
      %lt3A_499 = arith.constant 0 : i32
      %lt3A_500 = arith.cmpi slt, %select_n3A_493, %lt3A_499 : i32
      %ne3A_501 = arith.xori %lt3A_498, %lt3A_500 : i1
      %and3A_502 = arith.andi %ne3A_501, %ne3A_496 : i1
      %add3A_503 = arith.addi %rem3A_494, %select_n3A_493 : i32
      %select_n3A_504 = arith.select %and3A_502, %add3A_503, %rem3A_494 : i32
      %mul3A_505 = arith.constant 16 : i32
      %mul3A_506 = arith.muli %select_n3A_504, %mul3A_505 : i32
      %get3A_507 = arith.index_cast %select_n3A : i32 to index
      %get3A_508 = arith.index_cast %mul3A_506 : i32 to index
      %get3A_509 = tpu.vector_load %arg19[%get3A_507, %get3A_508] {strides = array<i32>} : memref<16x1024xf32, #tpu.memory_space<vmem>>, vector<16xf32>,
      %mul3A_510 = arith.mulf %gather3A, %get3A_509 : vector<16xf32>
      %get3A_511 = arith.index_cast %select_n3A : i32 to index
      %get3A_512 = arith.index_cast %mul3A_506 : i32 to index
      %get3A_513 = tpu.vector_load %arg22[%get3A_511, %get3A_512] {strides = array<i32>} : memref<16x1024xf32, #tpu.memory_space<vmem>>, vector<16xf32>,
      %mul3A_514 = arith.mulf %gather3A_316, %get3A_513 : vector<16xf32>
      %add3A_515 = arith.addf %mul3A_510, %mul3A_514 : vector<16xf32>
      %swap3A_516 = arith.index_cast %select_n3A : i32 to index
      %swap3A_517 = arith.index_cast %mul3A_506 : i32 to index
      %swap3A_518 = tpu.vector_load %arg19[%swap3A_516, %swap3A_517] {strides = array<i32>} : memref<16x1024xf32, #tpu.memory_space<vmem>>, vector<16xf32>,
      tpu.vector_store %arg19[%swap3A_516, %swap3A_517], %add3A_515 {strides = array<i32>} : memref<16x1024xf32, #tpu.memory_space<vmem>>, vector<16xf32>,
      %mul3A_519 = arith.constant 8 : i32
      %mul3A_520 = arith.muli %scan3A_294, %mul3A_519 : i32
      %add3A_521 = arith.constant 6 : i32
      %add3A_522 = arith.addi %mul3A_520, %add3A_521 : i32
      %jit3A_523 = arith.constant 64 : i32
      %eq3A_524 = arith.constant 0 : i32
      %eq3A_525 = arith.cmpi eq, %jit3A_523, %eq3A_524 : i32
      %jit3A_526 = arith.constant 1 : i32
      %select_n3A_527 = arith.select %eq3A_525, %jit3A_526, %jit3A_523 : i32
      %rem3A_528 = arith.remsi %add3A_522, %select_n3A_527 : i32
      %ne3A_529 = arith.constant 0 : i32
      %ne3A_530 = arith.cmpi ne, %rem3A_528, %ne3A_529 : i32
      %lt3A_531 = arith.constant 0 : i32
      %lt3A_532 = arith.cmpi slt, %rem3A_528, %lt3A_531 : i32
      %lt3A_533 = arith.constant 0 : i32
      %lt3A_534 = arith.cmpi slt, %select_n3A_527, %lt3A_533 : i32
      %ne3A_535 = arith.xori %lt3A_532, %lt3A_534 : i1
      %and3A_536 = arith.andi %ne3A_535, %ne3A_530 : i1
      %add3A_537 = arith.addi %rem3A_528, %select_n3A_527 : i32
      %select_n3A_538 = arith.select %and3A_536, %add3A_537, %rem3A_528 : i32
      %mul3A_539 = arith.constant 16 : i32
      %mul3A_540 = arith.muli %select_n3A_538, %mul3A_539 : i32
      %get3A_541 = arith.index_cast %select_n3A : i32 to index
      %get3A_542 = arith.index_cast %mul3A_540 : i32 to index
      %get3A_543 = tpu.vector_load %arg19[%get3A_541, %get3A_542] {strides = array<i32>} : memref<16x1024xf32, #tpu.memory_space<vmem>>, vector<16xf32>,
      %mul3A_544 = arith.mulf %gather3A, %get3A_543 : vector<16xf32>
      %get3A_545 = arith.index_cast %select_n3A : i32 to index
      %get3A_546 = arith.index_cast %mul3A_540 : i32 to index
      %get3A_547 = tpu.vector_load %arg22[%get3A_545, %get3A_546] {strides = array<i32>} : memref<16x1024xf32, #tpu.memory_space<vmem>>, vector<16xf32>,
      %mul3A_548 = arith.mulf %gather3A_316, %get3A_547 : vector<16xf32>
      %add3A_549 = arith.addf %mul3A_544, %mul3A_548 : vector<16xf32>
      %swap3A_550 = arith.index_cast %select_n3A : i32 to index
      %swap3A_551 = arith.index_cast %mul3A_540 : i32 to index
      %swap3A_552 = tpu.vector_load %arg19[%swap3A_550, %swap3A_551] {strides = array<i32>} : memref<16x1024xf32, #tpu.memory_space<vmem>>, vector<16xf32>,
      tpu.vector_store %arg19[%swap3A_550, %swap3A_551], %add3A_549 {strides = array<i32>} : memref<16x1024xf32, #tpu.memory_space<vmem>>, vector<16xf32>,
      %mul3A_553 = arith.constant 8 : i32
      %mul3A_554 = arith.muli %scan3A_294, %mul3A_553 : i32
      %add3A_555 = arith.constant 7 : i32
      %add3A_556 = arith.addi %mul3A_554, %add3A_555 : i32
      %jit3A_557 = arith.constant 64 : i32
      %eq3A_558 = arith.constant 0 : i32
      %eq3A_559 = arith.cmpi eq, %jit3A_557, %eq3A_558 : i32
      %jit3A_560 = arith.constant 1 : i32
      %select_n3A_561 = arith.select %eq3A_559, %jit3A_560, %jit3A_557 : i32
      %rem3A_562 = arith.remsi %add3A_556, %select_n3A_561 : i32
      %ne3A_563 = arith.constant 0 : i32
      %ne3A_564 = arith.cmpi ne, %rem3A_562, %ne3A_563 : i32
      %lt3A_565 = arith.constant 0 : i32
      %lt3A_566 = arith.cmpi slt, %rem3A_562, %lt3A_565 : i32
      %lt3A_567 = arith.constant 0 : i32
      %lt3A_568 = arith.cmpi slt, %select_n3A_561, %lt3A_567 : i32
      %ne3A_569 = arith.xori %lt3A_566, %lt3A_568 : i1
      %and3A_570 = arith.andi %ne3A_569, %ne3A_564 : i1
      %add3A_571 = arith.addi %rem3A_562, %select_n3A_561 : i32
      %select_n3A_572 = arith.select %and3A_570, %add3A_571, %rem3A_562 : i32
      %mul3A_573 = arith.constant 16 : i32
      %mul3A_574 = arith.muli %select_n3A_572, %mul3A_573 : i32
      %get3A_575 = arith.index_cast %select_n3A : i32 to index
      %get3A_576 = arith.index_cast %mul3A_574 : i32 to index
      %get3A_577 = tpu.vector_load %arg19[%get3A_575, %get3A_576] {strides = array<i32>} : memref<16x1024xf32, #tpu.memory_space<vmem>>, vector<16xf32>,
      %mul3A_578 = arith.mulf %gather3A, %get3A_577 : vector<16xf32>
      %get3A_579 = arith.index_cast %select_n3A : i32 to index
      %get3A_580 = arith.index_cast %mul3A_574 : i32 to index
      %get3A_581 = tpu.vector_load %arg22[%get3A_579, %get3A_580] {strides = array<i32>} : memref<16x1024xf32, #tpu.memory_space<vmem>>, vector<16xf32>,
      %mul3A_582 = arith.mulf %gather3A_316, %get3A_581 : vector<16xf32>
      %add3A_583 = arith.addf %mul3A_578, %mul3A_582 : vector<16xf32>
      %swap3A_584 = arith.index_cast %select_n3A : i32 to index
      %swap3A_585 = arith.index_cast %mul3A_574 : i32 to index
      %swap3A_586 = tpu.vector_load %arg19[%swap3A_584, %swap3A_585] {strides = array<i32>} : memref<16x1024xf32, #tpu.memory_space<vmem>>, vector<16xf32>,
      tpu.vector_store %arg19[%swap3A_584, %swap3A_585], %add3A_583 {strides = array<i32>} : memref<16x1024xf32, #tpu.memory_space<vmem>>, vector<16xf32>,
      %scan3A_587 = arith.constant 0 : i32
      scf.yield %scan3A_587 : i32
    }
    %scan3A_275 = arith.constant 128 : i32
    %add3A_276 = arith.constant 112 : i32
    %add3A_277 = arith.addi %mul3A_2, %add3A_276 : i32
    %dma_start3A_278 = arith.constant 0 : i32
    %dma_start3A_279 = tpu.memref_slice %arg7[%add3A_277, %dma_start3A_278] : memref<4096x1024xf32, #tpu.memory_space<hbm>> -> memref<16x1024xf32, #tpu.memory_space<hbm>>
    %dma_start3A_280 = arith.constant 0 : i32
    %dma_start3A_281 = tpu.memref_slice %arg7[%add3A_277, %dma_start3A_280] : memref<4096x1024xf32, #tpu.memory_space<hbm>> -> memref<16x1024xf32, #tpu.memory_space<hbm>>
    tpu.enqueue_dma source(%arg19 : memref<16x1024xf32, #tpu.memory_space<vmem>>) target(%dma_start3A_281 : memref<16x1024xf32, #tpu.memory_space<hbm>>) target_semaphore(%arg31 : memref<!tpu.dma_semaphore, #tpu.memory_space<semaphore_mem>>)
    %dma_wait3A_282 = arith.constant 0 : i32
    %dma_wait3A_283 = tpu.memref_slice %arg7[%add3A_221, %dma_wait3A_282] : memref<4096x1024xf32, #tpu.memory_space<hbm>> -> memref<16x1024xf32, #tpu.memory_space<hbm>>
    %dma_wait3A_284 = arith.constant 0 : i32
    %dma_wait3A_285 = tpu.memref_slice %arg7[%add3A_221, %dma_wait3A_284] : memref<4096x1024xf32, #tpu.memory_space<hbm>> -> memref<16x1024xf32, #tpu.memory_space<hbm>>
    tpu.wait_dma2 semaphore(%arg32 : memref<!tpu.dma_semaphore, #tpu.memory_space<semaphore_mem>>) src(%arg20 : memref<16x1024xf32, #tpu.memory_space<vmem>>) dst(%dma_wait3A_285 : memref<16x1024xf32, #tpu.memory_space<hbm>>)
    %dma_wait3A_286 = arith.constant 0 : i32
    %dma_wait3A_287 = tpu.memref_slice %arg7[%add3A_258, %dma_wait3A_286] : memref<4096x1024xf32, #tpu.memory_space<hbm>> -> memref<16x1024xf32, #tpu.memory_space<hbm>>
    %dma_wait3A_288 = arith.constant 0 : i32
    %dma_wait3A_289 = tpu.memref_slice %arg7[%add3A_258, %dma_wait3A_288] : memref<4096x1024xf32, #tpu.memory_space<hbm>> -> memref<16x1024xf32, #tpu.memory_space<hbm>>
    tpu.wait_dma2 semaphore(%arg30 : memref<!tpu.dma_semaphore, #tpu.memory_space<semaphore_mem>>) src(%arg18 : memref<16x1024xf32, #tpu.memory_space<vmem>>) dst(%dma_wait3A_289 : memref<16x1024xf32, #tpu.memory_space<hbm>>)
    %dma_wait3A_290 = arith.constant 0 : i32
    %dma_wait3A_291 = tpu.memref_slice %arg7[%add3A_277, %dma_wait3A_290] : memref<4096x1024xf32, #tpu.memory_space<hbm>> -> memref<16x1024xf32, #tpu.memory_space<hbm>>
    %dma_wait3A_292 = arith.constant 0 : i32
    %dma_wait3A_293 = tpu.memref_slice %arg7[%add3A_277, %dma_wait3A_292] : memref<4096x1024xf32, #tpu.memory_space<hbm>> -> memref<16x1024xf32, #tpu.memory_space<hbm>>
    tpu.wait_dma2 semaphore(%arg31 : memref<!tpu.dma_semaphore, #tpu.memory_space<semaphore_mem>>) src(%arg19 : memref<16x1024xf32, #tpu.memory_space<vmem>>) dst(%dma_wait3A_293 : memref<16x1024xf32, #tpu.memory_space<hbm>>)
    return
  }
}

module attributes {stable_mosaic.version = 14 : i64} {
  func.func @_dispatch_body(%arg0: memref<1x8xf32, #tpu.memory_space<vmem>>, %arg1: memref<4096x8xf32, #tpu.memory_space<vmem>>, %arg2: memref<4096x2xi32, #tpu.memory_space<vmem>>, %arg3: memref<2x4096xi32, #tpu.memory_space<vmem>>, %arg4: memref<1x64xi32, #tpu.memory_space<vmem>>) attributes {dimension_semantics = [], scalar_prefetch = 0 : i64, scratch_operands = 0 : i64, tpu.core_type = #tpu.core_type<tc>} {
    %get3A = arith.constant 0 : index
    %get3A_0 = arith.constant 0 : index
    %get3A_1 = vector.load %arg0[%get3A, %get3A_0] : memref<1x8xf32, #tpu.memory_space<vmem>>, vector<1x8xf32>
    %div3A = arith.constant 2.560000e+02 : f32
    %div3A_2 = vector.broadcast %div3A : f32 to vector<1x8xf32>
    %div3A_3 = arith.divf %get3A_1, %div3A_2 : vector<1x8xf32>
    %ceil3A = math.ceil %div3A_3 : vector<1x8xf32>
    %mul3A = arith.constant 2.560000e+02 : f32
    %mul3A_4 = vector.broadcast %mul3A : f32 to vector<1x8xf32>
    %mul3A_5 = arith.mulf %ceil3A, %mul3A_4 : vector<1x8xf32>
    %iota3A = tpu.iota {dimensions = array<i32: 0>} : vector<8x8xi32>
    %iota3A_6 = tpu.iota {dimensions = array<i32: 1>} : vector<8x8xi32>
    %le3A = arith.cmpi sle, %iota3A, %iota3A_6 : vector<8x8xi32>
    %convert_element_type3A = arith.extui %le3A : vector<8x8xi1> to vector<8x8xi32>
    %convert_element_type3A_7 = arith.sitofp %convert_element_type3A : vector<8x8xi32> to vector<8x8xf32>
    %dot_general3A = arith.constant dense<0.000000e+00> : vector<1x8xf32>
    %dot_general3A_8 = tpu.matmul %mul3A_5, %convert_element_type3A_7, %dot_general3A {dimension_numbers = #tpu.dot_dimension_numbers<[1], [0], [0], [1], [0, 0, 1, 1], [], []>, transpose_lhs_hint = false} : vector<1x8xf32>, vector<8x8xf32>, vector<1x8xf32> -> vector<1x8xf32>
    %sub3A = arith.subf %dot_general3A_8, %mul3A_5 : vector<1x8xf32>
    %get3A_9 = arith.constant 0 : index
    %get3A_10 = arith.constant 0 : index
    %get3A_11 = vector.load %arg2[%get3A_9, %get3A_10] : memref<4096x2xi32, #tpu.memory_space<vmem>>, vector<4096x2xi32>
    %get3A_12 = arith.constant 0 : index
    %get3A_13 = arith.constant 0 : index
    %get3A_14 = vector.load %arg1[%get3A_12, %get3A_13] : memref<4096x8xf32, #tpu.memory_space<vmem>>, vector<4096x8xf32>
    %iota3A_15 = tpu.iota {dimensions = array<i32: 1>} : vector<4096x8xi32>
    %add3A = vector.broadcast %sub3A : vector<1x8xf32> to vector<4096x8xf32>
    %add3A_16 = arith.addf %add3A, %get3A_14 : vector<4096x8xf32>
    %slice3A = vector.extract_strided_slice %get3A_11 {offsets = [0, 0], sizes = [4096, 1], strides = [1, 1]} : vector<4096x2xi32> to vector<4096x1xi32>
    %squeeze3A = vector.shape_cast %slice3A : vector<4096x1xi32> to vector<4096xi32>
    %broadcast_in_dim3A = vector.shape_cast %squeeze3A : vector<4096xi32> to vector<4096x1xi32>
    %eq3A = vector.broadcast %broadcast_in_dim3A : vector<4096x1xi32> to vector<4096x8xi32>
    %eq3A_17 = arith.cmpi eq, %iota3A_15, %eq3A : vector<4096x8xi32>
    %jit3A = arith.constant 0.000000e+00 : f32
    %broadcast_in_dim3A_18 = vector.broadcast %jit3A : f32 to vector<4096x8xf32>
    %select_n3A = arith.select %eq3A_17, %add3A_16, %broadcast_in_dim3A_18 : vector<4096x8xi1>, vector<4096x8xf32>
    %reduce_sum3A = arith.constant dense<0.000000e+00> : vector<4096xf32>
    %reduce_sum3A_19 = vector.multi_reduction <add>, %select_n3A, %reduce_sum3A [1] : vector<4096x8xf32> to vector<4096xf32>
    %slice3A_20 = vector.extract_strided_slice %get3A_11 {offsets = [0, 1], sizes = [4096, 1], strides = [1, 1]} : vector<4096x2xi32> to vector<4096x1xi32>
    %squeeze3A_21 = vector.shape_cast %slice3A_20 : vector<4096x1xi32> to vector<4096xi32>
    %broadcast_in_dim3A_22 = vector.shape_cast %squeeze3A_21 : vector<4096xi32> to vector<4096x1xi32>
    %eq3A_23 = vector.broadcast %broadcast_in_dim3A_22 : vector<4096x1xi32> to vector<4096x8xi32>
    %eq3A_24 = arith.cmpi eq, %iota3A_15, %eq3A_23 : vector<4096x8xi32>
    %jit3A_25 = arith.constant 0.000000e+00 : f32
    %broadcast_in_dim3A_26 = vector.broadcast %jit3A_25 : f32 to vector<4096x8xf32>
    %select_n3A_27 = arith.select %eq3A_24, %add3A_16, %broadcast_in_dim3A_26 : vector<4096x8xi1>, vector<4096x8xf32>
    %reduce_sum3A_28 = arith.constant dense<0.000000e+00> : vector<4096xf32>
    %reduce_sum3A_29 = vector.multi_reduction <add>, %select_n3A_27, %reduce_sum3A_28 [1] : vector<4096x8xf32> to vector<4096xf32>
    %stack3A = vector.shape_cast %reduce_sum3A_19 : vector<4096xf32> to vector<1x4096xf32>
    %stack3A_30 = vector.shape_cast %reduce_sum3A_29 : vector<4096xf32> to vector<1x4096xf32>
    %stack3A_31 = tpu.concatenate %stack3A, %stack3A_30 in 0 : vector<1x4096xf32>, vector<1x4096xf32> -> vector<2x4096xf32>
    %convert_element_type3A_32 = arith.fptosi %stack3A_31 : vector<2x4096xf32> to vector<2x4096xi32>
    %swap3A = arith.constant 0 : index
    %swap3A_33 = arith.constant 0 : index
    %swap3A_34 = vector.load %arg3[%swap3A, %swap3A_33] : memref<2x4096xi32, #tpu.memory_space<vmem>>, vector<2x4096xi32>
    tpu.vector_store %arg3[%swap3A, %swap3A_33], %convert_element_type3A_32 {strides = array<i32>} : memref<2x4096xi32, #tpu.memory_space<vmem>>, vector<2x4096xi32>,
    %transpose3A = tpu.transpose %dot_general3A_8, [1, 0] : vector<1x8xf32> -> vector<8x1xf32>
    %iota3A_35 = tpu.iota {dimensions = array<i32: 1>} : vector<8x64xi32>
    %mul3A_36 = arith.constant 256 : i32
    %mul3A_37 = vector.broadcast %mul3A_36 : i32 to vector<8x64xi32>
    %mul3A_38 = arith.muli %iota3A_35, %mul3A_37 : vector<8x64xi32>
    %convert_element_type3A_39 = arith.sitofp %mul3A_38 : vector<8x64xi32> to vector<8x64xf32>
    %ge3A = vector.broadcast %transpose3A : vector<8x1xf32> to vector<8x64xf32>
    %ge3A_40 = arith.cmpf oge, %convert_element_type3A_39, %ge3A : vector<8x64xf32>
    %convert_element_type3A_41 = arith.extui %ge3A_40 : vector<8x64xi1> to vector<8x64xi32>
    %convert_element_type3A_42 = arith.sitofp %convert_element_type3A_41 : vector<8x64xi32> to vector<8x64xf32>
    %broadcast_in_dim3A_43 = arith.constant 1.000000e+00 : f32
    %broadcast_in_dim3A_44 = vector.broadcast %broadcast_in_dim3A_43 : f32 to vector<1x8xf32>
    %dot_general3A_45 = arith.constant dense<0.000000e+00> : vector<1x64xf32>
    %dot_general3A_46 = tpu.matmul %broadcast_in_dim3A_44, %convert_element_type3A_42, %dot_general3A_45 {dimension_numbers = #tpu.dot_dimension_numbers<[1], [0], [0], [1], [0, 0, 1, 1], [], []>, transpose_lhs_hint = false} : vector<1x8xf32>, vector<8x64xf32>, vector<1x64xf32> -> vector<1x64xf32>
    %min3A = arith.constant 7.000000e+00 : f32
    %min3A_47 = vector.broadcast %min3A : f32 to vector<1x64xf32>
    %min3A_48 = arith.minimumf %dot_general3A_46, %min3A_47 : vector<1x64xf32>
    %convert_element_type3A_49 = arith.fptosi %min3A_48 : vector<1x64xf32> to vector<1x64xi32>
    %swap3A_50 = arith.constant 0 : index
    %swap3A_51 = arith.constant 0 : index
    %swap3A_52 = vector.load %arg4[%swap3A_50, %swap3A_51] : memref<1x64xi32, #tpu.memory_space<vmem>>, vector<1x64xi32>
    tpu.vector_store %arg4[%swap3A_50, %swap3A_51], %convert_element_type3A_49 {strides = array<i32>} : memref<1x64xi32, #tpu.memory_space<vmem>>, vector<1x64xi32>,
    return
  }
}

module attributes {stable_mosaic.version = 14 : i64} {
  func.func @_cumsum_body(%arg0: i32, %arg1: memref<512x2xi32, #tpu.memory_space<vmem>>, %arg2: memref<512x8xf32, #tpu.memory_space<vmem>>, %arg3: memref<1x8xf32, #tpu.memory_space<vmem>>, %arg4: memref<1x8xf32, #tpu.memory_space<vmem>>) attributes {dimension_semantics = [#tpu.dimension_semantics<arbitrary>], iteration_bounds = array<i64: 8>, scalar_prefetch = 0 : i64, scratch_operands = 1 : i64, tpu.core_type = #tpu.core_type<tc>, window_params = [{transform_indices = @transform_0, window_bounds = array<i64: 512, 2>}, {transform_indices = @transform_1, window_bounds = array<i64: 512, 8>}, {pipeline_mode = #tpu.pipeline_mode<synchronous>, transform_indices = @transform_2, window_bounds = array<i64: 1, 8>}]} {
    %eq3A = arith.constant 0 : i32
    %eq3A_0 = arith.cmpi eq, %arg0, %eq3A : i32
    %convert_element_type3A = arith.extui %eq3A_0 : i1 to i32
    %cond3A = arith.constant 0 : i32
    %cond3A_1 = arith.cmpi ne, %convert_element_type3A, %cond3A : i32
    scf.if %cond3A_1 {
      %broadcast_in_dim3A_38 = arith.constant 0.000000e+00 : f32
      %broadcast_in_dim3A_39 = vector.broadcast %broadcast_in_dim3A_38 : f32 to vector<1x8xf32>
      %swap3A_40 = arith.constant 0 : index
      %swap3A_41 = arith.constant 0 : index
      %swap3A_42 = vector.load %arg4[%swap3A_40, %swap3A_41] : memref<1x8xf32, #tpu.memory_space<vmem>>, vector<1x8xf32>
      tpu.vector_store %arg4[%swap3A_40, %swap3A_41], %broadcast_in_dim3A_39 {strides = array<i32>} : memref<1x8xf32, #tpu.memory_space<vmem>>, vector<1x8xf32>,
    } else {
    }
    %get3A = arith.constant 0 : index
    %get3A_2 = arith.constant 0 : index
    %get3A_3 = vector.load %arg1[%get3A, %get3A_2] : memref<512x2xi32, #tpu.memory_space<vmem>>, vector<512x2xi32>
    %iota3A = tpu.iota {dimensions = array<i32: 1>} : vector<512x8xi32>
    %slice3A = vector.extract_strided_slice %get3A_3 {offsets = [0, 0], sizes = [512, 1], strides = [1, 1]} : vector<512x2xi32> to vector<512x1xi32>
    %squeeze3A = vector.shape_cast %slice3A : vector<512x1xi32> to vector<512xi32>
    %broadcast_in_dim3A = vector.shape_cast %squeeze3A : vector<512xi32> to vector<512x1xi32>
    %eq3A_4 = vector.broadcast %broadcast_in_dim3A : vector<512x1xi32> to vector<512x8xi32>
    %eq3A_5 = arith.cmpi eq, %iota3A, %eq3A_4 : vector<512x8xi32>
    %slice3A_6 = vector.extract_strided_slice %get3A_3 {offsets = [0, 1], sizes = [512, 1], strides = [1, 1]} : vector<512x2xi32> to vector<512x1xi32>
    %squeeze3A_7 = vector.shape_cast %slice3A_6 : vector<512x1xi32> to vector<512xi32>
    %broadcast_in_dim3A_8 = vector.shape_cast %squeeze3A_7 : vector<512xi32> to vector<512x1xi32>
    %eq3A_9 = vector.broadcast %broadcast_in_dim3A_8 : vector<512x1xi32> to vector<512x8xi32>
    %eq3A_10 = arith.cmpi eq, %iota3A, %eq3A_9 : vector<512x8xi32>
    %or3A = arith.ori %eq3A_5, %eq3A_10 : vector<512x8xi1>
    %convert_element_type3A_11 = arith.extui %or3A : vector<512x8xi1> to vector<512x8xi32>
    %convert_element_type3A_12 = arith.sitofp %convert_element_type3A_11 : vector<512x8xi32> to vector<512x8xf32>
    %iota3A_13 = tpu.iota {dimensions = array<i32: 0>} : vector<512x512xi32>
    %iota3A_14 = tpu.iota {dimensions = array<i32: 1>} : vector<512x512xi32>
    %lt3A = arith.cmpi slt, %iota3A_14, %iota3A_13 : vector<512x512xi32>
    %convert_element_type3A_15 = arith.extui %lt3A : vector<512x512xi1> to vector<512x512xi32>
    %convert_element_type3A_16 = arith.sitofp %convert_element_type3A_15 : vector<512x512xi32> to vector<512x512xf32>
    %dot_general3A = arith.constant dense<0.000000e+00> : vector<512x8xf32>
    %dot_general3A_17 = tpu.matmul %convert_element_type3A_16, %convert_element_type3A_12, %dot_general3A {dimension_numbers = #tpu.dot_dimension_numbers<[1], [0], [0], [1], [0, 0, 1, 1], [], []>, transpose_lhs_hint = false} : vector<512x512xf32>, vector<512x8xf32>, vector<512x8xf32> -> vector<512x8xf32>
    %get3A_18 = arith.constant 0 : index
    %get3A_19 = arith.constant 0 : index
    %get3A_20 = vector.load %arg4[%get3A_18, %get3A_19] : memref<1x8xf32, #tpu.memory_space<vmem>>, vector<1x8xf32>
    %add3A = vector.broadcast %get3A_20 : vector<1x8xf32> to vector<512x8xf32>
    %add3A_21 = arith.addf %dot_general3A_17, %add3A : vector<512x8xf32>
    %swap3A = arith.constant 0 : index
    %swap3A_22 = arith.constant 0 : index
    %swap3A_23 = vector.load %arg2[%swap3A, %swap3A_22] : memref<512x8xf32, #tpu.memory_space<vmem>>, vector<512x8xf32>
    tpu.vector_store %arg2[%swap3A, %swap3A_22], %add3A_21 {strides = array<i32>} : memref<512x8xf32, #tpu.memory_space<vmem>>, vector<512x8xf32>,
    %get3A_24 = arith.constant 0 : index
    %get3A_25 = arith.constant 0 : index
    %get3A_26 = vector.load %arg4[%get3A_24, %get3A_25] : memref<1x8xf32, #tpu.memory_space<vmem>>, vector<1x8xf32>
    %reduce_sum3A = arith.constant dense<0.000000e+00> : vector<8xf32>
    %reduce_sum3A_27 = vector.multi_reduction <add>, %convert_element_type3A_12, %reduce_sum3A [0] : vector<512x8xf32> to vector<8xf32>
    %broadcast_in_dim3A_28 = vector.shape_cast %reduce_sum3A_27 : vector<8xf32> to vector<1x8xf32>
    %add3A_29 = arith.addf %get3A_26, %broadcast_in_dim3A_28 : vector<1x8xf32>
    %swap3A_30 = arith.constant 0 : index
    %swap3A_31 = arith.constant 0 : index
    %swap3A_32 = vector.load %arg4[%swap3A_30, %swap3A_31] : memref<1x8xf32, #tpu.memory_space<vmem>>, vector<1x8xf32>
    tpu.vector_store %arg4[%swap3A_30, %swap3A_31], %add3A_29 {strides = array<i32>} : memref<1x8xf32, #tpu.memory_space<vmem>>, vector<1x8xf32>,
    %eq3A_33 = arith.constant 7 : i32
    %eq3A_34 = arith.cmpi eq, %arg0, %eq3A_33 : i32
    %convert_element_type3A_35 = arith.extui %eq3A_34 : i1 to i32
    %cond3A_36 = arith.constant 0 : i32
    %cond3A_37 = arith.cmpi ne, %convert_element_type3A_35, %cond3A_36 : i32
    scf.if %cond3A_37 {
      %get3A_38 = arith.constant 0 : index
      %get3A_39 = arith.constant 0 : index
      %get3A_40 = vector.load %arg4[%get3A_38, %get3A_39] : memref<1x8xf32, #tpu.memory_space<vmem>>, vector<1x8xf32>
      %swap3A_41 = arith.constant 0 : index
      %swap3A_42 = arith.constant 0 : index
      %swap3A_43 = vector.load %arg3[%swap3A_41, %swap3A_42] : memref<1x8xf32, #tpu.memory_space<vmem>>, vector<1x8xf32>
      tpu.vector_store %arg3[%swap3A_41, %swap3A_42], %get3A_40 {strides = array<i32>} : memref<1x8xf32, #tpu.memory_space<vmem>>, vector<1x8xf32>,
    } else {
    }
    return
  }
  func.func @transform_0(%arg0: i32) -> (i32, i32) {
    %c0_i32 = arith.constant 0 : i32
    %c0_i32_0 = arith.constant 0 : i32
    return %arg0, %c0_i32 : i32, i32
  }
  func.func @transform_1(%arg0: i32) -> (i32, i32) {
    %c0_i32 = arith.constant 0 : i32
    %c0_i32_0 = arith.constant 0 : i32
    return %arg0, %c0_i32 : i32, i32
  }
  func.func @transform_2(%arg0: i32) -> (i32, i32) {
    %c0_i32 = arith.constant 0 : i32
    %c0_i32_0 = arith.constant 0 : i32
    %c0_i32_1 = arith.constant 0 : i32
    return %c0_i32, %c0_i32_0 : i32, i32
  }
}

module attributes {stable_mosaic.version = 14 : i64} {
  func.func @_router_body(%arg0: i32, %arg1: memref<512x1024xf32, #tpu.memory_space<vmem>>, %arg2: memref<1024x8xf32, #tpu.memory_space<vmem>>, %arg3: memref<512x8xf32, #tpu.memory_space<vmem>>, %arg4: memref<512x2xi32, #tpu.memory_space<vmem>>, %arg5: memref<2x512xi32, #tpu.memory_space<vmem>>, %arg6: memref<2x512xf32, #tpu.memory_space<vmem>>, %arg7: memref<512x1024xf32, #tpu.memory_space<vmem>>) attributes {dimension_semantics = [#tpu.dimension_semantics<arbitrary>], iteration_bounds = array<i64: 8>, scalar_prefetch = 0 : i64, scratch_operands = 0 : i64, tpu.core_type = #tpu.core_type<tc>, window_params = [{transform_indices = @transform_0, window_bounds = array<i64: 512, 1024>}, {pipeline_mode = #tpu.pipeline_mode<synchronous>, transform_indices = @transform_1, window_bounds = array<i64: 1024, 8>}, {transform_indices = @transform_2, window_bounds = array<i64: 512, 8>}, {transform_indices = @transform_3, window_bounds = array<i64: 512, 2>}, {transform_indices = @transform_4, window_bounds = array<i64: 2, 512>}, {transform_indices = @transform_5, window_bounds = array<i64: 2, 512>}, {transform_indices = @transform_6, window_bounds = array<i64: 512, 1024>}]} {
    %get3A = arith.constant 0 : index
    %get3A_0 = arith.constant 0 : index
    %get3A_1 = vector.load %arg1[%get3A, %get3A_0] : memref<512x1024xf32, #tpu.memory_space<vmem>>, vector<512x1024xf32>
    %swap3A = arith.constant 0 : index
    %swap3A_2 = arith.constant 0 : index
    %swap3A_3 = vector.load %arg7[%swap3A, %swap3A_2] : memref<512x1024xf32, #tpu.memory_space<vmem>>, vector<512x1024xf32>
    tpu.vector_store %arg7[%swap3A, %swap3A_2], %get3A_1 {strides = array<i32>} : memref<512x1024xf32, #tpu.memory_space<vmem>>, vector<512x1024xf32>,
    %get3A_4 = arith.constant 0 : index
    %get3A_5 = arith.constant 0 : index
    %get3A_6 = vector.load %arg2[%get3A_4, %get3A_5] : memref<1024x8xf32, #tpu.memory_space<vmem>>, vector<1024x8xf32>
    %dot_general3A = arith.constant dense<0.000000e+00> : vector<512x8xf32>
    %dot_general3A_7 = tpu.matmul %get3A_1, %get3A_6, %dot_general3A {dimension_numbers = #tpu.dot_dimension_numbers<[1], [0], [0], [1], [0, 0, 1, 1], [], []>, transpose_lhs_hint = false} : vector<512x1024xf32>, vector<1024x8xf32>, vector<512x8xf32> -> vector<512x8xf32>
    %swap3A_8 = arith.constant 0 : index
    %swap3A_9 = arith.constant 0 : index
    %swap3A_10 = vector.load %arg3[%swap3A_8, %swap3A_9] : memref<512x8xf32, #tpu.memory_space<vmem>>, vector<512x8xf32>
    tpu.vector_store %arg3[%swap3A_8, %swap3A_9], %dot_general3A_7 {strides = array<i32>} : memref<512x8xf32, #tpu.memory_space<vmem>>, vector<512x8xf32>,
    %reduce_max3A = arith.constant dense<0xFF800000> : vector<512xf32>
    %reduce_max3A_11 = vector.multi_reduction <maximumf>, %dot_general3A_7, %reduce_max3A [1] : vector<512x8xf32> to vector<512xf32>
    %max3A = arith.constant 0xFF800000 : f32
    %max3A_12 = vector.broadcast %max3A : f32 to vector<512xf32>
    %max3A_13 = arith.maximumf %max3A_12, %reduce_max3A_11 : vector<512xf32>
    %broadcast_in_dim3A = vector.shape_cast %max3A_13 : vector<512xf32> to vector<512x1xf32>
    %sub3A = vector.broadcast %broadcast_in_dim3A : vector<512x1xf32> to vector<512x8xf32>
    %sub3A_14 = arith.subf %dot_general3A_7, %sub3A : vector<512x8xf32>
    %exp3A = math.exp %sub3A_14 : vector<512x8xf32>
    %reduce_sum3A = arith.constant dense<0.000000e+00> : vector<512xf32>
    %reduce_sum3A_15 = vector.multi_reduction <add>, %exp3A, %reduce_sum3A [1] : vector<512x8xf32> to vector<512xf32>
    %broadcast_in_dim3A_16 = vector.shape_cast %reduce_sum3A_15 : vector<512xf32> to vector<512x1xf32>
    %div3A = vector.broadcast %broadcast_in_dim3A_16 : vector<512x1xf32> to vector<512x8xf32>
    %div3A_17 = arith.divf %exp3A, %div3A : vector<512x8xf32>
    %argmax3A = tpu.reduce_index %div3A_17 {axis = 1 : i32, kind = #tpu.reduction_kind<arg_max>} : vector<512x8xf32> -> vector<512xi32>
    %iota3A = tpu.iota {dimensions = array<i32: 1>} : vector<512x8xi32>
    %broadcast_in_dim3A_18 = vector.shape_cast %argmax3A : vector<512xi32> to vector<512x1xi32>
    %eq3A = vector.broadcast %broadcast_in_dim3A_18 : vector<512x1xi32> to vector<512x8xi32>
    %eq3A_19 = arith.cmpi eq, %iota3A, %eq3A : vector<512x8xi32>
    %reduce_max3A_20 = arith.constant dense<0xFF800000> : vector<512xf32>
    %reduce_max3A_21 = vector.multi_reduction <maximumf>, %div3A_17, %reduce_max3A_20 [1] : vector<512x8xf32> to vector<512xf32>
    %jit3A = arith.constant 0xFF800000 : f32
    %broadcast_in_dim3A_22 = vector.broadcast %jit3A : f32 to vector<512x8xf32>
    %select_n3A = arith.select %eq3A_19, %broadcast_in_dim3A_22, %div3A_17 : vector<512x8xi1>, vector<512x8xf32>
    %argmax3A_23 = tpu.reduce_index %select_n3A {axis = 1 : i32, kind = #tpu.reduction_kind<arg_max>} : vector<512x8xf32> -> vector<512xi32>
    %reduce_max3A_24 = arith.constant dense<0xFF800000> : vector<512xf32>
    %reduce_max3A_25 = vector.multi_reduction <maximumf>, %select_n3A, %reduce_max3A_24 [1] : vector<512x8xf32> to vector<512xf32>
    %stack3A = vector.shape_cast %argmax3A : vector<512xi32> to vector<512x1xi32>
    %stack3A_26 = vector.shape_cast %argmax3A_23 : vector<512xi32> to vector<512x1xi32>
    %stack3A_27 = tpu.concatenate %stack3A, %stack3A_26 in 1 : vector<512x1xi32>, vector<512x1xi32> -> vector<512x2xi32>
    %swap3A_28 = arith.constant 0 : index
    %swap3A_29 = arith.constant 0 : index
    %swap3A_30 = vector.load %arg4[%swap3A_28, %swap3A_29] : memref<512x2xi32, #tpu.memory_space<vmem>>, vector<512x2xi32>
    tpu.vector_store %arg4[%swap3A_28, %swap3A_29], %stack3A_27 {strides = array<i32>} : memref<512x2xi32, #tpu.memory_space<vmem>>, vector<512x2xi32>,
    %stack3A_31 = vector.shape_cast %argmax3A : vector<512xi32> to vector<1x512xi32>
    %stack3A_32 = vector.shape_cast %argmax3A_23 : vector<512xi32> to vector<1x512xi32>
    %stack3A_33 = tpu.concatenate %stack3A_31, %stack3A_32 in 0 : vector<1x512xi32>, vector<1x512xi32> -> vector<2x512xi32>
    %swap3A_34 = arith.constant 0 : index
    %swap3A_35 = arith.constant 0 : index
    %swap3A_36 = vector.load %arg5[%swap3A_34, %swap3A_35] : memref<2x512xi32, #tpu.memory_space<vmem>>, vector<2x512xi32>
    tpu.vector_store %arg5[%swap3A_34, %swap3A_35], %stack3A_33 {strides = array<i32>} : memref<2x512xi32, #tpu.memory_space<vmem>>, vector<2x512xi32>,
    %stack3A_37 = vector.shape_cast %reduce_max3A_21 : vector<512xf32> to vector<1x512xf32>
    %stack3A_38 = vector.shape_cast %reduce_max3A_25 : vector<512xf32> to vector<1x512xf32>
    %stack3A_39 = tpu.concatenate %stack3A_37, %stack3A_38 in 0 : vector<1x512xf32>, vector<1x512xf32> -> vector<2x512xf32>
    %swap3A_40 = arith.constant 0 : index
    %swap3A_41 = arith.constant 0 : index
    %swap3A_42 = vector.load %arg6[%swap3A_40, %swap3A_41] : memref<2x512xf32, #tpu.memory_space<vmem>>, vector<2x512xf32>
    tpu.vector_store %arg6[%swap3A_40, %swap3A_41], %stack3A_39 {strides = array<i32>} : memref<2x512xf32, #tpu.memory_space<vmem>>, vector<2x512xf32>,
    return
  }
  func.func @transform_0(%arg0: i32) -> (i32, i32) {
    %c0_i32 = arith.constant 0 : i32
    %c0_i32_0 = arith.constant 0 : i32
    return %arg0, %c0_i32 : i32, i32
  }
  func.func @transform_1(%arg0: i32) -> (i32, i32) {
    %c0_i32 = arith.constant 0 : i32
    %c0_i32_0 = arith.constant 0 : i32
    %c0_i32_1 = arith.constant 0 : i32
    return %c0_i32, %c0_i32_0 : i32, i32
  }
  func.func @transform_2(%arg0: i32) -> (i32, i32) {
    %c0_i32 = arith.constant 0 : i32
    %c0_i32_0 = arith.constant 0 : i32
    return %arg0, %c0_i32 : i32, i32
  }
  func.func @transform_3(%arg0: i32) -> (i32, i32) {
    %c0_i32 = arith.constant 0 : i32
    %c0_i32_0 = arith.constant 0 : i32
    return %arg0, %c0_i32 : i32, i32
  }
  func.func @transform_4(%arg0: i32) -> (i32, i32) {
    %c0_i32 = arith.constant 0 : i32
    %c0_i32_0 = arith.constant 0 : i32
    return %c0_i32, %arg0 : i32, i32
  }
  func.func @transform_5(%arg0: i32) -> (i32, i32) {
    %c0_i32 = arith.constant 0 : i32
    %c0_i32_0 = arith.constant 0 : i32
    return %c0_i32, %arg0 : i32, i32
  }
  func.func @transform_6(%arg0: i32) -> (i32, i32) {
    %c0_i32 = arith.constant 0 : i32
    %c0_i32_0 = arith.constant 0 : i32
    return %arg0, %c0_i32 : i32, i32
  }
}

module attributes {stable_mosaic.version = 14 : i64} {
  func.func @_gmm_body(%arg0: i32, %arg1: i32, %arg2: memref<40xi32, #tpu.memory_space<smem>>, %arg3: memref<256x1024xf32, #tpu.memory_space<vmem>>, %arg4: memref<1x1024x2048xf32, #tpu.memory_space<vmem>>, %arg5: memref<1x2048x1024xf32, #tpu.memory_space<vmem>>, %arg6: memref<256x1024xf32, #tpu.memory_space<vmem>>, %arg7: memref<256x1024xf32, #tpu.memory_space<vmem>>) attributes {dimension_semantics = [#tpu.dimension_semantics<arbitrary>, #tpu.dimension_semantics<arbitrary>], iteration_bounds = array<i64: 2, 40>, scalar_prefetch = 1 : i64, scratch_operands = 0 : i64, tpu.core_type = #tpu.core_type<tc>, window_params = [{transform_indices = @transform_0, window_bounds = array<i64: 256, 1024>}, {transform_indices = @transform_1, window_bounds = array<i64: 1, 1024, 2048>}, {transform_indices = @transform_2, window_bounds = array<i64: 1, 2048, 1024>}, {transform_indices = @transform_3, window_bounds = array<i64: 256, 1024>}, {transform_indices = @transform_4, window_bounds = array<i64: 256, 1024>}]} {
    %get3A = arith.constant 0 : index
    %get3A_0 = arith.constant 0 : index
    %get3A_1 = vector.load %arg3[%get3A, %get3A_0] : memref<256x1024xf32, #tpu.memory_space<vmem>>, vector<256x1024xf32>
    %convert_element_type3A = arith.truncf %get3A_1 : vector<256x1024xf32> to vector<256x1024xbf16>
    %get3A_2 = arith.constant 0 : index
    %get3A_3 = arith.constant 0 : index
    %get3A_4 = arith.constant 0 : index
    %get3A_5 = vector.load %arg4[%get3A_2, %get3A_3, %get3A_4] : memref<1x1024x2048xf32, #tpu.memory_space<vmem>>, vector<1x1024x2048xf32>
    %get3A_6 = vector.shape_cast %get3A_5 : vector<1x1024x2048xf32> to vector<1024x2048xf32>
    %convert_element_type3A_7 = arith.truncf %get3A_6 : vector<1024x2048xf32> to vector<1024x2048xbf16>
    %dot_general3A = arith.constant dense<0.000000e+00> : vector<256x2048xf32>
    %dot_general3A_8 = tpu.matmul %convert_element_type3A, %convert_element_type3A_7, %dot_general3A {dimension_numbers = #tpu.dot_dimension_numbers<[1], [0], [0], [1], [0, 0, 1, 1], [], []>, transpose_lhs_hint = false} : vector<256x1024xbf16>, vector<1024x2048xbf16>, vector<256x2048xf32> -> vector<256x2048xf32>
    %integer_pow3A = arith.mulf %dot_general3A_8, %dot_general3A_8 : vector<256x2048xf32>
    %integer_pow3A_9 = arith.mulf %dot_general3A_8, %integer_pow3A : vector<256x2048xf32>
    %mul3A = arith.constant 4.471500e-02 : f32
    %mul3A_10 = vector.broadcast %mul3A : f32 to vector<256x2048xf32>
    %mul3A_11 = arith.mulf %mul3A_10, %integer_pow3A_9 : vector<256x2048xf32>
    %add3A = arith.addf %dot_general3A_8, %mul3A_11 : vector<256x2048xf32>
    %mul3A_12 = arith.constant 0.797884583 : f32
    %mul3A_13 = vector.broadcast %mul3A_12 : f32 to vector<256x2048xf32>
    %mul3A_14 = arith.mulf %mul3A_13, %add3A : vector<256x2048xf32>
    %tanh3A = math.tanh %mul3A_14 : vector<256x2048xf32>
    %add3A_15 = arith.constant 1.000000e+00 : f32
    %add3A_16 = vector.broadcast %add3A_15 : f32 to vector<256x2048xf32>
    %add3A_17 = arith.addf %add3A_16, %tanh3A : vector<256x2048xf32>
    %mul3A_18 = arith.constant 5.000000e-01 : f32
    %mul3A_19 = vector.broadcast %mul3A_18 : f32 to vector<256x2048xf32>
    %mul3A_20 = arith.mulf %mul3A_19, %add3A_17 : vector<256x2048xf32>
    %mul3A_21 = arith.mulf %dot_general3A_8, %mul3A_20 : vector<256x2048xf32>
    %convert_element_type3A_22 = arith.truncf %mul3A_21 : vector<256x2048xf32> to vector<256x2048xbf16>
    %get3A_23 = arith.constant 0 : index
    %get3A_24 = arith.constant 0 : index
    %get3A_25 = arith.constant 0 : index
    %get3A_26 = vector.load %arg5[%get3A_23, %get3A_24, %get3A_25] : memref<1x2048x1024xf32, #tpu.memory_space<vmem>>, vector<1x2048x1024xf32>
    %get3A_27 = vector.shape_cast %get3A_26 : vector<1x2048x1024xf32> to vector<2048x1024xf32>
    %convert_element_type3A_28 = arith.truncf %get3A_27 : vector<2048x1024xf32> to vector<2048x1024xbf16>
    %dot_general3A_29 = arith.constant dense<0.000000e+00> : vector<256x1024xf32>
    %dot_general3A_30 = tpu.matmul %convert_element_type3A_22, %convert_element_type3A_28, %dot_general3A_29 {dimension_numbers = #tpu.dot_dimension_numbers<[1], [0], [0], [1], [0, 0, 1, 1], [], []>, transpose_lhs_hint = false} : vector<256x2048xbf16>, vector<2048x1024xbf16>, vector<256x1024xf32> -> vector<256x1024xf32>
    %eq3A = arith.constant 0 : i32
    %eq3A_31 = arith.cmpi eq, %arg0, %eq3A : i32
    %convert_element_type3A_32 = arith.extui %eq3A_31 : i1 to i32
    %cond3A = arith.constant 0 : i32
    %cond3A_33 = arith.cmpi ne, %convert_element_type3A_32, %cond3A : i32
    scf.if %cond3A_33 {
      %swap3A = arith.constant 0 : index
      %swap3A_38 = arith.constant 0 : index
      %swap3A_39 = vector.load %arg7[%swap3A, %swap3A_38] : memref<256x1024xf32, #tpu.memory_space<vmem>>, vector<256x1024xf32>
      tpu.vector_store %arg7[%swap3A, %swap3A_38], %dot_general3A_30 {strides = array<i32>} : memref<256x1024xf32, #tpu.memory_space<vmem>>, vector<256x1024xf32>,
    } else {
    }
    %ne3A = arith.constant 0 : i32
    %ne3A_34 = arith.cmpi ne, %arg0, %ne3A : i32
    %convert_element_type3A_35 = arith.extui %ne3A_34 : i1 to i32
    %cond3A_36 = arith.constant 0 : i32
    %cond3A_37 = arith.cmpi ne, %convert_element_type3A_35, %cond3A_36 : i32
    scf.if %cond3A_37 {
      %get3A_38 = arith.constant 0 : index
      %get3A_39 = arith.constant 0 : index
      %get3A_40 = vector.load %arg6[%get3A_38, %get3A_39] : memref<256x1024xf32, #tpu.memory_space<vmem>>, vector<256x1024xf32>
      %add3A_41 = arith.addf %get3A_40, %dot_general3A_30 : vector<256x1024xf32>
      %swap3A = arith.constant 0 : index
      %swap3A_42 = arith.constant 0 : index
      %swap3A_43 = vector.load %arg7[%swap3A, %swap3A_42] : memref<256x1024xf32, #tpu.memory_space<vmem>>, vector<256x1024xf32>
      tpu.vector_store %arg7[%swap3A, %swap3A_42], %add3A_41 {strides = array<i32>} : memref<256x1024xf32, #tpu.memory_space<vmem>>, vector<256x1024xf32>,
    } else {
    }
    return
  }
  func.func @transform_0(%arg0: i32, %arg1: i32, %arg2: memref<40xi32, #tpu.memory_space<smem>>) -> (i32, i32) {
    %c0_i32 = arith.constant 0 : i32
    %c0_i32_0 = arith.constant 0 : i32
    return %arg1, %c0_i32 : i32, i32
  }
  func.func @transform_1(%arg0: i32, %arg1: i32, %arg2: memref<40xi32, #tpu.memory_space<smem>>) -> (i32, i32, i32) {
    %get3A = arith.index_cast %arg1 : i32 to index
    %get3A_0 = memref.load %arg2[%get3A] : memref<40xi32, #tpu.memory_space<smem>>
    %c0_i32 = arith.constant 0 : i32
    %c0_i32_1 = arith.constant 0 : i32
    return %get3A_0, %c0_i32, %arg0 : i32, i32, i32
  }
  func.func @transform_2(%arg0: i32, %arg1: i32, %arg2: memref<40xi32, #tpu.memory_space<smem>>) -> (i32, i32, i32) {
    %get3A = arith.index_cast %arg1 : i32 to index
    %get3A_0 = memref.load %arg2[%get3A] : memref<40xi32, #tpu.memory_space<smem>>
    %c0_i32 = arith.constant 0 : i32
    %c0_i32_1 = arith.constant 0 : i32
    return %get3A_0, %arg0, %c0_i32 : i32, i32, i32
  }
  func.func @transform_3(%arg0: i32, %arg1: i32, %arg2: memref<40xi32, #tpu.memory_space<smem>>) -> (i32, i32) {
    %c0_i32 = arith.constant 0 : i32
    %c0_i32_0 = arith.constant 0 : i32
    return %arg1, %c0_i32 : i32, i32
  }
  func.func @transform_4(%arg0: i32, %arg1: i32, %arg2: memref<40xi32, #tpu.memory_space<smem>>) -> (i32, i32) {
    %c0_i32 = arith.constant 0 : i32
    %c0_i32_0 = arith.constant 0 : i32
    return %arg1, %c0_i32 : i32, i32
  }
}

</mosaic_0001>

<sc_bundles>
// kernel: kernel.11.cloned.1.call-start
scs
__scs_entry_jumppad:
0x0: {  	(pc) =	sbr.rel $0x88, $3  }
0x1: {  	(tag) =	ssettag $0x0;
	lr =	simm.s32 $0x1  }
0x2: {  	[smem:$0x3F9D] =	sst lr;
	_ =	strace $0xD0000000  }
0x3: {  	_ = 	snop  }
0x4: {  	_ = 	snop  }
0x5: {  	_ = 	snop  }
0x6: {  	_ = 	snop  }
0x7: {  	_ = 	snop  }
__scs_overlays_trampoline_lowered:
0x8: {  	[smem:$0x3FAC] =	sst s0  }
0x9: {  	[smem:$0x3FAD] =	sst s1  }
0xa: {  	[smem:$0x3FAE] =	sst s2  }
0xb: {  	[smem:$0x3FAF] =	sst s3  }
0xc: {  	[smem:$0x3FB0] =	sst s4  }
0xd: {  	[smem:$0x3FB1] =	sst s5  }
0xe: {  	[smem:$0x3FB2] =	sst s6  }
0xf: {  	[smem:$0x3FB3] =	sst s7  }
0x10: {  	[smem:$0x3FB4] =	sst s8  }
0x11: {  	[smem:$0x3FB5] =	sst s9;
	s0 =	simm.s32 @!p0 $0x0  }
0x12: {  	s1 =	sld [smem:$0x3F9B];
	s0 =	simm.s32 @p0 $0x1  }
0x13: {  	[smem:$0x3FB6] =	sst s0;
	s0 =	simm.s32 @!p1 $0x0  }
0x14: {  	s2 =	sld [smem:$0x3F9A];
	s0 =	simm.s32 @p1 $0x1  }
0x15: {  	[smem:$0x3FB7] =	sst s0;
	s0 =	simm.s32 @!p2 $0x0  }
0x16: {  	s3 =	sld [smem:$0x3FDB];
	s0 =	simm.s32 @p2 $0x1  }
0x17: {  	s4 =	simm.s32 $0x1BF5;
	[smem:$0x3FB9] =	sst s0  }
0x18: {  	s0 =	sld [smem:$0x3F9C];
	_ =	swait.ge [sflag:s4], $0x0  }
0x19: {  	s7 =	sld [smem:$0x3F9D]  }
0x1a: {  	s8 =	sadd.s32 $0xFFFFE003, lr  }
0x1b: {  	s9 =	sadd.s32 $0xFFFFFEF7, lr;
	s5 =	simm.s32 $0xFFFFFFFF;
	p2 =	slt.u32 s8, $0xFFFFF086  }
0x1c: {  	p1 =	slt.u32 s9, $0xF7A;
	s5 =	simm.s32 @!p2 $0x0  }
0x1d: {  	s5 =	simm.s32 @p1 $0x1;
	p0 =	seq.s32 s7, s2  }
0x1e: {  	s7 =	smul.u32 @!p0 $0xF7A, s2;
	p2 =	seq.s32 @!p0 s5, $0x0  }
0x1f: {  	s9 =	smul.u32 $0xF7A, s1;
	s8 =	simm.s32 @!p0 $0x1BF5;
	p2 =	por !p2, p0  }
0x20: {  	[sflag:s8] =	ssyncset.s32 @!p0 $0xFFFFF086;
	s6 =	sadd.s32 @!p0 s3, s7;
	s7 =	simm.s32 @!p0 $0x108  }
0x21: {  	s3 =	sadd.s32 s3, s9;
	s6 =	sadd.s32 @!p0 $0x88, s6;
	s7 =	simm.s32 @p2 $0x1082  }
0x22: {  	[simem:s7], [sflag:s8] =	dma.local @!p0 [hbm:s6], $0xF7A  }
0x23: {  	s9 =	sor.u32 $0xD0000000, s2;
	s6 =	simm.s32 $0x108;
	_ =	swait.ge @!p0 [sflag:s8], $0x0  }
0x24: {  	s3 =	sadd.s32 $0x88, s3;
	s6 =	simm.s32 @!p1 $0x1082;
	[sflag:s4] =	ssyncset.s32 $0xFFFFF086  }
0x25: {  	[simem:s6], [sflag:s4] =	dma.local [hbm:s3], $0xF7A  }
0x26: {  	[smem:$0x3F9D] =	sst s1;
	(tag) =	ssettag s2;
	_ =	strace s9  }
0x27: {  	s1 =	sld [smem:$0x3FAD]  }
0x28: {  	s2 =	sld [smem:$0x3FAE]  }
0x29: {  	s4 =	sld [smem:$0x3FB0]  }
0x2a: {  	p0 =	seq.s32 s5, $0x0;
	s5 =	sld [smem:$0x3FB1]  }
0x2b: {  	s6 =	sld [smem:$0x3FB2]  }
0x2c: {  	s7 =	sld [smem:$0x3FB3]  }
0x2d: {  	s3 =	simm.s32 $0x108;
	s8 =	sld [smem:$0x3FB4]  }
0x2e: {  	s3 =	simm.s32 @!p0 $0x1082;
	s9 =	sld [smem:$0x3FB5]  }
0x2f: {  	lr =	sadd.s32 s0, s3;
	s0 =	sld [smem:$0x3FAC]  }
0x30: {  	s3 =	sld [smem:$0x3FAF]  }
0x31: {  	[smem:$0x3FB8] =	sst s10  }
0x32: {  	s10 =	sld [smem:$0x3FB6];
	_ =	sdelay $0x3  }
0x33: {  	p0 =	seq.s32 s10, $0x1;
	s10 =	sld [smem:$0x3FB8];
	_ =	sdelay $0x3  }
0x34: {  	[smem:$0x3FB8] =	sst s10  }
0x35: {  	s10 =	sld [smem:$0x3FB7];
	_ =	sdelay $0x3  }
0x36: {  	p1 =	seq.s32 s10, $0x1;
	s10 =	sld [smem:$0x3FB8];
	_ =	sdelay $0x3  }
0x37: {  	[smem:$0x3FB8] =	sst s10  }
0x38: {  	s10 =	sld [smem:$0x3FB9]  }
0x39: {  	_ = 	snop;
	(pc) =	sbr.ind lr, $3  }
0x3a: {  	_ = 	snop  }
0x3b: {  	_ = 	snop  }
0x3c: {  	p2 =	seq.s32 s10, $0x1;
	s10 =	sld [smem:$0x3FB8]  }
0x3d: {  	_ =	shalt  }
0x3e: {  	_ =	shalt  }
0x3f: {  	_ =	shalt  }
0x40: {  	_ =	shalt  }
0x41: {  	_ =	shalt  }
0x42: {  	_ =	shalt  }
0x43: {  	_ =	shalt  }
0x44: {  	_ =	shalt  }
0x45: {  	_ =	shalt  }
0x46: {  	_ =	shalt  }
0x47: {  	_ =	shalt  }
0x48: {  	_ =	shalt  }
0x49: {  	_ =	shalt  }
0x4a: {  	_ =	shalt  }
0x4b: {  	_ =	shalt  }
0x4c: {  	_ =	shalt  }
0x4d: {  	_ =	shalt  }
0x4e: {  	_ =	shalt  }
0x4f: {  	_ =	shalt  }
0x50: {  	_ =	shalt  }
0x51: {  	_ =	shalt  }
0x52: {  	_ =	shalt  }
0x53: {  	_ =	shalt  }
0x54: {  	_ =	shalt  }
0x55: {  	_ =	shalt  }
0x56: {  	_ =	shalt  }
0x57: {  	_ =	shalt  }
0x58: {  	_ =	shalt  }
0x59: {  	_ =	shalt  }
0x5a: {  	_ =	shalt  }
0x5b: {  	_ =	shalt  }
0x5c: {  	_ =	shalt  }
0x5d: {  	_ =	shalt  }
0x5e: {  	_ =	shalt  }
0x5f: {  	_ =	shalt  }
0x60: {  	_ =	shalt  }
0x61: {  	_ =	shalt  }
0x62: {  	_ =	shalt  }
0x63: {  	_ =	shalt  }
0x64: {  	_ =	shalt  }
0x65: {  	_ =	shalt  }
0x66: {  	_ =	shalt  }
0x67: {  	_ =	shalt  }
0x68: {  	_ =	shalt  }
0x69: {  	_ =	shalt  }
0x6a: {  	_ =	shalt  }
0x6b: {  	_ =	shalt  }
0x6c: {  	_ =	shalt  }
0x6d: {  	_ =	shalt  }
0x6e: {  	_ =	shalt  }
0x6f: {  	_ =	shalt  }
0x70: {  	_ =	shalt  }
0x71: {  	_ =	shalt  }
0x72: {  	_ =	shalt  }
0x73: {  	_ =	shalt  }
0x74: {  	_ =	shalt  }
0x75: {  	_ =	shalt  }
0x76: {  	_ =	shalt  }
0x77: {  	_ =	shalt  }
0x78: {  	_ =	shalt  }
0x79: {  	_ =	shalt  }
0x7a: {  	_ =	shalt  }
0x7b: {  	_ =	shalt  }
0x7c: {  	_ =	shalt  }
0x7d: {  	_ =	shalt  }
0x7e: {  	_ =	shalt  }
0x7f: {  	_ =	shalt  }
0x80: {  	_ =	shalt  }
0x81: {  	_ =	shalt  }
0x82: {  	_ =	shalt  }
0x83: {  	_ =	shalt  }
0x84: {  	_ =	shalt  }
0x85: {  	_ =	shalt  }
0x86: {  	_ =	shalt  }
0x87: {  	_ =	shalt  }
.Lfunc_end0:
.L_simem_size_0:
called_computation.1_lowered:
.L_overlay_start_0:
0x88: {  	s2 =	sld [smem:$0x3FD9]  }
0x89: {  	s3 =	sld [smem:$0x3FFE];
	_ =	sdelay $0x1  }
0x8a: {  	s1 =	srdreg.scid  }
0x8b: {  	s0 =	sand.u32 $0x1, s1  }
0x8c: {  	s14 =	sshll.u32 s0, $0xA;
	s2 =	sadd.s32 s3, s2  }
0x8d: {  	s2 =	sadd.s32 s2, s14  }
0x8e: {  	[smem:$0x3FC4] =	sst s2  }
0x8f: {  	_ = 	snop  }
0x90: {  	s2 =	sld [smem:$0x3FD0];
	_ =	sdelay $0x2  }
0x91: {  	s15 =	simm.s32 $0xA;
	s4 =	simm.s32 $0x10  }
0x92: {  	[smem:s4], [sflag:s15] =	dma.local [hbm:s2], $0x1  }
0x93: {  	_ =	swait.eq [sflag:s15], $0x1  }
0x94: {  	[sflag:s15] =	ssyncset.done $0x0  }
0x95: {  	[sflag:s15] =	ssyncadd.s32 $0xFFFFFFFF  }
0x96: {  	s16 =	sld [smem:$0x10];
	(tm) =	ssettm $0x1  }
0x97: {  	s17 =	sld [smem:$0x3FFB];
	_ =	sdelay $0x3  }
0x98: {  	_ =	strace s17  }
0x99: {  	s3 =	sld [smem:$0x3FFC];
	_ =	sdelay $0x3  }
0x9a: {  	_ =	strace s3  }
0x9b: {  	s3 =	sld [smem:$0x3FFD];
	_ =	sdelay $0x3  }
0x9c: {  	_ =	strace s3  }
0x9d: {  	_ =	strace $0x8FFFFFFF  }
0x9e: {  	s18 =	sld [smem:$0x3FDB];
	_ =	sdelay $0x1  }
0x9f: {  	s19 =	simm.s32 $_scs_section_size  }
0xa0: {  	s5 =	simm.s32 $_size__tile_overlayer_lowered;
	s6 =	simm.s32 $_tile_overlayer_lowered  }
0xa1: {  	s22 =	simm.s32 $0x1BFF;
	s21 =	sshll.u32 s6, $0x1;
	s3 =	sadd.s32 s19, s18  }
0xa2: {  	s7 =	simm.s32 $0x0;
	s20 =	sshll.u32 s5, $0x1;
	s5 =	sadd.s32 s21, s3  }
0xa3: {  	[timem:s7], [sflag:s22] =	dma.local [hbm:s5], s20  }
0xa4: {  	_ =	swait.ge [sflag:s22], s20  }
0xa5: {  	s4 =	ssub.s32 $0x0, s20;
	[sflag:s22] =	ssyncset.done $0x0  }
0xa6: {  	[sflag:s22] =	ssyncadd.s32 s4;
	_ =	sdelay $0x1  }
0xa7: {  	s23 =	simm.s32 $0x1B8B  }
0xa8: {  	_ =	swait.ge [sflag:s23], $0x1  }
0xa9: {  	[sflag:s23] =	ssyncset.done $0x0  }
0xaa: {  	s25 =	simm.s32 $0x1B8E;
	s24 =	sld [smem:$0x3FFE];
	[sflag:s23] =	ssyncadd.s32 $0xFFFFFFFF  }
0xab: {  	s26 =	simm.s32 $execute0_lowered;
	[smem:$0x3FD2] =	sst s25  }
0xac: {  	s5 =	sshll.u32 s26, $0x1;
	_ =	strace $0x80000049;
	[dreg:$0x1] =	wrdreg $0xFFFFFFFF  }
0xad: {  	s28 =	simm.s32 $_size_execute0_lowered;
	s3 =	sadd.s32 s3, s5;
	[dreg:$0x0] =	wrdreg $0x0  }
0xae: {  	s5 =	sshll.u32 s28, $0x1;
	[dreg:$0x2] =	wrdreg s3  }
0xaf: {  	[dreg:$0x3] =	wrdreg s5  }
0xb0: {  	[dreg:$0x4] =	wrdreg $0xC0  }
0xb1: {  	_ =	task [dreg:s7], $0x5FFFF  }
0xb2: {  	[dreg:$0x1] =	wrdreg $0xFFFFFFFF  }
0xb3: {  	[dreg:$0x0] =	wrdreg $0x60  }
0xb4: {  	[dreg:$0x2] =	wrdreg s24  }
0xb5: {  	[dreg:$0x3] =	wrdreg s16  }
0xb6: {  	[dreg:$0x4] =	wrdreg $0x9  }
0xb7: {  	_ =	task.clear_ibuf [dreg:s7], $0x5FFFF;
	_ =	strace $0x90000049  }
0xb8: {  	s29 =	simm.s32 $0x9;
	_ =	strace $0x8000004B  }
0xb9: {  	_ =	swait.ge [sflag:s29], $0x1  }
0xba: {  	[sflag:s29] =	ssyncadd.s32 $0xFFFFFFFF  }
0xbb: {  	_ =	strace $0x9000004B  }
0xbc: {  	_ =	sfence  }
0xbd: {  	s30 =	sld [smem:$0x0];
	_ =	sdelay $0x2  }
0xbe: {  	s31 =	sshll.u32 s1, $0xD;
	s1 =	sshrl.u32 s1, $0x2  }
0xbf: {  	s3 =	sand.u32 $0x4000, s31;
	s1 =	sadd.s32 s1, s30  }
0xc0: {  	s0 =	sor.u32 s3, s0;
	s1 =	sshll.u32 s1, $0x11  }
0xc1: {  	s0 =	sor.u32 s1, s0  }
0xc2: {  	s0 =	sadd.s32 $0x8F2B, s0  }
0xc3: {  	[sflag:s0] =	ssyncadd.remote.s32 $0x1  }
0xc4: {  	_ =	sfence.sel $0xFFFF  }
0xc5: {  	[dreg:$0x0] =	wrdreg $0xFFFFFFFF;
	(pc) =	sbr.abs _section_cstart, $3  }
0xc6: {  	[dreg:$0x1] =	wrdreg $0xFFFFFFFF  }
0xc7: {  	_ =	task.clear_ibuf [dreg:s7], $0x2FFFF;
	_ =	strace $0x9FFFFFFF  }
0xc8: {  	(tm) =	ssettm $0x7FFFFFFF  }
0xc9: {  	_ =	shalt  }
tec
execute0_lowered:
.L_overlay_start_1:
0x0: {  	(tag) =	ssettag $0x1  }
0x1: {  	s0 =	srdreg.scid;
	s1 =	rddreg [dreg:$0x0]  }
0x2: {  	s2 =	stileid.u32;
	s4 =	rddreg [dreg:$0x1]  }
0x3: {  	s14 =	simm.s32 $0x4500;
	s31 =	simm.s32 $0x12500;
	s10 =	simm.s32 $0x2  }
0x4: {  	s12 =	simm.s32 $0x5;
	s13 =	simm.s32 $0x7;
	s0 =	sand.u32 $0x1, s0  }
0x5: {  	s3 =	sshll.u32 s2, $0x8;
	s2 =	simm.s32 $0x0;
	s5 =	sshll.u32 s0, $0x7  }
0x6: {  	[smem:$0x7FF] =	sst s2;
	s0 =	ssub.s32 $0x2, s0;
	s5 =	sor.u32 s5, s3  }
0x7: {  	s7 =	sshrl.u32 s0, $0x1;
	s3 =	sshrl.u32 s5, $0x3;
	s5 =	sshll.u32 s5, $0x7  }
0x8: {  	_ =	strace $0x8000004A;
	s0 =	ssub.s32 s0, s7;
	s4 =	sadd.s32 s4, s5  }
0x9: {  	s6 =	sadd.s32 s3, s1;
	s0 =	smax.u32 s0, $0x1;
	[dreg:$0x6] =	wrdreg s4  }
0xa: {  	s15 =	simm.s32 $0x3;
	s19 =	sadd.s32 $0x21E00, s6;
	[dreg:$0xf] =	wrdreg s0  }
0xb: {  	s16 =	simm.s32 $0x6;
	s20 =	sadd.s32 $0x21C00, s6;
	[dreg:$0x3] =	wrdreg s19  }
0xc: {  	s17 =	simm.s32 $0x8;
	s21 =	sadd.s32 $0x162200, s6;
	[dreg:$0x4] =	wrdreg s20  }
0xd: {  	s18 =	simm.s32 $0x9;
	s22 =	sadd.s32 $0x162000, s6;
	[dreg:$0x5] =	wrdreg s21  }
0xe: {  	s8 =	sadd.s32 $0x162600, s1;
	s23 =	sadd.s32 $0x800, s4;
	[dreg:$0x7] =	wrdreg s22  }
0xf: {  	s11 =	sadd.s32 $0x162700, s1;
	s24 =	sadd.s32 $0x1000, s4;
	[dreg:$0x8] =	wrdreg s23  }
0x10: {  	s7 =	sadd.s32 $0x162500, s1;
	s25 =	sadd.s32 $0x1800, s4;
	[dreg:$0x9] =	wrdreg s24  }
0x11: {  	s3 =	sadd.s32 $0x162400, s1;
	s26 =	sadd.s32 $0x2000, s4;
	[dreg:$0xa] =	wrdreg s25  }
0x12: {  	s1 =	simm.s32 $0x12D00;
	s28 =	sadd.s32 $0x2800, s4;
	[dreg:$0xb] =	wrdreg s26  }
0x13: {  	s5 =	simm.s32 $0x4;
	s29 =	sadd.s32 $0x3000, s4;
	[dreg:$0xc] =	wrdreg s28  }
0x14: {  	s30 =	sadd.s32 $0x3800, s4;
	s0 =	simm.s32 $0x13500;
	[dreg:$0xd] =	wrdreg s29  }
0x15: {  	v2 =	vlaneseq.u32;
	s4 =	simm.s32 $0x1;
	s6 =	simm.s32 $0x8500;
	[dreg:$0xe] =	wrdreg s30  }
0x16: {  	vm0 =	vmmov $0xffff;
	v1 =	vshrl.u32 v2, $0x3;
	s20 =	simm.s32 $0xA;
	s22 =	simm.s32 $0x100;
	s23 =	simm.s32 $0x180  }
0x17: {  	v0 =	vand.u32 $0x7, v2;
	v2 =	vor.u32 $0x8, v2;
	v1 =	vmul.u32 $0x8, v1;
	s24 =	simm.s32 $0x500;
	s21 =	simm.s32 $0x13D00;
	s19 =	simm.s32 $0x0  }
.LBB2_1:
0x18: {  	s9 =	rddreg [dreg:$0x3]  }
0x19: {  	[tilespmem:s2], [sflag:$0xA] =	stream.linear.gather [hbm4b:s9+s2], $0x80, $0x38;
	[tilespmem:$0x18500] =	vst v63  }
0x1a: {  	_ =	swait.ge [sflag:s20], $0x80  }
0x1b: {  	[sflag:s20] =	ssyncset.done $0x0  }
0x1c: {  	s25 =	simm.s32 $0x80;
	s26 =	rddreg [dreg:$0x4];
	[sflag:s20] =	ssyncadd.s32 $0xFFFFFF80  }
0x1d: {  	[tilespmem:s25], [sflag:$0xA] =	stream.linear.gather [hbm4b:s26+s2], $0x80, $0x38;
	[tilespmem:$0x18500] =	vst v63  }
0x1e: {  	_ =	swait.ge [sflag:s20], $0x80  }
0x1f: {  	[sflag:s20] =	ssyncset.done $0x0  }
0x20: {  	s29 =	rddreg [dreg:$0x5];
	[sflag:s20] =	ssyncadd.s32 $0xFFFFFF80  }
0x21: {  	[tilespmem:s22], [sflag:$0xA] =	stream.linear.gather [hbm4b:s29+s2], $0x80, $0x38;
	[tilespmem:$0x18500] =	vst v63  }
0x22: {  	_ =	swait.ge [sflag:s20], $0x80  }
0x23: {  	[sflag:s20] =	ssyncset.done $0x0  }
0x24: {  	s30 =	rddreg [dreg:$0x7];
	[sflag:s20] =	ssyncadd.s32 $0xFFFFFF80  }
0x25: {  	[tilespmem:s23], [sflag:$0xA] =	stream.linear.gather [hbm4b:s30+s2], $0x80, $0x38;
	[tilespmem:$0x18500] =	vst v63  }
0x26: {  	_ =	swait.ge [sflag:s20], $0x80  }
0x27: {  	[sflag:s20] =	ssyncset.done $0x0  }
0x28: {  	[sflag:s20] =	ssyncadd.s32 $0xFFFFFF80  }
0x29: {  	v3 =	vld [tilespmem:$0x0];
	_ =	sdelay $0x4  }
0x2a: {  	[tilespmem:$0x200] =	vst v3  }
0x2b: {  	v3 =	vld [tilespmem:$0x200];
	_ =	sdelay $0x4  }
0x2c: {  	v4 =	vshll.u32 v3, $0x3  }
0x2d: {  	v3 =	vand.u32 $0x7, v3;
	v4 =	vand.u32 $0xFFFFFFC0, v4  }
0x2e: {  	v3 =	vor.u32 v3, v4  }
0x2f: {  	v4 =	vperm.xlane v3, v0  }
0x30: {  	v5 =	vld [tilespmem:$0x80]  }
0x31: {  	v4 =	vadd.s32 v1, v4;
	_ =	sdelay $0x3  }
0x32: {  	[tilespmem:$0x380] =	vst v5  }
0x33: {  	[tilespmem:s24], [sflag:$0x1] =	stream.indirect_vreg.gather [hbm4b:s3+s2], $0x80, v4, vm0, $0xb8;
	[tilespmem:$0x18500] =	vst v63  }
0x34: {  	s25 =	simm.s32 $0xD00;
	v3 =	vperm.xlane v3, v2  }
0x35: {  	[tilespmem:s25], [sflag:$0x1] =	stream.indirect_vreg.gather [hbm4b:s7+s2], $0x80, v4, vm0, $0xb8;
	[tilespmem:$0x18500] =	vst v63  }
0x36: {  	s26 =	simm.s32 $0x1500;
	v3 =	vadd.s32 v1, v3  }
0x37: {  	[tilespmem:s26], [sflag:$0x1] =	stream.indirect_vreg.gather [hbm4b:s8+s2], $0x80, v4, vm0, $0xb8;
	[tilespmem:$0x18500] =	vst v63  }
0x38: {  	s29 =	simm.s32 $0x1D00  }
0x39: {  	[tilespmem:s29], [sflag:$0x1] =	stream.indirect_vreg.gather [hbm4b:s11+s2], $0x80, v4, vm0, $0xb8;
	[tilespmem:$0x18500] =	vst v63  }
0x3a: {  	s30 =	simm.s32 $0x2500  }
0x3b: {  	[tilespmem:s30], [sflag:$0x1] =	stream.indirect_vreg.gather [hbm4b:s3+s2], $0x80, v3, vm0, $0xb8;
	[tilespmem:$0x18500] =	vst v63  }
0x3c: {  	s25 =	simm.s32 $0x2D00  }
0x3d: {  	[tilespmem:s25], [sflag:$0x1] =	stream.indirect_vreg.gather [hbm4b:s7+s2], $0x80, v3, vm0, $0xb8;
	[tilespmem:$0x18500] =	vst v63  }
0x3e: {  	s26 =	simm.s32 $0x3500  }
0x3f: {  	[tilespmem:s26], [sflag:$0x1] =	stream.indirect_vreg.gather [hbm4b:s8+s2], $0x80, v3, vm0, $0xb8;
	[tilespmem:$0x18500] =	vst v63  }
0x40: {  	s29 =	simm.s32 $0x3D00  }
0x41: {  	[tilespmem:s29], [sflag:$0x1] =	stream.indirect_vreg.gather [hbm4b:s11+s2], $0x80, v3, vm0, $0xb8;
	[tilespmem:$0x18500] =	vst v63  }
0x42: {  	v3 =	vld [tilespmem:$0x380];
	_ =	sdelay $0x4  }
0x43: {  	v4 =	vshll.u32 v3, $0x3  }
0x44: {  	v3 =	vand.u32 $0x7, v3;
	v4 =	vand.u32 $0xFFFFFFC0, v4  }
0x45: {  	v3 =	vor.u32 v3, v4  }
0x46: {  	v4 =	vperm.xlane v3, v0;
	_ =	sdelay $0x1  }
0x47: {  	v4 =	vadd.s32 v1, v4;
	_ =	sdelay $0x3  }
0x48: {  	s30 =	simm.s32 $0xC500  }
0x49: {  	[tilespmem:s30], [sflag:$0x4] =	stream.indirect_vreg.gather [hbm4b:s3+s2], $0x80, v4, vm0, $0xb8;
	[tilespmem:$0x18500] =	vst v63  }
0x4a: {  	s25 =	simm.s32 $0xCD00;
	v3 =	vperm.xlane v3, v2  }
0x4b: {  	[tilespmem:s25], [sflag:$0x4] =	stream.indirect_vreg.gather [hbm4b:s7+s2], $0x80, v4, vm0, $0xb8;
	[tilespmem:$0x18500] =	vst v63  }
0x4c: {  	s26 =	simm.s32 $0xD500;
	v3 =	vadd.s32 v1, v3  }
0x4d: {  	[tilespmem:s26], [sflag:$0x4] =	stream.indirect_vreg.gather [hbm4b:s8+s2], $0x80, v4, vm0, $0xb8;
	[tilespmem:$0x18500] =	vst v63  }
0x4e: {  	s29 =	simm.s32 $0xDD00  }
0x4f: {  	[tilespmem:s29], [sflag:$0x4] =	stream.indirect_vreg.gather [hbm4b:s11+s2], $0x80, v4, vm0, $0xb8;
	[tilespmem:$0x18500] =	vst v63  }
0x50: {  	s30 =	simm.s32 $0xE500  }
0x51: {  	[tilespmem:s30], [sflag:$0x4] =	stream.indirect_vreg.gather [hbm4b:s3+s2], $0x80, v3, vm0, $0xb8;
	[tilespmem:$0x18500] =	vst v63  }
0x52: {  	s25 =	simm.s32 $0xED00  }
0x53: {  	[tilespmem:s25], [sflag:$0x4] =	stream.indirect_vreg.gather [hbm4b:s7+s2], $0x80, v3, vm0, $0xb8;
	[tilespmem:$0x18500] =	vst v63  }
0x54: {  	s26 =	simm.s32 $0xF500  }
0x55: {  	[tilespmem:s26], [sflag:$0x4] =	stream.indirect_vreg.gather [hbm4b:s8+s2], $0x80, v3, vm0, $0xb8;
	[tilespmem:$0x18500] =	vst v63  }
0x56: {  	s29 =	simm.s32 $0xFD00  }
0x57: {  	[tilespmem:s29], [sflag:$0x4] =	stream.indirect_vreg.gather [hbm4b:s11+s2], $0x80, v3, vm0, $0xb8;
	[tilespmem:$0x18500] =	vst v63  }
0x58: {  	v3 =	vld [tilespmem:$0x10];
	_ =	sdelay $0x4  }
0x59: {  	[tilespmem:$0x280] =	vst v3  }
0x5a: {  	v3 =	vld [tilespmem:$0x280];
	_ =	sdelay $0x4  }
0x5b: {  	v4 =	vshll.u32 v3, $0x3  }
0x5c: {  	v3 =	vand.u32 $0x7, v3;
	v4 =	vand.u32 $0xFFFFFFC0, v4  }
0x5d: {  	v3 =	vor.u32 v3, v4  }
0x5e: {  	v4 =	vperm.xlane v3, v0  }
0x5f: {  	v5 =	vld [tilespmem:$0x90]  }
0x60: {  	v4 =	vadd.s32 v1, v4;
	_ =	sdelay $0x3  }
0x61: {  	[tilespmem:$0x400] =	vst v5  }
0x62: {  	[tilespmem:s14], [sflag:$0x2] =	stream.indirect_vreg.gather [hbm4b:s3+s2], $0x80, v4, vm0, $0xb8;
	[tilespmem:$0x18500] =	vst v63  }
0x63: {  	s30 =	simm.s32 $0x4D00;
	v3 =	vperm.xlane v3, v2  }
0x64: {  	[tilespmem:s30], [sflag:$0x2] =	stream.indirect_vreg.gather [hbm4b:s7+s2], $0x80, v4, vm0, $0xb8;
	[tilespmem:$0x18500] =	vst v63  }
0x65: {  	s25 =	simm.s32 $0x5500;
	v3 =	vadd.s32 v1, v3  }
0x66: {  	[tilespmem:s25], [sflag:$0x2] =	stream.indirect_vreg.gather [hbm4b:s8+s2], $0x80, v4, vm0, $0xb8;
	[tilespmem:$0x18500] =	vst v63  }
0x67: {  	s26 =	simm.s32 $0x5D00  }
0x68: {  	[tilespmem:s26], [sflag:$0x2] =	stream.indirect_vreg.gather [hbm4b:s11+s2], $0x80, v4, vm0, $0xb8;
	[tilespmem:$0x18500] =	vst v63  }
0x69: {  	s29 =	simm.s32 $0x6500  }
0x6a: {  	[tilespmem:s29], [sflag:$0x2] =	stream.indirect_vreg.gather [hbm4b:s3+s2], $0x80, v3, vm0, $0xb8;
	[tilespmem:$0x18500] =	vst v63  }
0x6b: {  	s30 =	simm.s32 $0x6D00  }
0x6c: {  	[tilespmem:s30], [sflag:$0x2] =	stream.indirect_vreg.gather [hbm4b:s7+s2], $0x80, v3, vm0, $0xb8;
	[tilespmem:$0x18500] =	vst v63  }
0x6d: {  	s25 =	simm.s32 $0x7500  }
0x6e: {  	[tilespmem:s25], [sflag:$0x2] =	stream.indirect_vreg.gather [hbm4b:s8+s2], $0x80, v3, vm0, $0xb8;
	[tilespmem:$0x18500] =	vst v63  }
0x6f: {  	s26 =	simm.s32 $0x7D00  }
0x70: {  	[tilespmem:s26], [sflag:$0x2] =	stream.indirect_vreg.gather [hbm4b:s11+s2], $0x80, v3, vm0, $0xb8;
	[tilespmem:$0x18500] =	vst v63  }
0x71: {  	v3 =	vld [tilespmem:$0x400];
	_ =	sdelay $0x4  }
0x72: {  	v4 =	vshll.u32 v3, $0x3  }
0x73: {  	v3 =	vand.u32 $0x7, v3;
	v4 =	vand.u32 $0xFFFFFFC0, v4  }
0x74: {  	v3 =	vor.u32 v3, v4  }
0x75: {  	v4 =	vperm.xlane v3, v0;
	_ =	sdelay $0x1  }
0x76: {  	v4 =	vadd.s32 v1, v4;
	_ =	sdelay $0x3  }
0x77: {  	s29 =	simm.s32 $0x10500  }
0x78: {  	[tilespmem:s29], [sflag:$0x5] =	stream.indirect_vreg.gather [hbm4b:s3+s2], $0x80, v4, vm0, $0xb8;
	[tilespmem:$0x18500] =	vst v63  }
0x79: {  	s30 =	simm.s32 $0x10D00;
	v3 =	vperm.xlane v3, v2  }
0x7a: {  	[tilespmem:s30], [sflag:$0x5] =	stream.indirect_vreg.gather [hbm4b:s7+s2], $0x80, v4, vm0, $0xb8;
	[tilespmem:$0x18500] =	vst v63  }
0x7b: {  	s25 =	simm.s32 $0x11500;
	v3 =	vadd.s32 v1, v3  }
0x7c: {  	[tilespmem:s25], [sflag:$0x5] =	stream.indirect_vreg.gather [hbm4b:s8+s2], $0x80, v4, vm0, $0xb8;
	[tilespmem:$0x18500] =	vst v63  }
0x7d: {  	s26 =	simm.s32 $0x11D00  }
0x7e: {  	[tilespmem:s26], [sflag:$0x5] =	stream.indirect_vreg.gather [hbm4b:s11+s2], $0x80, v4, vm0, $0xb8;
	[tilespmem:$0x18500] =	vst v63  }
0x7f: {  	_ = 	snop  }
0x80: {  	[tilespmem:s31], [sflag:$0x5] =	stream.indirect_vreg.gather [hbm4b:s3+s2], $0x80, v3, vm0, $0xb8;
	[tilespmem:$0x18500] =	vst v63  }
0x81: {  	_ = 	snop  }
0x82: {  	[tilespmem:s1], [sflag:$0x5] =	stream.indirect_vreg.gather [hbm4b:s7+s2], $0x80, v3, vm0, $0xb8;
	[tilespmem:$0x18500] =	vst v63  }
0x83: {  	_ = 	snop  }
0x84: {  	[tilespmem:s0], [sflag:$0x5] =	stream.indirect_vreg.gather [hbm4b:s8+s2], $0x80, v3, vm0, $0xb8;
	[tilespmem:$0x18500] =	vst v63  }
0x85: {  	_ = 	snop  }
0x86: {  	[tilespmem:s21], [sflag:$0x5] =	stream.indirect_vreg.gather [hbm4b:s11+s2], $0x80, v3, vm0, $0xb8;
	[tilespmem:$0x18500] =	vst v63  }
0x87: {  	_ =	swait.ge [sflag:s4], $0x4000  }
0x88: {  	s29 =	simm.s32 $0x0;
	[sflag:s4] =	ssyncset.done $0x0  }
0x89: {  	s9 =	sand.u32 $0x2000, s29;
	[sflag:s4] =	ssyncadd.s32 $0xFFFFC000  }
0x8a: {  	s30 =	sand.u32 $0x1C00, s2;
	s26 =	simm.s32 $0x0;
	_ =	swait.ge [sflag:s5], $0x4000  }
0x8b: {  	s9 =	sor.u32 s30, s9;
	s26 =	sand.u32 $0x380, s26;
	[sflag:s5] =	ssyncset.done $0x0  }
0x8c: {  	s9 =	sor.u32 s26, s9;
	[sflag:s5] =	ssyncadd.s32 $0xFFFFC000  }
0x8d: {  	v3 =	vld [tilespmem:s9+$0xC510]  }
0x8e: {  	s29 =	simm.s32 $0x0;
	v4 =	vld [tilespmem:s9+$0xC520]  }
0x8f: {  	v6 =	vmov s29;
	v5 =	vld [tilespmem:s9+$0xC530]  }
0x90: {  	v7 =	vld [tilespmem:s9+$0xC540]  }
0x91: {  	v8 =	vld [tilespmem:s9+$0xC550]  }
0x92: {  	v9 =	vld [tilespmem:s9+$0xC560]  }
0x93: {  	v10 =	vld [tilespmem:s9+$0x530]  }
0x94: {  	v12 =	vld.idx.msk [tilespmem:v6+s22+$0x0], $0xffff  }
0x95: {  	v13 =	vld.idx.msk [tilespmem:v6+s23+$0x0], $0xffff  }
0x96: {  	v6 =	vld [tilespmem:s9+$0x520]  }
0x97: {  	v11 =	vld [tilespmem:s9+$0x510]  }
0x98: {  	v15 =	vld [tilespmem:s9+$0x540]  }
0x99: {  	v14 =	vld [tilespmem:s9+$0xC570]  }
0x9a: {  	v17 =	vld [tilespmem:s9+$0x560]  }
0x9b: {  	s30 =	simm.s32 $0x80;
	s26 =	simm.s32 $0x400;
	v16 =	vld [tilespmem:s9+$0x550];
	v6 =	vmul.f32 v6, v12;
	v4 =	vmul.f32 v4, v13  }
0x9c: {  	s29 =	simm.s32 $0x10;
	s25 =	sand.u32 $0x2000, s30;
	s28 =	sand.u32 $0x1C00, s26;
	v19 =	vld [tilespmem:s9+$0x500];
	v11 =	vmul.f32 v11, v12;
	v20 =	vmul.f32 v3, v13  }
0x9d: {  	s25 =	sor.u32 s28, s25;
	s28 =	sand.u32 $0x380, s29;
	v18 =	vld [tilespmem:s9+$0x570];
	v15 =	vmul.f32 v15, v12;
	v4 =	vadd.f32 v4, v6  }
0x9e: {  	s25 =	sor.u32 s28, s25;
	v21 =	vld [tilespmem:s9+$0xC500];
	v6 =	vmul.f32 v10, v12;
	v10 =	vmul.f32 v5, v13;
	v11 =	vadd.f32 v20, v11  }
0x9f: {  	v3 =	vld [tilespmem:s25+$0xC510];
	v7 =	vmul.f32 v7, v13;
	v62 =	vmul.f32 v17, v12;
	[tilespmem:s9+$0x520] =	vst v4  }
0xa0: {  	v6 =	vadd.f32 v10, v6;
	v10 =	vmul.f32 v16, v12;
	v5 =	vld [tilespmem:s25+$0xC520];
	[tilespmem:s9+$0x510] =	vst v11;
	v11 =	vmul.f32 v8, v13  }
0xa1: {  	v63 =	vmul.f32 v9, v13;
	v9 =	vmul.f32 v19, v12;
	v15 =	vadd.f32 v7, v15  }
0xa2: {  	s28 =	simm.s32 $0x0;
	v8 =	vmul.f32 v18, v12;
	v4 =	vld [tilespmem:s25+$0xC530];
	[tilespmem:s9+$0x530] =	vst v6;
	v11 =	vadd.f32 v11, v10;
	v10 =	vmul.f32 v14, v13  }
0xa3: {  	v7 =	vmov s28;
	s28 =	simm.s32 $0x2;
	v12 =	vmul.f32 v21, v13;
	v6 =	vld [tilespmem:s25+$0xC540];
	[tilespmem:s9+$0x540] =	vst v15;
	v13 =	vadd.f32 v63, v62  }
.LBB2_2:
0xa4: {  	p0 =	sne.s32 s28, $0x7F;
	v14 =	vld [tilespmem:s25+$0xC550];
	[tilespmem:s9+$0x550] =	vst v11;
	v8 =	vadd.f32 v10, v8  }
0xa5: {  	v10 =	vld [tilespmem:s25+$0xC560];
	v9 =	vadd.f32 v12, v9;
	[tilespmem:s9+$0x560] =	vst v13  }
0xa6: {  	v11 =	vld [tilespmem:s25+$0x530];
	[tilespmem:s9+$0x570] =	vst v8  }
0xa7: {  	v8 =	vld [tilespmem:s25+$0x510];
	[tilespmem:s9+$0x500] =	vst v9;
	s9 =	smov.u32 s25  }
0xa8: {  	v9 =	vld.idx.msk [tilespmem:v7+s22+$0x0], $0xffff  }
0xa9: {  	v12 =	vld.idx.msk [tilespmem:v7+s23+$0x0], $0xffff  }
0xaa: {  	v7 =	vld [tilespmem:s9+$0x520]  }
0xab: {  	v13 =	vld [tilespmem:s9+$0xC570]  }
0xac: {  	v15 =	vld [tilespmem:s9+$0x540]  }
0xad: {  	v16 =	vld [tilespmem:s9+$0x550]  }
0xae: {  	v8 =	vmul.f32 v8, v9;
	v11 =	vmul.f32 v11, v9;
	v17 =	vld [tilespmem:s9+$0x560]  }
0xaf: {  	s26 =	sadd.s32 $0x400, s26;
	s25 =	sshll.u32 s28, $0x7;
	v5 =	vmul.f32 v5, v12;
	v7 =	vmul.f32 v7, v9;
	v18 =	vld [tilespmem:s9+$0x570]  }
0xb0: {  	s30 =	sshll.u32 s28, $0x4;
	s29 =	sand.u32 $0x1C00, s26;
	s25 =	sand.u32 $0x2000, s25;
	v3 =	vmul.f32 v3, v12;
	v4 =	vmul.f32 v4, v12;
	v19 =	vld [tilespmem:s9+$0x500]  }
0xb1: {  	s25 =	sor.u32 s29, s25;
	s29 =	sand.u32 $0x380, s30;
	v6 =	vmul.f32 v6, v12;
	v20 =	vld [tilespmem:s9+$0xC500];
	v5 =	vadd.f32 v5, v7;
	v7 =	vmul.f32 v15, v9  }
.Ltmp0:
0xb2: {  	s25 =	sor.u32 s29, s25;
	v8 =	vadd.f32 v3, v8;
	v11 =	vadd.f32 v4, v11;
	v15 =	vmul.f32 v16, v9;
	(pc) =	sbr.rel @p0 .LBB2_2-.Ltmp0, $4  }
0xb3: {  	v3 =	vld [tilespmem:s25+$0xC510];
	[tilespmem:s9+$0x520] =	vst v5;
	v16 =	vadd.f32 v6, v7;
	v6 =	vmul.f32 v14, v12;
	v14 =	vmul.f32 v17, v9  }
0xb4: {  	v17 =	vmul.f32 v10, v12;
	v5 =	vld [tilespmem:s25+$0xC520];
	[tilespmem:s9+$0x510] =	vst v8;
	v8 =	vmul.f32 v18, v9  }
0xb5: {  	s29 =	sshrl.u32 s28, $0x3;
	v10 =	vmul.f32 v13, v12;
	v4 =	vld [tilespmem:s25+$0xC530];
	v9 =	vmul.f32 v19, v9;
	[tilespmem:s9+$0x530] =	vst v11;
	v11 =	vadd.f32 v6, v15  }
0xb6: {  	s28 =	sadd.s32 $0x1, s28;
	v7 =	vmov s29;
	v13 =	vadd.f32 v17, v14;
	v6 =	vld [tilespmem:s25+$0xC540];
	v12 =	vmul.f32 v20, v12;
	[tilespmem:s9+$0x540] =	vst v16  }
0xb7: {  	v14 =	vld [tilespmem:s25+$0xC550];
	[tilespmem:s9+$0x550] =	vst v11;
	v8 =	vadd.f32 v10, v8  }
0xb8: {  	v11 =	vld [tilespmem:s25+$0xC560];
	[tilespmem:s9+$0x560] =	vst v13;
	v9 =	vadd.f32 v12, v9  }
0xb9: {  	v10 =	vld [tilespmem:s25+$0x530];
	[tilespmem:s9+$0x570] =	vst v8  }
0xba: {  	v8 =	vld [tilespmem:s25+$0x510];
	[tilespmem:s9+$0x500] =	vst v9  }
0xbb: {  	v9 =	vld.idx.msk [tilespmem:v7+s22+$0x0], $0xffff  }
0xbc: {  	v7 =	vld.idx.msk [tilespmem:v7+s23+$0x0], $0xffff  }
0xbd: {  	v12 =	vld [tilespmem:s25+$0x520]  }
0xbe: {  	v15 =	vld [tilespmem:s25+$0x540]  }
0xbf: {  	v16 =	vld [tilespmem:s25+$0x550]  }
0xc0: {  	v17 =	vld [tilespmem:s25+$0x560]  }
0xc1: {  	v18 =	vld [tilespmem:s25+$0x570]  }
0xc2: {  	v13 =	vld [tilespmem:s25+$0xC570];
	v12 =	vmul.f32 v12, v9;
	v5 =	vmul.f32 v5, v7  }
0xc3: {  	v19 =	vld [tilespmem:s25+$0x500];
	v8 =	vmul.f32 v8, v9;
	v3 =	vmul.f32 v3, v7  }
0xc4: {  	v20 =	vld [tilespmem:s25+$0xC500];
	v10 =	vmul.f32 v10, v9;
	v4 =	vmul.f32 v4, v7;
	v5 =	vadd.f32 v5, v12  }
0xc5: {  	v6 =	vmul.f32 v6, v7;
	v12 =	vmul.f32 v15, v9;
	v3 =	vadd.f32 v3, v8  }
0xc6: {  	v4 =	vadd.f32 v4, v10;
	v8 =	vmul.f32 v16, v9;
	[tilespmem:s25+$0x520] =	vst v5;
	v5 =	vmul.f32 v14, v7  }
0xc7: {  	v10 =	vmul.f32 v17, v9;
	v6 =	vadd.f32 v6, v12;
	[tilespmem:s25+$0x510] =	vst v3;
	v3 =	vmul.f32 v11, v7  }
0xc8: {  	v11 =	vmul.f32 v18, v9;
	[tilespmem:s25+$0x530] =	vst v4;
	v4 =	vadd.f32 v5, v8;
	v5 =	vmul.f32 v13, v7  }
0xc9: {  	v8 =	vmul.f32 v19, v9;
	v7 =	vmul.f32 v20, v7;
	[tilespmem:s25+$0x540] =	vst v6;
	v3 =	vadd.f32 v3, v10  }
0xca: {  	[tilespmem:s25+$0x550] =	vst v4;
	v4 =	vadd.f32 v5, v11  }
0xcb: {  	v5 =	vadd.f32 v7, v8;
	[tilespmem:s25+$0x560] =	vst v3  }
0xcc: {  	[tilespmem:s25+$0x570] =	vst v4  }
0xcd: {  	s26 =	rddreg [dreg:$0x6];
	s9 =	simm.s32 $0x0;
	[tilespmem:s25+$0x500] =	vst v5  }
0xce: {  	[hbm4b:s26+s9] =	stream.linear.scatter [tilespmem:s24], [sflag:$0x7], $0x4000, $0x38;
	[tilespmem:$0x18500] =	vst v63  }
0xcf: {  	v3 =	vld [tilespmem:$0x20];
	_ =	sdelay $0x4  }
0xd0: {  	[tilespmem:$0x300] =	vst v3  }
0xd1: {  	v3 =	vld [tilespmem:$0x300];
	_ =	sdelay $0x4  }
0xd2: {  	v4 =	vshll.u32 v3, $0x3  }
0xd3: {  	v3 =	vand.u32 $0x7, v3;
	v4 =	vand.u32 $0xFFFFFFC0, v4  }
0xd4: {  	v3 =	vor.u32 v3, v4  }
0xd5: {  	v4 =	vperm.xlane v3, v0  }
0xd6: {  	v5 =	vld [tilespmem:$0xA0]  }
0xd7: {  	v4 =	vadd.s32 v1, v4;
	_ =	sdelay $0x3  }
0xd8: {  	[tilespmem:$0x480] =	vst v5  }
0xd9: {  	[tilespmem:s6], [sflag:$0x3] =	stream.indirect_vreg.gather [hbm4b:s3+s9], $0x80, v4, vm0, $0xb8;
	[tilespmem:$0x18500] =	vst v63  }
0xda: {  	s30 =	simm.s32 $0x8D00;
	v3 =	vperm.xlane v3, v2  }
0xdb: {  	[tilespmem:s30], [sflag:$0x3] =	stream.indirect_vreg.gather [hbm4b:s7+s9], $0x80, v4, vm0, $0xb8;
	[tilespmem:$0x18500] =	vst v63  }
0xdc: {  	s26 =	simm.s32 $0x9500;
	v3 =	vadd.s32 v1, v3  }
0xdd: {  	[tilespmem:s26], [sflag:$0x3] =	stream.indirect_vreg.gather [hbm4b:s8+s9], $0x80, v4, vm0, $0xb8;
	[tilespmem:$0x18500] =	vst v63  }
0xde: {  	s30 =	simm.s32 $0x9D00  }
0xdf: {  	[tilespmem:s30], [sflag:$0x3] =	stream.indirect_vreg.gather [hbm4b:s11+s9], $0x80, v4, vm0, $0xb8;
	[tilespmem:$0x18500] =	vst v63  }
0xe0: {  	s26 =	simm.s32 $0xA500  }
0xe1: {  	[tilespmem:s26], [sflag:$0x3] =	stream.indirect_vreg.gather [hbm4b:s3+s9], $0x80, v3, vm0, $0xb8;
	[tilespmem:$0x18500] =	vst v63  }
0xe2: {  	s30 =	simm.s32 $0xAD00  }
0xe3: {  	[tilespmem:s30], [sflag:$0x3] =	stream.indirect_vreg.gather [hbm4b:s7+s9], $0x80, v3, vm0, $0xb8;
	[tilespmem:$0x18500] =	vst v63  }
0xe4: {  	s26 =	simm.s32 $0xB500  }
0xe5: {  	[tilespmem:s26], [sflag:$0x3] =	stream.indirect_vreg.gather [hbm4b:s8+s9], $0x80, v3, vm0, $0xb8;
	[tilespmem:$0x18500] =	vst v63  }
0xe6: {  	s30 =	simm.s32 $0xBD00  }
0xe7: {  	[tilespmem:s30], [sflag:$0x3] =	stream.indirect_vreg.gather [hbm4b:s11+s9], $0x80, v3, vm0, $0xb8;
	[tilespmem:$0x18500] =	vst v63  }
0xe8: {  	v3 =	vld [tilespmem:$0x480];
	_ =	sdelay $0x4  }
0xe9: {  	v4 =	vshll.u32 v3, $0x3  }
0xea: {  	v3 =	vand.u32 $0x7, v3;
	v4 =	vand.u32 $0xFFFFFFC0, v4  }
0xeb: {  	v3 =	vor.u32 v3, v4  }
0xec: {  	v4 =	vperm.xlane v3, v0;
	_ =	sdelay $0x1  }
0xed: {  	v4 =	vadd.s32 v1, v4;
	_ =	sdelay $0x3  }
0xee: {  	s26 =	simm.s32 $0x14500  }
0xef: {  	[tilespmem:s26], [sflag:$0x6] =	stream.indirect_vreg.gather [hbm4b:s3+s9], $0x80, v4, vm0, $0xb8;
	[tilespmem:$0x18500] =	vst v63  }
0xf0: {  	s30 =	simm.s32 $0x14D00;
	v3 =	vperm.xlane v3, v2  }
0xf1: {  	[tilespmem:s30], [sflag:$0x6] =	stream.indirect_vreg.gather [hbm4b:s7+s9], $0x80, v4, vm0, $0xb8;
	[tilespmem:$0x18500] =	vst v63  }
0xf2: {  	v3 =	vadd.s32 v1, v3;
	s26 =	simm.s32 $0x15500  }
0xf3: {  	[tilespmem:s26], [sflag:$0x6] =	stream.indirect_vreg.gather [hbm4b:s8+s9], $0x80, v4, vm0, $0xb8;
	[tilespmem:$0x18500] =	vst v63  }
0xf4: {  	s30 =	simm.s32 $0x15D00  }
0xf5: {  	[tilespmem:s30], [sflag:$0x6] =	stream.indirect_vreg.gather [hbm4b:s11+s9], $0x80, v4, vm0, $0xb8;
	[tilespmem:$0x18500] =	vst v63  }
0xf6: {  	s26 =	simm.s32 $0x16500  }
0xf7: {  	[tilespmem:s26], [sflag:$0x6] =	stream.indirect_vreg.gather [hbm4b:s3+s9], $0x80, v3, vm0, $0xb8;
	[tilespmem:$0x18500] =	vst v63  }
0xf8: {  	s30 =	simm.s32 $0x16D00  }
0xf9: {  	[tilespmem:s30], [sflag:$0x6] =	stream.indirect_vreg.gather [hbm4b:s7+s9], $0x80, v3, vm0, $0xb8;
	[tilespmem:$0x18500] =	vst v63  }
0xfa: {  	s26 =	simm.s32 $0x17500  }
0xfb: {  	[tilespmem:s26], [sflag:$0x6] =	stream.indirect_vreg.gather [hbm4b:s8+s9], $0x80, v3, vm0, $0xb8;
	[tilespmem:$0x18500] =	vst v63  }
0xfc: {  	s30 =	simm.s32 $0x17D00  }
0xfd: {  	[tilespmem:s30], [sflag:$0x6] =	stream.indirect_vreg.gather [hbm4b:s11+s9], $0x80, v3, vm0, $0xb8;
	[tilespmem:$0x18500] =	vst v63  }
0xfe: {  	_ =	swait.ge [sflag:s10], $0x4000  }
0xff: {  	s26 =	simm.s32 $0x0;
	[sflag:s10] =	ssyncset.done $0x0  }
0x100: {  	s25 =	sand.u32 $0x2000, s26;
	[sflag:s10] =	ssyncadd.s32 $0xFFFFC000  }
0x101: {  	s26 =	simm.s32 $0x0;
	s9 =	sand.u32 $0x1C00, s9;
	_ =	swait.ge [sflag:s12], $0x4000  }
0x102: {  	s30 =	sand.u32 $0x380, s26;
	s9 =	sor.u32 s9, s25;
	[sflag:s12] =	ssyncset.done $0x0  }
0x103: {  	s9 =	sor.u32 s30, s9;
	[sflag:s12] =	ssyncadd.s32 $0xFFFFC000  }
0x104: {  	v3 =	vld [tilespmem:s9+$0x10510]  }
0x105: {  	s26 =	simm.s32 $0x0;
	v5 =	vld [tilespmem:s9+$0x10520]  }
0x106: {  	s25 =	sor.u32 $0x10, s26;
	v6 =	vld [tilespmem:s9+$0x10530]  }
0x107: {  	v4 =	vmov s25;
	v8 =	vld [tilespmem:s9+$0x10540]  }
0x108: {  	v9 =	vld [tilespmem:s9+$0x10550]  }
0x109: {  	v11 =	vld [tilespmem:s9+$0x10560]  }
0x10a: {  	v10 =	vld [tilespmem:s9+$0x4530]  }
0x10b: {  	v7 =	vld [tilespmem:s9+$0x4510]  }
0x10c: {  	v13 =	vld.idx.msk [tilespmem:v4+s22+$0x0], $0xffff  }
0x10d: {  	v12 =	vld [tilespmem:s9+$0x4520]  }
0x10e: {  	v4 =	vld.idx.msk [tilespmem:v4+s23+$0x0], $0xffff  }
0x10f: {  	v15 =	vld [tilespmem:s9+$0x10570]  }
0x110: {  	v14 =	vld [tilespmem:s9+$0x4540]  }
0x111: {  	v57 =	vld [tilespmem:s9+$0x4550]  }
0x112: {  	v58 =	vld [tilespmem:s9+$0x4560];
	v12 =	vmul.f32 v12, v13  }
0x113: {  	s26 =	simm.s32 $0x400;
	s30 =	simm.s32 $0x80;
	v59 =	vld [tilespmem:s9+$0x4570];
	v5 =	vmul.f32 v5, v4;
	v61 =	vmul.f32 v7, v13  }
0x114: {  	s29 =	simm.s32 $0x10;
	s28 =	sand.u32 $0x1C00, s26;
	s25 =	sand.u32 $0x2000, s30;
	v60 =	vld [tilespmem:s9+$0x4500];
	v21 =	vmul.f32 v3, v4;
	v10 =	vmul.f32 v10, v13  }
0x115: {  	s25 =	sor.u32 s28, s25;
	s28 =	sand.u32 $0x380, s29;
	v7 =	vld [tilespmem:s9+$0x10500];
	v6 =	vmul.f32 v6, v4;
	v62 =	vmul.f32 v8, v4;
	v5 =	vadd.f32 v5, v12  }
0x116: {  	s25 =	sor.u32 s28, s25;
	v16 =	vmul.f32 v57, v13;
	v12 =	vmul.f32 v14, v13;
	v14 =	vadd.f32 v21, v61  }
0x117: {  	v3 =	vld [tilespmem:s25+$0x10510];
	v22 =	vmul.f32 v9, v4;
	v8 =	vmul.f32 v58, v13;
	v63 =	vadd.f32 v6, v10;
	[tilespmem:s9+$0x4520] =	vst v5  }
0x118: {  	s28 =	simm.s32 $0x0;
	v9 =	vmul.f32 v59, v13;
	v10 =	vadd.f32 v62, v12;
	v12 =	vmul.f32 v11, v4;
	v5 =	vld [tilespmem:s25+$0x10520];
	[tilespmem:s9+$0x4510] =	vst v14  }
0x119: {  	s29 =	sor.u32 $0x10, s28;
	s28 =	simm.s32 $0x2;
	v11 =	vmul.f32 v60, v13;
	v13 =	vmul.f32 v15, v4;
	v14 =	vadd.f32 v22, v16;
	v6 =	vld [tilespmem:s25+$0x10530];
	[tilespmem:s9+$0x4530] =	vst v63  }
.LBB2_4:
0x11a: {  	p0 =	sne.s32 s28, $0x7F;
	v15 =	vmov s29;
	v16 =	vld [tilespmem:s25+$0x10540];
	v4 =	vmul.f32 v7, v4;
	[tilespmem:s9+$0x4540] =	vst v10;
	v7 =	vadd.f32 v12, v8  }
0x11b: {  	v8 =	vld [tilespmem:s25+$0x10550];
	[tilespmem:s9+$0x4550] =	vst v14;
	v9 =	vadd.f32 v13, v9  }
0x11c: {  	v12 =	vld [tilespmem:s25+$0x10560];
	v4 =	vadd.f32 v4, v11;
	[tilespmem:s9+$0x4560] =	vst v7  }
0x11d: {  	v7 =	vld [tilespmem:s25+$0x4530];
	[tilespmem:s9+$0x4570] =	vst v9  }
0x11e: {  	v9 =	vld [tilespmem:s25+$0x4510];
	[tilespmem:s9+$0x4500] =	vst v4;
	s9 =	smov.u32 s25  }
0x11f: {  	v11 =	vld.idx.msk [tilespmem:v15+s22+$0x0], $0xffff  }
0x120: {  	v4 =	vld.idx.msk [tilespmem:v15+s23+$0x0], $0xffff  }
0x121: {  	v10 =	vld [tilespmem:s9+$0x4520]  }
0x122: {  	v13 =	vld [tilespmem:s9+$0x10570]  }
0x123: {  	v14 =	vld [tilespmem:s9+$0x4540]  }
0x124: {  	v15 =	vld [tilespmem:s9+$0x4550]  }
0x125: {  	v9 =	vmul.f32 v9, v11;
	v17 =	vmul.f32 v7, v11;
	v18 =	vld [tilespmem:s9+$0x4560]  }
0x126: {  	s26 =	sadd.s32 $0x400, s26;
	s25 =	sshll.u32 s28, $0x7;
	v5 =	vmul.f32 v5, v4;
	v10 =	vmul.f32 v10, v11;
	v19 =	vld [tilespmem:s9+$0x4570]  }
0x127: {  	s30 =	sshll.u32 s28, $0x4;
	s29 =	sand.u32 $0x1C00, s26;
	s25 =	sand.u32 $0x2000, s25;
	v3 =	vmul.f32 v3, v4;
	v6 =	vmul.f32 v6, v4;
	v20 =	vld [tilespmem:s9+$0x4500]  }
.Ltmp1:
0x128: {  	s25 =	sor.u32 s29, s25;
	s29 =	sand.u32 $0x380, s30;
	v7 =	vld [tilespmem:s9+$0x10500];
	v5 =	vadd.f32 v5, v10;
	v10 =	vmul.f32 v14, v11;
	v14 =	vmul.f32 v16, v4;
	(pc) =	sbr.rel @p0 .LBB2_4-.Ltmp1, $4  }
0x129: {  	s25 =	sor.u32 s29, s25;
	v9 =	vadd.f32 v3, v9;
	v16 =	vadd.f32 v6, v17;
	v15 =	vmul.f32 v15, v11  }
0x12a: {  	v3 =	vld [tilespmem:s25+$0x10510];
	[tilespmem:s9+$0x4520] =	vst v5;
	v10 =	vadd.f32 v14, v10;
	v14 =	vmul.f32 v8, v4;
	v8 =	vmul.f32 v18, v11  }
0x12b: {  	s29 =	sshrl.u32 s28, $0x3;
	v12 =	vmul.f32 v12, v4;
	v5 =	vld [tilespmem:s25+$0x10520];
	[tilespmem:s9+$0x4510] =	vst v9;
	v9 =	vmul.f32 v19, v11  }
0x12c: {  	s28 =	sadd.s32 $0x1, s28;
	s29 =	sor.u32 $0x10, s29;
	v13 =	vmul.f32 v13, v4;
	v6 =	vld [tilespmem:s25+$0x10530];
	v11 =	vmul.f32 v20, v11;
	[tilespmem:s9+$0x4530] =	vst v16;
	v14 =	vadd.f32 v14, v15  }
0x12d: {  	v15 =	vld [tilespmem:s25+$0x10540];
	[tilespmem:s9+$0x4540] =	vst v10;
	v8 =	vadd.f32 v12, v8;
	v12 =	vmov s29;
	v4 =	vmul.f32 v7, v4  }
0x12e: {  	v10 =	vld [tilespmem:s25+$0x10550];
	[tilespmem:s9+$0x4550] =	vst v14;
	v9 =	vadd.f32 v13, v9  }
0x12f: {  	v7 =	vld [tilespmem:s25+$0x10560];
	[tilespmem:s9+$0x4560] =	vst v8;
	v4 =	vadd.f32 v4, v11  }
0x130: {  	v8 =	vld [tilespmem:s25+$0x4530];
	[tilespmem:s9+$0x4570] =	vst v9  }
0x131: {  	v9 =	vld [tilespmem:s25+$0x4510];
	[tilespmem:s9+$0x4500] =	vst v4  }
0x132: {  	v4 =	vld.idx.msk [tilespmem:v12+s22+$0x0], $0xffff  }
0x133: {  	v11 =	vld.idx.msk [tilespmem:v12+s23+$0x0], $0xffff  }
0x134: {  	v12 =	vld [tilespmem:s25+$0x4520]  }
0x135: {  	v14 =	vld [tilespmem:s25+$0x4540]  }
0x136: {  	v16 =	vld [tilespmem:s25+$0x4550]  }
0x137: {  	v17 =	vld [tilespmem:s25+$0x4560]  }
0x138: {  	v18 =	vld [tilespmem:s25+$0x4570]  }
0x139: {  	v13 =	vld [tilespmem:s25+$0x10570];
	v12 =	vmul.f32 v12, v4;
	v5 =	vmul.f32 v5, v11  }
0x13a: {  	v19 =	vld [tilespmem:s25+$0x4500];
	v9 =	vmul.f32 v9, v4;
	v3 =	vmul.f32 v3, v11  }
0x13b: {  	v20 =	vld [tilespmem:s25+$0x10500];
	v8 =	vmul.f32 v8, v4;
	v6 =	vmul.f32 v6, v11;
	v5 =	vadd.f32 v5, v12  }
0x13c: {  	v12 =	vmul.f32 v14, v4;
	v14 =	vmul.f32 v15, v11;
	v3 =	vadd.f32 v3, v9  }
0x13d: {  	v6 =	vadd.f32 v6, v8;
	v8 =	vmul.f32 v16, v4;
	[tilespmem:s25+$0x4520] =	vst v5;
	v5 =	vmul.f32 v10, v11  }
0x13e: {  	v9 =	vadd.f32 v14, v12;
	v10 =	vmul.f32 v17, v4;
	[tilespmem:s25+$0x4510] =	vst v3;
	v3 =	vmul.f32 v7, v11  }
0x13f: {  	v7 =	vmul.f32 v18, v4;
	[tilespmem:s25+$0x4530] =	vst v6;
	v6 =	vmul.f32 v13, v11;
	v5 =	vadd.f32 v5, v8  }
0x140: {  	v4 =	vmul.f32 v19, v4;
	v8 =	vmul.f32 v20, v11;
	[tilespmem:s25+$0x4540] =	vst v9;
	v3 =	vadd.f32 v3, v10  }
0x141: {  	[tilespmem:s25+$0x4550] =	vst v5;
	v5 =	vadd.f32 v6, v7  }
0x142: {  	v4 =	vadd.f32 v8, v4;
	[tilespmem:s25+$0x4560] =	vst v3  }
0x143: {  	[tilespmem:s25+$0x4570] =	vst v5  }
0x144: {  	s26 =	rddreg [dreg:$0x8];
	s9 =	simm.s32 $0x0;
	[tilespmem:s25+$0x4500] =	vst v4  }
0x145: {  	[hbm4b:s26+s9] =	stream.linear.scatter [tilespmem:s14], [sflag:$0x8], $0x4000, $0x38;
	[tilespmem:$0x18500] =	vst v63  }
0x146: {  	_ =	swait.ge [sflag:s13], $0x4000  }
0x147: {  	[sflag:s13] =	ssyncset.done $0x0  }
0x148: {  	[sflag:s13] =	ssyncadd.s32 $0xFFFFC000  }
0x149: {  	v3 =	vld [tilespmem:$0x30];
	_ =	sdelay $0x4  }
0x14a: {  	[tilespmem:$0x200] =	vst v3  }
0x14b: {  	v3 =	vld [tilespmem:$0x200];
	_ =	sdelay $0x4  }
0x14c: {  	v4 =	vshll.u32 v3, $0x3  }
0x14d: {  	v3 =	vand.u32 $0x7, v3;
	v4 =	vand.u32 $0xFFFFFFC0, v4  }
0x14e: {  	v3 =	vor.u32 v3, v4  }
0x14f: {  	v4 =	vperm.xlane v3, v0  }
0x150: {  	v5 =	vld [tilespmem:$0xB0]  }
0x151: {  	v4 =	vadd.s32 v1, v4;
	_ =	sdelay $0x3  }
0x152: {  	[tilespmem:$0x380] =	vst v5  }
0x153: {  	[tilespmem:s24], [sflag:$0x1] =	stream.indirect_vreg.gather [hbm4b:s3+s9], $0x80, v4, vm0, $0xb8;
	[tilespmem:$0x18500] =	vst v63  }
0x154: {  	s30 =	simm.s32 $0xD00;
	v3 =	vperm.xlane v3, v2  }
0x155: {  	[tilespmem:s30], [sflag:$0x1] =	stream.indirect_vreg.gather [hbm4b:s7+s9], $0x80, v4, vm0, $0xb8;
	[tilespmem:$0x18500] =	vst v63  }
0x156: {  	s26 =	simm.s32 $0x1500;
	v3 =	vadd.s32 v1, v3  }
0x157: {  	[tilespmem:s26], [sflag:$0x1] =	stream.indirect_vreg.gather [hbm4b:s8+s9], $0x80, v4, vm0, $0xb8;
	[tilespmem:$0x18500] =	vst v63  }
0x158: {  	s30 =	simm.s32 $0x1D00  }
0x159: {  	[tilespmem:s30], [sflag:$0x1] =	stream.indirect_vreg.gather [hbm4b:s11+s9], $0x80, v4, vm0, $0xb8;
	[tilespmem:$0x18500] =	vst v63  }
0x15a: {  	s26 =	simm.s32 $0x2500  }
0x15b: {  	[tilespmem:s26], [sflag:$0x1] =	stream.indirect_vreg.gather [hbm4b:s3+s9], $0x80, v3, vm0, $0xb8;
	[tilespmem:$0x18500] =	vst v63  }
0x15c: {  	s30 =	simm.s32 $0x2D00  }
0x15d: {  	[tilespmem:s30], [sflag:$0x1] =	stream.indirect_vreg.gather [hbm4b:s7+s9], $0x80, v3, vm0, $0xb8;
	[tilespmem:$0x18500] =	vst v63  }
0x15e: {  	s26 =	simm.s32 $0x3500  }
0x15f: {  	[tilespmem:s26], [sflag:$0x1] =	stream.indirect_vreg.gather [hbm4b:s8+s9], $0x80, v3, vm0, $0xb8;
	[tilespmem:$0x18500] =	vst v63  }
0x160: {  	s30 =	simm.s32 $0x3D00  }
0x161: {  	[tilespmem:s30], [sflag:$0x1] =	stream.indirect_vreg.gather [hbm4b:s11+s9], $0x80, v3, vm0, $0xb8;
	[tilespmem:$0x18500] =	vst v63  }
0x162: {  	v3 =	vld [tilespmem:$0x380];
	_ =	sdelay $0x4  }
0x163: {  	v4 =	vshll.u32 v3, $0x3  }
0x164: {  	v3 =	vand.u32 $0x7, v3;
	v4 =	vand.u32 $0xFFFFFFC0, v4  }
0x165: {  	v3 =	vor.u32 v3, v4  }
0x166: {  	v4 =	vperm.xlane v3, v0;
	_ =	sdelay $0x1  }
0x167: {  	v4 =	vadd.s32 v1, v4;
	_ =	sdelay $0x3  }
0x168: {  	s26 =	simm.s32 $0xC500  }
0x169: {  	[tilespmem:s26], [sflag:$0x4] =	stream.indirect_vreg.gather [hbm4b:s3+s9], $0x80, v4, vm0, $0xb8;
	[tilespmem:$0x18500] =	vst v63  }
0x16a: {  	s30 =	simm.s32 $0xCD00;
	v3 =	vperm.xlane v3, v2  }
0x16b: {  	[tilespmem:s30], [sflag:$0x4] =	stream.indirect_vreg.gather [hbm4b:s7+s9], $0x80, v4, vm0, $0xb8;
	[tilespmem:$0x18500] =	vst v63  }
0x16c: {  	v3 =	vadd.s32 v1, v3;
	s26 =	simm.s32 $0xD500  }
0x16d: {  	[tilespmem:s26], [sflag:$0x4] =	stream.indirect_vreg.gather [hbm4b:s8+s9], $0x80, v4, vm0, $0xb8;
	[tilespmem:$0x18500] =	vst v63  }
0x16e: {  	s30 =	simm.s32 $0xDD00  }
0x16f: {  	[tilespmem:s30], [sflag:$0x4] =	stream.indirect_vreg.gather [hbm4b:s11+s9], $0x80, v4, vm0, $0xb8;
	[tilespmem:$0x18500] =	vst v63  }
0x170: {  	s26 =	simm.s32 $0xE500  }
0x171: {  	[tilespmem:s26], [sflag:$0x4] =	stream.indirect_vreg.gather [hbm4b:s3+s9], $0x80, v3, vm0, $0xb8;
	[tilespmem:$0x18500] =	vst v63  }
0x172: {  	s30 =	simm.s32 $0xED00  }
0x173: {  	[tilespmem:s30], [sflag:$0x4] =	stream.indirect_vreg.gather [hbm4b:s7+s9], $0x80, v3, vm0, $0xb8;
	[tilespmem:$0x18500] =	vst v63  }
0x174: {  	s26 =	simm.s32 $0xF500  }
0x175: {  	[tilespmem:s26], [sflag:$0x4] =	stream.indirect_vreg.gather [hbm4b:s8+s9], $0x80, v3, vm0, $0xb8;
	[tilespmem:$0x18500] =	vst v63  }
0x176: {  	s30 =	simm.s32 $0xFD00  }
0x177: {  	[tilespmem:s30], [sflag:$0x4] =	stream.indirect_vreg.gather [hbm4b:s11+s9], $0x80, v3, vm0, $0xb8;
	[tilespmem:$0x18500] =	vst v63  }
0x178: {  	_ =	swait.ge [sflag:s15], $0x4000  }
0x179: {  	s26 =	simm.s32 $0x0;
	[sflag:s15] =	ssyncset.done $0x0  }
0x17a: {  	s25 =	sand.u32 $0x2000, s26;
	[sflag:s15] =	ssyncadd.s32 $0xFFFFC000  }
0x17b: {  	s26 =	simm.s32 $0x0;
	s9 =	sand.u32 $0x1C00, s9;
	_ =	swait.ge [sflag:s16], $0x4000  }
0x17c: {  	s30 =	sand.u32 $0x380, s26;
	s9 =	sor.u32 s9, s25;
	[sflag:s16] =	ssyncset.done $0x0  }
0x17d: {  	s9 =	sor.u32 s30, s9;
	[sflag:s16] =	ssyncadd.s32 $0xFFFFC000  }
0x17e: {  	v3 =	vld [tilespmem:s9+$0x14510]  }
0x17f: {  	s26 =	simm.s32 $0x0;
	v5 =	vld [tilespmem:s9+$0x14520]  }
0x180: {  	s25 =	sor.u32 $0x20, s26;
	v6 =	vld [tilespmem:s9+$0x14530]  }
0x181: {  	v4 =	vmov s25;
	v8 =	vld [tilespmem:s9+$0x14540]  }
0x182: {  	v9 =	vld [tilespmem:s9+$0x14550]  }
0x183: {  	v11 =	vld [tilespmem:s9+$0x14560]  }
0x184: {  	v10 =	vld [tilespmem:s9+$0x8530]  }
0x185: {  	v7 =	vld [tilespmem:s9+$0x8510]  }
0x186: {  	v13 =	vld.idx.msk [tilespmem:v4+s22+$0x0], $0xffff  }
0x187: {  	v12 =	vld [tilespmem:s9+$0x8520]  }
0x188: {  	v4 =	vld.idx.msk [tilespmem:v4+s23+$0x0], $0xffff  }
0x189: {  	v15 =	vld [tilespmem:s9+$0x14570]  }
0x18a: {  	v14 =	vld [tilespmem:s9+$0x8540]  }
0x18b: {  	v57 =	vld [tilespmem:s9+$0x8550]  }
0x18c: {  	v58 =	vld [tilespmem:s9+$0x8560];
	v12 =	vmul.f32 v12, v13  }
0x18d: {  	s26 =	simm.s32 $0x400;
	s30 =	simm.s32 $0x80;
	v59 =	vld [tilespmem:s9+$0x8570];
	v5 =	vmul.f32 v5, v4;
	v61 =	vmul.f32 v7, v13  }
0x18e: {  	s29 =	simm.s32 $0x10;
	s28 =	sand.u32 $0x1C00, s26;
	s25 =	sand.u32 $0x2000, s30;
	v60 =	vld [tilespmem:s9+$0x8500];
	v21 =	vmul.f32 v3, v4;
	v10 =	vmul.f32 v10, v13  }
0x18f: {  	s25 =	sor.u32 s28, s25;
	s28 =	sand.u32 $0x380, s29;
	v7 =	vld [tilespmem:s9+$0x14500];
	v6 =	vmul.f32 v6, v4;
	v62 =	vmul.f32 v8, v4;
	v5 =	vadd.f32 v5, v12  }
0x190: {  	s25 =	sor.u32 s28, s25;
	v16 =	vmul.f32 v57, v13;
	v12 =	vmul.f32 v14, v13;
	v14 =	vadd.f32 v21, v61  }
0x191: {  	v3 =	vld [tilespmem:s25+$0x14510];
	v22 =	vmul.f32 v9, v4;
	v8 =	vmul.f32 v58, v13;
	v63 =	vadd.f32 v6, v10;
	[tilespmem:s9+$0x8520] =	vst v5  }
0x192: {  	s28 =	simm.s32 $0x0;
	v9 =	vmul.f32 v59, v13;
	v10 =	vadd.f32 v62, v12;
	v12 =	vmul.f32 v11, v4;
	v5 =	vld [tilespmem:s25+$0x14520];
	[tilespmem:s9+$0x8510] =	vst v14  }
0x193: {  	s29 =	sor.u32 $0x20, s28;
	s28 =	simm.s32 $0x2;
	v11 =	vmul.f32 v60, v13;
	v13 =	vmul.f32 v15, v4;
	v14 =	vadd.f32 v22, v16;
	v6 =	vld [tilespmem:s25+$0x14530];
	[tilespmem:s9+$0x8530] =	vst v63  }
.LBB2_6:
0x194: {  	p0 =	sne.s32 s28, $0x7F;
	v15 =	vmov s29;
	v16 =	vld [tilespmem:s25+$0x14540];
	v4 =	vmul.f32 v7, v4;
	[tilespmem:s9+$0x8540] =	vst v10;
	v7 =	vadd.f32 v12, v8  }
0x195: {  	v8 =	vld [tilespmem:s25+$0x14550];
	[tilespmem:s9+$0x8550] =	vst v14;
	v9 =	vadd.f32 v13, v9  }
0x196: {  	v12 =	vld [tilespmem:s25+$0x14560];
	v4 =	vadd.f32 v4, v11;
	[tilespmem:s9+$0x8560] =	vst v7  }
0x197: {  	v7 =	vld [tilespmem:s25+$0x8530];
	[tilespmem:s9+$0x8570] =	vst v9  }
0x198: {  	v9 =	vld [tilespmem:s25+$0x8510];
	[tilespmem:s9+$0x8500] =	vst v4;
	s9 =	smov.u32 s25  }
0x199: {  	v11 =	vld.idx.msk [tilespmem:v15+s22+$0x0], $0xffff  }
0x19a: {  	v4 =	vld.idx.msk [tilespmem:v15+s23+$0x0], $0xffff  }
0x19b: {  	v10 =	vld [tilespmem:s9+$0x8520]  }
0x19c: {  	v13 =	vld [tilespmem:s9+$0x14570]  }
0x19d: {  	v14 =	vld [tilespmem:s9+$0x8540]  }
0x19e: {  	v15 =	vld [tilespmem:s9+$0x8550]  }
0x19f: {  	v9 =	vmul.f32 v9, v11;
	v17 =	vmul.f32 v7, v11;
	v18 =	vld [tilespmem:s9+$0x8560]  }
0x1a0: {  	s26 =	sadd.s32 $0x400, s26;
	s25 =	sshll.u32 s28, $0x7;
	v5 =	vmul.f32 v5, v4;
	v10 =	vmul.f32 v10, v11;
	v19 =	vld [tilespmem:s9+$0x8570]  }
0x1a1: {  	s30 =	sshll.u32 s28, $0x4;
	s29 =	sand.u32 $0x1C00, s26;
	s25 =	sand.u32 $0x2000, s25;
	v3 =	vmul.f32 v3, v4;
	v6 =	vmul.f32 v6, v4;
	v20 =	vld [tilespmem:s9+$0x8500]  }
.Ltmp2:
0x1a2: {  	s25 =	sor.u32 s29, s25;
	s29 =	sand.u32 $0x380, s30;
	v7 =	vld [tilespmem:s9+$0x14500];
	v5 =	vadd.f32 v5, v10;
	v10 =	vmul.f32 v14, v11;
	v14 =	vmul.f32 v16, v4;
	(pc) =	sbr.rel @p0 .LBB2_6-.Ltmp2, $4  }
0x1a3: {  	s25 =	sor.u32 s29, s25;
	v9 =	vadd.f32 v3, v9;
	v16 =	vadd.f32 v6, v17;
	v15 =	vmul.f32 v15, v11  }
0x1a4: {  	v3 =	vld [tilespmem:s25+$0x14510];
	[tilespmem:s9+$0x8520] =	vst v5;
	v10 =	vadd.f32 v14, v10;
	v14 =	vmul.f32 v8, v4;
	v8 =	vmul.f32 v18, v11  }
0x1a5: {  	s29 =	sshrl.u32 s28, $0x3;
	v12 =	vmul.f32 v12, v4;
	v5 =	vld [tilespmem:s25+$0x14520];
	[tilespmem:s9+$0x8510] =	vst v9;
	v9 =	vmul.f32 v19, v11  }
0x1a6: {  	s28 =	sadd.s32 $0x1, s28;
	s29 =	sor.u32 $0x20, s29;
	v13 =	vmul.f32 v13, v4;
	v6 =	vld [tilespmem:s25+$0x14530];
	v11 =	vmul.f32 v20, v11;
	[tilespmem:s9+$0x8530] =	vst v16;
	v14 =	vadd.f32 v14, v15  }
0x1a7: {  	v15 =	vld [tilespmem:s25+$0x14540];
	[tilespmem:s9+$0x8540] =	vst v10;
	v8 =	vadd.f32 v12, v8;
	v12 =	vmov s29;
	v4 =	vmul.f32 v7, v4  }
0x1a8: {  	v10 =	vld [tilespmem:s25+$0x14550];
	[tilespmem:s9+$0x8550] =	vst v14;
	v9 =	vadd.f32 v13, v9  }
0x1a9: {  	v7 =	vld [tilespmem:s25+$0x14560];
	[tilespmem:s9+$0x8560] =	vst v8;
	v4 =	vadd.f32 v4, v11  }
0x1aa: {  	v8 =	vld [tilespmem:s25+$0x8530];
	[tilespmem:s9+$0x8570] =	vst v9  }
0x1ab: {  	v9 =	vld [tilespmem:s25+$0x8510];
	[tilespmem:s9+$0x8500] =	vst v4  }
0x1ac: {  	v4 =	vld.idx.msk [tilespmem:v12+s22+$0x0], $0xffff  }
0x1ad: {  	v11 =	vld.idx.msk [tilespmem:v12+s23+$0x0], $0xffff  }
0x1ae: {  	v12 =	vld [tilespmem:s25+$0x8520]  }
0x1af: {  	v14 =	vld [tilespmem:s25+$0x8540]  }
0x1b0: {  	v16 =	vld [tilespmem:s25+$0x8550]  }
0x1b1: {  	v17 =	vld [tilespmem:s25+$0x8560]  }
0x1b2: {  	v18 =	vld [tilespmem:s25+$0x8570]  }
0x1b3: {  	v13 =	vld [tilespmem:s25+$0x14570];
	v12 =	vmul.f32 v12, v4;
	v5 =	vmul.f32 v5, v11  }
0x1b4: {  	v19 =	vld [tilespmem:s25+$0x8500];
	v9 =	vmul.f32 v9, v4;
	v3 =	vmul.f32 v3, v11  }
0x1b5: {  	v20 =	vld [tilespmem:s25+$0x14500];
	v8 =	vmul.f32 v8, v4;
	v6 =	vmul.f32 v6, v11;
	v5 =	vadd.f32 v5, v12  }
0x1b6: {  	v12 =	vmul.f32 v14, v4;
	v14 =	vmul.f32 v15, v11;
	v3 =	vadd.f32 v3, v9  }
0x1b7: {  	v6 =	vadd.f32 v6, v8;
	v8 =	vmul.f32 v16, v4;
	[tilespmem:s25+$0x8520] =	vst v5;
	v5 =	vmul.f32 v10, v11  }
0x1b8: {  	v9 =	vadd.f32 v14, v12;
	v10 =	vmul.f32 v17, v4;
	[tilespmem:s25+$0x8510] =	vst v3;
	v3 =	vmul.f32 v7, v11  }
0x1b9: {  	v7 =	vmul.f32 v18, v4;
	[tilespmem:s25+$0x8530] =	vst v6;
	v6 =	vmul.f32 v13, v11;
	v5 =	vadd.f32 v5, v8  }
0x1ba: {  	v4 =	vmul.f32 v19, v4;
	v8 =	vmul.f32 v20, v11;
	[tilespmem:s25+$0x8540] =	vst v9;
	v3 =	vadd.f32 v3, v10  }
0x1bb: {  	[tilespmem:s25+$0x8550] =	vst v5;
	v5 =	vadd.f32 v6, v7  }
0x1bc: {  	v4 =	vadd.f32 v8, v4;
	[tilespmem:s25+$0x8560] =	vst v3  }
0x1bd: {  	[tilespmem:s25+$0x8570] =	vst v5  }
0x1be: {  	s26 =	rddreg [dreg:$0x9];
	s9 =	simm.s32 $0x0;
	[tilespmem:s25+$0x8500] =	vst v4  }
0x1bf: {  	[hbm4b:s26+s9] =	stream.linear.scatter [tilespmem:s6], [sflag:$0x9], $0x4000, $0x38;
	[tilespmem:$0x18500] =	vst v63  }
0x1c0: {  	_ =	swait.ge [sflag:s17], $0x4000  }
0x1c1: {  	[sflag:s17] =	ssyncset.done $0x0  }
0x1c2: {  	[sflag:s17] =	ssyncadd.s32 $0xFFFFC000  }
0x1c3: {  	v3 =	vld [tilespmem:$0x40];
	_ =	sdelay $0x4  }
0x1c4: {  	[tilespmem:$0x280] =	vst v3  }
0x1c5: {  	v3 =	vld [tilespmem:$0x280];
	_ =	sdelay $0x4  }
0x1c6: {  	v4 =	vshll.u32 v3, $0x3  }
0x1c7: {  	v3 =	vand.u32 $0x7, v3;
	v4 =	vand.u32 $0xFFFFFFC0, v4  }
0x1c8: {  	v3 =	vor.u32 v3, v4  }
0x1c9: {  	v4 =	vperm.xlane v3, v0  }
0x1ca: {  	v5 =	vld [tilespmem:$0xC0]  }
0x1cb: {  	v4 =	vadd.s32 v1, v4;
	_ =	sdelay $0x3  }
0x1cc: {  	[tilespmem:$0x400] =	vst v5  }
0x1cd: {  	[tilespmem:s14], [sflag:$0x2] =	stream.indirect_vreg.gather [hbm4b:s3+s9], $0x80, v4, vm0, $0xb8;
	[tilespmem:$0x18500] =	vst v63  }
0x1ce: {  	s30 =	simm.s32 $0x4D00;
	v3 =	vperm.xlane v3, v2  }
0x1cf: {  	[tilespmem:s30], [sflag:$0x2] =	stream.indirect_vreg.gather [hbm4b:s7+s9], $0x80, v4, vm0, $0xb8;
	[tilespmem:$0x18500] =	vst v63  }
0x1d0: {  	s26 =	simm.s32 $0x5500;
	v3 =	vadd.s32 v1, v3  }
0x1d1: {  	[tilespmem:s26], [sflag:$0x2] =	stream.indirect_vreg.gather [hbm4b:s8+s9], $0x80, v4, vm0, $0xb8;
	[tilespmem:$0x18500] =	vst v63  }
0x1d2: {  	s30 =	simm.s32 $0x5D00  }
0x1d3: {  	[tilespmem:s30], [sflag:$0x2] =	stream.indirect_vreg.gather [hbm4b:s11+s9], $0x80, v4, vm0, $0xb8;
	[tilespmem:$0x18500] =	vst v63  }
0x1d4: {  	s26 =	simm.s32 $0x6500  }
0x1d5: {  	[tilespmem:s26], [sflag:$0x2] =	stream.indirect_vreg.gather [hbm4b:s3+s9], $0x80, v3, vm0, $0xb8;
	[tilespmem:$0x18500] =	vst v63  }
0x1d6: {  	s30 =	simm.s32 $0x6D00  }
0x1d7: {  	[tilespmem:s30], [sflag:$0x2] =	stream.indirect_vreg.gather [hbm4b:s7+s9], $0x80, v3, vm0, $0xb8;
	[tilespmem:$0x18500] =	vst v63  }
0x1d8: {  	s26 =	simm.s32 $0x7500  }
0x1d9: {  	[tilespmem:s26], [sflag:$0x2] =	stream.indirect_vreg.gather [hbm4b:s8+s9], $0x80, v3, vm0, $0xb8;
	[tilespmem:$0x18500] =	vst v63  }
0x1da: {  	s30 =	simm.s32 $0x7D00  }
0x1db: {  	[tilespmem:s30], [sflag:$0x2] =	stream.indirect_vreg.gather [hbm4b:s11+s9], $0x80, v3, vm0, $0xb8;
	[tilespmem:$0x18500] =	vst v63  }
0x1dc: {  	v3 =	vld [tilespmem:$0x400];
	_ =	sdelay $0x4  }
0x1dd: {  	v4 =	vshll.u32 v3, $0x3  }
0x1de: {  	v3 =	vand.u32 $0x7, v3;
	v4 =	vand.u32 $0xFFFFFFC0, v4  }
0x1df: {  	v3 =	vor.u32 v3, v4  }
0x1e0: {  	v4 =	vperm.xlane v3, v0;
	_ =	sdelay $0x1  }
0x1e1: {  	v4 =	vadd.s32 v1, v4;
	_ =	sdelay $0x3  }
0x1e2: {  	s26 =	simm.s32 $0x10500  }
0x1e3: {  	[tilespmem:s26], [sflag:$0x5] =	stream.indirect_vreg.gather [hbm4b:s3+s9], $0x80, v4, vm0, $0xb8;
	[tilespmem:$0x18500] =	vst v63  }
0x1e4: {  	s30 =	simm.s32 $0x10D00;
	v3 =	vperm.xlane v3, v2  }
0x1e5: {  	[tilespmem:s30], [sflag:$0x5] =	stream.indirect_vreg.gather [hbm4b:s7+s9], $0x80, v4, vm0, $0xb8;
	[tilespmem:$0x18500] =	vst v63  }
0x1e6: {  	v3 =	vadd.s32 v1, v3;
	s26 =	simm.s32 $0x11500  }
0x1e7: {  	[tilespmem:s26], [sflag:$0x5] =	stream.indirect_vreg.gather [hbm4b:s8+s9], $0x80, v4, vm0, $0xb8;
	[tilespmem:$0x18500] =	vst v63  }
0x1e8: {  	s30 =	simm.s32 $0x11D00  }
0x1e9: {  	[tilespmem:s30], [sflag:$0x5] =	stream.indirect_vreg.gather [hbm4b:s11+s9], $0x80, v4, vm0, $0xb8;
	[tilespmem:$0x18500] =	vst v63  }
0x1ea: {  	_ = 	snop  }
0x1eb: {  	[tilespmem:s31], [sflag:$0x5] =	stream.indirect_vreg.gather [hbm4b:s3+s9], $0x80, v3, vm0, $0xb8;
	[tilespmem:$0x18500] =	vst v63  }
0x1ec: {  	_ = 	snop  }
0x1ed: {  	[tilespmem:s1], [sflag:$0x5] =	stream.indirect_vreg.gather [hbm4b:s7+s9], $0x80, v3, vm0, $0xb8;
	[tilespmem:$0x18500] =	vst v63  }
0x1ee: {  	_ = 	snop  }
0x1ef: {  	[tilespmem:s0], [sflag:$0x5] =	stream.indirect_vreg.gather [hbm4b:s8+s9], $0x80, v3, vm0, $0xb8;
	[tilespmem:$0x18500] =	vst v63  }
0x1f0: {  	_ = 	snop  }
0x1f1: {  	[tilespmem:s21], [sflag:$0x5] =	stream.indirect_vreg.gather [hbm4b:s11+s9], $0x80, v3, vm0, $0xb8;
	[tilespmem:$0x18500] =	vst v63  }
0x1f2: {  	_ =	swait.ge [sflag:s4], $0x4000  }
0x1f3: {  	s26 =	simm.s32 $0x0;
	[sflag:s4] =	ssyncset.done $0x0  }
0x1f4: {  	s25 =	sand.u32 $0x2000, s26;
	[sflag:s4] =	ssyncadd.s32 $0xFFFFC000  }
0x1f5: {  	s26 =	simm.s32 $0x0;
	s9 =	sand.u32 $0x1C00, s9;
	_ =	swait.ge [sflag:s5], $0x4000  }
0x1f6: {  	s30 =	sand.u32 $0x380, s26;
	s9 =	sor.u32 s9, s25;
	[sflag:s5] =	ssyncset.done $0x0  }
0x1f7: {  	s9 =	sor.u32 s30, s9;
	[sflag:s5] =	ssyncadd.s32 $0xFFFFC000  }
0x1f8: {  	v3 =	vld [tilespmem:s9+$0xC510]  }
0x1f9: {  	s26 =	simm.s32 $0x0;
	v5 =	vld [tilespmem:s9+$0xC520]  }
0x1fa: {  	s25 =	sor.u32 $0x30, s26;
	v6 =	vld [tilespmem:s9+$0xC530]  }
0x1fb: {  	v4 =	vmov s25;
	v8 =	vld [tilespmem:s9+$0xC540]  }
0x1fc: {  	v9 =	vld [tilespmem:s9+$0xC550]  }
0x1fd: {  	v11 =	vld [tilespmem:s9+$0xC560]  }
0x1fe: {  	v10 =	vld [tilespmem:s9+$0x530]  }
0x1ff: {  	v7 =	vld [tilespmem:s9+$0x510]  }
0x200: {  	v13 =	vld.idx.msk [tilespmem:v4+s22+$0x0], $0xffff  }
0x201: {  	v12 =	vld [tilespmem:s9+$0x520]  }
0x202: {  	v4 =	vld.idx.msk [tilespmem:v4+s23+$0x0], $0xffff  }
0x203: {  	v15 =	vld [tilespmem:s9+$0xC570]  }
0x204: {  	v14 =	vld [tilespmem:s9+$0x540]  }
0x205: {  	v57 =	vld [tilespmem:s9+$0x550]  }
0x206: {  	v58 =	vld [tilespmem:s9+$0x560];
	v12 =	vmul.f32 v12, v13  }
0x207: {  	s26 =	simm.s32 $0x400;
	s30 =	simm.s32 $0x80;
	v59 =	vld [tilespmem:s9+$0x570];
	v5 =	vmul.f32 v5, v4;
	v61 =	vmul.f32 v7, v13  }
0x208: {  	s29 =	simm.s32 $0x10;
	s28 =	sand.u32 $0x1C00, s26;
	s25 =	sand.u32 $0x2000, s30;
	v60 =	vld [tilespmem:s9+$0x500];
	v21 =	vmul.f32 v3, v4;
	v10 =	vmul.f32 v10, v13  }
0x209: {  	s25 =	sor.u32 s28, s25;
	s28 =	sand.u32 $0x380, s29;
	v7 =	vld [tilespmem:s9+$0xC500];
	v6 =	vmul.f32 v6, v4;
	v62 =	vmul.f32 v8, v4;
	v5 =	vadd.f32 v5, v12  }
0x20a: {  	s25 =	sor.u32 s28, s25;
	v16 =	vmul.f32 v57, v13;
	v12 =	vmul.f32 v14, v13;
	v14 =	vadd.f32 v21, v61  }
0x20b: {  	v3 =	vld [tilespmem:s25+$0xC510];
	v22 =	vmul.f32 v9, v4;
	v8 =	vmul.f32 v58, v13;
	v63 =	vadd.f32 v6, v10;
	[tilespmem:s9+$0x520] =	vst v5  }
0x20c: {  	s28 =	simm.s32 $0x0;
	v9 =	vmul.f32 v59, v13;
	v10 =	vadd.f32 v62, v12;
	v12 =	vmul.f32 v11, v4;
	v5 =	vld [tilespmem:s25+$0xC520];
	[tilespmem:s9+$0x510] =	vst v14  }
0x20d: {  	s29 =	sor.u32 $0x30, s28;
	s28 =	simm.s32 $0x2;
	v11 =	vmul.f32 v60, v13;
	v13 =	vmul.f32 v15, v4;
	v14 =	vadd.f32 v22, v16;
	v6 =	vld [tilespmem:s25+$0xC530];
	[tilespmem:s9+$0x530] =	vst v63  }
.LBB2_8:
0x20e: {  	p0 =	sne.s32 s28, $0x7F;
	v15 =	vmov s29;
	v16 =	vld [tilespmem:s25+$0xC540];
	v4 =	vmul.f32 v7, v4;
	[tilespmem:s9+$0x540] =	vst v10;
	v7 =	vadd.f32 v12, v8  }
0x20f: {  	v8 =	vld [tilespmem:s25+$0xC550];
	[tilespmem:s9+$0x550] =	vst v14;
	v9 =	vadd.f32 v13, v9  }
0x210: {  	v12 =	vld [tilespmem:s25+$0xC560];
	v4 =	vadd.f32 v4, v11;
	[tilespmem:s9+$0x560] =	vst v7  }
0x211: {  	v7 =	vld [tilespmem:s25+$0x530];
	[tilespmem:s9+$0x570] =	vst v9  }
0x212: {  	v9 =	vld [tilespmem:s25+$0x510];
	[tilespmem:s9+$0x500] =	vst v4;
	s9 =	smov.u32 s25  }
0x213: {  	v11 =	vld.idx.msk [tilespmem:v15+s22+$0x0], $0xffff  }
0x214: {  	v4 =	vld.idx.msk [tilespmem:v15+s23+$0x0], $0xffff  }
0x215: {  	v10 =	vld [tilespmem:s9+$0x520]  }
0x216: {  	v13 =	vld [tilespmem:s9+$0xC570]  }
0x217: {  	v14 =	vld [tilespmem:s9+$0x540]  }
0x218: {  	v15 =	vld [tilespmem:s9+$0x550]  }
0x219: {  	v9 =	vmul.f32 v9, v11;
	v17 =	vmul.f32 v7, v11;
	v18 =	vld [tilespmem:s9+$0x560]  }
0x21a: {  	s26 =	sadd.s32 $0x400, s26;
	s25 =	sshll.u32 s28, $0x7;
	v5 =	vmul.f32 v5, v4;
	v10 =	vmul.f32 v10, v11;
	v19 =	vld [tilespmem:s9+$0x570]  }
0x21b: {  	s30 =	sshll.u32 s28, $0x4;
	s29 =	sand.u32 $0x1C00, s26;
	s25 =	sand.u32 $0x2000, s25;
	v3 =	vmul.f32 v3, v4;
	v6 =	vmul.f32 v6, v4;
	v20 =	vld [tilespmem:s9+$0x500]  }
.Ltmp3:
0x21c: {  	s25 =	sor.u32 s29, s25;
	s29 =	sand.u32 $0x380, s30;
	v7 =	vld [tilespmem:s9+$0xC500];
	v5 =	vadd.f32 v5, v10;
	v10 =	vmul.f32 v14, v11;
	v14 =	vmul.f32 v16, v4;
	(pc) =	sbr.rel @p0 .LBB2_8-.Ltmp3, $4  }
0x21d: {  	s25 =	sor.u32 s29, s25;
	v9 =	vadd.f32 v3, v9;
	v16 =	vadd.f32 v6, v17;
	v15 =	vmul.f32 v15, v11  }
0x21e: {  	v3 =	vld [tilespmem:s25+$0xC510];
	[tilespmem:s9+$0x520] =	vst v5;
	v10 =	vadd.f32 v14, v10;
	v14 =	vmul.f32 v8, v4;
	v8 =	vmul.f32 v18, v11  }
0x21f: {  	s29 =	sshrl.u32 s28, $0x3;
	v12 =	vmul.f32 v12, v4;
	v5 =	vld [tilespmem:s25+$0xC520];
	[tilespmem:s9+$0x510] =	vst v9;
	v9 =	vmul.f32 v19, v11  }
0x220: {  	s28 =	sadd.s32 $0x1, s28;
	s29 =	sor.u32 $0x30, s29;
	v13 =	vmul.f32 v13, v4;
	v6 =	vld [tilespmem:s25+$0xC530];
	v11 =	vmul.f32 v20, v11;
	[tilespmem:s9+$0x530] =	vst v16;
	v14 =	vadd.f32 v14, v15  }
0x221: {  	v15 =	vld [tilespmem:s25+$0xC540];
	[tilespmem:s9+$0x540] =	vst v10;
	v8 =	vadd.f32 v12, v8;
	v12 =	vmov s29;
	v4 =	vmul.f32 v7, v4  }
0x222: {  	v10 =	vld [tilespmem:s25+$0xC550];
	[tilespmem:s9+$0x550] =	vst v14;
	v9 =	vadd.f32 v13, v9  }
0x223: {  	v7 =	vld [tilespmem:s25+$0xC560];
	[tilespmem:s9+$0x560] =	vst v8;
	v4 =	vadd.f32 v4, v11  }
0x224: {  	v8 =	vld [tilespmem:s25+$0x530];
	[tilespmem:s9+$0x570] =	vst v9  }
0x225: {  	v9 =	vld [tilespmem:s25+$0x510];
	[tilespmem:s9+$0x500] =	vst v4  }
0x226: {  	v4 =	vld.idx.msk [tilespmem:v12+s22+$0x0], $0xffff  }
0x227: {  	v11 =	vld.idx.msk [tilespmem:v12+s23+$0x0], $0xffff  }
0x228: {  	v12 =	vld [tilespmem:s25+$0x520]  }
0x229: {  	v14 =	vld [tilespmem:s25+$0x540]  }
0x22a: {  	v16 =	vld [tilespmem:s25+$0x550]  }
0x22b: {  	v17 =	vld [tilespmem:s25+$0x560]  }
0x22c: {  	v18 =	vld [tilespmem:s25+$0x570]  }
0x22d: {  	v13 =	vld [tilespmem:s25+$0xC570];
	v12 =	vmul.f32 v12, v4;
	v5 =	vmul.f32 v5, v11  }
0x22e: {  	v19 =	vld [tilespmem:s25+$0x500];
	v9 =	vmul.f32 v9, v4;
	v3 =	vmul.f32 v3, v11  }
0x22f: {  	v20 =	vld [tilespmem:s25+$0xC500];
	v8 =	vmul.f32 v8, v4;
	v6 =	vmul.f32 v6, v11;
	v5 =	vadd.f32 v5, v12  }
0x230: {  	v12 =	vmul.f32 v14, v4;
	v14 =	vmul.f32 v15, v11;
	v3 =	vadd.f32 v3, v9  }
0x231: {  	v6 =	vadd.f32 v6, v8;
	v8 =	vmul.f32 v16, v4;
	[tilespmem:s25+$0x520] =	vst v5;
	v5 =	vmul.f32 v10, v11  }
0x232: {  	v9 =	vadd.f32 v14, v12;
	v10 =	vmul.f32 v17, v4;
	[tilespmem:s25+$0x510] =	vst v3;
	v3 =	vmul.f32 v7, v11  }
0x233: {  	v7 =	vmul.f32 v18, v4;
	[tilespmem:s25+$0x530] =	vst v6;
	v6 =	vmul.f32 v13, v11;
	v5 =	vadd.f32 v5, v8  }
0x234: {  	v4 =	vmul.f32 v19, v4;
	v8 =	vmul.f32 v20, v11;
	[tilespmem:s25+$0x540] =	vst v9;
	v3 =	vadd.f32 v3, v10  }
0x235: {  	[tilespmem:s25+$0x550] =	vst v5;
	v5 =	vadd.f32 v6, v7  }
0x236: {  	v4 =	vadd.f32 v8, v4;
	[tilespmem:s25+$0x560] =	vst v3  }
0x237: {  	[tilespmem:s25+$0x570] =	vst v5  }
0x238: {  	s26 =	rddreg [dreg:$0xa];
	s9 =	simm.s32 $0x0;
	[tilespmem:s25+$0x500] =	vst v4  }
0x239: {  	[hbm4b:s26+s9] =	stream.linear.scatter [tilespmem:s24], [sflag:$0x7], $0x4000, $0x38;
	[tilespmem:$0x18500] =	vst v63  }
0x23a: {  	_ =	swait.ge [sflag:s18], $0x4000  }
0x23b: {  	[sflag:s18] =	ssyncset.done $0x0  }
0x23c: {  	[sflag:s18] =	ssyncadd.s32 $0xFFFFC000  }
0x23d: {  	v3 =	vld [tilespmem:$0x50];
	_ =	sdelay $0x4  }
0x23e: {  	[tilespmem:$0x300] =	vst v3  }
0x23f: {  	v3 =	vld [tilespmem:$0x300];
	_ =	sdelay $0x4  }
0x240: {  	v4 =	vshll.u32 v3, $0x3  }
0x241: {  	v3 =	vand.u32 $0x7, v3;
	v4 =	vand.u32 $0xFFFFFFC0, v4  }
0x242: {  	v3 =	vor.u32 v3, v4  }
0x243: {  	v4 =	vperm.xlane v3, v0  }
0x244: {  	v5 =	vld [tilespmem:$0xD0]  }
0x245: {  	v4 =	vadd.s32 v1, v4;
	_ =	sdelay $0x3  }
0x246: {  	[tilespmem:$0x480] =	vst v5  }
0x247: {  	[tilespmem:s6], [sflag:$0x3] =	stream.indirect_vreg.gather [hbm4b:s3+s9], $0x80, v4, vm0, $0xb8;
	[tilespmem:$0x18500] =	vst v63  }
0x248: {  	s30 =	simm.s32 $0x8D00;
	v3 =	vperm.xlane v3, v2  }
0x249: {  	[tilespmem:s30], [sflag:$0x3] =	stream.indirect_vreg.gather [hbm4b:s7+s9], $0x80, v4, vm0, $0xb8;
	[tilespmem:$0x18500] =	vst v63  }
0x24a: {  	s26 =	simm.s32 $0x9500;
	v3 =	vadd.s32 v1, v3  }
0x24b: {  	[tilespmem:s26], [sflag:$0x3] =	stream.indirect_vreg.gather [hbm4b:s8+s9], $0x80, v4, vm0, $0xb8;
	[tilespmem:$0x18500] =	vst v63  }
0x24c: {  	s30 =	simm.s32 $0x9D00  }
0x24d: {  	[tilespmem:s30], [sflag:$0x3] =	stream.indirect_vreg.gather [hbm4b:s11+s9], $0x80, v4, vm0, $0xb8;
	[tilespmem:$0x18500] =	vst v63  }
0x24e: {  	s26 =	simm.s32 $0xA500  }
0x24f: {  	[tilespmem:s26], [sflag:$0x3] =	stream.indirect_vreg.gather [hbm4b:s3+s9], $0x80, v3, vm0, $0xb8;
	[tilespmem:$0x18500] =	vst v63  }
0x250: {  	s30 =	simm.s32 $0xAD00  }
0x251: {  	[tilespmem:s30], [sflag:$0x3] =	stream.indirect_vreg.gather [hbm4b:s7+s9], $0x80, v3, vm0, $0xb8;
	[tilespmem:$0x18500] =	vst v63  }
0x252: {  	s26 =	simm.s32 $0xB500  }
0x253: {  	[tilespmem:s26], [sflag:$0x3] =	stream.indirect_vreg.gather [hbm4b:s8+s9], $0x80, v3, vm0, $0xb8;
	[tilespmem:$0x18500] =	vst v63  }
0x254: {  	s30 =	simm.s32 $0xBD00  }
0x255: {  	[tilespmem:s30], [sflag:$0x3] =	stream.indirect_vreg.gather [hbm4b:s11+s9], $0x80, v3, vm0, $0xb8;
	[tilespmem:$0x18500] =	vst v63  }
0x256: {  	v3 =	vld [tilespmem:$0x480];
	_ =	sdelay $0x4  }
0x257: {  	v4 =	vshll.u32 v3, $0x3  }
0x258: {  	v3 =	vand.u32 $0x7, v3;
	v4 =	vand.u32 $0xFFFFFFC0, v4  }
0x259: {  	v3 =	vor.u32 v3, v4  }
0x25a: {  	v4 =	vperm.xlane v3, v0;
	_ =	sdelay $0x1  }
0x25b: {  	v4 =	vadd.s32 v1, v4;
	_ =	sdelay $0x3  }
0x25c: {  	s26 =	simm.s32 $0x14500  }
0x25d: {  	[tilespmem:s26], [sflag:$0x6] =	stream.indirect_vreg.gather [hbm4b:s3+s9], $0x80, v4, vm0, $0xb8;
	[tilespmem:$0x18500] =	vst v63  }
0x25e: {  	s30 =	simm.s32 $0x14D00;
	v3 =	vperm.xlane v3, v2  }
0x25f: {  	[tilespmem:s30], [sflag:$0x6] =	stream.indirect_vreg.gather [hbm4b:s7+s9], $0x80, v4, vm0, $0xb8;
	[tilespmem:$0x18500] =	vst v63  }
0x260: {  	v3 =	vadd.s32 v1, v3;
	s26 =	simm.s32 $0x15500  }
0x261: {  	[tilespmem:s26], [sflag:$0x6] =	stream.indirect_vreg.gather [hbm4b:s8+s9], $0x80, v4, vm0, $0xb8;
	[tilespmem:$0x18500] =	vst v63  }
0x262: {  	s30 =	simm.s32 $0x15D00  }
0x263: {  	[tilespmem:s30], [sflag:$0x6] =	stream.indirect_vreg.gather [hbm4b:s11+s9], $0x80, v4, vm0, $0xb8;
	[tilespmem:$0x18500] =	vst v63  }
0x264: {  	s26 =	simm.s32 $0x16500  }
0x265: {  	[tilespmem:s26], [sflag:$0x6] =	stream.indirect_vreg.gather [hbm4b:s3+s9], $0x80, v3, vm0, $0xb8;
	[tilespmem:$0x18500] =	vst v63  }
0x266: {  	s30 =	simm.s32 $0x16D00  }
0x267: {  	[tilespmem:s30], [sflag:$0x6] =	stream.indirect_vreg.gather [hbm4b:s7+s9], $0x80, v3, vm0, $0xb8;
	[tilespmem:$0x18500] =	vst v63  }
0x268: {  	s26 =	simm.s32 $0x17500  }
0x269: {  	[tilespmem:s26], [sflag:$0x6] =	stream.indirect_vreg.gather [hbm4b:s8+s9], $0x80, v3, vm0, $0xb8;
	[tilespmem:$0x18500] =	vst v63  }
0x26a: {  	s30 =	simm.s32 $0x17D00  }
0x26b: {  	[tilespmem:s30], [sflag:$0x6] =	stream.indirect_vreg.gather [hbm4b:s11+s9], $0x80, v3, vm0, $0xb8;
	[tilespmem:$0x18500] =	vst v63  }
0x26c: {  	_ =	swait.ge [sflag:s10], $0x4000  }
0x26d: {  	s26 =	simm.s32 $0x0;
	[sflag:s10] =	ssyncset.done $0x0  }
0x26e: {  	s25 =	sand.u32 $0x2000, s26;
	[sflag:s10] =	ssyncadd.s32 $0xFFFFC000  }
0x26f: {  	s26 =	simm.s32 $0x0;
	s9 =	sand.u32 $0x1C00, s9;
	_ =	swait.ge [sflag:s12], $0x4000  }
0x270: {  	s30 =	sand.u32 $0x380, s26;
	s9 =	sor.u32 s9, s25;
	[sflag:s12] =	ssyncset.done $0x0  }
0x271: {  	s9 =	sor.u32 s30, s9;
	[sflag:s12] =	ssyncadd.s32 $0xFFFFC000  }
0x272: {  	v3 =	vld [tilespmem:s9+$0x10510]  }
0x273: {  	s26 =	simm.s32 $0x0;
	v5 =	vld [tilespmem:s9+$0x10520]  }
0x274: {  	s25 =	sor.u32 $0x40, s26;
	v6 =	vld [tilespmem:s9+$0x10530]  }
0x275: {  	v4 =	vmov s25;
	v8 =	vld [tilespmem:s9+$0x10540]  }
0x276: {  	v9 =	vld [tilespmem:s9+$0x10550]  }
0x277: {  	v11 =	vld [tilespmem:s9+$0x10560]  }
0x278: {  	v10 =	vld [tilespmem:s9+$0x4530]  }
0x279: {  	v7 =	vld [tilespmem:s9+$0x4510]  }
0x27a: {  	v13 =	vld.idx.msk [tilespmem:v4+s22+$0x0], $0xffff  }
0x27b: {  	v12 =	vld [tilespmem:s9+$0x4520]  }
0x27c: {  	v4 =	vld.idx.msk [tilespmem:v4+s23+$0x0], $0xffff  }
0x27d: {  	v15 =	vld [tilespmem:s9+$0x10570]  }
0x27e: {  	v14 =	vld [tilespmem:s9+$0x4540]  }
0x27f: {  	v57 =	vld [tilespmem:s9+$0x4550]  }
0x280: {  	v58 =	vld [tilespmem:s9+$0x4560];
	v12 =	vmul.f32 v12, v13  }
0x281: {  	s26 =	simm.s32 $0x400;
	s30 =	simm.s32 $0x80;
	v59 =	vld [tilespmem:s9+$0x4570];
	v5 =	vmul.f32 v5, v4;
	v61 =	vmul.f32 v7, v13  }
0x282: {  	s29 =	simm.s32 $0x10;
	s28 =	sand.u32 $0x1C00, s26;
	s25 =	sand.u32 $0x2000, s30;
	v60 =	vld [tilespmem:s9+$0x4500];
	v21 =	vmul.f32 v3, v4;
	v10 =	vmul.f32 v10, v13  }
0x283: {  	s25 =	sor.u32 s28, s25;
	s28 =	sand.u32 $0x380, s29;
	v7 =	vld [tilespmem:s9+$0x10500];
	v6 =	vmul.f32 v6, v4;
	v62 =	vmul.f32 v8, v4;
	v5 =	vadd.f32 v5, v12  }
0x284: {  	s25 =	sor.u32 s28, s25;
	v16 =	vmul.f32 v57, v13;
	v12 =	vmul.f32 v14, v13;
	v14 =	vadd.f32 v21, v61  }
0x285: {  	v3 =	vld [tilespmem:s25+$0x10510];
	v22 =	vmul.f32 v9, v4;
	v8 =	vmul.f32 v58, v13;
	v63 =	vadd.f32 v6, v10;
	[tilespmem:s9+$0x4520] =	vst v5  }
0x286: {  	s28 =	simm.s32 $0x0;
	v9 =	vmul.f32 v59, v13;
	v10 =	vadd.f32 v62, v12;
	v12 =	vmul.f32 v11, v4;
	v5 =	vld [tilespmem:s25+$0x10520];
	[tilespmem:s9+$0x4510] =	vst v14  }
0x287: {  	s29 =	sor.u32 $0x40, s28;
	s28 =	simm.s32 $0x2;
	v11 =	vmul.f32 v60, v13;
	v13 =	vmul.f32 v15, v4;
	v14 =	vadd.f32 v22, v16;
	v6 =	vld [tilespmem:s25+$0x10530];
	[tilespmem:s9+$0x4530] =	vst v63  }
.LBB2_10:
0x288: {  	p0 =	sne.s32 s28, $0x7F;
	v15 =	vmov s29;
	v16 =	vld [tilespmem:s25+$0x10540];
	v4 =	vmul.f32 v7, v4;
	[tilespmem:s9+$0x4540] =	vst v10;
	v7 =	vadd.f32 v12, v8  }
0x289: {  	v8 =	vld [tilespmem:s25+$0x10550];
	[tilespmem:s9+$0x4550] =	vst v14;
	v9 =	vadd.f32 v13, v9  }
0x28a: {  	v12 =	vld [tilespmem:s25+$0x10560];
	v4 =	vadd.f32 v4, v11;
	[tilespmem:s9+$0x4560] =	vst v7  }
0x28b: {  	v7 =	vld [tilespmem:s25+$0x4530];
	[tilespmem:s9+$0x4570] =	vst v9  }
0x28c: {  	v9 =	vld [tilespmem:s25+$0x4510];
	[tilespmem:s9+$0x4500] =	vst v4;
	s9 =	smov.u32 s25  }
0x28d: {  	v11 =	vld.idx.msk [tilespmem:v15+s22+$0x0], $0xffff  }
0x28e: {  	v4 =	vld.idx.msk [tilespmem:v15+s23+$0x0], $0xffff  }
0x28f: {  	v10 =	vld [tilespmem:s9+$0x4520]  }
0x290: {  	v13 =	vld [tilespmem:s9+$0x10570]  }
0x291: {  	v14 =	vld [tilespmem:s9+$0x4540]  }
0x292: {  	v15 =	vld [tilespmem:s9+$0x4550]  }
0x293: {  	v9 =	vmul.f32 v9, v11;
	v17 =	vmul.f32 v7, v11;
	v18 =	vld [tilespmem:s9+$0x4560]  }
0x294: {  	s26 =	sadd.s32 $0x400, s26;
	s25 =	sshll.u32 s28, $0x7;
	v5 =	vmul.f32 v5, v4;
	v10 =	vmul.f32 v10, v11;
	v19 =	vld [tilespmem:s9+$0x4570]  }
0x295: {  	s30 =	sshll.u32 s28, $0x4;
	s29 =	sand.u32 $0x1C00, s26;
	s25 =	sand.u32 $0x2000, s25;
	v3 =	vmul.f32 v3, v4;
	v6 =	vmul.f32 v6, v4;
	v20 =	vld [tilespmem:s9+$0x4500]  }
.Ltmp4:
0x296: {  	s25 =	sor.u32 s29, s25;
	s29 =	sand.u32 $0x380, s30;
	v7 =	vld [tilespmem:s9+$0x10500];
	v5 =	vadd.f32 v5, v10;
	v10 =	vmul.f32 v14, v11;
	v14 =	vmul.f32 v16, v4;
	(pc) =	sbr.rel @p0 .LBB2_10-.Ltmp4, $4  }
0x297: {  	s25 =	sor.u32 s29, s25;
	v9 =	vadd.f32 v3, v9;
	v16 =	vadd.f32 v6, v17;
	v15 =	vmul.f32 v15, v11  }
0x298: {  	v3 =	vld [tilespmem:s25+$0x10510];
	[tilespmem:s9+$0x4520] =	vst v5;
	v10 =	vadd.f32 v14, v10;
	v14 =	vmul.f32 v8, v4;
	v8 =	vmul.f32 v18, v11  }
0x299: {  	s29 =	sshrl.u32 s28, $0x3;
	v12 =	vmul.f32 v12, v4;
	v5 =	vld [tilespmem:s25+$0x10520];
	[tilespmem:s9+$0x4510] =	vst v9;
	v9 =	vmul.f32 v19, v11  }
0x29a: {  	s28 =	sadd.s32 $0x1, s28;
	s29 =	sor.u32 $0x40, s29;
	v13 =	vmul.f32 v13, v4;
	v6 =	vld [tilespmem:s25+$0x10530];
	v11 =	vmul.f32 v20, v11;
	[tilespmem:s9+$0x4530] =	vst v16;
	v14 =	vadd.f32 v14, v15  }
0x29b: {  	v15 =	vld [tilespmem:s25+$0x10540];
	[tilespmem:s9+$0x4540] =	vst v10;
	v8 =	vadd.f32 v12, v8;
	v12 =	vmov s29;
	v4 =	vmul.f32 v7, v4  }
0x29c: {  	v10 =	vld [tilespmem:s25+$0x10550];
	[tilespmem:s9+$0x4550] =	vst v14;
	v9 =	vadd.f32 v13, v9  }
0x29d: {  	v7 =	vld [tilespmem:s25+$0x10560];
	[tilespmem:s9+$0x4560] =	vst v8;
	v4 =	vadd.f32 v4, v11  }
0x29e: {  	v8 =	vld [tilespmem:s25+$0x4530];
	[tilespmem:s9+$0x4570] =	vst v9  }
0x29f: {  	v9 =	vld [tilespmem:s25+$0x4510];
	[tilespmem:s9+$0x4500] =	vst v4  }
0x2a0: {  	v4 =	vld.idx.msk [tilespmem:v12+s22+$0x0], $0xffff  }
0x2a1: {  	v11 =	vld.idx.msk [tilespmem:v12+s23+$0x0], $0xffff  }
0x2a2: {  	v12 =	vld [tilespmem:s25+$0x4520]  }
0x2a3: {  	v14 =	vld [tilespmem:s25+$0x4540]  }
0x2a4: {  	v16 =	vld [tilespmem:s25+$0x4550]  }
0x2a5: {  	v17 =	vld [tilespmem:s25+$0x4560]  }
0x2a6: {  	v18 =	vld [tilespmem:s25+$0x4570]  }
0x2a7: {  	v13 =	vld [tilespmem:s25+$0x10570];
	v12 =	vmul.f32 v12, v4;
	v5 =	vmul.f32 v5, v11  }
0x2a8: {  	v19 =	vld [tilespmem:s25+$0x4500];
	v9 =	vmul.f32 v9, v4;
	v3 =	vmul.f32 v3, v11  }
0x2a9: {  	v20 =	vld [tilespmem:s25+$0x10500];
	v8 =	vmul.f32 v8, v4;
	v6 =	vmul.f32 v6, v11;
	v5 =	vadd.f32 v5, v12  }
0x2aa: {  	v12 =	vmul.f32 v14, v4;
	v14 =	vmul.f32 v15, v11;
	v3 =	vadd.f32 v3, v9  }
0x2ab: {  	v6 =	vadd.f32 v6, v8;
	v8 =	vmul.f32 v16, v4;
	[tilespmem:s25+$0x4520] =	vst v5;
	v5 =	vmul.f32 v10, v11  }
0x2ac: {  	v9 =	vadd.f32 v14, v12;
	v10 =	vmul.f32 v17, v4;
	[tilespmem:s25+$0x4510] =	vst v3;
	v3 =	vmul.f32 v7, v11  }
0x2ad: {  	v7 =	vmul.f32 v18, v4;
	[tilespmem:s25+$0x4530] =	vst v6;
	v6 =	vmul.f32 v13, v11;
	v5 =	vadd.f32 v5, v8  }
0x2ae: {  	v4 =	vmul.f32 v19, v4;
	v8 =	vmul.f32 v20, v11;
	[tilespmem:s25+$0x4540] =	vst v9;
	v3 =	vadd.f32 v3, v10  }
0x2af: {  	[tilespmem:s25+$0x4550] =	vst v5;
	v5 =	vadd.f32 v6, v7  }
0x2b0: {  	v4 =	vadd.f32 v8, v4;
	[tilespmem:s25+$0x4560] =	vst v3  }
0x2b1: {  	[tilespmem:s25+$0x4570] =	vst v5  }
0x2b2: {  	s26 =	rddreg [dreg:$0xb];
	s9 =	simm.s32 $0x0;
	[tilespmem:s25+$0x4500] =	vst v4  }
0x2b3: {  	[hbm4b:s26+s9] =	stream.linear.scatter [tilespmem:s14], [sflag:$0x8], $0x4000, $0x38;
	[tilespmem:$0x18500] =	vst v63  }
0x2b4: {  	_ =	swait.ge [sflag:s13], $0x4000  }
0x2b5: {  	[sflag:s13] =	ssyncset.done $0x0  }
0x2b6: {  	[sflag:s13] =	ssyncadd.s32 $0xFFFFC000  }
0x2b7: {  	v3 =	vld [tilespmem:$0x60];
	_ =	sdelay $0x4  }
0x2b8: {  	[tilespmem:$0x200] =	vst v3  }
0x2b9: {  	v3 =	vld [tilespmem:$0x200];
	_ =	sdelay $0x4  }
0x2ba: {  	v4 =	vshll.u32 v3, $0x3  }
0x2bb: {  	v3 =	vand.u32 $0x7, v3;
	v4 =	vand.u32 $0xFFFFFFC0, v4  }
0x2bc: {  	v3 =	vor.u32 v3, v4  }
0x2bd: {  	v4 =	vperm.xlane v3, v0  }
0x2be: {  	v5 =	vld [tilespmem:$0xE0]  }
0x2bf: {  	v4 =	vadd.s32 v1, v4;
	_ =	sdelay $0x3  }
0x2c0: {  	[tilespmem:$0x380] =	vst v5  }
0x2c1: {  	[tilespmem:s24], [sflag:$0x1] =	stream.indirect_vreg.gather [hbm4b:s3+s9], $0x80, v4, vm0, $0xb8;
	[tilespmem:$0x18500] =	vst v63  }
0x2c2: {  	s30 =	simm.s32 $0xD00;
	v3 =	vperm.xlane v3, v2  }
0x2c3: {  	[tilespmem:s30], [sflag:$0x1] =	stream.indirect_vreg.gather [hbm4b:s7+s9], $0x80, v4, vm0, $0xb8;
	[tilespmem:$0x18500] =	vst v63  }
0x2c4: {  	s26 =	simm.s32 $0x1500;
	v3 =	vadd.s32 v1, v3  }
0x2c5: {  	[tilespmem:s26], [sflag:$0x1] =	stream.indirect_vreg.gather [hbm4b:s8+s9], $0x80, v4, vm0, $0xb8;
	[tilespmem:$0x18500] =	vst v63  }
0x2c6: {  	s30 =	simm.s32 $0x1D00  }
0x2c7: {  	[tilespmem:s30], [sflag:$0x1] =	stream.indirect_vreg.gather [hbm4b:s11+s9], $0x80, v4, vm0, $0xb8;
	[tilespmem:$0x18500] =	vst v63  }
0x2c8: {  	s26 =	simm.s32 $0x2500  }
0x2c9: {  	[tilespmem:s26], [sflag:$0x1] =	stream.indirect_vreg.gather [hbm4b:s3+s9], $0x80, v3, vm0, $0xb8;
	[tilespmem:$0x18500] =	vst v63  }
0x2ca: {  	s30 =	simm.s32 $0x2D00  }
0x2cb: {  	[tilespmem:s30], [sflag:$0x1] =	stream.indirect_vreg.gather [hbm4b:s7+s9], $0x80, v3, vm0, $0xb8;
	[tilespmem:$0x18500] =	vst v63  }
0x2cc: {  	s26 =	simm.s32 $0x3500  }
0x2cd: {  	[tilespmem:s26], [sflag:$0x1] =	stream.indirect_vreg.gather [hbm4b:s8+s9], $0x80, v3, vm0, $0xb8;
	[tilespmem:$0x18500] =	vst v63  }
0x2ce: {  	s30 =	simm.s32 $0x3D00  }
0x2cf: {  	[tilespmem:s30], [sflag:$0x1] =	stream.indirect_vreg.gather [hbm4b:s11+s9], $0x80, v3, vm0, $0xb8;
	[tilespmem:$0x18500] =	vst v63  }
0x2d0: {  	v3 =	vld [tilespmem:$0x380];
	_ =	sdelay $0x4  }
0x2d1: {  	v4 =	vshll.u32 v3, $0x3  }
0x2d2: {  	v3 =	vand.u32 $0x7, v3;
	v4 =	vand.u32 $0xFFFFFFC0, v4  }
0x2d3: {  	v3 =	vor.u32 v3, v4  }
0x2d4: {  	v4 =	vperm.xlane v3, v0;
	_ =	sdelay $0x1  }
0x2d5: {  	v4 =	vadd.s32 v1, v4;
	_ =	sdelay $0x3  }
0x2d6: {  	s26 =	simm.s32 $0xC500  }
0x2d7: {  	[tilespmem:s26], [sflag:$0x4] =	stream.indirect_vreg.gather [hbm4b:s3+s9], $0x80, v4, vm0, $0xb8;
	[tilespmem:$0x18500] =	vst v63  }
0x2d8: {  	s30 =	simm.s32 $0xCD00;
	v3 =	vperm.xlane v3, v2  }
0x2d9: {  	[tilespmem:s30], [sflag:$0x4] =	stream.indirect_vreg.gather [hbm4b:s7+s9], $0x80, v4, vm0, $0xb8;
	[tilespmem:$0x18500] =	vst v63  }
0x2da: {  	v3 =	vadd.s32 v1, v3;
	s26 =	simm.s32 $0xD500  }
0x2db: {  	[tilespmem:s26], [sflag:$0x4] =	stream.indirect_vreg.gather [hbm4b:s8+s9], $0x80, v4, vm0, $0xb8;
	[tilespmem:$0x18500] =	vst v63  }
0x2dc: {  	s30 =	simm.s32 $0xDD00  }
0x2dd: {  	[tilespmem:s30], [sflag:$0x4] =	stream.indirect_vreg.gather [hbm4b:s11+s9], $0x80, v4, vm0, $0xb8;
	[tilespmem:$0x18500] =	vst v63  }
0x2de: {  	s26 =	simm.s32 $0xE500  }
0x2df: {  	[tilespmem:s26], [sflag:$0x4] =	stream.indirect_vreg.gather [hbm4b:s3+s9], $0x80, v3, vm0, $0xb8;
	[tilespmem:$0x18500] =	vst v63  }
0x2e0: {  	s30 =	simm.s32 $0xED00  }
0x2e1: {  	[tilespmem:s30], [sflag:$0x4] =	stream.indirect_vreg.gather [hbm4b:s7+s9], $0x80, v3, vm0, $0xb8;
	[tilespmem:$0x18500] =	vst v63  }
0x2e2: {  	s26 =	simm.s32 $0xF500  }
0x2e3: {  	[tilespmem:s26], [sflag:$0x4] =	stream.indirect_vreg.gather [hbm4b:s8+s9], $0x80, v3, vm0, $0xb8;
	[tilespmem:$0x18500] =	vst v63  }
0x2e4: {  	s30 =	simm.s32 $0xFD00  }
0x2e5: {  	[tilespmem:s30], [sflag:$0x4] =	stream.indirect_vreg.gather [hbm4b:s11+s9], $0x80, v3, vm0, $0xb8;
	[tilespmem:$0x18500] =	vst v63  }
0x2e6: {  	_ =	swait.ge [sflag:s15], $0x4000  }
0x2e7: {  	s26 =	simm.s32 $0x0;
	[sflag:s15] =	ssyncset.done $0x0  }
0x2e8: {  	s25 =	sand.u32 $0x2000, s26;
	[sflag:s15] =	ssyncadd.s32 $0xFFFFC000  }
0x2e9: {  	s26 =	simm.s32 $0x0;
	s9 =	sand.u32 $0x1C00, s9;
	_ =	swait.ge [sflag:s16], $0x4000  }
0x2ea: {  	s30 =	sand.u32 $0x380, s26;
	s9 =	sor.u32 s9, s25;
	[sflag:s16] =	ssyncset.done $0x0  }
0x2eb: {  	s9 =	sor.u32 s30, s9;
	[sflag:s16] =	ssyncadd.s32 $0xFFFFC000  }
0x2ec: {  	v3 =	vld [tilespmem:s9+$0x14510]  }
0x2ed: {  	s26 =	simm.s32 $0x0;
	v5 =	vld [tilespmem:s9+$0x14520]  }
0x2ee: {  	s25 =	sor.u32 $0x50, s26;
	v6 =	vld [tilespmem:s9+$0x14530]  }
0x2ef: {  	v4 =	vmov s25;
	v8 =	vld [tilespmem:s9+$0x14540]  }
0x2f0: {  	v9 =	vld [tilespmem:s9+$0x14550]  }
0x2f1: {  	v11 =	vld [tilespmem:s9+$0x14560]  }
0x2f2: {  	v10 =	vld [tilespmem:s9+$0x8530]  }
0x2f3: {  	v7 =	vld [tilespmem:s9+$0x8510]  }
0x2f4: {  	v13 =	vld.idx.msk [tilespmem:v4+s22+$0x0], $0xffff  }
0x2f5: {  	v12 =	vld [tilespmem:s9+$0x8520]  }
0x2f6: {  	v4 =	vld.idx.msk [tilespmem:v4+s23+$0x0], $0xffff  }
0x2f7: {  	v15 =	vld [tilespmem:s9+$0x14570]  }
0x2f8: {  	v14 =	vld [tilespmem:s9+$0x8540]  }
0x2f9: {  	v57 =	vld [tilespmem:s9+$0x8550]  }
0x2fa: {  	v58 =	vld [tilespmem:s9+$0x8560];
	v12 =	vmul.f32 v12, v13  }
0x2fb: {  	s26 =	simm.s32 $0x400;
	s30 =	simm.s32 $0x80;
	v59 =	vld [tilespmem:s9+$0x8570];
	v5 =	vmul.f32 v5, v4;
	v61 =	vmul.f32 v7, v13  }
0x2fc: {  	s29 =	simm.s32 $0x10;
	s28 =	sand.u32 $0x1C00, s26;
	s25 =	sand.u32 $0x2000, s30;
	v60 =	vld [tilespmem:s9+$0x8500];
	v21 =	vmul.f32 v3, v4;
	v10 =	vmul.f32 v10, v13  }
0x2fd: {  	s25 =	sor.u32 s28, s25;
	s28 =	sand.u32 $0x380, s29;
	v7 =	vld [tilespmem:s9+$0x14500];
	v6 =	vmul.f32 v6, v4;
	v62 =	vmul.f32 v8, v4;
	v5 =	vadd.f32 v5, v12  }
0x2fe: {  	s25 =	sor.u32 s28, s25;
	v16 =	vmul.f32 v57, v13;
	v12 =	vmul.f32 v14, v13;
	v14 =	vadd.f32 v21, v61  }
0x2ff: {  	v3 =	vld [tilespmem:s25+$0x14510];
	v22 =	vmul.f32 v9, v4;
	v8 =	vmul.f32 v58, v13;
	v63 =	vadd.f32 v6, v10;
	[tilespmem:s9+$0x8520] =	vst v5  }
0x300: {  	s28 =	simm.s32 $0x0;
	v9 =	vmul.f32 v59, v13;
	v10 =	vadd.f32 v62, v12;
	v12 =	vmul.f32 v11, v4;
	v5 =	vld [tilespmem:s25+$0x14520];
	[tilespmem:s9+$0x8510] =	vst v14  }
0x301: {  	s29 =	sor.u32 $0x50, s28;
	s28 =	simm.s32 $0x2;
	v11 =	vmul.f32 v60, v13;
	v13 =	vmul.f32 v15, v4;
	v14 =	vadd.f32 v22, v16;
	v6 =	vld [tilespmem:s25+$0x14530];
	[tilespmem:s9+$0x8530] =	vst v63  }
.LBB2_12:
0x302: {  	p0 =	sne.s32 s28, $0x7F;
	v15 =	vmov s29;
	v16 =	vld [tilespmem:s25+$0x14540];
	v4 =	vmul.f32 v7, v4;
	[tilespmem:s9+$0x8540] =	vst v10;
	v7 =	vadd.f32 v12, v8  }
0x303: {  	v8 =	vld [tilespmem:s25+$0x14550];
	[tilespmem:s9+$0x8550] =	vst v14;
	v9 =	vadd.f32 v13, v9  }
0x304: {  	v12 =	vld [tilespmem:s25+$0x14560];
	v4 =	vadd.f32 v4, v11;
	[tilespmem:s9+$0x8560] =	vst v7  }
0x305: {  	v7 =	vld [tilespmem:s25+$0x8530];
	[tilespmem:s9+$0x8570] =	vst v9  }
0x306: {  	v9 =	vld [tilespmem:s25+$0x8510];
	[tilespmem:s9+$0x8500] =	vst v4;
	s9 =	smov.u32 s25  }
0x307: {  	v11 =	vld.idx.msk [tilespmem:v15+s22+$0x0], $0xffff  }
0x308: {  	v4 =	vld.idx.msk [tilespmem:v15+s23+$0x0], $0xffff  }
0x309: {  	v10 =	vld [tilespmem:s9+$0x8520]  }
0x30a: {  	v13 =	vld [tilespmem:s9+$0x14570]  }
0x30b: {  	v14 =	vld [tilespmem:s9+$0x8540]  }
0x30c: {  	v15 =	vld [tilespmem:s9+$0x8550]  }
0x30d: {  	v9 =	vmul.f32 v9, v11;
	v17 =	vmul.f32 v7, v11;
	v18 =	vld [tilespmem:s9+$0x8560]  }
0x30e: {  	s26 =	sadd.s32 $0x400, s26;
	s25 =	sshll.u32 s28, $0x7;
	v5 =	vmul.f32 v5, v4;
	v10 =	vmul.f32 v10, v11;
	v19 =	vld [tilespmem:s9+$0x8570]  }
0x30f: {  	s30 =	sshll.u32 s28, $0x4;
	s29 =	sand.u32 $0x1C00, s26;
	s25 =	sand.u32 $0x2000, s25;
	v3 =	vmul.f32 v3, v4;
	v6 =	vmul.f32 v6, v4;
	v20 =	vld [tilespmem:s9+$0x8500]  }
.Ltmp5:
0x310: {  	s25 =	sor.u32 s29, s25;
	s29 =	sand.u32 $0x380, s30;
	v7 =	vld [tilespmem:s9+$0x14500];
	v5 =	vadd.f32 v5, v10;
	v10 =	vmul.f32 v14, v11;
	v14 =	vmul.f32 v16, v4;
	(pc) =	sbr.rel @p0 .LBB2_12-.Ltmp5, $4  }
0x311: {  	s25 =	sor.u32 s29, s25;
	v9 =	vadd.f32 v3, v9;
	v16 =	vadd.f32 v6, v17;
	v15 =	vmul.f32 v15, v11  }
0x312: {  	v3 =	vld [tilespmem:s25+$0x14510];
	[tilespmem:s9+$0x8520] =	vst v5;
	v10 =	vadd.f32 v14, v10;
	v14 =	vmul.f32 v8, v4;
	v8 =	vmul.f32 v18, v11  }
0x313: {  	s29 =	sshrl.u32 s28, $0x3;
	v12 =	vmul.f32 v12, v4;
	v5 =	vld [tilespmem:s25+$0x14520];
	[tilespmem:s9+$0x8510] =	vst v9;
	v9 =	vmul.f32 v19, v11  }
0x314: {  	s28 =	sadd.s32 $0x1, s28;
	s29 =	sor.u32 $0x50, s29;
	v13 =	vmul.f32 v13, v4;
	v6 =	vld [tilespmem:s25+$0x14530];
	v11 =	vmul.f32 v20, v11;
	[tilespmem:s9+$0x8530] =	vst v16;
	v14 =	vadd.f32 v14, v15  }
0x315: {  	v15 =	vld [tilespmem:s25+$0x14540];
	[tilespmem:s9+$0x8540] =	vst v10;
	v8 =	vadd.f32 v12, v8;
	v12 =	vmov s29;
	v4 =	vmul.f32 v7, v4  }
0x316: {  	v10 =	vld [tilespmem:s25+$0x14550];
	[tilespmem:s9+$0x8550] =	vst v14;
	v9 =	vadd.f32 v13, v9  }
0x317: {  	v7 =	vld [tilespmem:s25+$0x14560];
	[tilespmem:s9+$0x8560] =	vst v8;
	v4 =	vadd.f32 v4, v11  }
0x318: {  	v8 =	vld [tilespmem:s25+$0x8530];
	[tilespmem:s9+$0x8570] =	vst v9  }
0x319: {  	v9 =	vld [tilespmem:s25+$0x8510];
	[tilespmem:s9+$0x8500] =	vst v4  }
0x31a: {  	v4 =	vld.idx.msk [tilespmem:v12+s22+$0x0], $0xffff  }
0x31b: {  	v11 =	vld.idx.msk [tilespmem:v12+s23+$0x0], $0xffff  }
0x31c: {  	v12 =	vld [tilespmem:s25+$0x8520]  }
0x31d: {  	v14 =	vld [tilespmem:s25+$0x8540]  }
0x31e: {  	v16 =	vld [tilespmem:s25+$0x8550]  }
0x31f: {  	v17 =	vld [tilespmem:s25+$0x8560]  }
0x320: {  	v18 =	vld [tilespmem:s25+$0x8570]  }
0x321: {  	v13 =	vld [tilespmem:s25+$0x14570];
	v12 =	vmul.f32 v12, v4;
	v5 =	vmul.f32 v5, v11  }
0x322: {  	v19 =	vld [tilespmem:s25+$0x8500];
	v9 =	vmul.f32 v9, v4;
	v3 =	vmul.f32 v3, v11  }
0x323: {  	v20 =	vld [tilespmem:s25+$0x14500];
	v8 =	vmul.f32 v8, v4;
	v6 =	vmul.f32 v6, v11;
	v5 =	vadd.f32 v5, v12  }
0x324: {  	v12 =	vmul.f32 v14, v4;
	v14 =	vmul.f32 v15, v11;
	v3 =	vadd.f32 v3, v9  }
0x325: {  	v6 =	vadd.f32 v6, v8;
	v8 =	vmul.f32 v16, v4;
	[tilespmem:s25+$0x8520] =	vst v5;
	v5 =	vmul.f32 v10, v11  }
0x326: {  	v9 =	vadd.f32 v14, v12;
	v10 =	vmul.f32 v17, v4;
	[tilespmem:s25+$0x8510] =	vst v3;
	v3 =	vmul.f32 v7, v11  }
0x327: {  	v7 =	vmul.f32 v18, v4;
	[tilespmem:s25+$0x8530] =	vst v6;
	v6 =	vmul.f32 v13, v11;
	v5 =	vadd.f32 v5, v8  }
0x328: {  	v4 =	vmul.f32 v19, v4;
	v8 =	vmul.f32 v20, v11;
	[tilespmem:s25+$0x8540] =	vst v9;
	v3 =	vadd.f32 v3, v10  }
0x329: {  	[tilespmem:s25+$0x8550] =	vst v5;
	v5 =	vadd.f32 v6, v7  }
0x32a: {  	v4 =	vadd.f32 v8, v4;
	[tilespmem:s25+$0x8560] =	vst v3  }
0x32b: {  	[tilespmem:s25+$0x8570] =	vst v5  }
0x32c: {  	s26 =	rddreg [dreg:$0xc];
	s9 =	simm.s32 $0x0;
	[tilespmem:s25+$0x8500] =	vst v4  }
0x32d: {  	[hbm4b:s26+s9] =	stream.linear.scatter [tilespmem:s6], [sflag:$0x9], $0x4000, $0x38;
	[tilespmem:$0x18500] =	vst v63  }
0x32e: {  	_ =	swait.ge [sflag:s17], $0x4000  }
0x32f: {  	[sflag:s17] =	ssyncset.done $0x0  }
0x330: {  	[sflag:s17] =	ssyncadd.s32 $0xFFFFC000  }
0x331: {  	v3 =	vld [tilespmem:$0x70];
	_ =	sdelay $0x4  }
0x332: {  	[tilespmem:$0x280] =	vst v3  }
0x333: {  	v3 =	vld [tilespmem:$0x280];
	_ =	sdelay $0x4  }
0x334: {  	v4 =	vshll.u32 v3, $0x3  }
0x335: {  	v3 =	vand.u32 $0x7, v3;
	v4 =	vand.u32 $0xFFFFFFC0, v4  }
0x336: {  	v3 =	vor.u32 v3, v4  }
0x337: {  	v4 =	vperm.xlane v3, v0  }
0x338: {  	v5 =	vld [tilespmem:$0xF0]  }
0x339: {  	v4 =	vadd.s32 v1, v4;
	_ =	sdelay $0x3  }
0x33a: {  	[tilespmem:$0x400] =	vst v5  }
0x33b: {  	[tilespmem:s14], [sflag:$0x2] =	stream.indirect_vreg.gather [hbm4b:s3+s9], $0x80, v4, vm0, $0xb8;
	[tilespmem:$0x18500] =	vst v63  }
0x33c: {  	s30 =	simm.s32 $0x4D00;
	v3 =	vperm.xlane v3, v2  }
0x33d: {  	[tilespmem:s30], [sflag:$0x2] =	stream.indirect_vreg.gather [hbm4b:s7+s9], $0x80, v4, vm0, $0xb8;
	[tilespmem:$0x18500] =	vst v63  }
0x33e: {  	s26 =	simm.s32 $0x5500;
	v3 =	vadd.s32 v1, v3  }
0x33f: {  	[tilespmem:s26], [sflag:$0x2] =	stream.indirect_vreg.gather [hbm4b:s8+s9], $0x80, v4, vm0, $0xb8;
	[tilespmem:$0x18500] =	vst v63  }
0x340: {  	s30 =	simm.s32 $0x5D00  }
0x341: {  	[tilespmem:s30], [sflag:$0x2] =	stream.indirect_vreg.gather [hbm4b:s11+s9], $0x80, v4, vm0, $0xb8;
	[tilespmem:$0x18500] =	vst v63  }
0x342: {  	s26 =	simm.s32 $0x6500  }
0x343: {  	[tilespmem:s26], [sflag:$0x2] =	stream.indirect_vreg.gather [hbm4b:s3+s9], $0x80, v3, vm0, $0xb8;
	[tilespmem:$0x18500] =	vst v63  }
0x344: {  	s30 =	simm.s32 $0x6D00  }
0x345: {  	[tilespmem:s30], [sflag:$0x2] =	stream.indirect_vreg.gather [hbm4b:s7+s9], $0x80, v3, vm0, $0xb8;
	[tilespmem:$0x18500] =	vst v63  }
0x346: {  	s26 =	simm.s32 $0x7500  }
0x347: {  	[tilespmem:s26], [sflag:$0x2] =	stream.indirect_vreg.gather [hbm4b:s8+s9], $0x80, v3, vm0, $0xb8;
	[tilespmem:$0x18500] =	vst v63  }
0x348: {  	s30 =	simm.s32 $0x7D00  }
0x349: {  	[tilespmem:s30], [sflag:$0x2] =	stream.indirect_vreg.gather [hbm4b:s11+s9], $0x80, v3, vm0, $0xb8;
	[tilespmem:$0x18500] =	vst v63  }
0x34a: {  	v3 =	vld [tilespmem:$0x400];
	_ =	sdelay $0x4  }
0x34b: {  	v4 =	vshll.u32 v3, $0x3  }
0x34c: {  	v3 =	vand.u32 $0x7, v3;
	v4 =	vand.u32 $0xFFFFFFC0, v4  }
0x34d: {  	v3 =	vor.u32 v3, v4  }
0x34e: {  	v4 =	vperm.xlane v3, v0;
	_ =	sdelay $0x1  }
0x34f: {  	v4 =	vadd.s32 v1, v4;
	_ =	sdelay $0x3  }
0x350: {  	s26 =	simm.s32 $0x10500  }
0x351: {  	[tilespmem:s26], [sflag:$0x5] =	stream.indirect_vreg.gather [hbm4b:s3+s9], $0x80, v4, vm0, $0xb8;
	[tilespmem:$0x18500] =	vst v63  }
0x352: {  	s30 =	simm.s32 $0x10D00;
	v3 =	vperm.xlane v3, v2  }
0x353: {  	[tilespmem:s30], [sflag:$0x5] =	stream.indirect_vreg.gather [hbm4b:s7+s9], $0x80, v4, vm0, $0xb8;
	[tilespmem:$0x18500] =	vst v63  }
0x354: {  	v3 =	vadd.s32 v1, v3;
	s26 =	simm.s32 $0x11500  }
0x355: {  	[tilespmem:s26], [sflag:$0x5] =	stream.indirect_vreg.gather [hbm4b:s8+s9], $0x80, v4, vm0, $0xb8;
	[tilespmem:$0x18500] =	vst v63  }
0x356: {  	s30 =	simm.s32 $0x11D00  }
0x357: {  	[tilespmem:s30], [sflag:$0x5] =	stream.indirect_vreg.gather [hbm4b:s11+s9], $0x80, v4, vm0, $0xb8;
	[tilespmem:$0x18500] =	vst v63  }
0x358: {  	_ = 	snop  }
0x359: {  	[tilespmem:s31], [sflag:$0x5] =	stream.indirect_vreg.gather [hbm4b:s3+s9], $0x80, v3, vm0, $0xb8;
	[tilespmem:$0x18500] =	vst v63  }
0x35a: {  	_ = 	snop  }
0x35b: {  	[tilespmem:s1], [sflag:$0x5] =	stream.indirect_vreg.gather [hbm4b:s7+s9], $0x80, v3, vm0, $0xb8;
	[tilespmem:$0x18500] =	vst v63  }
0x35c: {  	_ = 	snop  }
0x35d: {  	[tilespmem:s0], [sflag:$0x5] =	stream.indirect_vreg.gather [hbm4b:s8+s9], $0x80, v3, vm0, $0xb8;
	[tilespmem:$0x18500] =	vst v63  }
0x35e: {  	_ = 	snop  }
0x35f: {  	[tilespmem:s21], [sflag:$0x5] =	stream.indirect_vreg.gather [hbm4b:s11+s9], $0x80, v3, vm0, $0xb8;
	[tilespmem:$0x18500] =	vst v63  }
0x360: {  	_ =	swait.ge [sflag:s4], $0x4000  }
0x361: {  	s26 =	simm.s32 $0x0;
	[sflag:s4] =	ssyncset.done $0x0  }
0x362: {  	s25 =	sand.u32 $0x2000, s26;
	[sflag:s4] =	ssyncadd.s32 $0xFFFFC000  }
0x363: {  	s26 =	simm.s32 $0x0;
	s9 =	sand.u32 $0x1C00, s9;
	_ =	swait.ge [sflag:s5], $0x4000  }
0x364: {  	s30 =	sand.u32 $0x380, s26;
	s9 =	sor.u32 s9, s25;
	[sflag:s5] =	ssyncset.done $0x0  }
0x365: {  	s9 =	sor.u32 s30, s9;
	[sflag:s5] =	ssyncadd.s32 $0xFFFFC000  }
0x366: {  	v3 =	vld [tilespmem:s9+$0xC510]  }
0x367: {  	s26 =	simm.s32 $0x0;
	v5 =	vld [tilespmem:s9+$0xC520]  }
0x368: {  	s25 =	sor.u32 $0x60, s26;
	v6 =	vld [tilespmem:s9+$0xC530]  }
0x369: {  	v4 =	vmov s25;
	v8 =	vld [tilespmem:s9+$0xC540]  }
0x36a: {  	v9 =	vld [tilespmem:s9+$0xC550]  }
0x36b: {  	v11 =	vld [tilespmem:s9+$0xC560]  }
0x36c: {  	v10 =	vld [tilespmem:s9+$0x530]  }
0x36d: {  	v7 =	vld [tilespmem:s9+$0x510]  }
0x36e: {  	v13 =	vld.idx.msk [tilespmem:v4+s22+$0x0], $0xffff  }
0x36f: {  	v12 =	vld [tilespmem:s9+$0x520]  }
0x370: {  	v4 =	vld.idx.msk [tilespmem:v4+s23+$0x0], $0xffff  }
0x371: {  	v15 =	vld [tilespmem:s9+$0xC570]  }
0x372: {  	v14 =	vld [tilespmem:s9+$0x540]  }
0x373: {  	v57 =	vld [tilespmem:s9+$0x550]  }
0x374: {  	v58 =	vld [tilespmem:s9+$0x560];
	v12 =	vmul.f32 v12, v13  }
0x375: {  	s26 =	simm.s32 $0x400;
	s30 =	simm.s32 $0x80;
	v59 =	vld [tilespmem:s9+$0x570];
	v5 =	vmul.f32 v5, v4;
	v61 =	vmul.f32 v7, v13  }
0x376: {  	s29 =	simm.s32 $0x10;
	s28 =	sand.u32 $0x1C00, s26;
	s25 =	sand.u32 $0x2000, s30;
	v60 =	vld [tilespmem:s9+$0x500];
	v21 =	vmul.f32 v3, v4;
	v10 =	vmul.f32 v10, v13  }
0x377: {  	s25 =	sor.u32 s28, s25;
	s28 =	sand.u32 $0x380, s29;
	v7 =	vld [tilespmem:s9+$0xC500];
	v6 =	vmul.f32 v6, v4;
	v62 =	vmul.f32 v8, v4;
	v5 =	vadd.f32 v5, v12  }
0x378: {  	s25 =	sor.u32 s28, s25;
	v16 =	vmul.f32 v57, v13;
	v12 =	vmul.f32 v14, v13;
	v14 =	vadd.f32 v21, v61  }
0x379: {  	v3 =	vld [tilespmem:s25+$0xC510];
	v22 =	vmul.f32 v9, v4;
	v8 =	vmul.f32 v58, v13;
	v63 =	vadd.f32 v6, v10;
	[tilespmem:s9+$0x520] =	vst v5  }
0x37a: {  	s28 =	simm.s32 $0x0;
	v9 =	vmul.f32 v59, v13;
	v10 =	vadd.f32 v62, v12;
	v12 =	vmul.f32 v11, v4;
	v5 =	vld [tilespmem:s25+$0xC520];
	[tilespmem:s9+$0x510] =	vst v14  }
0x37b: {  	s29 =	sor.u32 $0x60, s28;
	s28 =	simm.s32 $0x2;
	v11 =	vmul.f32 v60, v13;
	v13 =	vmul.f32 v15, v4;
	v14 =	vadd.f32 v22, v16;
	v6 =	vld [tilespmem:s25+$0xC530];
	[tilespmem:s9+$0x530] =	vst v63  }
.LBB2_14:
0x37c: {  	p0 =	sne.s32 s28, $0x7F;
	v15 =	vmov s29;
	v16 =	vld [tilespmem:s25+$0xC540];
	v4 =	vmul.f32 v7, v4;
	[tilespmem:s9+$0x540] =	vst v10;
	v7 =	vadd.f32 v12, v8  }
0x37d: {  	v8 =	vld [tilespmem:s25+$0xC550];
	[tilespmem:s9+$0x550] =	vst v14;
	v9 =	vadd.f32 v13, v9  }
0x37e: {  	v12 =	vld [tilespmem:s25+$0xC560];
	v4 =	vadd.f32 v4, v11;
	[tilespmem:s9+$0x560] =	vst v7  }
0x37f: {  	v7 =	vld [tilespmem:s25+$0x530];
	[tilespmem:s9+$0x570] =	vst v9  }
0x380: {  	v9 =	vld [tilespmem:s25+$0x510];
	[tilespmem:s9+$0x500] =	vst v4;
	s9 =	smov.u32 s25  }
0x381: {  	v11 =	vld.idx.msk [tilespmem:v15+s22+$0x0], $0xffff  }
0x382: {  	v4 =	vld.idx.msk [tilespmem:v15+s23+$0x0], $0xffff  }
0x383: {  	v10 =	vld [tilespmem:s9+$0x520]  }
0x384: {  	v13 =	vld [tilespmem:s9+$0xC570]  }
0x385: {  	v14 =	vld [tilespmem:s9+$0x540]  }
0x386: {  	v15 =	vld [tilespmem:s9+$0x550]  }
0x387: {  	v9 =	vmul.f32 v9, v11;
	v17 =	vmul.f32 v7, v11;
	v18 =	vld [tilespmem:s9+$0x560]  }
0x388: {  	s26 =	sadd.s32 $0x400, s26;
	s25 =	sshll.u32 s28, $0x7;
	v5 =	vmul.f32 v5, v4;
	v10 =	vmul.f32 v10, v11;
	v19 =	vld [tilespmem:s9+$0x570]  }
0x389: {  	s30 =	sshll.u32 s28, $0x4;
	s29 =	sand.u32 $0x1C00, s26;
	s25 =	sand.u32 $0x2000, s25;
	v3 =	vmul.f32 v3, v4;
	v6 =	vmul.f32 v6, v4;
	v20 =	vld [tilespmem:s9+$0x500]  }
.Ltmp6:
0x38a: {  	s25 =	sor.u32 s29, s25;
	s29 =	sand.u32 $0x380, s30;
	v7 =	vld [tilespmem:s9+$0xC500];
	v5 =	vadd.f32 v5, v10;
	v10 =	vmul.f32 v14, v11;
	v14 =	vmul.f32 v16, v4;
	(pc) =	sbr.rel @p0 .LBB2_14-.Ltmp6, $4  }
0x38b: {  	s25 =	sor.u32 s29, s25;
	v9 =	vadd.f32 v3, v9;
	v16 =	vadd.f32 v6, v17;
	v15 =	vmul.f32 v15, v11  }
0x38c: {  	v3 =	vld [tilespmem:s25+$0xC510];
	[tilespmem:s9+$0x520] =	vst v5;
	v10 =	vadd.f32 v14, v10;
	v14 =	vmul.f32 v8, v4;
	v8 =	vmul.f32 v18, v11  }
0x38d: {  	s29 =	sshrl.u32 s28, $0x3;
	v12 =	vmul.f32 v12, v4;
	v5 =	vld [tilespmem:s25+$0xC520];
	[tilespmem:s9+$0x510] =	vst v9;
	v9 =	vmul.f32 v19, v11  }
0x38e: {  	s28 =	sadd.s32 $0x1, s28;
	s29 =	sor.u32 $0x60, s29;
	v13 =	vmul.f32 v13, v4;
	v6 =	vld [tilespmem:s25+$0xC530];
	v11 =	vmul.f32 v20, v11;
	[tilespmem:s9+$0x530] =	vst v16;
	v14 =	vadd.f32 v14, v15  }
0x38f: {  	v15 =	vld [tilespmem:s25+$0xC540];
	[tilespmem:s9+$0x540] =	vst v10;
	v8 =	vadd.f32 v12, v8;
	v12 =	vmov s29;
	v4 =	vmul.f32 v7, v4  }
0x390: {  	v10 =	vld [tilespmem:s25+$0xC550];
	[tilespmem:s9+$0x550] =	vst v14;
	v9 =	vadd.f32 v13, v9  }
0x391: {  	v7 =	vld [tilespmem:s25+$0xC560];
	[tilespmem:s9+$0x560] =	vst v8;
	v4 =	vadd.f32 v4, v11  }
0x392: {  	v8 =	vld [tilespmem:s25+$0x530];
	[tilespmem:s9+$0x570] =	vst v9  }
0x393: {  	v9 =	vld [tilespmem:s25+$0x510];
	[tilespmem:s9+$0x500] =	vst v4  }
0x394: {  	v4 =	vld.idx.msk [tilespmem:v12+s22+$0x0], $0xffff  }
0x395: {  	v11 =	vld.idx.msk [tilespmem:v12+s23+$0x0], $0xffff  }
0x396: {  	v12 =	vld [tilespmem:s25+$0x520]  }
0x397: {  	v14 =	vld [tilespmem:s25+$0x540]  }
0x398: {  	v16 =	vld [tilespmem:s25+$0x550]  }
0x399: {  	v17 =	vld [tilespmem:s25+$0x560]  }
0x39a: {  	v18 =	vld [tilespmem:s25+$0x570]  }
0x39b: {  	v13 =	vld [tilespmem:s25+$0xC570];
	v12 =	vmul.f32 v12, v4;
	v5 =	vmul.f32 v5, v11  }
0x39c: {  	v19 =	vld [tilespmem:s25+$0x500];
	v9 =	vmul.f32 v9, v4;
	v3 =	vmul.f32 v3, v11  }
0x39d: {  	v20 =	vld [tilespmem:s25+$0xC500];
	v8 =	vmul.f32 v8, v4;
	v6 =	vmul.f32 v6, v11;
	v5 =	vadd.f32 v5, v12  }
0x39e: {  	v12 =	vmul.f32 v14, v4;
	v14 =	vmul.f32 v15, v11;
	v3 =	vadd.f32 v3, v9  }
0x39f: {  	v6 =	vadd.f32 v6, v8;
	v8 =	vmul.f32 v16, v4;
	[tilespmem:s25+$0x520] =	vst v5;
	v5 =	vmul.f32 v10, v11  }
0x3a0: {  	v9 =	vadd.f32 v14, v12;
	v10 =	vmul.f32 v17, v4;
	[tilespmem:s25+$0x510] =	vst v3;
	v3 =	vmul.f32 v7, v11  }
0x3a1: {  	v7 =	vmul.f32 v18, v4;
	[tilespmem:s25+$0x530] =	vst v6;
	v6 =	vmul.f32 v13, v11;
	v5 =	vadd.f32 v5, v8  }
0x3a2: {  	v4 =	vmul.f32 v19, v4;
	v8 =	vmul.f32 v20, v11;
	[tilespmem:s25+$0x540] =	vst v9;
	v3 =	vadd.f32 v3, v10  }
0x3a3: {  	[tilespmem:s25+$0x550] =	vst v5;
	v5 =	vadd.f32 v6, v7  }
0x3a4: {  	v4 =	vadd.f32 v8, v4;
	[tilespmem:s25+$0x560] =	vst v3  }
0x3a5: {  	[tilespmem:s25+$0x570] =	vst v5  }
0x3a6: {  	s30 =	rddreg [dreg:$0xd];
	s9 =	simm.s32 $0x0;
	[tilespmem:s25+$0x500] =	vst v4  }
0x3a7: {  	[hbm4b:s30+s9] =	stream.linear.scatter [tilespmem:s24], [sflag:$0x7], $0x4000, $0x38;
	[tilespmem:$0x18500] =	vst v63  }
0x3a8: {  	_ =	swait.ge [sflag:s10], $0x4000  }
0x3a9: {  	s26 =	simm.s32 $0x0;
	[sflag:s10] =	ssyncset.done $0x0  }
0x3aa: {  	s25 =	sand.u32 $0x2000, s26;
	[sflag:s10] =	ssyncadd.s32 $0xFFFFC000  }
0x3ab: {  	s26 =	simm.s32 $0x0;
	s9 =	sand.u32 $0x1C00, s9;
	_ =	swait.ge [sflag:s12], $0x4000  }
0x3ac: {  	s30 =	sand.u32 $0x380, s26;
	s9 =	sor.u32 s9, s25;
	[sflag:s12] =	ssyncset.done $0x0  }
0x3ad: {  	s9 =	sor.u32 s30, s9;
	[sflag:s12] =	ssyncadd.s32 $0xFFFFC000  }
0x3ae: {  	v3 =	vld [tilespmem:s9+$0x10510]  }
0x3af: {  	s26 =	simm.s32 $0x0;
	v5 =	vld [tilespmem:s9+$0x10520]  }
0x3b0: {  	s25 =	sor.u32 $0x70, s26;
	v6 =	vld [tilespmem:s9+$0x10530]  }
0x3b1: {  	v4 =	vmov s25;
	v8 =	vld [tilespmem:s9+$0x10540]  }
0x3b2: {  	v9 =	vld [tilespmem:s9+$0x10550]  }
0x3b3: {  	v11 =	vld [tilespmem:s9+$0x10560]  }
0x3b4: {  	v10 =	vld [tilespmem:s9+$0x4530]  }
0x3b5: {  	v7 =	vld [tilespmem:s9+$0x4510]  }
0x3b6: {  	v13 =	vld.idx.msk [tilespmem:v4+s22+$0x0], $0xffff  }
0x3b7: {  	v12 =	vld [tilespmem:s9+$0x4520]  }
0x3b8: {  	v4 =	vld.idx.msk [tilespmem:v4+s23+$0x0], $0xffff  }
0x3b9: {  	v15 =	vld [tilespmem:s9+$0x10570]  }
0x3ba: {  	v14 =	vld [tilespmem:s9+$0x4540]  }
0x3bb: {  	v57 =	vld [tilespmem:s9+$0x4550]  }
0x3bc: {  	v58 =	vld [tilespmem:s9+$0x4560];
	v12 =	vmul.f32 v12, v13  }
0x3bd: {  	s26 =	simm.s32 $0x400;
	s30 =	simm.s32 $0x80;
	v59 =	vld [tilespmem:s9+$0x4570];
	v5 =	vmul.f32 v5, v4;
	v61 =	vmul.f32 v7, v13  }
0x3be: {  	s29 =	simm.s32 $0x10;
	s28 =	sand.u32 $0x1C00, s26;
	s25 =	sand.u32 $0x2000, s30;
	v60 =	vld [tilespmem:s9+$0x4500];
	v21 =	vmul.f32 v3, v4;
	v10 =	vmul.f32 v10, v13  }
0x3bf: {  	s25 =	sor.u32 s28, s25;
	s28 =	sand.u32 $0x380, s29;
	v7 =	vld [tilespmem:s9+$0x10500];
	v6 =	vmul.f32 v6, v4;
	v62 =	vmul.f32 v8, v4;
	v5 =	vadd.f32 v5, v12  }
0x3c0: {  	s25 =	sor.u32 s28, s25;
	v16 =	vmul.f32 v57, v13;
	v12 =	vmul.f32 v14, v13;
	v14 =	vadd.f32 v21, v61  }
0x3c1: {  	v3 =	vld [tilespmem:s25+$0x10510];
	v22 =	vmul.f32 v9, v4;
	v8 =	vmul.f32 v58, v13;
	v63 =	vadd.f32 v6, v10;
	[tilespmem:s9+$0x4520] =	vst v5  }
0x3c2: {  	s28 =	simm.s32 $0x0;
	v9 =	vmul.f32 v59, v13;
	v10 =	vadd.f32 v62, v12;
	v12 =	vmul.f32 v11, v4;
	v5 =	vld [tilespmem:s25+$0x10520];
	[tilespmem:s9+$0x4510] =	vst v14  }
0x3c3: {  	s29 =	sor.u32 $0x70, s28;
	s28 =	simm.s32 $0x2;
	v11 =	vmul.f32 v60, v13;
	v13 =	vmul.f32 v15, v4;
	v14 =	vadd.f32 v22, v16;
	v6 =	vld [tilespmem:s25+$0x10530];
	[tilespmem:s9+$0x4530] =	vst v63  }
.LBB2_16:
0x3c4: {  	p0 =	sne.s32 s28, $0x7F;
	v15 =	vmov s29;
	v16 =	vld [tilespmem:s25+$0x10540];
	v4 =	vmul.f32 v7, v4;
	[tilespmem:s9+$0x4540] =	vst v10;
	v7 =	vadd.f32 v12, v8  }
0x3c5: {  	v8 =	vld [tilespmem:s25+$0x10550];
	[tilespmem:s9+$0x4550] =	vst v14;
	v9 =	vadd.f32 v13, v9  }
0x3c6: {  	v12 =	vld [tilespmem:s25+$0x10560];
	v4 =	vadd.f32 v4, v11;
	[tilespmem:s9+$0x4560] =	vst v7  }
0x3c7: {  	v7 =	vld [tilespmem:s25+$0x4530];
	[tilespmem:s9+$0x4570] =	vst v9  }
0x3c8: {  	v9 =	vld [tilespmem:s25+$0x4510];
	[tilespmem:s9+$0x4500] =	vst v4;
	s9 =	smov.u32 s25  }
0x3c9: {  	v11 =	vld.idx.msk [tilespmem:v15+s22+$0x0], $0xffff  }
0x3ca: {  	v4 =	vld.idx.msk [tilespmem:v15+s23+$0x0], $0xffff  }
0x3cb: {  	v10 =	vld [tilespmem:s9+$0x4520]  }
0x3cc: {  	v13 =	vld [tilespmem:s9+$0x10570]  }
0x3cd: {  	v14 =	vld [tilespmem:s9+$0x4540]  }
0x3ce: {  	v15 =	vld [tilespmem:s9+$0x4550]  }
0x3cf: {  	v9 =	vmul.f32 v9, v11;
	v17 =	vmul.f32 v7, v11;
	v18 =	vld [tilespmem:s9+$0x4560]  }
0x3d0: {  	s26 =	sadd.s32 $0x400, s26;
	s25 =	sshll.u32 s28, $0x7;
	v5 =	vmul.f32 v5, v4;
	v10 =	vmul.f32 v10, v11;
	v19 =	vld [tilespmem:s9+$0x4570]  }
0x3d1: {  	s30 =	sshll.u32 s28, $0x4;
	s29 =	sand.u32 $0x1C00, s26;
	s25 =	sand.u32 $0x2000, s25;
	v3 =	vmul.f32 v3, v4;
	v6 =	vmul.f32 v6, v4;
	v20 =	vld [tilespmem:s9+$0x4500]  }
.Ltmp7:
0x3d2: {  	s25 =	sor.u32 s29, s25;
	s29 =	sand.u32 $0x380, s30;
	v7 =	vld [tilespmem:s9+$0x10500];
	v5 =	vadd.f32 v5, v10;
	v10 =	vmul.f32 v14, v11;
	v14 =	vmul.f32 v16, v4;
	(pc) =	sbr.rel @p0 .LBB2_16-.Ltmp7, $4  }
0x3d3: {  	s25 =	sor.u32 s29, s25;
	v9 =	vadd.f32 v3, v9;
	v16 =	vadd.f32 v6, v17;
	v15 =	vmul.f32 v15, v11  }
0x3d4: {  	v3 =	vld [tilespmem:s25+$0x10510];
	[tilespmem:s9+$0x4520] =	vst v5;
	v10 =	vadd.f32 v14, v10;
	v14 =	vmul.f32 v8, v4;
	v8 =	vmul.f32 v18, v11  }
0x3d5: {  	s29 =	sshrl.u32 s28, $0x3;
	v12 =	vmul.f32 v12, v4;
	v5 =	vld [tilespmem:s25+$0x10520];
	[tilespmem:s9+$0x4510] =	vst v9;
	v9 =	vmul.f32 v19, v11  }
0x3d6: {  	s28 =	sadd.s32 $0x1, s28;
	s29 =	sor.u32 $0x70, s29;
	v13 =	vmul.f32 v13, v4;
	v6 =	vld [tilespmem:s25+$0x10530];
	v11 =	vmul.f32 v20, v11;
	[tilespmem:s9+$0x4530] =	vst v16;
	v14 =	vadd.f32 v14, v15  }
0x3d7: {  	v15 =	vld [tilespmem:s25+$0x10540];
	[tilespmem:s9+$0x4540] =	vst v10  }
0x3d8: {  	v8 =	vadd.f32 v12, v8;
	v48 =	vmov s29;
	v4 =	vmul.f32 v7, v4;
	v10 =	vld [tilespmem:s25+$0x10550]  }
0x3d9: {  	[tilespmem:s9+$0x4550] =	vst v14;
	v9 =	vadd.f32 v13, v9;
	v50 =	vld [tilespmem:s25+$0x4510]  }
0x3da: {  	v49 =	vld [tilespmem:s25+$0x10560];
	[tilespmem:s9+$0x4560] =	vst v8;
	v4 =	vadd.f32 v4, v11  }
0x3db: {  	v8 =	vld [tilespmem:s25+$0x4530];
	[tilespmem:s9+$0x4570] =	vst v9  }
0x3dc: {  	[tilespmem:s9+$0x4500] =	vst v4;
	v14 =	vld [tilespmem:s25+$0x4540]  }
0x3dd: {  	v4 =	vld.idx.msk [tilespmem:v48+s22+$0x0], $0xffff  }
0x3de: {  	v51 =	vld.idx.msk [tilespmem:v48+s23+$0x0], $0xffff  }
0x3df: {  	v52 =	vld [tilespmem:s25+$0x4520]  }
0x3e0: {  	v16 =	vld [tilespmem:s25+$0x4550]  }
0x3e1: {  	v17 =	vld [tilespmem:s25+$0x4560]  }
0x3e2: {  	v18 =	vld [tilespmem:s25+$0x4570]  }
0x3e3: {  	v53 =	vld [tilespmem:s25+$0x10570]  }
0x3e4: {  	v19 =	vld [tilespmem:s25+$0x4500];
	v12 =	vmul.f32 v52, v4;
	v5 =	vmul.f32 v5, v51  }
0x3e5: {  	v20 =	vld [tilespmem:s25+$0x10500];
	v9 =	vmul.f32 v50, v4;
	v3 =	vmul.f32 v3, v51  }
0x3e6: {  	v8 =	vmul.f32 v8, v4;
	v6 =	vmul.f32 v6, v51  }
0x3e7: {  	v54 =	vmul.f32 v14, v4;
	v55 =	vmul.f32 v15, v51;
	v5 =	vadd.f32 v5, v12  }
0x3e8: {  	v56 =	vmul.f32 v16, v4;
	v59 =	vmul.f32 v17, v4;
	v3 =	vadd.f32 v3, v9  }
0x3e9: {  	v60 =	vmul.f32 v18, v4;
	v61 =	vmul.f32 v53, v51;
	v6 =	vadd.f32 v6, v8;
	[tilespmem:s25+$0x4520] =	vst v5  }
0x3ea: {  	v4 =	vmul.f32 v19, v4;
	v62 =	vmul.f32 v20, v51;
	v58 =	vadd.f32 v55, v54;
	[tilespmem:s25+$0x4510] =	vst v3  }
0x3eb: {  	v57 =	vmul.f32 v10, v51;
	v63 =	vadd.f32 v61, v60;
	[tilespmem:s25+$0x4530] =	vst v6  }
0x3ec: {  	v4 =	vadd.f32 v62, v4;
	v3 =	vmul.f32 v49, v51;
	[tilespmem:s25+$0x4540] =	vst v58  }
0x3ed: {  	v5 =	vadd.f32 v57, v56;
	[tilespmem:s25+$0x4570] =	vst v63  }
0x3ee: {  	[tilespmem:s25+$0x4500] =	vst v4;
	v3 =	vadd.f32 v3, v59  }
0x3ef: {  	[tilespmem:s25+$0x4550] =	vst v5  }
0x3f0: {  	s29 =	rddreg [dreg:$0xe];
	[tilespmem:s25+$0x4560] =	vst v3  }
0x3f1: {  	[hbm4b:s29+s2] =	stream.linear.scatter [tilespmem:s14], [sflag:$0x8], $0x4000, $0x38;
	[tilespmem:$0x18500] =	vst v63  }
0x3f2: {  	_ =	swait.ge [sflag:s18], $0x4000  }
0x3f3: {  	[sflag:s18] =	ssyncset.done $0x0  }
0x3f4: {  	[sflag:s18] =	ssyncadd.s32 $0xFFFFC000  }
0x3f5: {  	_ =	swait.ge [sflag:s13], $0x4000  }
0x3f6: {  	[sflag:s13] =	ssyncset.done $0x0  }
0x3f7: {  	[sflag:s13] =	ssyncadd.s32 $0xFFFFC000  }
0x3f8: {  	_ =	swait.ge [sflag:s17], $0x4000  }
0x3f9: {  	s19 =	sadd.s32 $0x1, s19;
	s30 =	rddreg [dreg:$0xf]  }
0x3fa: {  	p0 =	sne.s32 s19, s30  }
.Ltmp8:
0x3fb: {  	_ = 	snop;
	(pc) =	sbr.rel @p0 .LBB2_1-.Ltmp8, $3  }
0x3fc: {  	_ =	sdelay $0x1  }
0x3fd: {  	[sflag:s17] =	ssyncset.done $0x0  }
0x3fe: {  	[sflag:s17] =	ssyncadd.s32 $0xFFFFC000  }
0x3ff: {  	_ =	sfence.sel $0x180000  }
0x400: {  	[bflag:$0x0] =	sbarrier.arrive $0xFFFF  }
0x401: {  	_ =	strace $0x9000004A  }
0x402: {  	s0 =	stileid.u32;
	[bflag:$0x2] =	sbarrier.arrive $0xFFFF  }
0x403: {  	p0 =	sne.s32 s0, $0x0;
	s0 =	rddreg [dreg:$0x2]  }
0x404: {  	s0 =	sadd.s32 @!p0 $0x100000, s0  }
0x405: {  	[sflag:s0] =	ssyncadd.tile.s32 @!p0 $0x1;
	_ =	shalt  }
.Lfunc_end2:
_tile_overlayer_lowered:
.L_overlay_start_2:
0x406: {  	(tag) =	ssettag $0x2  }
0x407: {  	s0 =	rddreg [dreg:$0x0];
	s2 =	stileid.u32  }
0x408: {  	s1 =	rddreg [dreg:$0x1];
	p0 =	sne.s32 s2, $0x0  }
0x409: {  	s3 =	rddreg [dreg:$0x2];
	[bflag:$0x3] =	sbarrier.arrive $0xFFFF;
	s2 =	simm.s32 @!p0 $0x1C0A  }
0x40a: {  	[timem:s3], [sflag:s2] =	dma.local @!p0 [hbm:s0], s1  }
0x40b: {  	s0 =	simm.s32 @!p0 $0xA  }
0x40c: {  	_ =	swait.ge @!p0 [sflag:s0], s1  }
0x40d: {  	s1 =	ssub.s32 @!p0 $0x0, s1;
	[sflag:s0] =	ssyncset.done @!p0 $0x0  }
0x40e: {  	[sflag:s0] =	ssyncadd.s32 @!p0 s1  }
0x40f: {  	[bflag:$0x3] =	sbarrier.arrive $0xFFFF  }
0x410: {  	_ =	shalt  }

// kernel: kernel.8.cloned.1.call-start
scs
__scs_entry_jumppad:
0x0: {  	(pc) =	sbr.rel $0x88, $3  }
0x1: {  	(tag) =	ssettag $0x0;
	lr =	simm.s32 $0x1  }
0x2: {  	[smem:$0x3F9D] =	sst lr;
	_ =	strace $0xD0000000  }
0x3: {  	_ = 	snop  }
0x4: {  	_ = 	snop  }
0x5: {  	_ = 	snop  }
0x6: {  	_ = 	snop  }
0x7: {  	_ = 	snop  }
__scs_overlays_trampoline_lowered:
0x8: {  	[smem:$0x3FAC] =	sst s0  }
0x9: {  	[smem:$0x3FAD] =	sst s1  }
0xa: {  	[smem:$0x3FAE] =	sst s2  }
0xb: {  	[smem:$0x3FAF] =	sst s3  }
0xc: {  	[smem:$0x3FB0] =	sst s4  }
0xd: {  	[smem:$0x3FB1] =	sst s5  }
0xe: {  	[smem:$0x3FB2] =	sst s6  }
0xf: {  	[smem:$0x3FB3] =	sst s7  }
0x10: {  	[smem:$0x3FB4] =	sst s8  }
0x11: {  	[smem:$0x3FB5] =	sst s9;
	s0 =	simm.s32 @!p0 $0x0  }
0x12: {  	s1 =	sld [smem:$0x3F9B];
	s0 =	simm.s32 @p0 $0x1  }
0x13: {  	[smem:$0x3FB6] =	sst s0;
	s0 =	simm.s32 @!p1 $0x0  }
0x14: {  	s2 =	sld [smem:$0x3F9A];
	s0 =	simm.s32 @p1 $0x1  }
0x15: {  	[smem:$0x3FB7] =	sst s0;
	s0 =	simm.s32 @!p2 $0x0  }
0x16: {  	s3 =	sld [smem:$0x3FDB];
	s0 =	simm.s32 @p2 $0x1  }
0x17: {  	s4 =	simm.s32 $0x1BF5;
	[smem:$0x3FB9] =	sst s0  }
0x18: {  	s0 =	sld [smem:$0x3F9C];
	_ =	swait.ge [sflag:s4], $0x0  }
0x19: {  	s7 =	sld [smem:$0x3F9D]  }
0x1a: {  	s8 =	sadd.s32 $0xFFFFE003, lr  }
0x1b: {  	s9 =	sadd.s32 $0xFFFFFEF7, lr;
	s5 =	simm.s32 $0xFFFFFFFF;
	p2 =	slt.u32 s8, $0xFFFFF086  }
0x1c: {  	p1 =	slt.u32 s9, $0xF7A;
	s5 =	simm.s32 @!p2 $0x0  }
0x1d: {  	s5 =	simm.s32 @p1 $0x1;
	p0 =	seq.s32 s7, s2  }
0x1e: {  	s7 =	smul.u32 @!p0 $0xF7A, s2;
	p2 =	seq.s32 @!p0 s5, $0x0  }
0x1f: {  	s9 =	smul.u32 $0xF7A, s1;
	s8 =	simm.s32 @!p0 $0x1BF5;
	p2 =	por !p2, p0  }
0x20: {  	[sflag:s8] =	ssyncset.s32 @!p0 $0xFFFFF086;
	s6 =	sadd.s32 @!p0 s3, s7;
	s7 =	simm.s32 @!p0 $0x108  }
0x21: {  	s3 =	sadd.s32 s3, s9;
	s6 =	sadd.s32 @!p0 $0x88, s6;
	s7 =	simm.s32 @p2 $0x1082  }
0x22: {  	[simem:s7], [sflag:s8] =	dma.local @!p0 [hbm:s6], $0xF7A  }
0x23: {  	s9 =	sor.u32 $0xD0000000, s2;
	s6 =	simm.s32 $0x108;
	_ =	swait.ge @!p0 [sflag:s8], $0x0  }
0x24: {  	s3 =	sadd.s32 $0x88, s3;
	s6 =	simm.s32 @!p1 $0x1082;
	[sflag:s4] =	ssyncset.s32 $0xFFFFF086  }
0x25: {  	[simem:s6], [sflag:s4] =	dma.local [hbm:s3], $0xF7A  }
0x26: {  	[smem:$0x3F9D] =	sst s1;
	(tag) =	ssettag s2;
	_ =	strace s9  }
0x27: {  	s1 =	sld [smem:$0x3FAD]  }
0x28: {  	s2 =	sld [smem:$0x3FAE]  }
0x29: {  	s4 =	sld [smem:$0x3FB0]  }
0x2a: {  	p0 =	seq.s32 s5, $0x0;
	s5 =	sld [smem:$0x3FB1]  }
0x2b: {  	s6 =	sld [smem:$0x3FB2]  }
0x2c: {  	s7 =	sld [smem:$0x3FB3]  }
0x2d: {  	s3 =	simm.s32 $0x108;
	s8 =	sld [smem:$0x3FB4]  }
0x2e: {  	s3 =	simm.s32 @!p0 $0x1082;
	s9 =	sld [smem:$0x3FB5]  }
0x2f: {  	lr =	sadd.s32 s0, s3;
	s0 =	sld [smem:$0x3FAC]  }
0x30: {  	s3 =	sld [smem:$0x3FAF]  }
0x31: {  	[smem:$0x3FB8] =	sst s10  }
0x32: {  	s10 =	sld [smem:$0x3FB6];
	_ =	sdelay $0x3  }
0x33: {  	p0 =	seq.s32 s10, $0x1;
	s10 =	sld [smem:$0x3FB8];
	_ =	sdelay $0x3  }
0x34: {  	[smem:$0x3FB8] =	sst s10  }
0x35: {  	s10 =	sld [smem:$0x3FB7];
	_ =	sdelay $0x3  }
0x36: {  	p1 =	seq.s32 s10, $0x1;
	s10 =	sld [smem:$0x3FB8];
	_ =	sdelay $0x3  }
0x37: {  	[smem:$0x3FB8] =	sst s10  }
0x38: {  	s10 =	sld [smem:$0x3FB9]  }
0x39: {  	_ = 	snop;
	(pc) =	sbr.ind lr, $3  }
0x3a: {  	_ = 	snop  }
0x3b: {  	_ = 	snop  }
0x3c: {  	p2 =	seq.s32 s10, $0x1;
	s10 =	sld [smem:$0x3FB8]  }
0x3d: {  	_ =	shalt  }
0x3e: {  	_ =	shalt  }
0x3f: {  	_ =	shalt  }
0x40: {  	_ =	shalt  }
0x41: {  	_ =	shalt  }
0x42: {  	_ =	shalt  }
0x43: {  	_ =	shalt  }
0x44: {  	_ =	shalt  }
0x45: {  	_ =	shalt  }
0x46: {  	_ =	shalt  }
0x47: {  	_ =	shalt  }
0x48: {  	_ =	shalt  }
0x49: {  	_ =	shalt  }
0x4a: {  	_ =	shalt  }
0x4b: {  	_ =	shalt  }
0x4c: {  	_ =	shalt  }
0x4d: {  	_ =	shalt  }
0x4e: {  	_ =	shalt  }
0x4f: {  	_ =	shalt  }
0x50: {  	_ =	shalt  }
0x51: {  	_ =	shalt  }
0x52: {  	_ =	shalt  }
0x53: {  	_ =	shalt  }
0x54: {  	_ =	shalt  }
0x55: {  	_ =	shalt  }
0x56: {  	_ =	shalt  }
0x57: {  	_ =	shalt  }
0x58: {  	_ =	shalt  }
0x59: {  	_ =	shalt  }
0x5a: {  	_ =	shalt  }
0x5b: {  	_ =	shalt  }
0x5c: {  	_ =	shalt  }
0x5d: {  	_ =	shalt  }
0x5e: {  	_ =	shalt  }
0x5f: {  	_ =	shalt  }
0x60: {  	_ =	shalt  }
0x61: {  	_ =	shalt  }
0x62: {  	_ =	shalt  }
0x63: {  	_ =	shalt  }
0x64: {  	_ =	shalt  }
0x65: {  	_ =	shalt  }
0x66: {  	_ =	shalt  }
0x67: {  	_ =	shalt  }
0x68: {  	_ =	shalt  }
0x69: {  	_ =	shalt  }
0x6a: {  	_ =	shalt  }
0x6b: {  	_ =	shalt  }
0x6c: {  	_ =	shalt  }
0x6d: {  	_ =	shalt  }
0x6e: {  	_ =	shalt  }
0x6f: {  	_ =	shalt  }
0x70: {  	_ =	shalt  }
0x71: {  	_ =	shalt  }
0x72: {  	_ =	shalt  }
0x73: {  	_ =	shalt  }
0x74: {  	_ =	shalt  }
0x75: {  	_ =	shalt  }
0x76: {  	_ =	shalt  }
0x77: {  	_ =	shalt  }
0x78: {  	_ =	shalt  }
0x79: {  	_ =	shalt  }
0x7a: {  	_ =	shalt  }
0x7b: {  	_ =	shalt  }
0x7c: {  	_ =	shalt  }
0x7d: {  	_ =	shalt  }
0x7e: {  	_ =	shalt  }
0x7f: {  	_ =	shalt  }
0x80: {  	_ =	shalt  }
0x81: {  	_ =	shalt  }
0x82: {  	_ =	shalt  }
0x83: {  	_ =	shalt  }
0x84: {  	_ =	shalt  }
0x85: {  	_ =	shalt  }
0x86: {  	_ =	shalt  }
0x87: {  	_ =	shalt  }
.Lfunc_end0:
.L_simem_size_0:
called_computation_lowered:
.L_overlay_start_0:
0x88: {  	s2 =	sld [smem:$0x3FD9]  }
0x89: {  	s3 =	sld [smem:$0x3FFE];
	_ =	sdelay $0x1  }
0x8a: {  	s1 =	srdreg.scid  }
0x8b: {  	s0 =	sand.u32 $0x1, s1  }
0x8c: {  	s14 =	sshll.u32 s0, $0xA;
	s2 =	sadd.s32 s3, s2  }
0x8d: {  	s2 =	sadd.s32 s2, s14  }
0x8e: {  	[smem:$0x3FC4] =	sst s2  }
0x8f: {  	_ = 	snop  }
0x90: {  	s2 =	sld [smem:$0x3FD0];
	_ =	sdelay $0x2  }
0x91: {  	s15 =	simm.s32 $0xA;
	s4 =	simm.s32 $0x10  }
0x92: {  	[smem:s4], [sflag:s15] =	dma.local [hbm:s2], $0x1  }
0x93: {  	_ =	swait.eq [sflag:s15], $0x1  }
0x94: {  	[sflag:s15] =	ssyncset.done $0x0  }
0x95: {  	[sflag:s15] =	ssyncadd.s32 $0xFFFFFFFF  }
0x96: {  	s16 =	sld [smem:$0x10];
	(tm) =	ssettm $0x1  }
0x97: {  	s17 =	sld [smem:$0x3FFB];
	_ =	sdelay $0x3  }
0x98: {  	_ =	strace s17  }
0x99: {  	s3 =	sld [smem:$0x3FFC];
	_ =	sdelay $0x3  }
0x9a: {  	_ =	strace s3  }
0x9b: {  	s3 =	sld [smem:$0x3FFD];
	_ =	sdelay $0x3  }
0x9c: {  	_ =	strace s3  }
0x9d: {  	_ =	strace $0x8FFFFFFF  }
0x9e: {  	s18 =	sld [smem:$0x3FDB];
	_ =	sdelay $0x1  }
0x9f: {  	s19 =	simm.s32 $_scs_section_size  }
0xa0: {  	s5 =	simm.s32 $_size__tile_overlayer_lowered;
	s6 =	simm.s32 $_tile_overlayer_lowered  }
0xa1: {  	s22 =	simm.s32 $0x1BFF;
	s21 =	sshll.u32 s6, $0x1;
	s3 =	sadd.s32 s19, s18  }
0xa2: {  	s7 =	simm.s32 $0x0;
	s20 =	sshll.u32 s5, $0x1;
	s5 =	sadd.s32 s21, s3  }
0xa3: {  	[timem:s7], [sflag:s22] =	dma.local [hbm:s5], s20  }
0xa4: {  	_ =	swait.ge [sflag:s22], s20  }
0xa5: {  	s4 =	ssub.s32 $0x0, s20;
	[sflag:s22] =	ssyncset.done $0x0  }
0xa6: {  	[sflag:s22] =	ssyncadd.s32 s4;
	_ =	sdelay $0x1  }
0xa7: {  	s23 =	simm.s32 $0x1B8B  }
0xa8: {  	_ =	swait.ge [sflag:s23], $0x1  }
0xa9: {  	[sflag:s23] =	ssyncset.done $0x0  }
0xaa: {  	s25 =	simm.s32 $0x1B8E;
	s24 =	sld [smem:$0x3FFE];
	[sflag:s23] =	ssyncadd.s32 $0xFFFFFFFF  }
0xab: {  	s26 =	simm.s32 $execute0_lowered;
	[smem:$0x3FD2] =	sst s25  }
0xac: {  	s5 =	sshll.u32 s26, $0x1;
	_ =	strace $0x80000046;
	[dreg:$0x1] =	wrdreg $0xFFFFFFFF  }
0xad: {  	s28 =	simm.s32 $_size_execute0_lowered;
	s3 =	sadd.s32 s3, s5;
	[dreg:$0x0] =	wrdreg $0x0  }
0xae: {  	s5 =	sshll.u32 s28, $0x1;
	[dreg:$0x2] =	wrdreg s3  }
0xaf: {  	[dreg:$0x3] =	wrdreg s5  }
0xb0: {  	[dreg:$0x4] =	wrdreg $0xC0  }
0xb1: {  	_ =	task [dreg:s7], $0x5FFFF  }
0xb2: {  	[dreg:$0x1] =	wrdreg $0xFFFFFFFF  }
0xb3: {  	[dreg:$0x0] =	wrdreg $0x60  }
0xb4: {  	[dreg:$0x2] =	wrdreg s16  }
0xb5: {  	[dreg:$0x3] =	wrdreg s24  }
0xb6: {  	[dreg:$0x4] =	wrdreg $0x9  }
0xb7: {  	_ =	task.clear_ibuf [dreg:s7], $0x5FFFF;
	_ =	strace $0x90000046  }
0xb8: {  	s29 =	simm.s32 $0x9;
	_ =	strace $0x80000048  }
0xb9: {  	_ =	swait.ge [sflag:s29], $0x1  }
0xba: {  	[sflag:s29] =	ssyncadd.s32 $0xFFFFFFFF  }
0xbb: {  	_ =	strace $0x90000048  }
0xbc: {  	_ =	sfence  }
0xbd: {  	s30 =	sld [smem:$0x0];
	_ =	sdelay $0x2  }
0xbe: {  	s31 =	sshll.u32 s1, $0xD;
	s1 =	sshrl.u32 s1, $0x2  }
0xbf: {  	s3 =	sand.u32 $0x4000, s31;
	s1 =	sadd.s32 s1, s30  }
0xc0: {  	s0 =	sor.u32 s3, s0;
	s1 =	sshll.u32 s1, $0x11  }
0xc1: {  	s0 =	sor.u32 s1, s0  }
0xc2: {  	s0 =	sadd.s32 $0x8F2B, s0  }
0xc3: {  	[sflag:s0] =	ssyncadd.remote.s32 $0x1  }
0xc4: {  	_ =	sfence.sel $0xFFFF  }
0xc5: {  	[dreg:$0x0] =	wrdreg $0xFFFFFFFF;
	(pc) =	sbr.abs _section_cstart, $3  }
0xc6: {  	[dreg:$0x1] =	wrdreg $0xFFFFFFFF  }
0xc7: {  	_ =	task.clear_ibuf [dreg:s7], $0x2FFFF;
	_ =	strace $0x9FFFFFFF  }
0xc8: {  	(tm) =	ssettm $0x7FFFFFFF  }
0xc9: {  	_ =	shalt  }
tec
execute0_lowered:
.L_overlay_start_1:
0x0: {  	(tag) =	ssettag $0x1  }
0x1: {  	s0 =	srdreg.scid  }
0x2: {  	s2 =	stileid.u32;
	s1 =	rddreg [dreg:$0x0]  }
0x3: {  	s7 =	rddreg [dreg:$0x1];
	s28 =	simm.s32 $0x80;
	s0 =	sand.u32 $0x1, s0  }
0x4: {  	s11 =	simm.s32 $0x400;
	s2 =	sshll.u32 s2, $0x8;
	s3 =	sshll.u32 s0, $0x7  }
0x5: {  	s30 =	simm.s32 $0x2;
	s31 =	simm.s32 $0x4;
	s3 =	sor.u32 s3, s2  }
0x6: {  	s18 =	simm.s32 $0x9C00;
	s2 =	simm.s32 $0x0;
	s4 =	sshrl.u32 s3, $0x3  }
0x7: {  	[smem:$0x7FF] =	sst s2;
	s3 =	sshll.u32 s3, $0x7;
	s4 =	sadd.s32 s4, s7  }
0x8: {  	_ =	strace $0x80000047;
	s8 =	sadd.s32 s1, s3;
	[dreg:$0xc] =	wrdreg s28  }
0x9: {  	s29 =	simm.s32 $0x6C00;
	s5 =	sadd.s32 $0x21E00, s4;
	[dreg:$0xd] =	wrdreg s8  }
0xa: {  	s6 =	sadd.s32 $0x22200, s7;
	s4 =	sadd.s32 $0x21C00, s4;
	[dreg:$0x3] =	wrdreg s5  }
0xb: {  	s0 =	ssub.s32 $0x2, s0;
	s1 =	sadd.s32 $0x800, s8;
	[dreg:$0x4] =	wrdreg s4  }
0xc: {  	s22 =	sshrl.u32 s0, $0x1;
	s20 =	sadd.s32 $0x1000, s8;
	[dreg:$0x5] =	wrdreg s1  }
0xd: {  	s0 =	ssub.s32 s0, s22;
	s21 =	sadd.s32 $0x1800, s8;
	[dreg:$0x6] =	wrdreg s20  }
0xe: {  	s17 =	smax.u32 s0, $0x1;
	s23 =	sadd.s32 $0x2000, s8;
	[dreg:$0x7] =	wrdreg s21  }
0xf: {  	s24 =	sadd.s32 $0x2800, s8;
	s25 =	sadd.s32 $0x3000, s8;
	[dreg:$0x8] =	wrdreg s23  }
0x10: {  	v2 =	vlaneseq.u32;
	s26 =	sadd.s32 $0x3800, s8;
	s4 =	sadd.s32 $0x22000, s7;
	[dreg:$0x9] =	wrdreg s24  }
0x11: {  	vm0 =	vmmov $0xffff;
	v1 =	vshrl.u32 v2, $0x3;
	s5 =	sadd.s32 $0x22100, s7;
	[dreg:$0xa] =	wrdreg s25;
	s7 =	sadd.s32 $0x22300, s7  }
0x12: {  	v0 =	vand.u32 $0x7, v2;
	v2 =	vor.u32 $0x8, v2;
	v1 =	vmul.u32 $0x8, v1;
	[dreg:$0xb] =	wrdreg s26;
	s21 =	simm.s32 $0x1;
	s23 =	simm.s32 $0x8400  }
.LBB2_1:
0x13: {  	s14 =	rddreg [dreg:$0x3];
	s16 =	simm.s32 $0xA  }
0x14: {  	[tilespmem:s2], [sflag:$0xA] =	stream.linear.gather [hbm4b:s14+s2], $0x80, $0x38;
	[tilespmem:$0xC400] =	vst v63  }
0x15: {  	_ =	swait.ge [sflag:s16], $0x80  }
0x16: {  	s10 =	rddreg [dreg:$0x4];
	[sflag:s16] =	ssyncset.done $0x0  }
0x17: {  	s15 =	rddreg [dreg:$0xc];
	[sflag:s16] =	ssyncadd.s32 $0xFFFFFF80  }
0x18: {  	[tilespmem:s15], [sflag:$0xA] =	stream.linear.gather [hbm4b:s10+s2], $0x80, $0x38;
	[tilespmem:$0xC400] =	vst v63  }
0x19: {  	_ =	swait.ge [sflag:s16], $0x80  }
0x1a: {  	[sflag:s16] =	ssyncset.done $0x0  }
0x1b: {  	s13 =	rddreg [dreg:$0xd];
	[sflag:s16] =	ssyncadd.s32 $0xFFFFFF80  }
0x1c: {  	[tilespmem:s11], [sflag:$0x1] =	stream.linear.gather [hbm4b:s13+s2], $0x4000, $0x38;
	[tilespmem:$0xC400] =	vst v63  }
0x1d: {  	s0 =	simm.s32 $0x4400;
	s12 =	rddreg [dreg:$0x5]  }
0x1e: {  	[tilespmem:s0], [sflag:$0x2] =	stream.linear.gather [hbm4b:s12+s2], $0x4000, $0x38;
	[tilespmem:$0xC400] =	vst v63  }
0x1f: {  	_ =	swait.ge [sflag:s21], $0x4000  }
0x20: {  	[sflag:s21] =	ssyncset.done $0x0  }
0x21: {  	[sflag:s21] =	ssyncadd.s32 $0xFFFFC000  }
0x22: {  	v3 =	vld [tilespmem:$0x0];
	_ =	sdelay $0x4  }
0x23: {  	[tilespmem:$0x100] =	vst v3  }
0x24: {  	v3 =	vld [tilespmem:$0x100];
	_ =	sdelay $0x4  }
0x25: {  	v4 =	vshll.u32 v3, $0x3  }
0x26: {  	v3 =	vand.u32 $0x7, v3;
	v4 =	vand.u32 $0xFFFFFFC0, v4  }
0x27: {  	v3 =	vor.u32 v3, v4  }
0x28: {  	v4 =	vperm.xlane v3, v0  }
0x29: {  	v5 =	vld [tilespmem:$0x80]  }
0x2a: {  	v4 =	vadd.s32 v1, v4;
	_ =	sdelay $0x3  }
0x2b: {  	[tilespmem:$0x280] =	vst v5  }
0x2c: {  	[hbm4b:s4+s2] =	stream.indirect_vreg.scatter [tilespmem:s11], [sflag:$0x4], $0x80, v4, vm0, $0xb8;
	[tilespmem:$0xC400] =	vst v63  }
0x2d: {  	s16 =	simm.s32 $0xC00;
	v3 =	vperm.xlane v3, v2  }
0x2e: {  	[hbm4b:s5+s2] =	stream.indirect_vreg.scatter [tilespmem:s16], [sflag:$0x4], $0x80, v4, vm0, $0xb8;
	[tilespmem:$0xC400] =	vst v63  }
0x2f: {  	s19 =	simm.s32 $0x1400;
	v3 =	vadd.s32 v1, v3  }
0x30: {  	[hbm4b:s6+s2] =	stream.indirect_vreg.scatter [tilespmem:s19], [sflag:$0x4], $0x80, v4, vm0, $0xb8;
	[tilespmem:$0xC400] =	vst v63  }
0x31: {  	s20 =	simm.s32 $0x1C00  }
0x32: {  	[hbm4b:s7+s2] =	stream.indirect_vreg.scatter [tilespmem:s20], [sflag:$0x4], $0x80, v4, vm0, $0xb8;
	[tilespmem:$0xC400] =	vst v63  }
0x33: {  	s22 =	simm.s32 $0x2400  }
0x34: {  	[hbm4b:s4+s2] =	stream.indirect_vreg.scatter [tilespmem:s22], [sflag:$0x4], $0x80, v3, vm0, $0xb8;
	[tilespmem:$0xC400] =	vst v63  }
0x35: {  	s24 =	simm.s32 $0x2C00  }
0x36: {  	[hbm4b:s5+s2] =	stream.indirect_vreg.scatter [tilespmem:s24], [sflag:$0x4], $0x80, v3, vm0, $0xb8;
	[tilespmem:$0xC400] =	vst v63  }
0x37: {  	s25 =	simm.s32 $0x3400  }
0x38: {  	[hbm4b:s6+s2] =	stream.indirect_vreg.scatter [tilespmem:s25], [sflag:$0x4], $0x80, v3, vm0, $0xb8;
	[tilespmem:$0xC400] =	vst v63  }
0x39: {  	s26 =	simm.s32 $0x3C00  }
0x3a: {  	[hbm4b:s7+s2] =	stream.indirect_vreg.scatter [tilespmem:s26], [sflag:$0x4], $0x80, v3, vm0, $0xb8;
	[tilespmem:$0xC400] =	vst v63  }
0x3b: {  	v3 =	vld [tilespmem:$0x280];
	_ =	sdelay $0x4  }
0x3c: {  	v42 =	vshll.u32 v3, $0x3  }
0x3d: {  	v3 =	vand.u32 $0x7, v3;
	v4 =	vand.u32 $0xFFFFFFC0, v42  }
0x3e: {  	v3 =	vor.u32 v3, v4  }
0x3f: {  	v4 =	vperm.xlane v3, v0;
	_ =	sdelay $0x1  }
0x40: {  	v4 =	vadd.s32 v1, v4;
	_ =	sdelay $0x4  }
0x41: {  	[hbm4b:s4+s2] =	stream.indirect_vreg.scatter [tilespmem:s11], [sflag:$0x7], $0x80, v4, vm0, $0xb8;
	[tilespmem:$0xC400] =	vst v63  }
0x42: {  	s12 =	simm.s32 $0xC00;
	v3 =	vperm.xlane v3, v2  }
0x43: {  	[hbm4b:s5+s2] =	stream.indirect_vreg.scatter [tilespmem:s12], [sflag:$0x7], $0x80, v4, vm0, $0xb8;
	[tilespmem:$0xC400] =	vst v63  }
0x44: {  	s1 =	simm.s32 $0x1400;
	v3 =	vadd.s32 v1, v3  }
0x45: {  	[hbm4b:s6+s2] =	stream.indirect_vreg.scatter [tilespmem:s1], [sflag:$0x7], $0x80, v4, vm0, $0xb8;
	[tilespmem:$0xC400] =	vst v63  }
0x46: {  	s3 =	simm.s32 $0x1C00  }
0x47: {  	[hbm4b:s7+s2] =	stream.indirect_vreg.scatter [tilespmem:s3], [sflag:$0x7], $0x80, v4, vm0, $0xb8;
	[tilespmem:$0xC400] =	vst v63  }
0x48: {  	s8 =	simm.s32 $0x2400  }
0x49: {  	[hbm4b:s4+s2] =	stream.indirect_vreg.scatter [tilespmem:s8], [sflag:$0x7], $0x80, v3, vm0, $0xb8;
	[tilespmem:$0xC400] =	vst v63  }
0x4a: {  	s9 =	simm.s32 $0x2C00  }
0x4b: {  	[hbm4b:s5+s2] =	stream.indirect_vreg.scatter [tilespmem:s9], [sflag:$0x7], $0x80, v3, vm0, $0xb8;
	[tilespmem:$0xC400] =	vst v63  }
0x4c: {  	s10 =	simm.s32 $0x3400  }
0x4d: {  	[hbm4b:s6+s2] =	stream.indirect_vreg.scatter [tilespmem:s10], [sflag:$0x7], $0x80, v3, vm0, $0xb8;
	[tilespmem:$0xC400] =	vst v63  }
0x4e: {  	s28 =	simm.s32 $0x3C00  }
0x4f: {  	[hbm4b:s7+s2] =	stream.indirect_vreg.scatter [tilespmem:s28], [sflag:$0x7], $0x80, v3, vm0, $0xb8;
	[tilespmem:$0xC400] =	vst v63  }
0x50: {  	s3 =	rddreg [dreg:$0x6]  }
0x51: {  	[tilespmem:s23], [sflag:$0x3] =	stream.linear.gather [hbm4b:s3+s2], $0x4000, $0x38;
	[tilespmem:$0xC400] =	vst v63  }
0x52: {  	_ =	swait.ge [sflag:s30], $0x4000  }
0x53: {  	[sflag:s30] =	ssyncset.done $0x0  }
0x54: {  	[sflag:s30] =	ssyncadd.s32 $0xFFFFC000  }
0x55: {  	v3 =	vld [tilespmem:$0x10];
	_ =	sdelay $0x4  }
0x56: {  	[tilespmem:$0x180] =	vst v3  }
0x57: {  	v3 =	vld [tilespmem:$0x180];
	_ =	sdelay $0x4  }
0x58: {  	v43 =	vshll.u32 v3, $0x3  }
0x59: {  	v3 =	vand.u32 $0x7, v3;
	v4 =	vand.u32 $0xFFFFFFC0, v43  }
0x5a: {  	v3 =	vor.u32 v3, v4  }
0x5b: {  	v4 =	vperm.xlane v3, v0  }
0x5c: {  	v44 =	vld [tilespmem:$0x90]  }
0x5d: {  	v4 =	vadd.s32 v1, v4;
	_ =	sdelay $0x3  }
0x5e: {  	s13 =	simm.s32 $0x4400;
	[tilespmem:$0x300] =	vst v44  }
0x5f: {  	[hbm4b:s4+s2] =	stream.indirect_vreg.scatter [tilespmem:s13], [sflag:$0x5], $0x80, v4, vm0, $0xb8;
	[tilespmem:$0xC400] =	vst v63  }
0x60: {  	s8 =	simm.s32 $0x4C00;
	v3 =	vperm.xlane v3, v2  }
0x61: {  	[hbm4b:s5+s2] =	stream.indirect_vreg.scatter [tilespmem:s8], [sflag:$0x5], $0x80, v4, vm0, $0xb8;
	[tilespmem:$0xC400] =	vst v63  }
0x62: {  	s10 =	simm.s32 $0x5400;
	v3 =	vadd.s32 v1, v3  }
0x63: {  	[hbm4b:s6+s2] =	stream.indirect_vreg.scatter [tilespmem:s10], [sflag:$0x5], $0x80, v4, vm0, $0xb8;
	[tilespmem:$0xC400] =	vst v63  }
0x64: {  	s14 =	simm.s32 $0x5C00  }
0x65: {  	[hbm4b:s7+s2] =	stream.indirect_vreg.scatter [tilespmem:s14], [sflag:$0x5], $0x80, v4, vm0, $0xb8;
	[tilespmem:$0xC400] =	vst v63  }
0x66: {  	s16 =	simm.s32 $0x6400  }
0x67: {  	[hbm4b:s4+s2] =	stream.indirect_vreg.scatter [tilespmem:s16], [sflag:$0x5], $0x80, v3, vm0, $0xb8;
	[tilespmem:$0xC400] =	vst v63  }
0x68: {  	s20 =	simm.s32 $0x6C00  }
0x69: {  	[hbm4b:s5+s2] =	stream.indirect_vreg.scatter [tilespmem:s20], [sflag:$0x5], $0x80, v3, vm0, $0xb8;
	[tilespmem:$0xC400] =	vst v63  }
0x6a: {  	s24 =	simm.s32 $0x7400  }
0x6b: {  	[hbm4b:s6+s2] =	stream.indirect_vreg.scatter [tilespmem:s24], [sflag:$0x5], $0x80, v3, vm0, $0xb8;
	[tilespmem:$0xC400] =	vst v63  }
0x6c: {  	s26 =	simm.s32 $0x7C00  }
0x6d: {  	[hbm4b:s7+s2] =	stream.indirect_vreg.scatter [tilespmem:s26], [sflag:$0x5], $0x80, v3, vm0, $0xb8;
	[tilespmem:$0xC400] =	vst v63  }
0x6e: {  	v3 =	vld [tilespmem:$0x300];
	_ =	sdelay $0x4  }
0x6f: {  	v45 =	vshll.u32 v3, $0x3  }
0x70: {  	v3 =	vand.u32 $0x7, v3;
	v4 =	vand.u32 $0xFFFFFFC0, v45  }
0x71: {  	v3 =	vor.u32 v3, v4  }
0x72: {  	v4 =	vperm.xlane v3, v0;
	_ =	sdelay $0x1  }
0x73: {  	v4 =	vadd.s32 v1, v4;
	_ =	sdelay $0x4  }
0x74: {  	[hbm4b:s4+s2] =	stream.indirect_vreg.scatter [tilespmem:s13], [sflag:$0x8], $0x80, v4, vm0, $0xb8;
	[tilespmem:$0xC400] =	vst v63  }
0x75: {  	s9 =	simm.s32 $0x4C00;
	v3 =	vperm.xlane v3, v2  }
0x76: {  	[hbm4b:s5+s2] =	stream.indirect_vreg.scatter [tilespmem:s9], [sflag:$0x8], $0x80, v4, vm0, $0xb8;
	[tilespmem:$0xC400] =	vst v63  }
0x77: {  	s12 =	simm.s32 $0x5400;
	v3 =	vadd.s32 v1, v3  }
0x78: {  	[hbm4b:s6+s2] =	stream.indirect_vreg.scatter [tilespmem:s12], [sflag:$0x8], $0x80, v4, vm0, $0xb8;
	[tilespmem:$0xC400] =	vst v63  }
0x79: {  	s15 =	simm.s32 $0x5C00  }
0x7a: {  	[hbm4b:s7+s2] =	stream.indirect_vreg.scatter [tilespmem:s15], [sflag:$0x8], $0x80, v4, vm0, $0xb8;
	[tilespmem:$0xC400] =	vst v63  }
0x7b: {  	s19 =	simm.s32 $0x6400  }
0x7c: {  	[hbm4b:s4+s2] =	stream.indirect_vreg.scatter [tilespmem:s19], [sflag:$0x8], $0x80, v3, vm0, $0xb8;
	[tilespmem:$0xC400] =	vst v63  }
0x7d: {  	s22 =	simm.s32 $0x6C00  }
0x7e: {  	[hbm4b:s5+s2] =	stream.indirect_vreg.scatter [tilespmem:s22], [sflag:$0x8], $0x80, v3, vm0, $0xb8;
	[tilespmem:$0xC400] =	vst v63  }
0x7f: {  	s25 =	simm.s32 $0x7400  }
0x80: {  	[hbm4b:s6+s2] =	stream.indirect_vreg.scatter [tilespmem:s25], [sflag:$0x8], $0x80, v3, vm0, $0xb8;
	[tilespmem:$0xC400] =	vst v63  }
0x81: {  	s28 =	simm.s32 $0x7C00  }
0x82: {  	[hbm4b:s7+s2] =	stream.indirect_vreg.scatter [tilespmem:s28], [sflag:$0x8], $0x80, v3, vm0, $0xb8;
	[tilespmem:$0xC400] =	vst v63  }
0x83: {  	_ =	swait.ge [sflag:s31], $0x4000  }
0x84: {  	[sflag:s31] =	ssyncset.done $0x0  }
0x85: {  	s3 =	simm.s32 $0x7;
	[sflag:s31] =	ssyncadd.s32 $0xFFFFC000  }
0x86: {  	_ =	swait.ge [sflag:s3], $0x4000  }
0x87: {  	[sflag:s3] =	ssyncset.done $0x0  }
0x88: {  	s13 =	simm.s32 $0x3;
	s10 =	rddreg [dreg:$0x7];
	[sflag:s3] =	ssyncadd.s32 $0xFFFFC000  }
0x89: {  	[tilespmem:s11], [sflag:$0x1] =	stream.linear.gather [hbm4b:s10+s2], $0x4000, $0x38;
	[tilespmem:$0xC400] =	vst v63  }
0x8a: {  	_ =	swait.ge [sflag:s13], $0x4000  }
0x8b: {  	[sflag:s13] =	ssyncset.done $0x0  }
0x8c: {  	[sflag:s13] =	ssyncadd.s32 $0xFFFFC000  }
0x8d: {  	v3 =	vld [tilespmem:$0x20];
	_ =	sdelay $0x4  }
0x8e: {  	[tilespmem:$0x200] =	vst v3  }
0x8f: {  	v3 =	vld [tilespmem:$0x200];
	_ =	sdelay $0x4  }
0x90: {  	v46 =	vshll.u32 v3, $0x3  }
0x91: {  	v3 =	vand.u32 $0x7, v3;
	v4 =	vand.u32 $0xFFFFFFC0, v46  }
0x92: {  	v3 =	vor.u32 v3, v4  }
0x93: {  	v4 =	vperm.xlane v3, v0  }
0x94: {  	v47 =	vld [tilespmem:$0xA0]  }
0x95: {  	v4 =	vadd.s32 v1, v4;
	_ =	sdelay $0x3  }
0x96: {  	[tilespmem:$0x380] =	vst v47  }
0x97: {  	[hbm4b:s4+s2] =	stream.indirect_vreg.scatter [tilespmem:s23], [sflag:$0x6], $0x80, v4, vm0, $0xb8;
	[tilespmem:$0xC400] =	vst v63  }
0x98: {  	s10 =	simm.s32 $0x8C00;
	v3 =	vperm.xlane v3, v2  }
0x99: {  	[hbm4b:s5+s2] =	stream.indirect_vreg.scatter [tilespmem:s10], [sflag:$0x6], $0x80, v4, vm0, $0xb8;
	[tilespmem:$0xC400] =	vst v63  }
0x9a: {  	s12 =	simm.s32 $0x9400;
	v3 =	vadd.s32 v1, v3  }
0x9b: {  	[hbm4b:s6+s2] =	stream.indirect_vreg.scatter [tilespmem:s12], [sflag:$0x6], $0x80, v4, vm0, $0xb8;
	[tilespmem:$0xC400] =	vst v63  }
0x9c: {  	_ = 	snop  }
0x9d: {  	[hbm4b:s7+s2] =	stream.indirect_vreg.scatter [tilespmem:s18], [sflag:$0x6], $0x80, v4, vm0, $0xb8;
	[tilespmem:$0xC400] =	vst v63  }
0x9e: {  	s9 =	simm.s32 $0xA400  }
0x9f: {  	[hbm4b:s4+s2] =	stream.indirect_vreg.scatter [tilespmem:s9], [sflag:$0x6], $0x80, v3, vm0, $0xb8;
	[tilespmem:$0xC400] =	vst v63  }
0xa0: {  	s12 =	simm.s32 $0xAC00  }
0xa1: {  	[hbm4b:s5+s2] =	stream.indirect_vreg.scatter [tilespmem:s12], [sflag:$0x6], $0x80, v3, vm0, $0xb8;
	[tilespmem:$0xC400] =	vst v63  }
0xa2: {  	s15 =	simm.s32 $0xB400  }
0xa3: {  	[hbm4b:s6+s2] =	stream.indirect_vreg.scatter [tilespmem:s15], [sflag:$0x6], $0x80, v3, vm0, $0xb8;
	[tilespmem:$0xC400] =	vst v63  }
0xa4: {  	s16 =	simm.s32 $0xBC00  }
0xa5: {  	[hbm4b:s7+s2] =	stream.indirect_vreg.scatter [tilespmem:s16], [sflag:$0x6], $0x80, v3, vm0, $0xb8;
	[tilespmem:$0xC400] =	vst v63  }
0xa6: {  	v3 =	vld [tilespmem:$0x380];
	_ =	sdelay $0x4  }
0xa7: {  	v48 =	vshll.u32 v3, $0x3  }
0xa8: {  	v3 =	vand.u32 $0x7, v3;
	v4 =	vand.u32 $0xFFFFFFC0, v48  }
0xa9: {  	v3 =	vor.u32 v3, v4  }
0xaa: {  	v4 =	vperm.xlane v3, v0;
	_ =	sdelay $0x1  }
0xab: {  	v4 =	vadd.s32 v1, v4;
	_ =	sdelay $0x4  }
0xac: {  	[hbm4b:s4+s2] =	stream.indirect_vreg.scatter [tilespmem:s23], [sflag:$0x9], $0x80, v4, vm0, $0xb8;
	[tilespmem:$0xC400] =	vst v63  }
0xad: {  	v3 =	vperm.xlane v3, v2  }
0xae: {  	[hbm4b:s5+s2] =	stream.indirect_vreg.scatter [tilespmem:s10], [sflag:$0x9], $0x80, v4, vm0, $0xb8;
	[tilespmem:$0xC400] =	vst v63  }
0xaf: {  	s14 =	simm.s32 $0x9400;
	v3 =	vadd.s32 v1, v3  }
0xb0: {  	[hbm4b:s6+s2] =	stream.indirect_vreg.scatter [tilespmem:s14], [sflag:$0x9], $0x80, v4, vm0, $0xb8;
	[tilespmem:$0xC400] =	vst v63  }
0xb1: {  	_ = 	snop  }
0xb2: {  	[hbm4b:s7+s2] =	stream.indirect_vreg.scatter [tilespmem:s18], [sflag:$0x9], $0x80, v4, vm0, $0xb8;
	[tilespmem:$0xC400] =	vst v63  }
0xb3: {  	_ = 	snop  }
0xb4: {  	[hbm4b:s4+s2] =	stream.indirect_vreg.scatter [tilespmem:s9], [sflag:$0x9], $0x80, v3, vm0, $0xb8;
	[tilespmem:$0xC400] =	vst v63  }
0xb5: {  	_ = 	snop  }
0xb6: {  	[hbm4b:s5+s2] =	stream.indirect_vreg.scatter [tilespmem:s12], [sflag:$0x9], $0x80, v3, vm0, $0xb8;
	[tilespmem:$0xC400] =	vst v63  }
0xb7: {  	_ = 	snop  }
0xb8: {  	[hbm4b:s6+s2] =	stream.indirect_vreg.scatter [tilespmem:s15], [sflag:$0x9], $0x80, v3, vm0, $0xb8;
	[tilespmem:$0xC400] =	vst v63  }
0xb9: {  	s0 =	simm.s32 $0x5  }
0xba: {  	[hbm4b:s7+s2] =	stream.indirect_vreg.scatter [tilespmem:s16], [sflag:$0x9], $0x80, v3, vm0, $0xb8;
	[tilespmem:$0xC400] =	vst v63  }
0xbb: {  	_ =	swait.ge [sflag:s0], $0x4000  }
0xbc: {  	[sflag:s0] =	ssyncset.done $0x0  }
0xbd: {  	s1 =	simm.s32 $0x8;
	[sflag:s0] =	ssyncadd.s32 $0xFFFFC000  }
0xbe: {  	_ =	swait.ge [sflag:s1], $0x4000  }
0xbf: {  	[sflag:s1] =	ssyncset.done $0x0  }
0xc0: {  	s20 =	simm.s32 $0x4400;
	s19 =	rddreg [dreg:$0x8];
	[sflag:s1] =	ssyncadd.s32 $0xFFFFC000  }
0xc1: {  	[tilespmem:s20], [sflag:$0x2] =	stream.linear.gather [hbm4b:s19+s2], $0x4000, $0x38;
	[tilespmem:$0xC400] =	vst v63  }
0xc2: {  	_ =	swait.ge [sflag:s21], $0x4000  }
0xc3: {  	[sflag:s21] =	ssyncset.done $0x0  }
0xc4: {  	[sflag:s21] =	ssyncadd.s32 $0xFFFFC000  }
0xc5: {  	v3 =	vld [tilespmem:$0x30];
	_ =	sdelay $0x4  }
0xc6: {  	[tilespmem:$0x100] =	vst v3  }
0xc7: {  	v3 =	vld [tilespmem:$0x100];
	_ =	sdelay $0x4  }
0xc8: {  	v49 =	vshll.u32 v3, $0x3  }
0xc9: {  	v3 =	vand.u32 $0x7, v3;
	v4 =	vand.u32 $0xFFFFFFC0, v49  }
0xca: {  	v3 =	vor.u32 v3, v4  }
0xcb: {  	v4 =	vperm.xlane v3, v0  }
0xcc: {  	v50 =	vld [tilespmem:$0xB0]  }
0xcd: {  	v4 =	vadd.s32 v1, v4;
	_ =	sdelay $0x3  }
0xce: {  	[tilespmem:$0x280] =	vst v50  }
0xcf: {  	[hbm4b:s4+s2] =	stream.indirect_vreg.scatter [tilespmem:s11], [sflag:$0x4], $0x80, v4, vm0, $0xb8;
	[tilespmem:$0xC400] =	vst v63  }
0xd0: {  	s25 =	simm.s32 $0xC00;
	v3 =	vperm.xlane v3, v2  }
0xd1: {  	[hbm4b:s5+s2] =	stream.indirect_vreg.scatter [tilespmem:s25], [sflag:$0x4], $0x80, v4, vm0, $0xb8;
	[tilespmem:$0xC400] =	vst v63  }
0xd2: {  	s20 =	simm.s32 $0x1400;
	v3 =	vadd.s32 v1, v3  }
0xd3: {  	[hbm4b:s6+s2] =	stream.indirect_vreg.scatter [tilespmem:s20], [sflag:$0x4], $0x80, v4, vm0, $0xb8;
	[tilespmem:$0xC400] =	vst v63  }
0xd4: {  	s28 =	simm.s32 $0x1C00  }
0xd5: {  	[hbm4b:s7+s2] =	stream.indirect_vreg.scatter [tilespmem:s28], [sflag:$0x4], $0x80, v4, vm0, $0xb8;
	[tilespmem:$0xC400] =	vst v63  }
0xd6: {  	s19 =	simm.s32 $0x2400  }
0xd7: {  	[hbm4b:s4+s2] =	stream.indirect_vreg.scatter [tilespmem:s19], [sflag:$0x4], $0x80, v3, vm0, $0xb8;
	[tilespmem:$0xC400] =	vst v63  }
0xd8: {  	s22 =	simm.s32 $0x2C00  }
0xd9: {  	[hbm4b:s5+s2] =	stream.indirect_vreg.scatter [tilespmem:s22], [sflag:$0x4], $0x80, v3, vm0, $0xb8;
	[tilespmem:$0xC400] =	vst v63  }
0xda: {  	s24 =	simm.s32 $0x3400  }
0xdb: {  	[hbm4b:s6+s2] =	stream.indirect_vreg.scatter [tilespmem:s24], [sflag:$0x4], $0x80, v3, vm0, $0xb8;
	[tilespmem:$0xC400] =	vst v63  }
0xdc: {  	s26 =	simm.s32 $0x3C00  }
0xdd: {  	[hbm4b:s7+s2] =	stream.indirect_vreg.scatter [tilespmem:s26], [sflag:$0x4], $0x80, v3, vm0, $0xb8;
	[tilespmem:$0xC400] =	vst v63  }
0xde: {  	v3 =	vld [tilespmem:$0x280];
	_ =	sdelay $0x4  }
0xdf: {  	v51 =	vshll.u32 v3, $0x3  }
0xe0: {  	v3 =	vand.u32 $0x7, v3;
	v4 =	vand.u32 $0xFFFFFFC0, v51  }
0xe1: {  	v3 =	vor.u32 v3, v4  }
0xe2: {  	v4 =	vperm.xlane v3, v0;
	_ =	sdelay $0x1  }
0xe3: {  	v4 =	vadd.s32 v1, v4;
	_ =	sdelay $0x4  }
0xe4: {  	[hbm4b:s4+s2] =	stream.indirect_vreg.scatter [tilespmem:s11], [sflag:$0x7], $0x80, v4, vm0, $0xb8;
	[tilespmem:$0xC400] =	vst v63  }
0xe5: {  	v3 =	vperm.xlane v3, v2  }
0xe6: {  	[hbm4b:s5+s2] =	stream.indirect_vreg.scatter [tilespmem:s25], [sflag:$0x7], $0x80, v4, vm0, $0xb8;
	[tilespmem:$0xC400] =	vst v63  }
0xe7: {  	v3 =	vadd.s32 v1, v3  }
0xe8: {  	[hbm4b:s6+s2] =	stream.indirect_vreg.scatter [tilespmem:s20], [sflag:$0x7], $0x80, v4, vm0, $0xb8;
	[tilespmem:$0xC400] =	vst v63  }
0xe9: {  	_ = 	snop  }
0xea: {  	[hbm4b:s7+s2] =	stream.indirect_vreg.scatter [tilespmem:s28], [sflag:$0x7], $0x80, v4, vm0, $0xb8;
	[tilespmem:$0xC400] =	vst v63  }
0xeb: {  	_ = 	snop  }
0xec: {  	[hbm4b:s4+s2] =	stream.indirect_vreg.scatter [tilespmem:s19], [sflag:$0x7], $0x80, v3, vm0, $0xb8;
	[tilespmem:$0xC400] =	vst v63  }
0xed: {  	_ = 	snop  }
0xee: {  	[hbm4b:s5+s2] =	stream.indirect_vreg.scatter [tilespmem:s22], [sflag:$0x7], $0x80, v3, vm0, $0xb8;
	[tilespmem:$0xC400] =	vst v63  }
0xef: {  	_ = 	snop  }
0xf0: {  	[hbm4b:s6+s2] =	stream.indirect_vreg.scatter [tilespmem:s24], [sflag:$0x7], $0x80, v3, vm0, $0xb8;
	[tilespmem:$0xC400] =	vst v63  }
0xf1: {  	s8 =	simm.s32 $0x6  }
0xf2: {  	[hbm4b:s7+s2] =	stream.indirect_vreg.scatter [tilespmem:s26], [sflag:$0x7], $0x80, v3, vm0, $0xb8;
	[tilespmem:$0xC400] =	vst v63  }
0xf3: {  	_ =	swait.ge [sflag:s8], $0x4000  }
0xf4: {  	[sflag:s8] =	ssyncset.done $0x0  }
0xf5: {  	s20 =	simm.s32 $0x9;
	[sflag:s8] =	ssyncadd.s32 $0xFFFFC000  }
0xf6: {  	_ =	swait.ge [sflag:s20], $0x4000  }
0xf7: {  	[sflag:s20] =	ssyncset.done $0x0  }
0xf8: {  	s28 =	rddreg [dreg:$0x9];
	[sflag:s20] =	ssyncadd.s32 $0xFFFFC000  }
0xf9: {  	[tilespmem:s23], [sflag:$0x3] =	stream.linear.gather [hbm4b:s28+s2], $0x4000, $0x38;
	[tilespmem:$0xC400] =	vst v63  }
0xfa: {  	_ =	swait.ge [sflag:s30], $0x4000  }
0xfb: {  	[sflag:s30] =	ssyncset.done $0x0  }
0xfc: {  	[sflag:s30] =	ssyncadd.s32 $0xFFFFC000  }
0xfd: {  	v3 =	vld [tilespmem:$0x40];
	_ =	sdelay $0x4  }
0xfe: {  	[tilespmem:$0x180] =	vst v3  }
0xff: {  	v3 =	vld [tilespmem:$0x180];
	_ =	sdelay $0x4  }
0x100: {  	v52 =	vshll.u32 v3, $0x3  }
0x101: {  	v3 =	vand.u32 $0x7, v3;
	v4 =	vand.u32 $0xFFFFFFC0, v52  }
0x102: {  	v3 =	vor.u32 v3, v4  }
0x103: {  	v4 =	vperm.xlane v3, v0  }
0x104: {  	v53 =	vld [tilespmem:$0xC0]  }
0x105: {  	v4 =	vadd.s32 v1, v4;
	_ =	sdelay $0x3  }
0x106: {  	s19 =	simm.s32 $0x4400;
	[tilespmem:$0x300] =	vst v53  }
0x107: {  	[hbm4b:s4+s2] =	stream.indirect_vreg.scatter [tilespmem:s19], [sflag:$0x5], $0x80, v4, vm0, $0xb8;
	[tilespmem:$0xC400] =	vst v63  }
0x108: {  	s24 =	simm.s32 $0x4C00;
	v3 =	vperm.xlane v3, v2  }
0x109: {  	[hbm4b:s5+s2] =	stream.indirect_vreg.scatter [tilespmem:s24], [sflag:$0x5], $0x80, v4, vm0, $0xb8;
	[tilespmem:$0xC400] =	vst v63  }
0x10a: {  	s25 =	simm.s32 $0x5400;
	v3 =	vadd.s32 v1, v3  }
0x10b: {  	[hbm4b:s6+s2] =	stream.indirect_vreg.scatter [tilespmem:s25], [sflag:$0x5], $0x80, v4, vm0, $0xb8;
	[tilespmem:$0xC400] =	vst v63  }
0x10c: {  	s26 =	simm.s32 $0x5C00  }
0x10d: {  	[hbm4b:s7+s2] =	stream.indirect_vreg.scatter [tilespmem:s26], [sflag:$0x5], $0x80, v4, vm0, $0xb8;
	[tilespmem:$0xC400] =	vst v63  }
0x10e: {  	s28 =	simm.s32 $0x6400  }
0x10f: {  	[hbm4b:s4+s2] =	stream.indirect_vreg.scatter [tilespmem:s28], [sflag:$0x5], $0x80, v3, vm0, $0xb8;
	[tilespmem:$0xC400] =	vst v63  }
0x110: {  	_ = 	snop  }
0x111: {  	[hbm4b:s5+s2] =	stream.indirect_vreg.scatter [tilespmem:s29], [sflag:$0x5], $0x80, v3, vm0, $0xb8;
	[tilespmem:$0xC400] =	vst v63  }
0x112: {  	s14 =	simm.s32 $0x7400  }
0x113: {  	[hbm4b:s6+s2] =	stream.indirect_vreg.scatter [tilespmem:s14], [sflag:$0x5], $0x80, v3, vm0, $0xb8;
	[tilespmem:$0xC400] =	vst v63  }
0x114: {  	s22 =	simm.s32 $0x7C00  }
0x115: {  	[hbm4b:s7+s2] =	stream.indirect_vreg.scatter [tilespmem:s22], [sflag:$0x5], $0x80, v3, vm0, $0xb8;
	[tilespmem:$0xC400] =	vst v63  }
0x116: {  	v3 =	vld [tilespmem:$0x300];
	_ =	sdelay $0x4  }
0x117: {  	v54 =	vshll.u32 v3, $0x3  }
0x118: {  	v3 =	vand.u32 $0x7, v3;
	v4 =	vand.u32 $0xFFFFFFC0, v54  }
0x119: {  	v3 =	vor.u32 v3, v4  }
0x11a: {  	v4 =	vperm.xlane v3, v0;
	_ =	sdelay $0x1  }
0x11b: {  	v4 =	vadd.s32 v1, v4;
	_ =	sdelay $0x4  }
0x11c: {  	[hbm4b:s4+s2] =	stream.indirect_vreg.scatter [tilespmem:s19], [sflag:$0x8], $0x80, v4, vm0, $0xb8;
	[tilespmem:$0xC400] =	vst v63  }
0x11d: {  	v3 =	vperm.xlane v3, v2  }
0x11e: {  	[hbm4b:s5+s2] =	stream.indirect_vreg.scatter [tilespmem:s24], [sflag:$0x8], $0x80, v4, vm0, $0xb8;
	[tilespmem:$0xC400] =	vst v63  }
0x11f: {  	v3 =	vadd.s32 v1, v3  }
0x120: {  	[hbm4b:s6+s2] =	stream.indirect_vreg.scatter [tilespmem:s25], [sflag:$0x8], $0x80, v4, vm0, $0xb8;
	[tilespmem:$0xC400] =	vst v63  }
0x121: {  	_ = 	snop  }
0x122: {  	[hbm4b:s7+s2] =	stream.indirect_vreg.scatter [tilespmem:s26], [sflag:$0x8], $0x80, v4, vm0, $0xb8;
	[tilespmem:$0xC400] =	vst v63  }
0x123: {  	_ = 	snop  }
0x124: {  	[hbm4b:s4+s2] =	stream.indirect_vreg.scatter [tilespmem:s28], [sflag:$0x8], $0x80, v3, vm0, $0xb8;
	[tilespmem:$0xC400] =	vst v63  }
0x125: {  	_ = 	snop  }
0x126: {  	[hbm4b:s5+s2] =	stream.indirect_vreg.scatter [tilespmem:s29], [sflag:$0x8], $0x80, v3, vm0, $0xb8;
	[tilespmem:$0xC400] =	vst v63  }
0x127: {  	_ = 	snop  }
0x128: {  	[hbm4b:s6+s2] =	stream.indirect_vreg.scatter [tilespmem:s14], [sflag:$0x8], $0x80, v3, vm0, $0xb8;
	[tilespmem:$0xC400] =	vst v63  }
0x129: {  	_ = 	snop  }
0x12a: {  	[hbm4b:s7+s2] =	stream.indirect_vreg.scatter [tilespmem:s22], [sflag:$0x8], $0x80, v3, vm0, $0xb8;
	[tilespmem:$0xC400] =	vst v63  }
0x12b: {  	_ =	swait.ge [sflag:s31], $0x4000  }
0x12c: {  	[sflag:s31] =	ssyncset.done $0x0  }
0x12d: {  	[sflag:s31] =	ssyncadd.s32 $0xFFFFC000  }
0x12e: {  	_ =	swait.ge [sflag:s3], $0x4000  }
0x12f: {  	[sflag:s3] =	ssyncset.done $0x0  }
0x130: {  	s14 =	rddreg [dreg:$0xa];
	[sflag:s3] =	ssyncadd.s32 $0xFFFFC000  }
0x131: {  	[tilespmem:s11], [sflag:$0x1] =	stream.linear.gather [hbm4b:s14+s2], $0x4000, $0x38;
	[tilespmem:$0xC400] =	vst v63  }
0x132: {  	_ =	swait.ge [sflag:s13], $0x4000  }
0x133: {  	[sflag:s13] =	ssyncset.done $0x0  }
0x134: {  	[sflag:s13] =	ssyncadd.s32 $0xFFFFC000  }
0x135: {  	v3 =	vld [tilespmem:$0x50];
	_ =	sdelay $0x4  }
0x136: {  	[tilespmem:$0x200] =	vst v3  }
0x137: {  	v3 =	vld [tilespmem:$0x200];
	_ =	sdelay $0x4  }
0x138: {  	v55 =	vshll.u32 v3, $0x3  }
0x139: {  	v3 =	vand.u32 $0x7, v3;
	v4 =	vand.u32 $0xFFFFFFC0, v55  }
0x13a: {  	v3 =	vor.u32 v3, v4  }
0x13b: {  	v4 =	vperm.xlane v3, v0  }
0x13c: {  	v56 =	vld [tilespmem:$0xD0]  }
0x13d: {  	v4 =	vadd.s32 v1, v4;
	_ =	sdelay $0x3  }
0x13e: {  	[tilespmem:$0x380] =	vst v56  }
0x13f: {  	[hbm4b:s4+s2] =	stream.indirect_vreg.scatter [tilespmem:s23], [sflag:$0x6], $0x80, v4, vm0, $0xb8;
	[tilespmem:$0xC400] =	vst v63  }
0x140: {  	v3 =	vperm.xlane v3, v2  }
0x141: {  	[hbm4b:s5+s2] =	stream.indirect_vreg.scatter [tilespmem:s10], [sflag:$0x6], $0x80, v4, vm0, $0xb8;
	[tilespmem:$0xC400] =	vst v63  }
0x142: {  	s14 =	simm.s32 $0x9400;
	v3 =	vadd.s32 v1, v3  }
0x143: {  	[hbm4b:s6+s2] =	stream.indirect_vreg.scatter [tilespmem:s14], [sflag:$0x6], $0x80, v4, vm0, $0xb8;
	[tilespmem:$0xC400] =	vst v63  }
0x144: {  	_ = 	snop  }
0x145: {  	[hbm4b:s7+s2] =	stream.indirect_vreg.scatter [tilespmem:s18], [sflag:$0x6], $0x80, v4, vm0, $0xb8;
	[tilespmem:$0xC400] =	vst v63  }
0x146: {  	_ = 	snop  }
0x147: {  	[hbm4b:s4+s2] =	stream.indirect_vreg.scatter [tilespmem:s9], [sflag:$0x6], $0x80, v3, vm0, $0xb8;
	[tilespmem:$0xC400] =	vst v63  }
0x148: {  	_ = 	snop  }
0x149: {  	[hbm4b:s5+s2] =	stream.indirect_vreg.scatter [tilespmem:s12], [sflag:$0x6], $0x80, v3, vm0, $0xb8;
	[tilespmem:$0xC400] =	vst v63  }
0x14a: {  	_ = 	snop  }
0x14b: {  	[hbm4b:s6+s2] =	stream.indirect_vreg.scatter [tilespmem:s15], [sflag:$0x6], $0x80, v3, vm0, $0xb8;
	[tilespmem:$0xC400] =	vst v63  }
0x14c: {  	_ = 	snop  }
0x14d: {  	[hbm4b:s7+s2] =	stream.indirect_vreg.scatter [tilespmem:s16], [sflag:$0x6], $0x80, v3, vm0, $0xb8;
	[tilespmem:$0xC400] =	vst v63  }
0x14e: {  	v3 =	vld [tilespmem:$0x380];
	_ =	sdelay $0x4  }
0x14f: {  	v57 =	vshll.u32 v3, $0x3  }
0x150: {  	v3 =	vand.u32 $0x7, v3;
	v4 =	vand.u32 $0xFFFFFFC0, v57  }
0x151: {  	v3 =	vor.u32 v3, v4  }
0x152: {  	v4 =	vperm.xlane v3, v0;
	_ =	sdelay $0x1  }
0x153: {  	v4 =	vadd.s32 v1, v4;
	_ =	sdelay $0x4  }
0x154: {  	[hbm4b:s4+s2] =	stream.indirect_vreg.scatter [tilespmem:s23], [sflag:$0x9], $0x80, v4, vm0, $0xb8;
	[tilespmem:$0xC400] =	vst v63  }
0x155: {  	v3 =	vperm.xlane v3, v2  }
0x156: {  	[hbm4b:s5+s2] =	stream.indirect_vreg.scatter [tilespmem:s10], [sflag:$0x9], $0x80, v4, vm0, $0xb8;
	[tilespmem:$0xC400] =	vst v63  }
0x157: {  	v3 =	vadd.s32 v1, v3  }
0x158: {  	[hbm4b:s6+s2] =	stream.indirect_vreg.scatter [tilespmem:s14], [sflag:$0x9], $0x80, v4, vm0, $0xb8;
	[tilespmem:$0xC400] =	vst v63  }
0x159: {  	_ = 	snop  }
0x15a: {  	[hbm4b:s7+s2] =	stream.indirect_vreg.scatter [tilespmem:s18], [sflag:$0x9], $0x80, v4, vm0, $0xb8;
	[tilespmem:$0xC400] =	vst v63  }
0x15b: {  	_ = 	snop  }
0x15c: {  	[hbm4b:s4+s2] =	stream.indirect_vreg.scatter [tilespmem:s9], [sflag:$0x9], $0x80, v3, vm0, $0xb8;
	[tilespmem:$0xC400] =	vst v63  }
0x15d: {  	_ = 	snop  }
0x15e: {  	[hbm4b:s5+s2] =	stream.indirect_vreg.scatter [tilespmem:s12], [sflag:$0x9], $0x80, v3, vm0, $0xb8;
	[tilespmem:$0xC400] =	vst v63  }
0x15f: {  	_ = 	snop  }
0x160: {  	[hbm4b:s6+s2] =	stream.indirect_vreg.scatter [tilespmem:s15], [sflag:$0x9], $0x80, v3, vm0, $0xb8;
	[tilespmem:$0xC400] =	vst v63  }
0x161: {  	_ = 	snop  }
0x162: {  	[hbm4b:s7+s2] =	stream.indirect_vreg.scatter [tilespmem:s16], [sflag:$0x9], $0x80, v3, vm0, $0xb8;
	[tilespmem:$0xC400] =	vst v63  }
0x163: {  	_ =	swait.ge [sflag:s0], $0x4000  }
0x164: {  	[sflag:s0] =	ssyncset.done $0x0  }
0x165: {  	[sflag:s0] =	ssyncadd.s32 $0xFFFFC000  }
0x166: {  	_ =	swait.ge [sflag:s1], $0x4000  }
0x167: {  	[sflag:s1] =	ssyncset.done $0x0  }
0x168: {  	s13 =	simm.s32 $0x4400;
	s12 =	rddreg [dreg:$0xb];
	[sflag:s1] =	ssyncadd.s32 $0xFFFFC000  }
0x169: {  	[tilespmem:s13], [sflag:$0x2] =	stream.linear.gather [hbm4b:s12+s2], $0x4000, $0x38;
	[tilespmem:$0xC400] =	vst v63  }
0x16a: {  	_ =	swait.ge [sflag:s21], $0x4000  }
0x16b: {  	[sflag:s21] =	ssyncset.done $0x0  }
0x16c: {  	[sflag:s21] =	ssyncadd.s32 $0xFFFFC000  }
0x16d: {  	v3 =	vld [tilespmem:$0x60];
	_ =	sdelay $0x4  }
0x16e: {  	[tilespmem:$0x100] =	vst v3  }
0x16f: {  	v3 =	vld [tilespmem:$0x100];
	_ =	sdelay $0x4  }
0x170: {  	v58 =	vshll.u32 v3, $0x3  }
0x171: {  	v3 =	vand.u32 $0x7, v3;
	v4 =	vand.u32 $0xFFFFFFC0, v58  }
0x172: {  	v3 =	vor.u32 v3, v4  }
0x173: {  	v4 =	vperm.xlane v3, v0  }
0x174: {  	v59 =	vld [tilespmem:$0xE0]  }
0x175: {  	v4 =	vadd.s32 v1, v4;
	_ =	sdelay $0x3  }
0x176: {  	[tilespmem:$0x280] =	vst v59  }
0x177: {  	[hbm4b:s4+s2] =	stream.indirect_vreg.scatter [tilespmem:s11], [sflag:$0x4], $0x80, v4, vm0, $0xb8;
	[tilespmem:$0xC400] =	vst v63  }
0x178: {  	s16 =	simm.s32 $0xC00;
	v3 =	vperm.xlane v3, v2  }
0x179: {  	[hbm4b:s5+s2] =	stream.indirect_vreg.scatter [tilespmem:s16], [sflag:$0x4], $0x80, v4, vm0, $0xb8;
	[tilespmem:$0xC400] =	vst v63  }
0x17a: {  	s10 =	simm.s32 $0x1400;
	v3 =	vadd.s32 v1, v3  }
0x17b: {  	[hbm4b:s6+s2] =	stream.indirect_vreg.scatter [tilespmem:s10], [sflag:$0x4], $0x80, v4, vm0, $0xb8;
	[tilespmem:$0xC400] =	vst v63  }
0x17c: {  	s12 =	simm.s32 $0x1C00  }
0x17d: {  	[hbm4b:s7+s2] =	stream.indirect_vreg.scatter [tilespmem:s12], [sflag:$0x4], $0x80, v4, vm0, $0xb8;
	[tilespmem:$0xC400] =	vst v63  }
0x17e: {  	s13 =	simm.s32 $0x2400  }
0x17f: {  	[hbm4b:s4+s2] =	stream.indirect_vreg.scatter [tilespmem:s13], [sflag:$0x4], $0x80, v3, vm0, $0xb8;
	[tilespmem:$0xC400] =	vst v63  }
0x180: {  	s14 =	simm.s32 $0x2C00  }
0x181: {  	[hbm4b:s5+s2] =	stream.indirect_vreg.scatter [tilespmem:s14], [sflag:$0x4], $0x80, v3, vm0, $0xb8;
	[tilespmem:$0xC400] =	vst v63  }
0x182: {  	s15 =	simm.s32 $0x3400  }
0x183: {  	[hbm4b:s6+s2] =	stream.indirect_vreg.scatter [tilespmem:s15], [sflag:$0x4], $0x80, v3, vm0, $0xb8;
	[tilespmem:$0xC400] =	vst v63  }
0x184: {  	s9 =	simm.s32 $0x3C00  }
0x185: {  	[hbm4b:s7+s2] =	stream.indirect_vreg.scatter [tilespmem:s9], [sflag:$0x4], $0x80, v3, vm0, $0xb8;
	[tilespmem:$0xC400] =	vst v63  }
0x186: {  	v3 =	vld [tilespmem:$0x280];
	_ =	sdelay $0x4  }
0x187: {  	v60 =	vshll.u32 v3, $0x3  }
0x188: {  	v3 =	vand.u32 $0x7, v3;
	v4 =	vand.u32 $0xFFFFFFC0, v60  }
0x189: {  	v3 =	vor.u32 v3, v4  }
0x18a: {  	v4 =	vperm.xlane v3, v0;
	_ =	sdelay $0x1  }
0x18b: {  	v4 =	vadd.s32 v1, v4;
	_ =	sdelay $0x4  }
0x18c: {  	[hbm4b:s4+s2] =	stream.indirect_vreg.scatter [tilespmem:s11], [sflag:$0x7], $0x80, v4, vm0, $0xb8;
	[tilespmem:$0xC400] =	vst v63  }
0x18d: {  	v3 =	vperm.xlane v3, v2  }
0x18e: {  	[hbm4b:s5+s2] =	stream.indirect_vreg.scatter [tilespmem:s16], [sflag:$0x7], $0x80, v4, vm0, $0xb8;
	[tilespmem:$0xC400] =	vst v63  }
0x18f: {  	v3 =	vadd.s32 v1, v3  }
0x190: {  	[hbm4b:s6+s2] =	stream.indirect_vreg.scatter [tilespmem:s10], [sflag:$0x7], $0x80, v4, vm0, $0xb8;
	[tilespmem:$0xC400] =	vst v63  }
0x191: {  	_ = 	snop  }
0x192: {  	[hbm4b:s7+s2] =	stream.indirect_vreg.scatter [tilespmem:s12], [sflag:$0x7], $0x80, v4, vm0, $0xb8;
	[tilespmem:$0xC400] =	vst v63  }
0x193: {  	_ = 	snop  }
0x194: {  	[hbm4b:s4+s2] =	stream.indirect_vreg.scatter [tilespmem:s13], [sflag:$0x7], $0x80, v3, vm0, $0xb8;
	[tilespmem:$0xC400] =	vst v63  }
0x195: {  	_ = 	snop  }
0x196: {  	[hbm4b:s5+s2] =	stream.indirect_vreg.scatter [tilespmem:s14], [sflag:$0x7], $0x80, v3, vm0, $0xb8;
	[tilespmem:$0xC400] =	vst v63  }
0x197: {  	_ = 	snop  }
0x198: {  	[hbm4b:s6+s2] =	stream.indirect_vreg.scatter [tilespmem:s15], [sflag:$0x7], $0x80, v3, vm0, $0xb8;
	[tilespmem:$0xC400] =	vst v63  }
0x199: {  	_ = 	snop  }
0x19a: {  	[hbm4b:s7+s2] =	stream.indirect_vreg.scatter [tilespmem:s9], [sflag:$0x7], $0x80, v3, vm0, $0xb8;
	[tilespmem:$0xC400] =	vst v63  }
0x19b: {  	_ =	swait.ge [sflag:s30], $0x4000  }
0x19c: {  	[sflag:s30] =	ssyncset.done $0x0  }
0x19d: {  	[sflag:s30] =	ssyncadd.s32 $0xFFFFC000  }
0x19e: {  	v3 =	vld [tilespmem:$0x70];
	_ =	sdelay $0x4  }
0x19f: {  	[tilespmem:$0x180] =	vst v3  }
0x1a0: {  	v3 =	vld [tilespmem:$0x180];
	_ =	sdelay $0x4  }
0x1a1: {  	v61 =	vshll.u32 v3, $0x3  }
0x1a2: {  	v3 =	vand.u32 $0x7, v3;
	v4 =	vand.u32 $0xFFFFFFC0, v61  }
0x1a3: {  	v3 =	vor.u32 v3, v4  }
0x1a4: {  	v4 =	vperm.xlane v3, v0  }
0x1a5: {  	v62 =	vld [tilespmem:$0xF0]  }
0x1a6: {  	v4 =	vadd.s32 v1, v4;
	_ =	sdelay $0x3  }
0x1a7: {  	s15 =	simm.s32 $0x4400;
	[tilespmem:$0x300] =	vst v62  }
0x1a8: {  	[hbm4b:s4+s2] =	stream.indirect_vreg.scatter [tilespmem:s15], [sflag:$0x5], $0x80, v4, vm0, $0xb8;
	[tilespmem:$0xC400] =	vst v63  }
0x1a9: {  	s16 =	simm.s32 $0x4C00;
	v3 =	vperm.xlane v3, v2  }
0x1aa: {  	[hbm4b:s5+s2] =	stream.indirect_vreg.scatter [tilespmem:s16], [sflag:$0x5], $0x80, v4, vm0, $0xb8;
	[tilespmem:$0xC400] =	vst v63  }
0x1ab: {  	s24 =	simm.s32 $0x5400;
	v3 =	vadd.s32 v1, v3  }
0x1ac: {  	[hbm4b:s6+s2] =	stream.indirect_vreg.scatter [tilespmem:s24], [sflag:$0x5], $0x80, v4, vm0, $0xb8;
	[tilespmem:$0xC400] =	vst v63  }
0x1ad: {  	s25 =	simm.s32 $0x5C00  }
0x1ae: {  	[hbm4b:s7+s2] =	stream.indirect_vreg.scatter [tilespmem:s25], [sflag:$0x5], $0x80, v4, vm0, $0xb8;
	[tilespmem:$0xC400] =	vst v63  }
0x1af: {  	s26 =	simm.s32 $0x6400  }
0x1b0: {  	[hbm4b:s4+s2] =	stream.indirect_vreg.scatter [tilespmem:s26], [sflag:$0x5], $0x80, v3, vm0, $0xb8;
	[tilespmem:$0xC400] =	vst v63  }
0x1b1: {  	s28 =	simm.s32 $0x6C00  }
0x1b2: {  	[hbm4b:s5+s2] =	stream.indirect_vreg.scatter [tilespmem:s28], [sflag:$0x5], $0x80, v3, vm0, $0xb8;
	[tilespmem:$0xC400] =	vst v63  }
0x1b3: {  	s19 =	simm.s32 $0x7400  }
0x1b4: {  	[hbm4b:s6+s2] =	stream.indirect_vreg.scatter [tilespmem:s19], [sflag:$0x5], $0x80, v3, vm0, $0xb8;
	[tilespmem:$0xC400] =	vst v63  }
0x1b5: {  	s22 =	simm.s32 $0x7C00  }
0x1b6: {  	[hbm4b:s7+s2] =	stream.indirect_vreg.scatter [tilespmem:s22], [sflag:$0x5], $0x80, v3, vm0, $0xb8;
	[tilespmem:$0xC400] =	vst v63  }
0x1b7: {  	v3 =	vld [tilespmem:$0x300];
	_ =	sdelay $0x4  }
0x1b8: {  	v63 =	vshll.u32 v3, $0x3  }
0x1b9: {  	v3 =	vand.u32 $0x7, v3;
	v4 =	vand.u32 $0xFFFFFFC0, v63  }
0x1ba: {  	v3 =	vor.u32 v3, v4  }
0x1bb: {  	v4 =	vperm.xlane v3, v0;
	_ =	sdelay $0x1  }
0x1bc: {  	v4 =	vadd.s32 v1, v4;
	_ =	sdelay $0x4  }
0x1bd: {  	[hbm4b:s4+s2] =	stream.indirect_vreg.scatter [tilespmem:s15], [sflag:$0x8], $0x80, v4, vm0, $0xb8;
	[tilespmem:$0xC400] =	vst v63  }
0x1be: {  	v3 =	vperm.xlane v3, v2  }
0x1bf: {  	[hbm4b:s5+s2] =	stream.indirect_vreg.scatter [tilespmem:s16], [sflag:$0x8], $0x80, v4, vm0, $0xb8;
	[tilespmem:$0xC400] =	vst v63  }
0x1c0: {  	v3 =	vadd.s32 v1, v3  }
0x1c1: {  	[hbm4b:s6+s2] =	stream.indirect_vreg.scatter [tilespmem:s24], [sflag:$0x8], $0x80, v4, vm0, $0xb8;
	[tilespmem:$0xC400] =	vst v63  }
0x1c2: {  	_ = 	snop  }
0x1c3: {  	[hbm4b:s7+s2] =	stream.indirect_vreg.scatter [tilespmem:s25], [sflag:$0x8], $0x80, v4, vm0, $0xb8;
	[tilespmem:$0xC400] =	vst v63  }
0x1c4: {  	_ = 	snop  }
0x1c5: {  	[hbm4b:s4+s2] =	stream.indirect_vreg.scatter [tilespmem:s26], [sflag:$0x8], $0x80, v3, vm0, $0xb8;
	[tilespmem:$0xC400] =	vst v63  }
0x1c6: {  	_ = 	snop  }
0x1c7: {  	[hbm4b:s5+s2] =	stream.indirect_vreg.scatter [tilespmem:s28], [sflag:$0x8], $0x80, v3, vm0, $0xb8;
	[tilespmem:$0xC400] =	vst v63  }
0x1c8: {  	_ = 	snop  }
0x1c9: {  	[hbm4b:s6+s2] =	stream.indirect_vreg.scatter [tilespmem:s19], [sflag:$0x8], $0x80, v3, vm0, $0xb8;
	[tilespmem:$0xC400] =	vst v63  }
0x1ca: {  	_ = 	snop  }
0x1cb: {  	[hbm4b:s7+s2] =	stream.indirect_vreg.scatter [tilespmem:s22], [sflag:$0x8], $0x80, v3, vm0, $0xb8;
	[tilespmem:$0xC400] =	vst v63  }
0x1cc: {  	_ =	swait.ge [sflag:s8], $0x4000  }
0x1cd: {  	[sflag:s8] =	ssyncset.done $0x0  }
0x1ce: {  	[sflag:s8] =	ssyncadd.s32 $0xFFFFC000  }
0x1cf: {  	_ =	swait.ge [sflag:s20], $0x4000  }
0x1d0: {  	[sflag:s20] =	ssyncset.done $0x0  }
0x1d1: {  	[sflag:s20] =	ssyncadd.s32 $0xFFFFC000  }
0x1d2: {  	_ =	swait.ge [sflag:s31], $0x4000  }
0x1d3: {  	[sflag:s31] =	ssyncset.done $0x0  }
0x1d4: {  	[sflag:s31] =	ssyncadd.s32 $0xFFFFC000  }
0x1d5: {  	_ =	swait.ge [sflag:s3], $0x4000  }
0x1d6: {  	[sflag:s3] =	ssyncset.done $0x0  }
0x1d7: {  	[sflag:s3] =	ssyncadd.s32 $0xFFFFC000  }
0x1d8: {  	p0 =	sne.s32 s17, $0x1;
	_ =	swait.ge [sflag:s0], $0x4000  }
.Ltmp0:
0x1d9: {  	[sflag:s0] =	ssyncset.done $0x0;
	(pc) =	sbr.rel @p0 .LBB2_1-.Ltmp0, $4  }
0x1da: {  	[sflag:s0] =	ssyncadd.s32 $0xFFFFC000  }
0x1db: {  	_ =	swait.ge [sflag:s1], $0x4000  }
0x1dc: {  	[sflag:s1] =	ssyncset.done $0x0  }
0x1dd: {  	s17 =	sadd.s32 $0xFFFFFFFF, s17;
	[sflag:s1] =	ssyncadd.s32 $0xFFFFC000  }
0x1de: {  	_ =	sfence.sel $0x180000  }
0x1df: {  	[bflag:$0x0] =	sbarrier.arrive $0xFFFF  }
0x1e0: {  	_ =	strace $0x90000047  }
0x1e1: {  	s0 =	stileid.u32;
	[bflag:$0x2] =	sbarrier.arrive $0xFFFF  }
0x1e2: {  	p0 =	sne.s32 s0, $0x0;
	s0 =	rddreg [dreg:$0x2]  }
0x1e3: {  	s0 =	sadd.s32 @!p0 $0x100000, s0  }
0x1e4: {  	[sflag:s0] =	ssyncadd.tile.s32 @!p0 $0x1;
	_ =	shalt  }
.Lfunc_end2:
_tile_overlayer_lowered:
.L_overlay_start_2:
0x1e5: {  	(tag) =	ssettag $0x2  }
0x1e6: {  	s0 =	rddreg [dreg:$0x0];
	s2 =	stileid.u32  }
0x1e7: {  	s1 =	rddreg [dreg:$0x1];
	p0 =	sne.s32 s2, $0x0  }
0x1e8: {  	s3 =	rddreg [dreg:$0x2];
	[bflag:$0x3] =	sbarrier.arrive $0xFFFF;
	s2 =	simm.s32 @!p0 $0x1C0A  }
0x1e9: {  	[timem:s3], [sflag:s2] =	dma.local @!p0 [hbm:s0], s1  }
0x1ea: {  	s0 =	simm.s32 @!p0 $0xA  }
0x1eb: {  	_ =	swait.ge @!p0 [sflag:s0], s1  }
0x1ec: {  	s1 =	ssub.s32 @!p0 $0x0, s1;
	[sflag:s0] =	ssyncset.done @!p0 $0x0  }
0x1ed: {  	[sflag:s0] =	ssyncadd.s32 @!p0 s1  }
0x1ee: {  	[bflag:$0x3] =	sbarrier.arrive $0xFFFF  }
0x1ef: {  	_ =	shalt  }

</sc_bundles>
